<compile_context>
chip_gen: v7x
topology: tpu7x:2x2x1
jax: 0.10.2.dev20260603
libtpu: 0.0.44.dev20260713+nightly
codegen_flags: <defaults>
</compile_context>

<pallas_src>
import functools

import jax
import jax.numpy as jnp
from jax import lax
from jax.experimental import pallas as pl
from jax.experimental.pallas import tpu as pltpu
from jax.experimental.pallas import tpu_sc as plsc

N = 10000
NP = 10240
E = 160000
D = 256
H = 256
NH = 8
HH = H // 2
EPK = E // 8
NEG = -1.0e30
SLOPE = (1.0 / 8.0 + 1.0 / 3.0) / 2.0

NB = 1024
EB = 1600
C = 128
NCHUNK = E // C
CPK = C // 8
NSUB = 16
RPT = NP // NSUB
JA = -(-NCHUNK // 32)
JB = -(-NCHUNK // 16)



def _tc_nodes_body(nf, w1, b1, w4, b4, p0, p1, t128):
    p = jnp.dot(nf[...], w1[...], preferred_element_type=jnp.float32) + b1[...]
    p0[...] = p[:, :HH]
    p1[...] = p[:, HH:]
    t = jnp.dot(p, w4[...], preferred_element_type=jnp.float32) + b4[...]
    rows = t.shape[0]
    t128[...] = jnp.concatenate(
        [t, jnp.zeros((rows, 1), jnp.float32),
         jnp.full((rows, 128 - NH - 1), NEG, jnp.float32)], axis=1)


def _tc_nodes(nf, w1, b1, w4, b4):
    nblk = 1000
    return pl.pallas_call(
        _tc_nodes_body,
        grid=(N // nblk,),
        in_specs=[
            pl.BlockSpec((nblk, D), lambda i: (i, 0)),
            pl.BlockSpec((D, H), lambda i: (0, 0)),
            pl.BlockSpec((1, H), lambda i: (0, 0)),
            pl.BlockSpec((H, NH), lambda i: (0, 0)),
            pl.BlockSpec((1, NH), lambda i: (0, 0)),
        ],
        out_specs=[
            pl.BlockSpec((nblk, HH), lambda i: (i, 0)),
            pl.BlockSpec((nblk, HH), lambda i: (i, 0)),
            pl.BlockSpec((nblk, 128), lambda i: (i, 0)),
        ],
        out_shape=[
            jax.ShapeDtypeStruct((NP, HH), jnp.float32),
            jax.ShapeDtypeStruct((NP, HH), jnp.float32),
            jax.ShapeDtypeStruct((NP, 128), jnp.float32),
        ],
    )(nf, w1, b1.reshape(1, H), w4, b4.reshape(1, NH))


def _tc_edges_body(ef, w1, w4, q0, q1, upk):
    q = jnp.dot(ef[...], w1[...], preferred_element_type=jnp.float32)
    q0[...] = q[:, :HH]
    q1[...] = q[:, HH:]
    u = jnp.dot(q, w4[...], preferred_element_type=jnp.float32)
    rows = u.shape[0]
    upk[...] = jnp.concatenate(
        [u, jnp.zeros((rows, 16 - NH), jnp.float32)], axis=1)


def _tc_edges(ef, w1, w4):
    return pl.pallas_call(
        _tc_edges_body,
        grid=(E // EB,),
        in_specs=[
            pl.BlockSpec((EB, D), lambda i: (i, 0)),
            pl.BlockSpec((D, H), lambda i: (0, 0)),
            pl.BlockSpec((H, NH), lambda i: (0, 0)),
        ],
        out_specs=[
            pl.BlockSpec((EB, HH), lambda i: (i, 0)),
            pl.BlockSpec((EB, HH), lambda i: (i, 0)),
            pl.BlockSpec((EB, 16), lambda i: (i, 0)),
        ],
        out_shape=[
            jax.ShapeDtypeStruct((E, HH), jnp.float32),
            jax.ShapeDtypeStruct((E, HH), jnp.float32),
            jax.ShapeDtypeStruct((E, 16), jnp.float32),
        ],
    )(ef, w1, w4)


def _tc_sum_body(a, b, o, r):
    den = a[...] + b[...]
    o[...] = den
    r[...] = 1.0 / den


def _tc_sum(a, b):
    return pl.pallas_call(
        _tc_sum_body,
        grid=(NP // NB,),
        in_specs=[pl.BlockSpec((NB, 128), lambda i: (i, 0)),
                  pl.BlockSpec((NB, 128), lambda i: (i, 0))],
        out_specs=[pl.BlockSpec((NB, 128), lambda i: (i, 0)),
                   pl.BlockSpec((NB, 128), lambda i: (i, 0))],
        out_shape=[jax.ShapeDtypeStruct((NP, 128), jnp.float32),
                   jax.ShapeDtypeStruct((NP, 128), jnp.float32)],
    )(a, b)


def _tc_selfiso_body(nf, w2, b2, w3, b3, so, io):
    so[...] = jnp.dot(nf[...], w2[...],
                      preferred_element_type=jnp.float32) + b2[...]
    io[...] = jnp.dot(nf[...], w3[...],
                      preferred_element_type=jnp.float32) + b3[...]


def _tc_selfiso(nf, w2, b2, w3, b3):
    nblk = 1000
    return pl.pallas_call(
        _tc_selfiso_body,
        grid=(N // nblk,),
        in_specs=[
            pl.BlockSpec((nblk, D), lambda i: (i, 0)),
            pl.BlockSpec((D, H), lambda i: (0, 0)),
            pl.BlockSpec((1, H), lambda i: (0, 0)),
            pl.BlockSpec((D, H), lambda i: (0, 0)),
            pl.BlockSpec((1, H), lambda i: (0, 0)),
        ],
        out_specs=[pl.BlockSpec((nblk, H), lambda i: (i, 0)),
                   pl.BlockSpec((nblk, H), lambda i: (i, 0))],
        out_shape=[jax.ShapeDtypeStruct((N, H), jnp.float32),
                   jax.ShapeDtypeStruct((N, H), jnp.float32)],
    )(nf, w2, b2.reshape(1, H), w3, b3.reshape(1, H))


def _tc_final_body(sm, im, a0, a1, den, out):
    deg = den[:, NH:NH + 1]
    neigh = jnp.concatenate([a0[...], a1[...]], axis=1)
    base = jnp.where(deg == 0.0, im[...], sm[...]) + neigh
    out[...] = jnp.where(base >= 0.0, base, SLOPE * base)


def _tc_final(sm, im, a0, a1, den):
    nblk = 1000
    return pl.pallas_call(
        _tc_final_body,
        grid=(N // nblk,),
        in_specs=[
            pl.BlockSpec((nblk, H), lambda i: (i, 0)),
            pl.BlockSpec((nblk, H), lambda i: (i, 0)),
            pl.BlockSpec((nblk, HH), lambda i: (i, 0)),
            pl.BlockSpec((nblk, HH), lambda i: (i, 0)),
            pl.BlockSpec((nblk, 128), lambda i: (i, 0)),
        ],
        out_specs=pl.BlockSpec((nblk, H), lambda i: (i, 0)),
        out_shape=jax.ShapeDtypeStruct((N, H), jnp.float32),
    )(sm, im, a0, a1, den)



_MESH = plsc.VectorSubcoreMesh(core_axis_name="c", subcore_axis_name="s")
_PARAMS = pltpu.CompilerParams(needs_layout_passes=False)


@functools.partial(
    pl.kernel,
    out_type=(
        jax.ShapeDtypeStruct((NP, 128), jnp.float32),
        jax.ShapeDtypeStruct((NP, 128), jnp.float32),
        jax.ShapeDtypeStruct((EPK, 128), jnp.float32),
    ),
    mesh=_MESH,
    compiler_params=_PARAMS,
    scratch_types=[
        pltpu.VMEM_SHARED((NP, 128), jnp.float32),
        pltpu.VMEM((C,), jnp.int32),
        pltpu.VMEM((C,), jnp.int32),
        pltpu.VMEM((C, 128), jnp.float32),
        pltpu.VMEM((CPK, 128), jnp.float32),
        pltpu.VMEM((CPK, 128), jnp.float32),
        pltpu.SemaphoreType.DMA,
        pltpu.SemaphoreType.DMA,
        pltpu.SemaphoreType.DMA,
    ],
)
def _sc_den(src_hbm, dst_hbm, t128_hbm, upk_hbm, den_p0, den_p1, expk_hbm,
            den_sh, srcb, dstb, tb, upkb, expkb, sem, sem2, sem3):
    c = lax.axis_index("c")
    s = lax.axis_index("s")
    w = c * NSUB + s
    row0 = s * RPT

    def _zero(i, _):
        tb[i // 8, pl.ds((i % 8) * 16, 16)] = jnp.zeros((16,), jnp.float32)
        return 0
    lax.fori_loop(0, C * 8, _zero, 0)
    for j in range(RPT // C):
        pltpu.sync_copy(tb, den_sh.at[pl.ds(row0 + j * C, C), :])
    plsc.subcore_barrier()

    def _chunk(j, _):
        m = w + 32 * j

        @pl.when(m < NCHUNK)
        def _():
            b = m * C
            d1 = pltpu.async_copy(src_hbm.at[pl.ds(b, C)], srcb, sem)
            d2 = pltpu.async_copy(dst_hbm.at[pl.ds(b, C)], dstb, sem2)
            d3 = pltpu.async_copy(upk_hbm.at[pl.ds(m * CPK, CPK), :], upkb,
                                  sem3)
            d1.wait()
            pltpu.async_copy(t128_hbm.at[srcb], tb, sem).wait()
            d2.wait()
            d3.wait()

            def _edge(i, _):
                v = jnp.exp(tb[i, pl.ds(0, 16)]
                            + upkb[i // 8, pl.ds((i % 8) * 16, 16)])
                tb[i, pl.ds(0, 16)] = v
                expkb[i // 8, pl.ds((i % 8) * 16, 16)] = v
                return 0
            lax.fori_loop(0, C, _edge, 0)
            pltpu.sync_copy(tb, den_sh.at[dstb], add=True)
            pltpu.sync_copy(expkb, expk_hbm.at[pl.ds(m * CPK, CPK), :])
        return 0
    lax.fori_loop(0, JA, _chunk, 0)
    plsc.subcore_barrier()

    for j in range(RPT // C):
        rs = pl.ds(row0 + j * C, C)
        pltpu.sync_copy(den_sh.at[rs, :], tb)

        @pl.when(c == 0)
        def _():
            pltpu.sync_copy(tb, den_p0.at[rs, :])

        @pl.when(c == 1)
        def _():
            pltpu.sync_copy(tb, den_p1.at[rs, :])


@functools.partial(
    pl.kernel,
    out_type=jax.ShapeDtypeStruct((E,), jnp.float32),
    mesh=_MESH,
    compiler_params=_PARAMS,
    scratch_types=[
        pltpu.VMEM((C,), jnp.int32),
        pltpu.VMEM((CPK, 128), jnp.float32),
        pltpu.VMEM((C, 128), jnp.float32),
        pltpu.VMEM((C,), jnp.float32),
        pltpu.SemaphoreType.DMA,
        pltpu.SemaphoreType.DMA,
    ],
)
def _sc_wbar(dst_hbm, rden_hbm, expk_hbm, wbar_hbm, dstb, expkb, db, wbuf,
             sem, sem2):
    c = lax.axis_index("c")
    s = lax.axis_index("s")
    w = c * NSUB + s
    lanes = lax.iota(jnp.int32, 16)

    def _chunk(j, _):
        m = w + 32 * j

        @pl.when(m < NCHUNK)
        def _():
            b = m * C
            d1 = pltpu.async_copy(dst_hbm.at[pl.ds(b, C)], dstb, sem)
            d2 = pltpu.async_copy(expk_hbm.at[pl.ds(m * CPK, CPK), :], expkb,
                                  sem2)
            d1.wait()
            pltpu.async_copy(rden_hbm.at[dstb], db, sem).wait()
            d2.wait()

            def _grp(g, _):
                e16 = lanes + g * 16
                erow = lax.shift_right_logical(e16, 3)
                ecol = lax.shift_left(lax.bitwise_and(e16, 7), 4)
                acc = jnp.zeros((16,), jnp.float32)
                for h in range(NH):
                    hv = jnp.full((16,), h, jnp.int32)
                    exh = plsc.load_gather(expkb, [erow, ecol + h])
                    rdh = plsc.load_gather(db, [e16, hv])
                    acc = acc + exh * rdh
                wbuf[pl.ds(g * 16, 16)] = acc * (1.0 / NH)
                return 0
            lax.fori_loop(0, C // 16, _grp, 0)
            pltpu.sync_copy(wbuf, wbar_hbm.at[pl.ds(b, C)])
        return 0
    lax.fori_loop(0, JA, _chunk, 0)


@functools.partial(
    pl.kernel,
    out_type=(
        jax.ShapeDtypeStruct((NP, HH), jnp.float32),
        jax.ShapeDtypeStruct((NP, HH), jnp.float32),
    ),
    mesh=_MESH,
    compiler_params=_PARAMS,
    scratch_types=[
        pltpu.VMEM_SHARED((NP, HH), jnp.float32),
        pltpu.VMEM((C,), jnp.int32),
        pltpu.VMEM((C,), jnp.int32),
        pltpu.VMEM((C, HH), jnp.float32),
        pltpu.VMEM((C, HH), jnp.float32),
        pltpu.VMEM((C,), jnp.float32),
        pltpu.SemaphoreType.DMA,
        pltpu.SemaphoreType.DMA,
        pltpu.SemaphoreType.DMA,
        pltpu.SemaphoreType.DMA,
    ],
)
def _sc_neigh(src_hbm, dst_hbm, wbar_hbm, p0_hbm, p1_hbm, q0_hbm,
              q1_hbm, acc0, acc1, acc_sh, srcb, dstb, qb, pb,
              wbuf, sem, sem2, sem3, sem4):
    c = lax.axis_index("c")
    s = lax.axis_index("s")
    row0 = s * RPT

    def _zero(i, _):
        qb[i // 8, pl.ds((i % 8) * 16, 16)] = jnp.zeros((16,), jnp.float32)
        return 0
    lax.fori_loop(0, C * 8, _zero, 0)
    for j in range(RPT // C):
        pltpu.sync_copy(qb, acc_sh.at[pl.ds(row0 + j * C, C), :])
    plsc.subcore_barrier()

    def _chunk(j, _):
        m = s + NSUB * j

        @pl.when(m < NCHUNK)
        def _():
            b = m * C
            d1 = pltpu.async_copy(src_hbm.at[pl.ds(b, C)], srcb, sem)
            d2 = pltpu.async_copy(dst_hbm.at[pl.ds(b, C)], dstb, sem2)
            d3 = pltpu.async_copy(wbar_hbm.at[pl.ds(b, C)], wbuf, sem3)

            @pl.when(c == 0)
            def _():
                d4 = pltpu.async_copy(q0_hbm.at[pl.ds(b, C), :], qb, sem4)
                d1.wait()
                pltpu.async_copy(p0_hbm.at[srcb], pb, sem).wait()
                d4.wait()

            @pl.when(c == 1)
            def _():
                d4 = pltpu.async_copy(q1_hbm.at[pl.ds(b, C), :], qb, sem4)
                d1.wait()
                pltpu.async_copy(p1_hbm.at[srcb], pb, sem).wait()
                d4.wait()
            d3.wait()

            def _rowg(g, _):
                wb16 = wbuf[pl.ds(g * 16, 16)]
                for i in range(16):
                    wb = wb16[i]
                    r = g * 16 + i
                    for h in range(HH // 16):
                        sl = pl.ds(h * 16, 16)
                        qb[r, sl] = (qb[r, sl] + pb[r, sl]) * wb
                return 0
            lax.fori_loop(0, C // 16, _rowg, 0)
            d2.wait()
            pltpu.sync_copy(qb, acc_sh.at[dstb], add=True)
        return 0
    lax.fori_loop(0, JB, _chunk, 0)
    plsc.subcore_barrier()

    for j in range(RPT // C):
        rs = pl.ds(row0 + j * C, C)
        pltpu.sync_copy(acc_sh.at[rs, :], qb)

        @pl.when(c == 0)
        def _():
            pltpu.sync_copy(qb, acc0.at[rs, :])

        @pl.when(c == 1)
        def _():
            pltpu.sync_copy(qb, acc1.at[rs, :])



def kernel(node_feats, edge_index, edge_feats, W1, b1, W2, b2, W3, b3,
           W4, b4, W5, b5):
    del W5, b5
    src = edge_index[0].astype(jnp.int32)
    dst = edge_index[1].astype(jnp.int32)
    p0, p1, t128 = _tc_nodes(node_feats, W1, b1, W4, b4)
    q0, q1, u16 = _tc_edges(edge_feats, W1, W4)
    upk = u16.reshape(EPK, 128)
    den_p0, den_p1, expk = _sc_den(src, dst, t128, upk)
    sm, im = _tc_selfiso(node_feats, W2, b2, W3, b3)
    den, rden = _tc_sum(den_p0, den_p1)
    wbar = _sc_wbar(dst, rden, expk)
    a0, a1 = _sc_neigh(src, dst, wbar, p0, p1, q0, q1)
    return _tc_final(sm, im, a0, a1, den)

# --- scband reference (transcript-rebuilt; emitter-appended) ---
"""Pipeline reference for scband-rel-gat-cat-layer-57836029608138 (READ-ONLY COPY).

The authoritative reference and input builder live on the scoring server;
editing this copy changes nothing except your own understanding.
"""

import jax, jax.numpy as jnp
import numpy as np

N = 10000
E = 160000
D = 256
H = 256
NH = 8


def _lin(k, fin, fout):
    k1, k2 = jax.random.split(k)
    lim = 1.0 / np.sqrt(fin)
    W = jax.random.uniform(k1, (fin, fout), minval=-lim, maxval=lim, dtype=jnp.float32)
    b = jax.random.uniform(k2, (fout,), minval=-lim, maxval=lim, dtype=jnp.float32)
    return W, b


def setup_inputs(seed: int = 0) -> dict:
    key = jax.random.key(seed)
    ks = jax.random.split(key, 8)
    node_feats = jax.random.normal(ks[0], (N, D), dtype=jnp.float32)
    edge_index = jax.random.randint(ks[1], (2, E), 0, N)
    edge_feats = jax.random.normal(ks[2], (E, D), dtype=jnp.float32)
    W1, b1 = _lin(ks[3], D, H)
    W2, b2 = _lin(ks[4], D, H)
    W3, b3 = _lin(ks[5], D, H)
    W4, b4 = _lin(ks[6], H, NH)
    W5, b5 = _lin(ks[7], D, NH)
    return {"node_feats": node_feats, "edge_index": edge_index, "edge_feats": edge_feats,
            "W1": W1, "b1": b1, "W2": W2, "b2": b2, "W3": W3, "b3": b3,
            "W4": W4, "b4": b4, "W5": W5, "b5": b5}


def reference(node_feats, edge_index, edge_feats, W1, b1, W2, b2, W3, b3, W4, b4, W5, b5):
    src = edge_index[0]
    dst = edge_index[1]
    # message_fn: linear1(src_h + edge_h)
    msg = (node_feats[src] + edge_feats) @ W1 + b1  # [E, H]
    # reduce_fn attention scores: linear4(msg) + linear5(dst node feats)
    node_sc = node_feats @ W5 + b5  # [N, NH]
    scores = (msg @ W4 + b4) + node_sc[dst]  # [E, NH]
    # softmax over incoming edges per dst node, per head (segment softmax)
    smax = jax.lax.stop_gradient(jax.ops.segment_max(scores, dst, num_segments=N))  # [N, NH]
    ex = jnp.exp(scores - smax[dst])
    den = jax.ops.segment_sum(ex, dst, num_segments=N)  # [N, NH]
    w = ex / den[dst]  # [E, NH]
    # mean over heads of (weights @ neigh_msg); msg is head-independent so
    # mean_h sum_e w[e,h]*msg[e] == sum_e (mean_h w[e,h]) * msg[e] exactly
    wbar = jnp.mean(w, axis=1)  # [E]
    neigh = jax.ops.segment_sum(wbar[:, None] * msg, dst, num_segments=N)  # [N, H]
    self_msg = node_feats @ W2 + b2
    iso_msg = node_feats @ W3 + b3
    in_deg = jax.ops.segment_sum(jnp.ones((E,), dtype=jnp.float32), dst, num_segments=N)
    self_msg = jnp.where((in_deg == 0)[:, None], iso_msg, self_msg)
    out = self_msg + neigh
    # RReLU in eval mode: leaky relu with slope (lower+upper)/2 = (1/8 + 1/3)/2
    slope = (1.0 / 8.0 + 1.0 / 3.0) / 2.0
    return jnp.where(out >= 0, out, slope * out)

if __name__ == "__main__":
    import jax
    _d = setup_inputs()
    print(jax.jit(kernel)(*tuple(_d.values())))

</pallas_src>

<mosaic_0001>
#map = affine_map<(d0, d1) -> (0)>
#map1 = affine_map<(d0, d1) -> (0, 0)>
module attributes {stable_mosaic.version = 14 : i64} {
  func.func @_sc_neigh(%arg0: i32, %arg1: i32, %arg2: memref<160000xi32, #tpu.memory_space<hbm>>, %arg3: memref<160000xi32, #tpu.memory_space<hbm>>, %arg4: memref<160000xf32, #tpu.memory_space<hbm>>, %arg5: memref<10240x128xf32, #tpu.memory_space<hbm>>, %arg6: memref<10240x128xf32, #tpu.memory_space<hbm>>, %arg7: memref<160000x128xf32, #tpu.memory_space<hbm>>, %arg8: memref<160000x128xf32, #tpu.memory_space<hbm>>, %arg9: memref<10240x128xf32, #tpu.memory_space<hbm>>, %arg10: memref<10240x128xf32, #tpu.memory_space<hbm>>, %arg11: memref<10240x128xf32, #tpu.memory_space<vmem_shared>>, %arg12: memref<128xi32, #tpu.memory_space<vmem>>, %arg13: memref<128xi32, #tpu.memory_space<vmem>>, %arg14: memref<128x128xf32, #tpu.memory_space<vmem>>, %arg15: memref<128x128xf32, #tpu.memory_space<vmem>>, %arg16: memref<128xf32, #tpu.memory_space<vmem>>, %arg17: memref<!tpu.dma_semaphore, #tpu.memory_space<semaphore_mem>>, %arg18: memref<!tpu.dma_semaphore, #tpu.memory_space<semaphore_mem>>, %arg19: memref<!tpu.dma_semaphore, #tpu.memory_space<semaphore_mem>>, %arg20: memref<!tpu.dma_semaphore, #tpu.memory_space<semaphore_mem>>) attributes {dimension_semantics = [#tpu.dimension_semantics<core_parallel>, #tpu.dimension_semantics<subcore_parallel>], iteration_bounds = array<i64: 2, 16>, scalar_prefetch = 0 : i64, scratch_operands = 10 : i64, tpu.core_type = #tpu.core_type<sc_vector_subcore>, window_params = [{transform_indices = #map}, {transform_indices = #map}, {transform_indices = #map}, {transform_indices = #map1}, {transform_indices = #map1}, {transform_indices = #map1}, {transform_indices = #map1}, {transform_indices = #map1}, {transform_indices = #map1}]} {
    %mul3A = arith.constant 640 : i32
    %mul3A_0 = arith.muli %arg1, %mul3A : i32
    %scan3A = arith.constant 0 : i32
    %scan3A_1 = arith.constant 0 : i32
    %scan3A_2 = arith.constant 1024 : i32
    %scan3A_3 = arith.addi %scan3A_1, %scan3A_2 : i32
    %scan3A_4 = arith.constant 1 : i32
    %scan3A_5 = scf.for %scan3A_81 = %scan3A_1 to %scan3A_3 step %scan3A_4 iter_args(%scan3A_82 = %scan3A) -> (i32)  : i32 {
      %broadcast_in_dim3A = arith.constant 0.000000e+00 : f32
      %broadcast_in_dim3A_83 = vector.broadcast %broadcast_in_dim3A : f32 to vector<16xf32>
      %jit3A = arith.constant 8 : i32
      %div3A = arith.divsi %scan3A_81, %jit3A : i32
      %sign3A = arith.constant 0 : i32
      %sign3A_84 = arith.cmpi sgt, %scan3A_81, %sign3A : i32
      %sign3A_85 = arith.extui %sign3A_84 : i1 to i32
      %sign3A_86 = arith.constant 0 : i32
      %sign3A_87 = arith.cmpi slt, %scan3A_81, %sign3A_86 : i32
      %sign3A_88 = arith.extui %sign3A_87 : i1 to i32
      %sign3A_89 = arith.subi %sign3A_85, %sign3A_88 : i32
      %sign3A_90 = arith.constant 0 : i32
      %sign3A_91 = arith.cmpi sgt, %jit3A, %sign3A_90 : i32
      %sign3A_92 = arith.extui %sign3A_91 : i1 to i32
      %sign3A_93 = arith.constant 0 : i32
      %sign3A_94 = arith.cmpi slt, %jit3A, %sign3A_93 : i32
      %sign3A_95 = arith.extui %sign3A_94 : i1 to i32
      %sign3A_96 = arith.subi %sign3A_92, %sign3A_95 : i32
      %ne3A = arith.cmpi ne, %sign3A_89, %sign3A_96 : i32
      %rem3A = arith.remsi %scan3A_81, %jit3A : i32
      %ne3A_97 = arith.constant 0 : i32
      %ne3A_98 = arith.cmpi ne, %rem3A, %ne3A_97 : i32
      %and3A = arith.andi %ne3A, %ne3A_98 : i1
      %sub3A = arith.constant 1 : i32
      %sub3A_99 = arith.subi %div3A, %sub3A : i32
      %select_n3A = arith.select %and3A, %sub3A_99, %div3A : i32
      %jit3A_100 = arith.constant 8 : i32
      %eq3A_101 = arith.constant 0 : i32
      %eq3A_102 = arith.cmpi eq, %jit3A_100, %eq3A_101 : i32
      %jit3A_103 = arith.constant 1 : i32
      %select_n3A_104 = arith.select %eq3A_102, %jit3A_103, %jit3A_100 : i32
      %rem3A_105 = arith.remsi %scan3A_81, %select_n3A_104 : i32
      %ne3A_106 = arith.constant 0 : i32
      %ne3A_107 = arith.cmpi ne, %rem3A_105, %ne3A_106 : i32
      %lt3A = arith.constant 0 : i32
      %lt3A_108 = arith.cmpi slt, %rem3A_105, %lt3A : i32
      %lt3A_109 = arith.constant 0 : i32
      %lt3A_110 = arith.cmpi slt, %select_n3A_104, %lt3A_109 : i32
      %ne3A_111 = arith.xori %lt3A_108, %lt3A_110 : i1
      %and3A_112 = arith.andi %ne3A_111, %ne3A_107 : i1
      %add3A_113 = arith.addi %rem3A_105, %select_n3A_104 : i32
      %select_n3A_114 = arith.select %and3A_112, %add3A_113, %rem3A_105 : i32
      %mul3A_115 = arith.constant 16 : i32
      %mul3A_116 = arith.muli %select_n3A_114, %mul3A_115 : i32
      %swap3A = arith.index_cast %select_n3A : i32 to index
      %swap3A_117 = arith.index_cast %mul3A_116 : i32 to index
      %swap3A_118 = tpu.vector_load %arg14[%swap3A, %swap3A_117] {strides = array<i32>} : memref<128x128xf32, #tpu.memory_space<vmem>>, vector<16xf32>,
      tpu.vector_store %arg14[%swap3A, %swap3A_117], %broadcast_in_dim3A_83 {strides = array<i32>} : memref<128x128xf32, #tpu.memory_space<vmem>>, vector<16xf32>,
      %scan3A_119 = arith.constant 0 : i32
      scf.yield %scan3A_119 : i32
    }
    %scan3A_6 = arith.constant 1024 : i32
    %add3A = arith.constant 0 : i32
    %add3A_7 = arith.addi %mul3A_0, %add3A : i32
    "tpu.region"() ({
      %run_scoped3A = tpu.sem_alloc : memref<!tpu.dma_semaphore, #tpu.memory_space<semaphore_mem>>
      %dma_start3A = arith.constant 0 : i32
      %dma_start3A_81 = tpu.memref_slice %arg11[%add3A_7, %dma_start3A] : memref<10240x128xf32, #tpu.memory_space<vmem_shared>> -> memref<128x128xf32, #tpu.memory_space<vmem_shared>>
      %dma_start3A_82 = arith.constant 0 : i32
      %dma_start3A_83 = tpu.memref_slice %arg11[%add3A_7, %dma_start3A_82] : memref<10240x128xf32, #tpu.memory_space<vmem_shared>> -> memref<128x128xf32, #tpu.memory_space<vmem_shared>>
      tpu.enqueue_dma source(%arg14 : memref<128x128xf32, #tpu.memory_space<vmem>>) target(%dma_start3A_83 : memref<128x128xf32, #tpu.memory_space<vmem_shared>>) target_semaphore(%run_scoped3A : memref<!tpu.dma_semaphore, #tpu.memory_space<semaphore_mem>>)
      %dma_wait3A = arith.constant 0 : i32
      %dma_wait3A_84 = tpu.memref_slice %arg11[%add3A_7, %dma_wait3A] : memref<10240x128xf32, #tpu.memory_space<vmem_shared>> -> memref<128x128xf32, #tpu.memory_space<vmem_shared>>
      %dma_wait3A_85 = arith.constant 0 : i32
      %dma_wait3A_86 = tpu.memref_slice %arg11[%add3A_7, %dma_wait3A_85] : memref<10240x128xf32, #tpu.memory_space<vmem_shared>> -> memref<128x128xf32, #tpu.memory_space<vmem_shared>>
      tpu.wait_dma2 semaphore(%run_scoped3A : memref<!tpu.dma_semaphore, #tpu.memory_space<semaphore_mem>>) src(%arg14 : memref<128x128xf32, #tpu.memory_space<vmem>>) dst(%dma_wait3A_86 : memref<128x128xf32, #tpu.memory_space<vmem_shared>>)
      tpu.yield
    }) : () -> ()
    %add3A_8 = arith.constant 128 : i32
    %add3A_9 = arith.addi %mul3A_0, %add3A_8 : i32
    "tpu.region"() ({
      %run_scoped3A = tpu.sem_alloc : memref<!tpu.dma_semaphore, #tpu.memory_space<semaphore_mem>>
      %dma_start3A = arith.constant 0 : i32
      %dma_start3A_81 = tpu.memref_slice %arg11[%add3A_9, %dma_start3A] : memref<10240x128xf32, #tpu.memory_space<vmem_shared>> -> memref<128x128xf32, #tpu.memory_space<vmem_shared>>
      %dma_start3A_82 = arith.constant 0 : i32
      %dma_start3A_83 = tpu.memref_slice %arg11[%add3A_9, %dma_start3A_82] : memref<10240x128xf32, #tpu.memory_space<vmem_shared>> -> memref<128x128xf32, #tpu.memory_space<vmem_shared>>
      tpu.enqueue_dma source(%arg14 : memref<128x128xf32, #tpu.memory_space<vmem>>) target(%dma_start3A_83 : memref<128x128xf32, #tpu.memory_space<vmem_shared>>) target_semaphore(%run_scoped3A : memref<!tpu.dma_semaphore, #tpu.memory_space<semaphore_mem>>)
      %dma_wait3A = arith.constant 0 : i32
      %dma_wait3A_84 = tpu.memref_slice %arg11[%add3A_9, %dma_wait3A] : memref<10240x128xf32, #tpu.memory_space<vmem_shared>> -> memref<128x128xf32, #tpu.memory_space<vmem_shared>>
      %dma_wait3A_85 = arith.constant 0 : i32
      %dma_wait3A_86 = tpu.memref_slice %arg11[%add3A_9, %dma_wait3A_85] : memref<10240x128xf32, #tpu.memory_space<vmem_shared>> -> memref<128x128xf32, #tpu.memory_space<vmem_shared>>
      tpu.wait_dma2 semaphore(%run_scoped3A : memref<!tpu.dma_semaphore, #tpu.memory_space<semaphore_mem>>) src(%arg14 : memref<128x128xf32, #tpu.memory_space<vmem>>) dst(%dma_wait3A_86 : memref<128x128xf32, #tpu.memory_space<vmem_shared>>)
      tpu.yield
    }) : () -> ()
    %add3A_10 = arith.constant 256 : i32
    %add3A_11 = arith.addi %mul3A_0, %add3A_10 : i32
    "tpu.region"() ({
      %run_scoped3A = tpu.sem_alloc : memref<!tpu.dma_semaphore, #tpu.memory_space<semaphore_mem>>
      %dma_start3A = arith.constant 0 : i32
      %dma_start3A_81 = tpu.memref_slice %arg11[%add3A_11, %dma_start3A] : memref<10240x128xf32, #tpu.memory_space<vmem_shared>> -> memref<128x128xf32, #tpu.memory_space<vmem_shared>>
      %dma_start3A_82 = arith.constant 0 : i32
      %dma_start3A_83 = tpu.memref_slice %arg11[%add3A_11, %dma_start3A_82] : memref<10240x128xf32, #tpu.memory_space<vmem_shared>> -> memref<128x128xf32, #tpu.memory_space<vmem_shared>>
      tpu.enqueue_dma source(%arg14 : memref<128x128xf32, #tpu.memory_space<vmem>>) target(%dma_start3A_83 : memref<128x128xf32, #tpu.memory_space<vmem_shared>>) target_semaphore(%run_scoped3A : memref<!tpu.dma_semaphore, #tpu.memory_space<semaphore_mem>>)
      %dma_wait3A = arith.constant 0 : i32
      %dma_wait3A_84 = tpu.memref_slice %arg11[%add3A_11, %dma_wait3A] : memref<10240x128xf32, #tpu.memory_space<vmem_shared>> -> memref<128x128xf32, #tpu.memory_space<vmem_shared>>
      %dma_wait3A_85 = arith.constant 0 : i32
      %dma_wait3A_86 = tpu.memref_slice %arg11[%add3A_11, %dma_wait3A_85] : memref<10240x128xf32, #tpu.memory_space<vmem_shared>> -> memref<128x128xf32, #tpu.memory_space<vmem_shared>>
      tpu.wait_dma2 semaphore(%run_scoped3A : memref<!tpu.dma_semaphore, #tpu.memory_space<semaphore_mem>>) src(%arg14 : memref<128x128xf32, #tpu.memory_space<vmem>>) dst(%dma_wait3A_86 : memref<128x128xf32, #tpu.memory_space<vmem_shared>>)
      tpu.yield
    }) : () -> ()
    %add3A_12 = arith.constant 384 : i32
    %add3A_13 = arith.addi %mul3A_0, %add3A_12 : i32
    "tpu.region"() ({
      %run_scoped3A = tpu.sem_alloc : memref<!tpu.dma_semaphore, #tpu.memory_space<semaphore_mem>>
      %dma_start3A = arith.constant 0 : i32
      %dma_start3A_81 = tpu.memref_slice %arg11[%add3A_13, %dma_start3A] : memref<10240x128xf32, #tpu.memory_space<vmem_shared>> -> memref<128x128xf32, #tpu.memory_space<vmem_shared>>
      %dma_start3A_82 = arith.constant 0 : i32
      %dma_start3A_83 = tpu.memref_slice %arg11[%add3A_13, %dma_start3A_82] : memref<10240x128xf32, #tpu.memory_space<vmem_shared>> -> memref<128x128xf32, #tpu.memory_space<vmem_shared>>
      tpu.enqueue_dma source(%arg14 : memref<128x128xf32, #tpu.memory_space<vmem>>) target(%dma_start3A_83 : memref<128x128xf32, #tpu.memory_space<vmem_shared>>) target_semaphore(%run_scoped3A : memref<!tpu.dma_semaphore, #tpu.memory_space<semaphore_mem>>)
      %dma_wait3A = arith.constant 0 : i32
      %dma_wait3A_84 = tpu.memref_slice %arg11[%add3A_13, %dma_wait3A] : memref<10240x128xf32, #tpu.memory_space<vmem_shared>> -> memref<128x128xf32, #tpu.memory_space<vmem_shared>>
      %dma_wait3A_85 = arith.constant 0 : i32
      %dma_wait3A_86 = tpu.memref_slice %arg11[%add3A_13, %dma_wait3A_85] : memref<10240x128xf32, #tpu.memory_space<vmem_shared>> -> memref<128x128xf32, #tpu.memory_space<vmem_shared>>
      tpu.wait_dma2 semaphore(%run_scoped3A : memref<!tpu.dma_semaphore, #tpu.memory_space<semaphore_mem>>) src(%arg14 : memref<128x128xf32, #tpu.memory_space<vmem>>) dst(%dma_wait3A_86 : memref<128x128xf32, #tpu.memory_space<vmem_shared>>)
      tpu.yield
    }) : () -> ()
    %add3A_14 = arith.constant 512 : i32
    %add3A_15 = arith.addi %mul3A_0, %add3A_14 : i32
    "tpu.region"() ({
      %run_scoped3A = tpu.sem_alloc : memref<!tpu.dma_semaphore, #tpu.memory_space<semaphore_mem>>
      %dma_start3A = arith.constant 0 : i32
      %dma_start3A_81 = tpu.memref_slice %arg11[%add3A_15, %dma_start3A] : memref<10240x128xf32, #tpu.memory_space<vmem_shared>> -> memref<128x128xf32, #tpu.memory_space<vmem_shared>>
      %dma_start3A_82 = arith.constant 0 : i32
      %dma_start3A_83 = tpu.memref_slice %arg11[%add3A_15, %dma_start3A_82] : memref<10240x128xf32, #tpu.memory_space<vmem_shared>> -> memref<128x128xf32, #tpu.memory_space<vmem_shared>>
      tpu.enqueue_dma source(%arg14 : memref<128x128xf32, #tpu.memory_space<vmem>>) target(%dma_start3A_83 : memref<128x128xf32, #tpu.memory_space<vmem_shared>>) target_semaphore(%run_scoped3A : memref<!tpu.dma_semaphore, #tpu.memory_space<semaphore_mem>>)
      %dma_wait3A = arith.constant 0 : i32
      %dma_wait3A_84 = tpu.memref_slice %arg11[%add3A_15, %dma_wait3A] : memref<10240x128xf32, #tpu.memory_space<vmem_shared>> -> memref<128x128xf32, #tpu.memory_space<vmem_shared>>
      %dma_wait3A_85 = arith.constant 0 : i32
      %dma_wait3A_86 = tpu.memref_slice %arg11[%add3A_15, %dma_wait3A_85] : memref<10240x128xf32, #tpu.memory_space<vmem_shared>> -> memref<128x128xf32, #tpu.memory_space<vmem_shared>>
      tpu.wait_dma2 semaphore(%run_scoped3A : memref<!tpu.dma_semaphore, #tpu.memory_space<semaphore_mem>>) src(%arg14 : memref<128x128xf32, #tpu.memory_space<vmem>>) dst(%dma_wait3A_86 : memref<128x128xf32, #tpu.memory_space<vmem_shared>>)
      tpu.yield
    }) : () -> ()
    %barrier3A = arith.constant 0 : index
    tpu.barrier barrier_id(%barrier3A)
    %scan3A_16 = arith.constant 0 : i32
    %scan3A_17 = arith.constant 0 : i32
    %scan3A_18 = arith.constant 79 : i32
    %scan3A_19 = arith.addi %scan3A_17, %scan3A_18 : i32
    %scan3A_20 = arith.constant 1 : i32
    %scan3A_21 = scf.for %scan3A_81 = %scan3A_17 to %scan3A_19 step %scan3A_20 iter_args(%scan3A_82 = %scan3A_16) -> (i32)  : i32 {
      %mul3A_83 = arith.constant 16 : i32
      %mul3A_84 = arith.muli %mul3A_83, %scan3A_81 : i32
      %add3A_85 = arith.addi %arg1, %mul3A_84 : i32
      %lt3A = arith.constant 1250 : i32
      %lt3A_86 = arith.cmpi slt, %add3A_85, %lt3A : i32
      %convert_element_type3A_87 = arith.extui %lt3A_86 : i1 to i32
      %cond3A_88 = arith.constant 0 : i32
      %cond3A_89 = arith.cmpi ne, %convert_element_type3A_87, %cond3A_88 : i32
      scf.if %cond3A_89 {
        %mul3A_91 = arith.constant 128 : i32
        %mul3A_92 = arith.muli %add3A_85, %mul3A_91 : i32
        %dma_start3A = tpu.memref_slice %arg2[%mul3A_92] : memref<160000xi32, #tpu.memory_space<hbm>> -> memref<128xi32, #tpu.memory_space<hbm>>
        %dma_start3A_93 = tpu.memref_slice %arg2[%mul3A_92] : memref<160000xi32, #tpu.memory_space<hbm>> -> memref<128xi32, #tpu.memory_space<hbm>>
        tpu.enqueue_dma source(%dma_start3A_93 : memref<128xi32, #tpu.memory_space<hbm>>) target(%arg12 : memref<128xi32, #tpu.memory_space<vmem>>) target_semaphore(%arg17 : memref<!tpu.dma_semaphore, #tpu.memory_space<semaphore_mem>>)
        %dma_start3A_94 = tpu.memref_slice %arg3[%mul3A_92] : memref<160000xi32, #tpu.memory_space<hbm>> -> memref<128xi32, #tpu.memory_space<hbm>>
        %dma_start3A_95 = tpu.memref_slice %arg3[%mul3A_92] : memref<160000xi32, #tpu.memory_space<hbm>> -> memref<128xi32, #tpu.memory_space<hbm>>
        tpu.enqueue_dma source(%dma_start3A_95 : memref<128xi32, #tpu.memory_space<hbm>>) target(%arg13 : memref<128xi32, #tpu.memory_space<vmem>>) target_semaphore(%arg18 : memref<!tpu.dma_semaphore, #tpu.memory_space<semaphore_mem>>)
        %dma_start3A_96 = tpu.memref_slice %arg4[%mul3A_92] : memref<160000xf32, #tpu.memory_space<hbm>> -> memref<128xf32, #tpu.memory_space<hbm>>
        %dma_start3A_97 = tpu.memref_slice %arg4[%mul3A_92] : memref<160000xf32, #tpu.memory_space<hbm>> -> memref<128xf32, #tpu.memory_space<hbm>>
        tpu.enqueue_dma source(%dma_start3A_97 : memref<128xf32, #tpu.memory_space<hbm>>) target(%arg16 : memref<128xf32, #tpu.memory_space<vmem>>) target_semaphore(%arg19 : memref<!tpu.dma_semaphore, #tpu.memory_space<semaphore_mem>>)
        %eq3A_98 = arith.constant 0 : i32
        %eq3A_99 = arith.cmpi eq, %arg0, %eq3A_98 : i32
        %convert_element_type3A_100 = arith.extui %eq3A_99 : i1 to i32
        %cond3A_101 = arith.constant 0 : i32
        %cond3A_102 = arith.cmpi ne, %convert_element_type3A_100, %cond3A_101 : i32
        scf.if %cond3A_102 {
          %dma_start3A_118 = arith.constant 0 : i32
          %dma_start3A_119 = tpu.memref_slice %arg7[%mul3A_92, %dma_start3A_118] : memref<160000x128xf32, #tpu.memory_space<hbm>> -> memref<128x128xf32, #tpu.memory_space<hbm>>
          %dma_start3A_120 = arith.constant 0 : i32
          %dma_start3A_121 = tpu.memref_slice %arg7[%mul3A_92, %dma_start3A_120] : memref<160000x128xf32, #tpu.memory_space<hbm>> -> memref<128x128xf32, #tpu.memory_space<hbm>>
          tpu.enqueue_dma source(%dma_start3A_121 : memref<128x128xf32, #tpu.memory_space<hbm>>) target(%arg14 : memref<128x128xf32, #tpu.memory_space<vmem>>) target_semaphore(%arg20 : memref<!tpu.dma_semaphore, #tpu.memory_space<semaphore_mem>>)
          %dma_wait3A_122 = tpu.memref_slice %arg2[%mul3A_92] : memref<160000xi32, #tpu.memory_space<hbm>> -> memref<128xi32, #tpu.memory_space<hbm>>
          %dma_wait3A_123 = tpu.memref_slice %arg2[%mul3A_92] : memref<160000xi32, #tpu.memory_space<hbm>> -> memref<128xi32, #tpu.memory_space<hbm>>
          tpu.wait_dma2 semaphore(%arg17 : memref<!tpu.dma_semaphore, #tpu.memory_space<semaphore_mem>>) src(%dma_wait3A_123 : memref<128xi32, #tpu.memory_space<hbm>>) dst(%arg12 : memref<128xi32, #tpu.memory_space<vmem>>)
          %dma_start3A_124 = arith.constant 0 : i32
          %dma_start3A_125 = arith.constant 0 : i32
          %dma_start3A_126 = tpu.memref_slice %arg5[%dma_start3A_124, %dma_start3A_125] : memref<10240x128xf32, #tpu.memory_space<hbm>> -> memref<10240x128xf32, #tpu.memory_space<hbm>>
          tpu.enqueue_indirect_dma source(%dma_start3A_126 : memref<10240x128xf32, #tpu.memory_space<hbm>>) target(%arg15 : memref<128x128xf32, #tpu.memory_space<vmem>>) offsets(%arg12 : memref<128xi32, #tpu.memory_space<vmem>>) semaphore(%arg17 : memref<!tpu.dma_semaphore, #tpu.memory_space<semaphore_mem>>)
          %dma_wait3A_127 = arith.constant 0 : i32
          %dma_wait3A_128 = arith.constant 0 : i32
          %dma_wait3A_129 = tpu.memref_slice %arg5[%dma_wait3A_127, %dma_wait3A_128] : memref<10240x128xf32, #tpu.memory_space<hbm>> -> memref<10240x128xf32, #tpu.memory_space<hbm>>
          tpu.wait_indirect_dma semaphore(%arg17 : memref<!tpu.dma_semaphore, #tpu.memory_space<semaphore_mem>>) src(%dma_wait3A_129 : memref<10240x128xf32, #tpu.memory_space<hbm>>) dst(%arg15 : memref<128x128xf32, #tpu.memory_space<vmem>>)
          %dma_wait3A_130 = arith.constant 0 : i32
          %dma_wait3A_131 = tpu.memref_slice %arg7[%mul3A_92, %dma_wait3A_130] : memref<160000x128xf32, #tpu.memory_space<hbm>> -> memref<128x128xf32, #tpu.memory_space<hbm>>
          %dma_wait3A_132 = arith.constant 0 : i32
          %dma_wait3A_133 = tpu.memref_slice %arg7[%mul3A_92, %dma_wait3A_132] : memref<160000x128xf32, #tpu.memory_space<hbm>> -> memref<128x128xf32, #tpu.memory_space<hbm>>
          tpu.wait_dma2 semaphore(%arg20 : memref<!tpu.dma_semaphore, #tpu.memory_space<semaphore_mem>>) src(%dma_wait3A_133 : memref<128x128xf32, #tpu.memory_space<hbm>>) dst(%arg14 : memref<128x128xf32, #tpu.memory_space<vmem>>)
        } else {
        }
        %eq3A_103 = arith.constant 1 : i32
        %eq3A_104 = arith.cmpi eq, %arg0, %eq3A_103 : i32
        %convert_element_type3A_105 = arith.extui %eq3A_104 : i1 to i32
        %cond3A_106 = arith.constant 0 : i32
        %cond3A_107 = arith.cmpi ne, %convert_element_type3A_105, %cond3A_106 : i32
        scf.if %cond3A_107 {
          %dma_start3A_118 = arith.constant 0 : i32
          %dma_start3A_119 = tpu.memref_slice %arg8[%mul3A_92, %dma_start3A_118] : memref<160000x128xf32, #tpu.memory_space<hbm>> -> memref<128x128xf32, #tpu.memory_space<hbm>>
          %dma_start3A_120 = arith.constant 0 : i32
          %dma_start3A_121 = tpu.memref_slice %arg8[%mul3A_92, %dma_start3A_120] : memref<160000x128xf32, #tpu.memory_space<hbm>> -> memref<128x128xf32, #tpu.memory_space<hbm>>
          tpu.enqueue_dma source(%dma_start3A_121 : memref<128x128xf32, #tpu.memory_space<hbm>>) target(%arg14 : memref<128x128xf32, #tpu.memory_space<vmem>>) target_semaphore(%arg20 : memref<!tpu.dma_semaphore, #tpu.memory_space<semaphore_mem>>)
          %dma_wait3A_122 = tpu.memref_slice %arg2[%mul3A_92] : memref<160000xi32, #tpu.memory_space<hbm>> -> memref<128xi32, #tpu.memory_space<hbm>>
          %dma_wait3A_123 = tpu.memref_slice %arg2[%mul3A_92] : memref<160000xi32, #tpu.memory_space<hbm>> -> memref<128xi32, #tpu.memory_space<hbm>>
          tpu.wait_dma2 semaphore(%arg17 : memref<!tpu.dma_semaphore, #tpu.memory_space<semaphore_mem>>) src(%dma_wait3A_123 : memref<128xi32, #tpu.memory_space<hbm>>) dst(%arg12 : memref<128xi32, #tpu.memory_space<vmem>>)
          %dma_start3A_124 = arith.constant 0 : i32
          %dma_start3A_125 = arith.constant 0 : i32
          %dma_start3A_126 = tpu.memref_slice %arg6[%dma_start3A_124, %dma_start3A_125] : memref<10240x128xf32, #tpu.memory_space<hbm>> -> memref<10240x128xf32, #tpu.memory_space<hbm>>
          tpu.enqueue_indirect_dma source(%dma_start3A_126 : memref<10240x128xf32, #tpu.memory_space<hbm>>) target(%arg15 : memref<128x128xf32, #tpu.memory_space<vmem>>) offsets(%arg12 : memref<128xi32, #tpu.memory_space<vmem>>) semaphore(%arg17 : memref<!tpu.dma_semaphore, #tpu.memory_space<semaphore_mem>>)
          %dma_wait3A_127 = arith.constant 0 : i32
          %dma_wait3A_128 = arith.constant 0 : i32
          %dma_wait3A_129 = tpu.memref_slice %arg6[%dma_wait3A_127, %dma_wait3A_128] : memref<10240x128xf32, #tpu.memory_space<hbm>> -> memref<10240x128xf32, #tpu.memory_space<hbm>>
          tpu.wait_indirect_dma semaphore(%arg17 : memref<!tpu.dma_semaphore, #tpu.memory_space<semaphore_mem>>) src(%dma_wait3A_129 : memref<10240x128xf32, #tpu.memory_space<hbm>>) dst(%arg15 : memref<128x128xf32, #tpu.memory_space<vmem>>)
          %dma_wait3A_130 = arith.constant 0 : i32
          %dma_wait3A_131 = tpu.memref_slice %arg8[%mul3A_92, %dma_wait3A_130] : memref<160000x128xf32, #tpu.memory_space<hbm>> -> memref<128x128xf32, #tpu.memory_space<hbm>>
          %dma_wait3A_132 = arith.constant 0 : i32
          %dma_wait3A_133 = tpu.memref_slice %arg8[%mul3A_92, %dma_wait3A_132] : memref<160000x128xf32, #tpu.memory_space<hbm>> -> memref<128x128xf32, #tpu.memory_space<hbm>>
          tpu.wait_dma2 semaphore(%arg20 : memref<!tpu.dma_semaphore, #tpu.memory_space<semaphore_mem>>) src(%dma_wait3A_133 : memref<128x128xf32, #tpu.memory_space<hbm>>) dst(%arg14 : memref<128x128xf32, #tpu.memory_space<vmem>>)
        } else {
        }
        %dma_wait3A = tpu.memref_slice %arg4[%mul3A_92] : memref<160000xf32, #tpu.memory_space<hbm>> -> memref<128xf32, #tpu.memory_space<hbm>>
        %dma_wait3A_108 = tpu.memref_slice %arg4[%mul3A_92] : memref<160000xf32, #tpu.memory_space<hbm>> -> memref<128xf32, #tpu.memory_space<hbm>>
        tpu.wait_dma2 semaphore(%arg19 : memref<!tpu.dma_semaphore, #tpu.memory_space<semaphore_mem>>) src(%dma_wait3A_108 : memref<128xf32, #tpu.memory_space<hbm>>) dst(%arg16 : memref<128xf32, #tpu.memory_space<vmem>>)
        %scan3A_109 = arith.constant 0 : i32
        %scan3A_110 = arith.constant 0 : i32
        %scan3A_111 = arith.constant 8 : i32
        %scan3A_112 = arith.addi %scan3A_110, %scan3A_111 : i32
        %scan3A_113 = arith.constant 1 : i32
        %scan3A_114 = scf.for %scan3A_118 = %scan3A_110 to %scan3A_112 step %scan3A_113 iter_args(%scan3A_119 = %scan3A_109) -> (i32)  : i32 {
          %mul3A_120 = arith.constant 16 : i32
          %mul3A_121 = arith.muli %scan3A_118, %mul3A_120 : i32
          %get3A = arith.index_cast %mul3A_121 : i32 to index
          %get3A_122 = tpu.vector_load %arg16[%get3A] {strides = array<i32>} : memref<128xf32, #tpu.memory_space<vmem>>, vector<16xf32>,
          %slice3A = vector.extract_strided_slice %get3A_122 {offsets = [0], sizes = [1], strides = [1]} : vector<16xf32> to vector<1xf32>
          %squeeze3A = vector.extract %slice3A[0] : f32 from vector<1xf32>
          %mul3A_123 = arith.constant 16 : i32
          %mul3A_124 = arith.muli %scan3A_118, %mul3A_123 : i32
          %add3A_125 = arith.constant 0 : i32
          %add3A_126 = arith.addi %mul3A_124, %add3A_125 : i32
          %get3A_127 = arith.index_cast %add3A_126 : i32 to index
          %get3A_128 = arith.constant 0 : index
          %get3A_129 = tpu.vector_load %arg14[%get3A_127, %get3A_128] {strides = array<i32>} : memref<128x128xf32, #tpu.memory_space<vmem>>, vector<16xf32>,
          %get3A_130 = arith.index_cast %add3A_126 : i32 to index
          %get3A_131 = arith.constant 0 : index
          %get3A_132 = tpu.vector_load %arg15[%get3A_130, %get3A_131] {strides = array<i32>} : memref<128x128xf32, #tpu.memory_space<vmem>>, vector<16xf32>,
          %add3A_133 = arith.addf %get3A_129, %get3A_132 : vector<16xf32>
          %mul3A_134 = vector.broadcast %squeeze3A : f32 to vector<16xf32>
          %mul3A_135 = arith.mulf %add3A_133, %mul3A_134 : vector<16xf32>
          %swap3A = arith.index_cast %add3A_126 : i32 to index
          %swap3A_136 = arith.constant 0 : index
          %swap3A_137 = tpu.vector_load %arg14[%swap3A, %swap3A_136] {strides = array<i32>} : memref<128x128xf32, #tpu.memory_space<vmem>>, vector<16xf32>,
          tpu.vector_store %arg14[%swap3A, %swap3A_136], %mul3A_135 {strides = array<i32>} : memref<128x128xf32, #tpu.memory_space<vmem>>, vector<16xf32>,
          %get3A_138 = arith.index_cast %add3A_126 : i32 to index
          %get3A_139 = arith.constant 16 : index
          %get3A_140 = tpu.vector_load %arg14[%get3A_138, %get3A_139] {strides = array<i32>} : memref<128x128xf32, #tpu.memory_space<vmem>>, vector<16xf32>,
          %get3A_141 = arith.index_cast %add3A_126 : i32 to index
          %get3A_142 = arith.constant 16 : index
          %get3A_143 = tpu.vector_load %arg15[%get3A_141, %get3A_142] {strides = array<i32>} : memref<128x128xf32, #tpu.memory_space<vmem>>, vector<16xf32>,
          %add3A_144 = arith.addf %get3A_140, %get3A_143 : vector<16xf32>
          %mul3A_145 = vector.broadcast %squeeze3A : f32 to vector<16xf32>
          %mul3A_146 = arith.mulf %add3A_144, %mul3A_145 : vector<16xf32>
          %swap3A_147 = arith.index_cast %add3A_126 : i32 to index
          %swap3A_148 = arith.constant 16 : index
          %swap3A_149 = tpu.vector_load %arg14[%swap3A_147, %swap3A_148] {strides = array<i32>} : memref<128x128xf32, #tpu.memory_space<vmem>>, vector<16xf32>,
          tpu.vector_store %arg14[%swap3A_147, %swap3A_148], %mul3A_146 {strides = array<i32>} : memref<128x128xf32, #tpu.memory_space<vmem>>, vector<16xf32>,
          %get3A_150 = arith.index_cast %add3A_126 : i32 to index
          %get3A_151 = arith.constant 32 : index
          %get3A_152 = tpu.vector_load %arg14[%get3A_150, %get3A_151] {strides = array<i32>} : memref<128x128xf32, #tpu.memory_space<vmem>>, vector<16xf32>,
          %get3A_153 = arith.index_cast %add3A_126 : i32 to index
          %get3A_154 = arith.constant 32 : index
          %get3A_155 = tpu.vector_load %arg15[%get3A_153, %get3A_154] {strides = array<i32>} : memref<128x128xf32, #tpu.memory_space<vmem>>, vector<16xf32>,
          %add3A_156 = arith.addf %get3A_152, %get3A_155 : vector<16xf32>
          %mul3A_157 = vector.broadcast %squeeze3A : f32 to vector<16xf32>
          %mul3A_158 = arith.mulf %add3A_156, %mul3A_157 : vector<16xf32>
          %swap3A_159 = arith.index_cast %add3A_126 : i32 to index
          %swap3A_160 = arith.constant 32 : index
          %swap3A_161 = tpu.vector_load %arg14[%swap3A_159, %swap3A_160] {strides = array<i32>} : memref<128x128xf32, #tpu.memory_space<vmem>>, vector<16xf32>,
          tpu.vector_store %arg14[%swap3A_159, %swap3A_160], %mul3A_158 {strides = array<i32>} : memref<128x128xf32, #tpu.memory_space<vmem>>, vector<16xf32>,
          %get3A_162 = arith.index_cast %add3A_126 : i32 to index
          %get3A_163 = arith.constant 48 : index
          %get3A_164 = tpu.vector_load %arg14[%get3A_162, %get3A_163] {strides = array<i32>} : memref<128x128xf32, #tpu.memory_space<vmem>>, vector<16xf32>,
          %get3A_165 = arith.index_cast %add3A_126 : i32 to index
          %get3A_166 = arith.constant 48 : index
          %get3A_167 = tpu.vector_load %arg15[%get3A_165, %get3A_166] {strides = array<i32>} : memref<128x128xf32, #tpu.memory_space<vmem>>, vector<16xf32>,
          %add3A_168 = arith.addf %get3A_164, %get3A_167 : vector<16xf32>
          %mul3A_169 = vector.broadcast %squeeze3A : f32 to vector<16xf32>
          %mul3A_170 = arith.mulf %add3A_168, %mul3A_169 : vector<16xf32>
          %swap3A_171 = arith.index_cast %add3A_126 : i32 to index
          %swap3A_172 = arith.constant 48 : index
          %swap3A_173 = tpu.vector_load %arg14[%swap3A_171, %swap3A_172] {strides = array<i32>} : memref<128x128xf32, #tpu.memory_space<vmem>>, vector<16xf32>,
          tpu.vector_store %arg14[%swap3A_171, %swap3A_172], %mul3A_170 {strides = array<i32>} : memref<128x128xf32, #tpu.memory_space<vmem>>, vector<16xf32>,
          %get3A_174 = arith.index_cast %add3A_126 : i32 to index
          %get3A_175 = arith.constant 64 : index
          %get3A_176 = tpu.vector_load %arg14[%get3A_174, %get3A_175] {strides = array<i32>} : memref<128x128xf32, #tpu.memory_space<vmem>>, vector<16xf32>,
          %get3A_177 = arith.index_cast %add3A_126 : i32 to index
          %get3A_178 = arith.constant 64 : index
          %get3A_179 = tpu.vector_load %arg15[%get3A_177, %get3A_178] {strides = array<i32>} : memref<128x128xf32, #tpu.memory_space<vmem>>, vector<16xf32>,
          %add3A_180 = arith.addf %get3A_176, %get3A_179 : vector<16xf32>
          %mul3A_181 = vector.broadcast %squeeze3A : f32 to vector<16xf32>
          %mul3A_182 = arith.mulf %add3A_180, %mul3A_181 : vector<16xf32>
          %swap3A_183 = arith.index_cast %add3A_126 : i32 to index
          %swap3A_184 = arith.constant 64 : index
          %swap3A_185 = tpu.vector_load %arg14[%swap3A_183, %swap3A_184] {strides = array<i32>} : memref<128x128xf32, #tpu.memory_space<vmem>>, vector<16xf32>,
          tpu.vector_store %arg14[%swap3A_183, %swap3A_184], %mul3A_182 {strides = array<i32>} : memref<128x128xf32, #tpu.memory_space<vmem>>, vector<16xf32>,
          %get3A_186 = arith.index_cast %add3A_126 : i32 to index
          %get3A_187 = arith.constant 80 : index
          %get3A_188 = tpu.vector_load %arg14[%get3A_186, %get3A_187] {strides = array<i32>} : memref<128x128xf32, #tpu.memory_space<vmem>>, vector<16xf32>,
          %get3A_189 = arith.index_cast %add3A_126 : i32 to index
          %get3A_190 = arith.constant 80 : index
          %get3A_191 = tpu.vector_load %arg15[%get3A_189, %get3A_190] {strides = array<i32>} : memref<128x128xf32, #tpu.memory_space<vmem>>, vector<16xf32>,
          %add3A_192 = arith.addf %get3A_188, %get3A_191 : vector<16xf32>
          %mul3A_193 = vector.broadcast %squeeze3A : f32 to vector<16xf32>
          %mul3A_194 = arith.mulf %add3A_192, %mul3A_193 : vector<16xf32>
          %swap3A_195 = arith.index_cast %add3A_126 : i32 to index
          %swap3A_196 = arith.constant 80 : index
          %swap3A_197 = tpu.vector_load %arg14[%swap3A_195, %swap3A_196] {strides = array<i32>} : memref<128x128xf32, #tpu.memory_space<vmem>>, vector<16xf32>,
          tpu.vector_store %arg14[%swap3A_195, %swap3A_196], %mul3A_194 {strides = array<i32>} : memref<128x128xf32, #tpu.memory_space<vmem>>, vector<16xf32>,
          %get3A_198 = arith.index_cast %add3A_126 : i32 to index
          %get3A_199 = arith.constant 96 : index
          %get3A_200 = tpu.vector_load %arg14[%get3A_198, %get3A_199] {strides = array<i32>} : memref<128x128xf32, #tpu.memory_space<vmem>>, vector<16xf32>,
          %get3A_201 = arith.index_cast %add3A_126 : i32 to index
          %get3A_202 = arith.constant 96 : index
          %get3A_203 = tpu.vector_load %arg15[%get3A_201, %get3A_202] {strides = array<i32>} : memref<128x128xf32, #tpu.memory_space<vmem>>, vector<16xf32>,
          %add3A_204 = arith.addf %get3A_200, %get3A_203 : vector<16xf32>
          %mul3A_205 = vector.broadcast %squeeze3A : f32 to vector<16xf32>
          %mul3A_206 = arith.mulf %add3A_204, %mul3A_205 : vector<16xf32>
          %swap3A_207 = arith.index_cast %add3A_126 : i32 to index
          %swap3A_208 = arith.constant 96 : index
          %swap3A_209 = tpu.vector_load %arg14[%swap3A_207, %swap3A_208] {strides = array<i32>} : memref<128x128xf32, #tpu.memory_space<vmem>>, vector<16xf32>,
          tpu.vector_store %arg14[%swap3A_207, %swap3A_208], %mul3A_206 {strides = array<i32>} : memref<128x128xf32, #tpu.memory_space<vmem>>, vector<16xf32>,
          %get3A_210 = arith.index_cast %add3A_126 : i32 to index
          %get3A_211 = arith.constant 112 : index
          %get3A_212 = tpu.vector_load %arg14[%get3A_210, %get3A_211] {strides = array<i32>} : memref<128x128xf32, #tpu.memory_space<vmem>>, vector<16xf32>,
          %get3A_213 = arith.index_cast %add3A_126 : i32 to index
          %get3A_214 = arith.constant 112 : index
          %get3A_215 = tpu.vector_load %arg15[%get3A_213, %get3A_214] {strides = array<i32>} : memref<128x128xf32, #tpu.memory_space<vmem>>, vector<16xf32>,
          %add3A_216 = arith.addf %get3A_212, %get3A_215 : vector<16xf32>
          %mul3A_217 = vector.broadcast %squeeze3A : f32 to vector<16xf32>
          %mul3A_218 = arith.mulf %add3A_216, %mul3A_217 : vector<16xf32>
          %swap3A_219 = arith.index_cast %add3A_126 : i32 to index
          %swap3A_220 = arith.constant 112 : index
          %swap3A_221 = tpu.vector_load %arg14[%swap3A_219, %swap3A_220] {strides = array<i32>} : memref<128x128xf32, #tpu.memory_space<vmem>>, vector<16xf32>,
          tpu.vector_store %arg14[%swap3A_219, %swap3A_220], %mul3A_218 {strides = array<i32>} : memref<128x128xf32, #tpu.memory_space<vmem>>, vector<16xf32>,
          %slice3A_222 = vector.extract_strided_slice %get3A_122 {offsets = [1], sizes = [1], strides = [1]} : vector<16xf32> to vector<1xf32>
          %squeeze3A_223 = vector.extract %slice3A_222[0] : f32 from vector<1xf32>
          %mul3A_224 = arith.constant 16 : i32
          %mul3A_225 = arith.muli %scan3A_118, %mul3A_224 : i32
          %add3A_226 = arith.constant 1 : i32
          %add3A_227 = arith.addi %mul3A_225, %add3A_226 : i32
          %get3A_228 = arith.index_cast %add3A_227 : i32 to index
          %get3A_229 = arith.constant 0 : index
          %get3A_230 = tpu.vector_load %arg14[%get3A_228, %get3A_229] {strides = array<i32>} : memref<128x128xf32, #tpu.memory_space<vmem>>, vector<16xf32>,
          %get3A_231 = arith.index_cast %add3A_227 : i32 to index
          %get3A_232 = arith.constant 0 : index
          %get3A_233 = tpu.vector_load %arg15[%get3A_231, %get3A_232] {strides = array<i32>} : memref<128x128xf32, #tpu.memory_space<vmem>>, vector<16xf32>,
          %add3A_234 = arith.addf %get3A_230, %get3A_233 : vector<16xf32>
          %mul3A_235 = vector.broadcast %squeeze3A_223 : f32 to vector<16xf32>
          %mul3A_236 = arith.mulf %add3A_234, %mul3A_235 : vector<16xf32>
          %swap3A_237 = arith.index_cast %add3A_227 : i32 to index
          %swap3A_238 = arith.constant 0 : index
          %swap3A_239 = tpu.vector_load %arg14[%swap3A_237, %swap3A_238] {strides = array<i32>} : memref<128x128xf32, #tpu.memory_space<vmem>>, vector<16xf32>,
          tpu.vector_store %arg14[%swap3A_237, %swap3A_238], %mul3A_236 {strides = array<i32>} : memref<128x128xf32, #tpu.memory_space<vmem>>, vector<16xf32>,
          %get3A_240 = arith.index_cast %add3A_227 : i32 to index
          %get3A_241 = arith.constant 16 : index
          %get3A_242 = tpu.vector_load %arg14[%get3A_240, %get3A_241] {strides = array<i32>} : memref<128x128xf32, #tpu.memory_space<vmem>>, vector<16xf32>,
          %get3A_243 = arith.index_cast %add3A_227 : i32 to index
          %get3A_244 = arith.constant 16 : index
          %get3A_245 = tpu.vector_load %arg15[%get3A_243, %get3A_244] {strides = array<i32>} : memref<128x128xf32, #tpu.memory_space<vmem>>, vector<16xf32>,
          %add3A_246 = arith.addf %get3A_242, %get3A_245 : vector<16xf32>
          %mul3A_247 = vector.broadcast %squeeze3A_223 : f32 to vector<16xf32>
          %mul3A_248 = arith.mulf %add3A_246, %mul3A_247 : vector<16xf32>
          %swap3A_249 = arith.index_cast %add3A_227 : i32 to index
          %swap3A_250 = arith.constant 16 : index
          %swap3A_251 = tpu.vector_load %arg14[%swap3A_249, %swap3A_250] {strides = array<i32>} : memref<128x128xf32, #tpu.memory_space<vmem>>, vector<16xf32>,
          tpu.vector_store %arg14[%swap3A_249, %swap3A_250], %mul3A_248 {strides = array<i32>} : memref<128x128xf32, #tpu.memory_space<vmem>>, vector<16xf32>,
          %get3A_252 = arith.index_cast %add3A_227 : i32 to index
          %get3A_253 = arith.constant 32 : index
          %get3A_254 = tpu.vector_load %arg14[%get3A_252, %get3A_253] {strides = array<i32>} : memref<128x128xf32, #tpu.memory_space<vmem>>, vector<16xf32>,
          %get3A_255 = arith.index_cast %add3A_227 : i32 to index
          %get3A_256 = arith.constant 32 : index
          %get3A_257 = tpu.vector_load %arg15[%get3A_255, %get3A_256] {strides = array<i32>} : memref<128x128xf32, #tpu.memory_space<vmem>>, vector<16xf32>,
          %add3A_258 = arith.addf %get3A_254, %get3A_257 : vector<16xf32>
          %mul3A_259 = vector.broadcast %squeeze3A_223 : f32 to vector<16xf32>
          %mul3A_260 = arith.mulf %add3A_258, %mul3A_259 : vector<16xf32>
          %swap3A_261 = arith.index_cast %add3A_227 : i32 to index
          %swap3A_262 = arith.constant 32 : index
          %swap3A_263 = tpu.vector_load %arg14[%swap3A_261, %swap3A_262] {strides = array<i32>} : memref<128x128xf32, #tpu.memory_space<vmem>>, vector<16xf32>,
          tpu.vector_store %arg14[%swap3A_261, %swap3A_262], %mul3A_260 {strides = array<i32>} : memref<128x128xf32, #tpu.memory_space<vmem>>, vector<16xf32>,
          %get3A_264 = arith.index_cast %add3A_227 : i32 to index
          %get3A_265 = arith.constant 48 : index
          %get3A_266 = tpu.vector_load %arg14[%get3A_264, %get3A_265] {strides = array<i32>} : memref<128x128xf32, #tpu.memory_space<vmem>>, vector<16xf32>,
          %get3A_267 = arith.index_cast %add3A_227 : i32 to index
          %get3A_268 = arith.constant 48 : index
          %get3A_269 = tpu.vector_load %arg15[%get3A_267, %get3A_268] {strides = array<i32>} : memref<128x128xf32, #tpu.memory_space<vmem>>, vector<16xf32>,
          %add3A_270 = arith.addf %get3A_266, %get3A_269 : vector<16xf32>
          %mul3A_271 = vector.broadcast %squeeze3A_223 : f32 to vector<16xf32>
          %mul3A_272 = arith.mulf %add3A_270, %mul3A_271 : vector<16xf32>
          %swap3A_273 = arith.index_cast %add3A_227 : i32 to index
          %swap3A_274 = arith.constant 48 : index
          %swap3A_275 = tpu.vector_load %arg14[%swap3A_273, %swap3A_274] {strides = array<i32>} : memref<128x128xf32, #tpu.memory_space<vmem>>, vector<16xf32>,
          tpu.vector_store %arg14[%swap3A_273, %swap3A_274], %mul3A_272 {strides = array<i32>} : memref<128x128xf32, #tpu.memory_space<vmem>>, vector<16xf32>,
          %get3A_276 = arith.index_cast %add3A_227 : i32 to index
          %get3A_277 = arith.constant 64 : index
          %get3A_278 = tpu.vector_load %arg14[%get3A_276, %get3A_277] {strides = array<i32>} : memref<128x128xf32, #tpu.memory_space<vmem>>, vector<16xf32>,
          %get3A_279 = arith.index_cast %add3A_227 : i32 to index
          %get3A_280 = arith.constant 64 : index
          %get3A_281 = tpu.vector_load %arg15[%get3A_279, %get3A_280] {strides = array<i32>} : memref<128x128xf32, #tpu.memory_space<vmem>>, vector<16xf32>,
          %add3A_282 = arith.addf %get3A_278, %get3A_281 : vector<16xf32>
          %mul3A_283 = vector.broadcast %squeeze3A_223 : f32 to vector<16xf32>
          %mul3A_284 = arith.mulf %add3A_282, %mul3A_283 : vector<16xf32>
          %swap3A_285 = arith.index_cast %add3A_227 : i32 to index
          %swap3A_286 = arith.constant 64 : index
          %swap3A_287 = tpu.vector_load %arg14[%swap3A_285, %swap3A_286] {strides = array<i32>} : memref<128x128xf32, #tpu.memory_space<vmem>>, vector<16xf32>,
          tpu.vector_store %arg14[%swap3A_285, %swap3A_286], %mul3A_284 {strides = array<i32>} : memref<128x128xf32, #tpu.memory_space<vmem>>, vector<16xf32>,
          %get3A_288 = arith.index_cast %add3A_227 : i32 to index
          %get3A_289 = arith.constant 80 : index
          %get3A_290 = tpu.vector_load %arg14[%get3A_288, %get3A_289] {strides = array<i32>} : memref<128x128xf32, #tpu.memory_space<vmem>>, vector<16xf32>,
          %get3A_291 = arith.index_cast %add3A_227 : i32 to index
          %get3A_292 = arith.constant 80 : index
          %get3A_293 = tpu.vector_load %arg15[%get3A_291, %get3A_292] {strides = array<i32>} : memref<128x128xf32, #tpu.memory_space<vmem>>, vector<16xf32>,
          %add3A_294 = arith.addf %get3A_290, %get3A_293 : vector<16xf32>
          %mul3A_295 = vector.broadcast %squeeze3A_223 : f32 to vector<16xf32>
          %mul3A_296 = arith.mulf %add3A_294, %mul3A_295 : vector<16xf32>
          %swap3A_297 = arith.index_cast %add3A_227 : i32 to index
          %swap3A_298 = arith.constant 80 : index
          %swap3A_299 = tpu.vector_load %arg14[%swap3A_297, %swap3A_298] {strides = array<i32>} : memref<128x128xf32, #tpu.memory_space<vmem>>, vector<16xf32>,
          tpu.vector_store %arg14[%swap3A_297, %swap3A_298], %mul3A_296 {strides = array<i32>} : memref<128x128xf32, #tpu.memory_space<vmem>>, vector<16xf32>,
          %get3A_300 = arith.index_cast %add3A_227 : i32 to index
          %get3A_301 = arith.constant 96 : index
          %get3A_302 = tpu.vector_load %arg14[%get3A_300, %get3A_301] {strides = array<i32>} : memref<128x128xf32, #tpu.memory_space<vmem>>, vector<16xf32>,
          %get3A_303 = arith.index_cast %add3A_227 : i32 to index
          %get3A_304 = arith.constant 96 : index
          %get3A_305 = tpu.vector_load %arg15[%get3A_303, %get3A_304] {strides = array<i32>} : memref<128x128xf32, #tpu.memory_space<vmem>>, vector<16xf32>,
          %add3A_306 = arith.addf %get3A_302, %get3A_305 : vector<16xf32>
          %mul3A_307 = vector.broadcast %squeeze3A_223 : f32 to vector<16xf32>
          %mul3A_308 = arith.mulf %add3A_306, %mul3A_307 : vector<16xf32>
          %swap3A_309 = arith.index_cast %add3A_227 : i32 to index
          %swap3A_310 = arith.constant 96 : index
          %swap3A_311 = tpu.vector_load %arg14[%swap3A_309, %swap3A_310] {strides = array<i32>} : memref<128x128xf32, #tpu.memory_space<vmem>>, vector<16xf32>,
          tpu.vector_store %arg14[%swap3A_309, %swap3A_310], %mul3A_308 {strides = array<i32>} : memref<128x128xf32, #tpu.memory_space<vmem>>, vector<16xf32>,
          %get3A_312 = arith.index_cast %add3A_227 : i32 to index
          %get3A_313 = arith.constant 112 : index
          %get3A_314 = tpu.vector_load %arg14[%get3A_312, %get3A_313] {strides = array<i32>} : memref<128x128xf32, #tpu.memory_space<vmem>>, vector<16xf32>,
          %get3A_315 = arith.index_cast %add3A_227 : i32 to index
          %get3A_316 = arith.constant 112 : index
          %get3A_317 = tpu.vector_load %arg15[%get3A_315, %get3A_316] {strides = array<i32>} : memref<128x128xf32, #tpu.memory_space<vmem>>, vector<16xf32>,
          %add3A_318 = arith.addf %get3A_314, %get3A_317 : vector<16xf32>
          %mul3A_319 = vector.broadcast %squeeze3A_223 : f32 to vector<16xf32>
          %mul3A_320 = arith.mulf %add3A_318, %mul3A_319 : vector<16xf32>
          %swap3A_321 = arith.index_cast %add3A_227 : i32 to index
          %swap3A_322 = arith.constant 112 : index
          %swap3A_323 = tpu.vector_load %arg14[%swap3A_321, %swap3A_322] {strides = array<i32>} : memref<128x128xf32, #tpu.memory_space<vmem>>, vector<16xf32>,
          tpu.vector_store %arg14[%swap3A_321, %swap3A_322], %mul3A_320 {strides = array<i32>} : memref<128x128xf32, #tpu.memory_space<vmem>>, vector<16xf32>,
          %slice3A_324 = vector.extract_strided_slice %get3A_122 {offsets = [2], sizes = [1], strides = [1]} : vector<16xf32> to vector<1xf32>
          %squeeze3A_325 = vector.extract %slice3A_324[0] : f32 from vector<1xf32>
          %mul3A_326 = arith.constant 16 : i32
          %mul3A_327 = arith.muli %scan3A_118, %mul3A_326 : i32
          %add3A_328 = arith.constant 2 : i32
          %add3A_329 = arith.addi %mul3A_327, %add3A_328 : i32
          %get3A_330 = arith.index_cast %add3A_329 : i32 to index
          %get3A_331 = arith.constant 0 : index
          %get3A_332 = tpu.vector_load %arg14[%get3A_330, %get3A_331] {strides = array<i32>} : memref<128x128xf32, #tpu.memory_space<vmem>>, vector<16xf32>,
          %get3A_333 = arith.index_cast %add3A_329 : i32 to index
          %get3A_334 = arith.constant 0 : index
          %get3A_335 = tpu.vector_load %arg15[%get3A_333, %get3A_334] {strides = array<i32>} : memref<128x128xf32, #tpu.memory_space<vmem>>, vector<16xf32>,
          %add3A_336 = arith.addf %get3A_332, %get3A_335 : vector<16xf32>
          %mul3A_337 = vector.broadcast %squeeze3A_325 : f32 to vector<16xf32>
          %mul3A_338 = arith.mulf %add3A_336, %mul3A_337 : vector<16xf32>
          %swap3A_339 = arith.index_cast %add3A_329 : i32 to index
          %swap3A_340 = arith.constant 0 : index
          %swap3A_341 = tpu.vector_load %arg14[%swap3A_339, %swap3A_340] {strides = array<i32>} : memref<128x128xf32, #tpu.memory_space<vmem>>, vector<16xf32>,
          tpu.vector_store %arg14[%swap3A_339, %swap3A_340], %mul3A_338 {strides = array<i32>} : memref<128x128xf32, #tpu.memory_space<vmem>>, vector<16xf32>,
          %get3A_342 = arith.index_cast %add3A_329 : i32 to index
          %get3A_343 = arith.constant 16 : index
          %get3A_344 = tpu.vector_load %arg14[%get3A_342, %get3A_343] {strides = array<i32>} : memref<128x128xf32, #tpu.memory_space<vmem>>, vector<16xf32>,
          %get3A_345 = arith.index_cast %add3A_329 : i32 to index
          %get3A_346 = arith.constant 16 : index
          %get3A_347 = tpu.vector_load %arg15[%get3A_345, %get3A_346] {strides = array<i32>} : memref<128x128xf32, #tpu.memory_space<vmem>>, vector<16xf32>,
          %add3A_348 = arith.addf %get3A_344, %get3A_347 : vector<16xf32>
          %mul3A_349 = vector.broadcast %squeeze3A_325 : f32 to vector<16xf32>
          %mul3A_350 = arith.mulf %add3A_348, %mul3A_349 : vector<16xf32>
          %swap3A_351 = arith.index_cast %add3A_329 : i32 to index
          %swap3A_352 = arith.constant 16 : index
          %swap3A_353 = tpu.vector_load %arg14[%swap3A_351, %swap3A_352] {strides = array<i32>} : memref<128x128xf32, #tpu.memory_space<vmem>>, vector<16xf32>,
          tpu.vector_store %arg14[%swap3A_351, %swap3A_352], %mul3A_350 {strides = array<i32>} : memref<128x128xf32, #tpu.memory_space<vmem>>, vector<16xf32>,
          %get3A_354 = arith.index_cast %add3A_329 : i32 to index
          %get3A_355 = arith.constant 32 : index
          %get3A_356 = tpu.vector_load %arg14[%get3A_354, %get3A_355] {strides = array<i32>} : memref<128x128xf32, #tpu.memory_space<vmem>>, vector<16xf32>,
          %get3A_357 = arith.index_cast %add3A_329 : i32 to index
          %get3A_358 = arith.constant 32 : index
          %get3A_359 = tpu.vector_load %arg15[%get3A_357, %get3A_358] {strides = array<i32>} : memref<128x128xf32, #tpu.memory_space<vmem>>, vector<16xf32>,
          %add3A_360 = arith.addf %get3A_356, %get3A_359 : vector<16xf32>
          %mul3A_361 = vector.broadcast %squeeze3A_325 : f32 to vector<16xf32>
          %mul3A_362 = arith.mulf %add3A_360, %mul3A_361 : vector<16xf32>
          %swap3A_363 = arith.index_cast %add3A_329 : i32 to index
          %swap3A_364 = arith.constant 32 : index
          %swap3A_365 = tpu.vector_load %arg14[%swap3A_363, %swap3A_364] {strides = array<i32>} : memref<128x128xf32, #tpu.memory_space<vmem>>, vector<16xf32>,
          tpu.vector_store %arg14[%swap3A_363, %swap3A_364], %mul3A_362 {strides = array<i32>} : memref<128x128xf32, #tpu.memory_space<vmem>>, vector<16xf32>,
          %get3A_366 = arith.index_cast %add3A_329 : i32 to index
          %get3A_367 = arith.constant 48 : index
          %get3A_368 = tpu.vector_load %arg14[%get3A_366, %get3A_367] {strides = array<i32>} : memref<128x128xf32, #tpu.memory_space<vmem>>, vector<16xf32>,
          %get3A_369 = arith.index_cast %add3A_329 : i32 to index
          %get3A_370 = arith.constant 48 : index
          %get3A_371 = tpu.vector_load %arg15[%get3A_369, %get3A_370] {strides = array<i32>} : memref<128x128xf32, #tpu.memory_space<vmem>>, vector<16xf32>,
          %add3A_372 = arith.addf %get3A_368, %get3A_371 : vector<16xf32>
          %mul3A_373 = vector.broadcast %squeeze3A_325 : f32 to vector<16xf32>
          %mul3A_374 = arith.mulf %add3A_372, %mul3A_373 : vector<16xf32>
          %swap3A_375 = arith.index_cast %add3A_329 : i32 to index
          %swap3A_376 = arith.constant 48 : index
          %swap3A_377 = tpu.vector_load %arg14[%swap3A_375, %swap3A_376] {strides = array<i32>} : memref<128x128xf32, #tpu.memory_space<vmem>>, vector<16xf32>,
          tpu.vector_store %arg14[%swap3A_375, %swap3A_376], %mul3A_374 {strides = array<i32>} : memref<128x128xf32, #tpu.memory_space<vmem>>, vector<16xf32>,
          %get3A_378 = arith.index_cast %add3A_329 : i32 to index
          %get3A_379 = arith.constant 64 : index
          %get3A_380 = tpu.vector_load %arg14[%get3A_378, %get3A_379] {strides = array<i32>} : memref<128x128xf32, #tpu.memory_space<vmem>>, vector<16xf32>,
          %get3A_381 = arith.index_cast %add3A_329 : i32 to index
          %get3A_382 = arith.constant 64 : index
          %get3A_383 = tpu.vector_load %arg15[%get3A_381, %get3A_382] {strides = array<i32>} : memref<128x128xf32, #tpu.memory_space<vmem>>, vector<16xf32>,
          %add3A_384 = arith.addf %get3A_380, %get3A_383 : vector<16xf32>
          %mul3A_385 = vector.broadcast %squeeze3A_325 : f32 to vector<16xf32>
          %mul3A_386 = arith.mulf %add3A_384, %mul3A_385 : vector<16xf32>
          %swap3A_387 = arith.index_cast %add3A_329 : i32 to index
          %swap3A_388 = arith.constant 64 : index
          %swap3A_389 = tpu.vector_load %arg14[%swap3A_387, %swap3A_388] {strides = array<i32>} : memref<128x128xf32, #tpu.memory_space<vmem>>, vector<16xf32>,
          tpu.vector_store %arg14[%swap3A_387, %swap3A_388], %mul3A_386 {strides = array<i32>} : memref<128x128xf32, #tpu.memory_space<vmem>>, vector<16xf32>,
          %get3A_390 = arith.index_cast %add3A_329 : i32 to index
          %get3A_391 = arith.constant 80 : index
          %get3A_392 = tpu.vector_load %arg14[%get3A_390, %get3A_391] {strides = array<i32>} : memref<128x128xf32, #tpu.memory_space<vmem>>, vector<16xf32>,
          %get3A_393 = arith.index_cast %add3A_329 : i32 to index
          %get3A_394 = arith.constant 80 : index
          %get3A_395 = tpu.vector_load %arg15[%get3A_393, %get3A_394] {strides = array<i32>} : memref<128x128xf32, #tpu.memory_space<vmem>>, vector<16xf32>,
          %add3A_396 = arith.addf %get3A_392, %get3A_395 : vector<16xf32>
          %mul3A_397 = vector.broadcast %squeeze3A_325 : f32 to vector<16xf32>
          %mul3A_398 = arith.mulf %add3A_396, %mul3A_397 : vector<16xf32>
          %swap3A_399 = arith.index_cast %add3A_329 : i32 to index
          %swap3A_400 = arith.constant 80 : index
          %swap3A_401 = tpu.vector_load %arg14[%swap3A_399, %swap3A_400] {strides = array<i32>} : memref<128x128xf32, #tpu.memory_space<vmem>>, vector<16xf32>,
          tpu.vector_store %arg14[%swap3A_399, %swap3A_400], %mul3A_398 {strides = array<i32>} : memref<128x128xf32, #tpu.memory_space<vmem>>, vector<16xf32>,
          %get3A_402 = arith.index_cast %add3A_329 : i32 to index
          %get3A_403 = arith.constant 96 : index
          %get3A_404 = tpu.vector_load %arg14[%get3A_402, %get3A_403] {strides = array<i32>} : memref<128x128xf32, #tpu.memory_space<vmem>>, vector<16xf32>,
          %get3A_405 = arith.index_cast %add3A_329 : i32 to index
          %get3A_406 = arith.constant 96 : index
          %get3A_407 = tpu.vector_load %arg15[%get3A_405, %get3A_406] {strides = array<i32>} : memref<128x128xf32, #tpu.memory_space<vmem>>, vector<16xf32>,
          %add3A_408 = arith.addf %get3A_404, %get3A_407 : vector<16xf32>
          %mul3A_409 = vector.broadcast %squeeze3A_325 : f32 to vector<16xf32>
          %mul3A_410 = arith.mulf %add3A_408, %mul3A_409 : vector<16xf32>
          %swap3A_411 = arith.index_cast %add3A_329 : i32 to index
          %swap3A_412 = arith.constant 96 : index
          %swap3A_413 = tpu.vector_load %arg14[%swap3A_411, %swap3A_412] {strides = array<i32>} : memref<128x128xf32, #tpu.memory_space<vmem>>, vector<16xf32>,
          tpu.vector_store %arg14[%swap3A_411, %swap3A_412], %mul3A_410 {strides = array<i32>} : memref<128x128xf32, #tpu.memory_space<vmem>>, vector<16xf32>,
          %get3A_414 = arith.index_cast %add3A_329 : i32 to index
          %get3A_415 = arith.constant 112 : index
          %get3A_416 = tpu.vector_load %arg14[%get3A_414, %get3A_415] {strides = array<i32>} : memref<128x128xf32, #tpu.memory_space<vmem>>, vector<16xf32>,
          %get3A_417 = arith.index_cast %add3A_329 : i32 to index
          %get3A_418 = arith.constant 112 : index
          %get3A_419 = tpu.vector_load %arg15[%get3A_417, %get3A_418] {strides = array<i32>} : memref<128x128xf32, #tpu.memory_space<vmem>>, vector<16xf32>,
          %add3A_420 = arith.addf %get3A_416, %get3A_419 : vector<16xf32>
          %mul3A_421 = vector.broadcast %squeeze3A_325 : f32 to vector<16xf32>
          %mul3A_422 = arith.mulf %add3A_420, %mul3A_421 : vector<16xf32>
          %swap3A_423 = arith.index_cast %add3A_329 : i32 to index
          %swap3A_424 = arith.constant 112 : index
          %swap3A_425 = tpu.vector_load %arg14[%swap3A_423, %swap3A_424] {strides = array<i32>} : memref<128x128xf32, #tpu.memory_space<vmem>>, vector<16xf32>,
          tpu.vector_store %arg14[%swap3A_423, %swap3A_424], %mul3A_422 {strides = array<i32>} : memref<128x128xf32, #tpu.memory_space<vmem>>, vector<16xf32>,
          %slice3A_426 = vector.extract_strided_slice %get3A_122 {offsets = [3], sizes = [1], strides = [1]} : vector<16xf32> to vector<1xf32>
          %squeeze3A_427 = vector.extract %slice3A_426[0] : f32 from vector<1xf32>
          %mul3A_428 = arith.constant 16 : i32
          %mul3A_429 = arith.muli %scan3A_118, %mul3A_428 : i32
          %add3A_430 = arith.constant 3 : i32
          %add3A_431 = arith.addi %mul3A_429, %add3A_430 : i32
          %get3A_432 = arith.index_cast %add3A_431 : i32 to index
          %get3A_433 = arith.constant 0 : index
          %get3A_434 = tpu.vector_load %arg14[%get3A_432, %get3A_433] {strides = array<i32>} : memref<128x128xf32, #tpu.memory_space<vmem>>, vector<16xf32>,
          %get3A_435 = arith.index_cast %add3A_431 : i32 to index
          %get3A_436 = arith.constant 0 : index
          %get3A_437 = tpu.vector_load %arg15[%get3A_435, %get3A_436] {strides = array<i32>} : memref<128x128xf32, #tpu.memory_space<vmem>>, vector<16xf32>,
          %add3A_438 = arith.addf %get3A_434, %get3A_437 : vector<16xf32>
          %mul3A_439 = vector.broadcast %squeeze3A_427 : f32 to vector<16xf32>
          %mul3A_440 = arith.mulf %add3A_438, %mul3A_439 : vector<16xf32>
          %swap3A_441 = arith.index_cast %add3A_431 : i32 to index
          %swap3A_442 = arith.constant 0 : index
          %swap3A_443 = tpu.vector_load %arg14[%swap3A_441, %swap3A_442] {strides = array<i32>} : memref<128x128xf32, #tpu.memory_space<vmem>>, vector<16xf32>,
          tpu.vector_store %arg14[%swap3A_441, %swap3A_442], %mul3A_440 {strides = array<i32>} : memref<128x128xf32, #tpu.memory_space<vmem>>, vector<16xf32>,
          %get3A_444 = arith.index_cast %add3A_431 : i32 to index
          %get3A_445 = arith.constant 16 : index
          %get3A_446 = tpu.vector_load %arg14[%get3A_444, %get3A_445] {strides = array<i32>} : memref<128x128xf32, #tpu.memory_space<vmem>>, vector<16xf32>,
          %get3A_447 = arith.index_cast %add3A_431 : i32 to index
          %get3A_448 = arith.constant 16 : index
          %get3A_449 = tpu.vector_load %arg15[%get3A_447, %get3A_448] {strides = array<i32>} : memref<128x128xf32, #tpu.memory_space<vmem>>, vector<16xf32>,
          %add3A_450 = arith.addf %get3A_446, %get3A_449 : vector<16xf32>
          %mul3A_451 = vector.broadcast %squeeze3A_427 : f32 to vector<16xf32>
          %mul3A_452 = arith.mulf %add3A_450, %mul3A_451 : vector<16xf32>
          %swap3A_453 = arith.index_cast %add3A_431 : i32 to index
          %swap3A_454 = arith.constant 16 : index
          %swap3A_455 = tpu.vector_load %arg14[%swap3A_453, %swap3A_454] {strides = array<i32>} : memref<128x128xf32, #tpu.memory_space<vmem>>, vector<16xf32>,
          tpu.vector_store %arg14[%swap3A_453, %swap3A_454], %mul3A_452 {strides = array<i32>} : memref<128x128xf32, #tpu.memory_space<vmem>>, vector<16xf32>,
          %get3A_456 = arith.index_cast %add3A_431 : i32 to index
          %get3A_457 = arith.constant 32 : index
          %get3A_458 = tpu.vector_load %arg14[%get3A_456, %get3A_457] {strides = array<i32>} : memref<128x128xf32, #tpu.memory_space<vmem>>, vector<16xf32>,
          %get3A_459 = arith.index_cast %add3A_431 : i32 to index
          %get3A_460 = arith.constant 32 : index
          %get3A_461 = tpu.vector_load %arg15[%get3A_459, %get3A_460] {strides = array<i32>} : memref<128x128xf32, #tpu.memory_space<vmem>>, vector<16xf32>,
          %add3A_462 = arith.addf %get3A_458, %get3A_461 : vector<16xf32>
          %mul3A_463 = vector.broadcast %squeeze3A_427 : f32 to vector<16xf32>
          %mul3A_464 = arith.mulf %add3A_462, %mul3A_463 : vector<16xf32>
          %swap3A_465 = arith.index_cast %add3A_431 : i32 to index
          %swap3A_466 = arith.constant 32 : index
          %swap3A_467 = tpu.vector_load %arg14[%swap3A_465, %swap3A_466] {strides = array<i32>} : memref<128x128xf32, #tpu.memory_space<vmem>>, vector<16xf32>,
          tpu.vector_store %arg14[%swap3A_465, %swap3A_466], %mul3A_464 {strides = array<i32>} : memref<128x128xf32, #tpu.memory_space<vmem>>, vector<16xf32>,
          %get3A_468 = arith.index_cast %add3A_431 : i32 to index
          %get3A_469 = arith.constant 48 : index
          %get3A_470 = tpu.vector_load %arg14[%get3A_468, %get3A_469] {strides = array<i32>} : memref<128x128xf32, #tpu.memory_space<vmem>>, vector<16xf32>,
          %get3A_471 = arith.index_cast %add3A_431 : i32 to index
          %get3A_472 = arith.constant 48 : index
          %get3A_473 = tpu.vector_load %arg15[%get3A_471, %get3A_472] {strides = array<i32>} : memref<128x128xf32, #tpu.memory_space<vmem>>, vector<16xf32>,
          %add3A_474 = arith.addf %get3A_470, %get3A_473 : vector<16xf32>
          %mul3A_475 = vector.broadcast %squeeze3A_427 : f32 to vector<16xf32>
          %mul3A_476 = arith.mulf %add3A_474, %mul3A_475 : vector<16xf32>
          %swap3A_477 = arith.index_cast %add3A_431 : i32 to index
          %swap3A_478 = arith.constant 48 : index
          %swap3A_479 = tpu.vector_load %arg14[%swap3A_477, %swap3A_478] {strides = array<i32>} : memref<128x128xf32, #tpu.memory_space<vmem>>, vector<16xf32>,
          tpu.vector_store %arg14[%swap3A_477, %swap3A_478], %mul3A_476 {strides = array<i32>} : memref<128x128xf32, #tpu.memory_space<vmem>>, vector<16xf32>,
          %get3A_480 = arith.index_cast %add3A_431 : i32 to index
          %get3A_481 = arith.constant 64 : index
          %get3A_482 = tpu.vector_load %arg14[%get3A_480, %get3A_481] {strides = array<i32>} : memref<128x128xf32, #tpu.memory_space<vmem>>, vector<16xf32>,
          %get3A_483 = arith.index_cast %add3A_431 : i32 to index
          %get3A_484 = arith.constant 64 : index
          %get3A_485 = tpu.vector_load %arg15[%get3A_483, %get3A_484] {strides = array<i32>} : memref<128x128xf32, #tpu.memory_space<vmem>>, vector<16xf32>,
          %add3A_486 = arith.addf %get3A_482, %get3A_485 : vector<16xf32>
          %mul3A_487 = vector.broadcast %squeeze3A_427 : f32 to vector<16xf32>
          %mul3A_488 = arith.mulf %add3A_486, %mul3A_487 : vector<16xf32>
          %swap3A_489 = arith.index_cast %add3A_431 : i32 to index
          %swap3A_490 = arith.constant 64 : index
          %swap3A_491 = tpu.vector_load %arg14[%swap3A_489, %swap3A_490] {strides = array<i32>} : memref<128x128xf32, #tpu.memory_space<vmem>>, vector<16xf32>,
          tpu.vector_store %arg14[%swap3A_489, %swap3A_490], %mul3A_488 {strides = array<i32>} : memref<128x128xf32, #tpu.memory_space<vmem>>, vector<16xf32>,
          %get3A_492 = arith.index_cast %add3A_431 : i32 to index
          %get3A_493 = arith.constant 80 : index
          %get3A_494 = tpu.vector_load %arg14[%get3A_492, %get3A_493] {strides = array<i32>} : memref<128x128xf32, #tpu.memory_space<vmem>>, vector<16xf32>,
          %get3A_495 = arith.index_cast %add3A_431 : i32 to index
          %get3A_496 = arith.constant 80 : index
          %get3A_497 = tpu.vector_load %arg15[%get3A_495, %get3A_496] {strides = array<i32>} : memref<128x128xf32, #tpu.memory_space<vmem>>, vector<16xf32>,
          %add3A_498 = arith.addf %get3A_494, %get3A_497 : vector<16xf32>
          %mul3A_499 = vector.broadcast %squeeze3A_427 : f32 to vector<16xf32>
          %mul3A_500 = arith.mulf %add3A_498, %mul3A_499 : vector<16xf32>
          %swap3A_501 = arith.index_cast %add3A_431 : i32 to index
          %swap3A_502 = arith.constant 80 : index
          %swap3A_503 = tpu.vector_load %arg14[%swap3A_501, %swap3A_502] {strides = array<i32>} : memref<128x128xf32, #tpu.memory_space<vmem>>, vector<16xf32>,
          tpu.vector_store %arg14[%swap3A_501, %swap3A_502], %mul3A_500 {strides = array<i32>} : memref<128x128xf32, #tpu.memory_space<vmem>>, vector<16xf32>,
          %get3A_504 = arith.index_cast %add3A_431 : i32 to index
          %get3A_505 = arith.constant 96 : index
          %get3A_506 = tpu.vector_load %arg14[%get3A_504, %get3A_505] {strides = array<i32>} : memref<128x128xf32, #tpu.memory_space<vmem>>, vector<16xf32>,
          %get3A_507 = arith.index_cast %add3A_431 : i32 to index
          %get3A_508 = arith.constant 96 : index
          %get3A_509 = tpu.vector_load %arg15[%get3A_507, %get3A_508] {strides = array<i32>} : memref<128x128xf32, #tpu.memory_space<vmem>>, vector<16xf32>,
          %add3A_510 = arith.addf %get3A_506, %get3A_509 : vector<16xf32>
          %mul3A_511 = vector.broadcast %squeeze3A_427 : f32 to vector<16xf32>
          %mul3A_512 = arith.mulf %add3A_510, %mul3A_511 : vector<16xf32>
          %swap3A_513 = arith.index_cast %add3A_431 : i32 to index
          %swap3A_514 = arith.constant 96 : index
          %swap3A_515 = tpu.vector_load %arg14[%swap3A_513, %swap3A_514] {strides = array<i32>} : memref<128x128xf32, #tpu.memory_space<vmem>>, vector<16xf32>,
          tpu.vector_store %arg14[%swap3A_513, %swap3A_514], %mul3A_512 {strides = array<i32>} : memref<128x128xf32, #tpu.memory_space<vmem>>, vector<16xf32>,
          %get3A_516 = arith.index_cast %add3A_431 : i32 to index
          %get3A_517 = arith.constant 112 : index
          %get3A_518 = tpu.vector_load %arg14[%get3A_516, %get3A_517] {strides = array<i32>} : memref<128x128xf32, #tpu.memory_space<vmem>>, vector<16xf32>,
          %get3A_519 = arith.index_cast %add3A_431 : i32 to index
          %get3A_520 = arith.constant 112 : index
          %get3A_521 = tpu.vector_load %arg15[%get3A_519, %get3A_520] {strides = array<i32>} : memref<128x128xf32, #tpu.memory_space<vmem>>, vector<16xf32>,
          %add3A_522 = arith.addf %get3A_518, %get3A_521 : vector<16xf32>
          %mul3A_523 = vector.broadcast %squeeze3A_427 : f32 to vector<16xf32>
          %mul3A_524 = arith.mulf %add3A_522, %mul3A_523 : vector<16xf32>
          %swap3A_525 = arith.index_cast %add3A_431 : i32 to index
          %swap3A_526 = arith.constant 112 : index
          %swap3A_527 = tpu.vector_load %arg14[%swap3A_525, %swap3A_526] {strides = array<i32>} : memref<128x128xf32, #tpu.memory_space<vmem>>, vector<16xf32>,
          tpu.vector_store %arg14[%swap3A_525, %swap3A_526], %mul3A_524 {strides = array<i32>} : memref<128x128xf32, #tpu.memory_space<vmem>>, vector<16xf32>,
          %slice3A_528 = vector.extract_strided_slice %get3A_122 {offsets = [4], sizes = [1], strides = [1]} : vector<16xf32> to vector<1xf32>
          %squeeze3A_529 = vector.extract %slice3A_528[0] : f32 from vector<1xf32>
          %mul3A_530 = arith.constant 16 : i32
          %mul3A_531 = arith.muli %scan3A_118, %mul3A_530 : i32
          %add3A_532 = arith.constant 4 : i32
          %add3A_533 = arith.addi %mul3A_531, %add3A_532 : i32
          %get3A_534 = arith.index_cast %add3A_533 : i32 to index
          %get3A_535 = arith.constant 0 : index
          %get3A_536 = tpu.vector_load %arg14[%get3A_534, %get3A_535] {strides = array<i32>} : memref<128x128xf32, #tpu.memory_space<vmem>>, vector<16xf32>,
          %get3A_537 = arith.index_cast %add3A_533 : i32 to index
          %get3A_538 = arith.constant 0 : index
          %get3A_539 = tpu.vector_load %arg15[%get3A_537, %get3A_538] {strides = array<i32>} : memref<128x128xf32, #tpu.memory_space<vmem>>, vector<16xf32>,
          %add3A_540 = arith.addf %get3A_536, %get3A_539 : vector<16xf32>
          %mul3A_541 = vector.broadcast %squeeze3A_529 : f32 to vector<16xf32>
          %mul3A_542 = arith.mulf %add3A_540, %mul3A_541 : vector<16xf32>
          %swap3A_543 = arith.index_cast %add3A_533 : i32 to index
          %swap3A_544 = arith.constant 0 : index
          %swap3A_545 = tpu.vector_load %arg14[%swap3A_543, %swap3A_544] {strides = array<i32>} : memref<128x128xf32, #tpu.memory_space<vmem>>, vector<16xf32>,
          tpu.vector_store %arg14[%swap3A_543, %swap3A_544], %mul3A_542 {strides = array<i32>} : memref<128x128xf32, #tpu.memory_space<vmem>>, vector<16xf32>,
          %get3A_546 = arith.index_cast %add3A_533 : i32 to index
          %get3A_547 = arith.constant 16 : index
          %get3A_548 = tpu.vector_load %arg14[%get3A_546, %get3A_547] {strides = array<i32>} : memref<128x128xf32, #tpu.memory_space<vmem>>, vector<16xf32>,
          %get3A_549 = arith.index_cast %add3A_533 : i32 to index
          %get3A_550 = arith.constant 16 : index
          %get3A_551 = tpu.vector_load %arg15[%get3A_549, %get3A_550] {strides = array<i32>} : memref<128x128xf32, #tpu.memory_space<vmem>>, vector<16xf32>,
          %add3A_552 = arith.addf %get3A_548, %get3A_551 : vector<16xf32>
          %mul3A_553 = vector.broadcast %squeeze3A_529 : f32 to vector<16xf32>
          %mul3A_554 = arith.mulf %add3A_552, %mul3A_553 : vector<16xf32>
          %swap3A_555 = arith.index_cast %add3A_533 : i32 to index
          %swap3A_556 = arith.constant 16 : index
          %swap3A_557 = tpu.vector_load %arg14[%swap3A_555, %swap3A_556] {strides = array<i32>} : memref<128x128xf32, #tpu.memory_space<vmem>>, vector<16xf32>,
          tpu.vector_store %arg14[%swap3A_555, %swap3A_556], %mul3A_554 {strides = array<i32>} : memref<128x128xf32, #tpu.memory_space<vmem>>, vector<16xf32>,
          %get3A_558 = arith.index_cast %add3A_533 : i32 to index
          %get3A_559 = arith.constant 32 : index
          %get3A_560 = tpu.vector_load %arg14[%get3A_558, %get3A_559] {strides = array<i32>} : memref<128x128xf32, #tpu.memory_space<vmem>>, vector<16xf32>,
          %get3A_561 = arith.index_cast %add3A_533 : i32 to index
          %get3A_562 = arith.constant 32 : index
          %get3A_563 = tpu.vector_load %arg15[%get3A_561, %get3A_562] {strides = array<i32>} : memref<128x128xf32, #tpu.memory_space<vmem>>, vector<16xf32>,
          %add3A_564 = arith.addf %get3A_560, %get3A_563 : vector<16xf32>
          %mul3A_565 = vector.broadcast %squeeze3A_529 : f32 to vector<16xf32>
          %mul3A_566 = arith.mulf %add3A_564, %mul3A_565 : vector<16xf32>
          %swap3A_567 = arith.index_cast %add3A_533 : i32 to index
          %swap3A_568 = arith.constant 32 : index
          %swap3A_569 = tpu.vector_load %arg14[%swap3A_567, %swap3A_568] {strides = array<i32>} : memref<128x128xf32, #tpu.memory_space<vmem>>, vector<16xf32>,
          tpu.vector_store %arg14[%swap3A_567, %swap3A_568], %mul3A_566 {strides = array<i32>} : memref<128x128xf32, #tpu.memory_space<vmem>>, vector<16xf32>,
          %get3A_570 = arith.index_cast %add3A_533 : i32 to index
          %get3A_571 = arith.constant 48 : index
          %get3A_572 = tpu.vector_load %arg14[%get3A_570, %get3A_571] {strides = array<i32>} : memref<128x128xf32, #tpu.memory_space<vmem>>, vector<16xf32>,
          %get3A_573 = arith.index_cast %add3A_533 : i32 to index
          %get3A_574 = arith.constant 48 : index
          %get3A_575 = tpu.vector_load %arg15[%get3A_573, %get3A_574] {strides = array<i32>} : memref<128x128xf32, #tpu.memory_space<vmem>>, vector<16xf32>,
          %add3A_576 = arith.addf %get3A_572, %get3A_575 : vector<16xf32>
          %mul3A_577 = vector.broadcast %squeeze3A_529 : f32 to vector<16xf32>
          %mul3A_578 = arith.mulf %add3A_576, %mul3A_577 : vector<16xf32>
          %swap3A_579 = arith.index_cast %add3A_533 : i32 to index
          %swap3A_580 = arith.constant 48 : index
          %swap3A_581 = tpu.vector_load %arg14[%swap3A_579, %swap3A_580] {strides = array<i32>} : memref<128x128xf32, #tpu.memory_space<vmem>>, vector<16xf32>,
          tpu.vector_store %arg14[%swap3A_579, %swap3A_580], %mul3A_578 {strides = array<i32>} : memref<128x128xf32, #tpu.memory_space<vmem>>, vector<16xf32>,
          %get3A_582 = arith.index_cast %add3A_533 : i32 to index
          %get3A_583 = arith.constant 64 : index
          %get3A_584 = tpu.vector_load %arg14[%get3A_582, %get3A_583] {strides = array<i32>} : memref<128x128xf32, #tpu.memory_space<vmem>>, vector<16xf32>,
          %get3A_585 = arith.index_cast %add3A_533 : i32 to index
          %get3A_586 = arith.constant 64 : index
          %get3A_587 = tpu.vector_load %arg15[%get3A_585, %get3A_586] {strides = array<i32>} : memref<128x128xf32, #tpu.memory_space<vmem>>, vector<16xf32>,
          %add3A_588 = arith.addf %get3A_584, %get3A_587 : vector<16xf32>
          %mul3A_589 = vector.broadcast %squeeze3A_529 : f32 to vector<16xf32>
          %mul3A_590 = arith.mulf %add3A_588, %mul3A_589 : vector<16xf32>
          %swap3A_591 = arith.index_cast %add3A_533 : i32 to index
          %swap3A_592 = arith.constant 64 : index
          %swap3A_593 = tpu.vector_load %arg14[%swap3A_591, %swap3A_592] {strides = array<i32>} : memref<128x128xf32, #tpu.memory_space<vmem>>, vector<16xf32>,
          tpu.vector_store %arg14[%swap3A_591, %swap3A_592], %mul3A_590 {strides = array<i32>} : memref<128x128xf32, #tpu.memory_space<vmem>>, vector<16xf32>,
          %get3A_594 = arith.index_cast %add3A_533 : i32 to index
          %get3A_595 = arith.constant 80 : index
          %get3A_596 = tpu.vector_load %arg14[%get3A_594, %get3A_595] {strides = array<i32>} : memref<128x128xf32, #tpu.memory_space<vmem>>, vector<16xf32>,
          %get3A_597 = arith.index_cast %add3A_533 : i32 to index
          %get3A_598 = arith.constant 80 : index
          %get3A_599 = tpu.vector_load %arg15[%get3A_597, %get3A_598] {strides = array<i32>} : memref<128x128xf32, #tpu.memory_space<vmem>>, vector<16xf32>,
          %add3A_600 = arith.addf %get3A_596, %get3A_599 : vector<16xf32>
          %mul3A_601 = vector.broadcast %squeeze3A_529 : f32 to vector<16xf32>
          %mul3A_602 = arith.mulf %add3A_600, %mul3A_601 : vector<16xf32>
          %swap3A_603 = arith.index_cast %add3A_533 : i32 to index
          %swap3A_604 = arith.constant 80 : index
          %swap3A_605 = tpu.vector_load %arg14[%swap3A_603, %swap3A_604] {strides = array<i32>} : memref<128x128xf32, #tpu.memory_space<vmem>>, vector<16xf32>,
          tpu.vector_store %arg14[%swap3A_603, %swap3A_604], %mul3A_602 {strides = array<i32>} : memref<128x128xf32, #tpu.memory_space<vmem>>, vector<16xf32>,
          %get3A_606 = arith.index_cast %add3A_533 : i32 to index
          %get3A_607 = arith.constant 96 : index
          %get3A_608 = tpu.vector_load %arg14[%get3A_606, %get3A_607] {strides = array<i32>} : memref<128x128xf32, #tpu.memory_space<vmem>>, vector<16xf32>,
          %get3A_609 = arith.index_cast %add3A_533 : i32 to index
          %get3A_610 = arith.constant 96 : index
          %get3A_611 = tpu.vector_load %arg15[%get3A_609, %get3A_610] {strides = array<i32>} : memref<128x128xf32, #tpu.memory_space<vmem>>, vector<16xf32>,
          %add3A_612 = arith.addf %get3A_608, %get3A_611 : vector<16xf32>
          %mul3A_613 = vector.broadcast %squeeze3A_529 : f32 to vector<16xf32>
          %mul3A_614 = arith.mulf %add3A_612, %mul3A_613 : vector<16xf32>
          %swap3A_615 = arith.index_cast %add3A_533 : i32 to index
          %swap3A_616 = arith.constant 96 : index
          %swap3A_617 = tpu.vector_load %arg14[%swap3A_615, %swap3A_616] {strides = array<i32>} : memref<128x128xf32, #tpu.memory_space<vmem>>, vector<16xf32>,
          tpu.vector_store %arg14[%swap3A_615, %swap3A_616], %mul3A_614 {strides = array<i32>} : memref<128x128xf32, #tpu.memory_space<vmem>>, vector<16xf32>,
          %get3A_618 = arith.index_cast %add3A_533 : i32 to index
          %get3A_619 = arith.constant 112 : index
          %get3A_620 = tpu.vector_load %arg14[%get3A_618, %get3A_619] {strides = array<i32>} : memref<128x128xf32, #tpu.memory_space<vmem>>, vector<16xf32>,
          %get3A_621 = arith.index_cast %add3A_533 : i32 to index
          %get3A_622 = arith.constant 112 : index
          %get3A_623 = tpu.vector_load %arg15[%get3A_621, %get3A_622] {strides = array<i32>} : memref<128x128xf32, #tpu.memory_space<vmem>>, vector<16xf32>,
          %add3A_624 = arith.addf %get3A_620, %get3A_623 : vector<16xf32>
          %mul3A_625 = vector.broadcast %squeeze3A_529 : f32 to vector<16xf32>
          %mul3A_626 = arith.mulf %add3A_624, %mul3A_625 : vector<16xf32>
          %swap3A_627 = arith.index_cast %add3A_533 : i32 to index
          %swap3A_628 = arith.constant 112 : index
          %swap3A_629 = tpu.vector_load %arg14[%swap3A_627, %swap3A_628] {strides = array<i32>} : memref<128x128xf32, #tpu.memory_space<vmem>>, vector<16xf32>,
          tpu.vector_store %arg14[%swap3A_627, %swap3A_628], %mul3A_626 {strides = array<i32>} : memref<128x128xf32, #tpu.memory_space<vmem>>, vector<16xf32>,
          %slice3A_630 = vector.extract_strided_slice %get3A_122 {offsets = [5], sizes = [1], strides = [1]} : vector<16xf32> to vector<1xf32>
          %squeeze3A_631 = vector.extract %slice3A_630[0] : f32 from vector<1xf32>
          %mul3A_632 = arith.constant 16 : i32
          %mul3A_633 = arith.muli %scan3A_118, %mul3A_632 : i32
          %add3A_634 = arith.constant 5 : i32
          %add3A_635 = arith.addi %mul3A_633, %add3A_634 : i32
          %get3A_636 = arith.index_cast %add3A_635 : i32 to index
          %get3A_637 = arith.constant 0 : index
          %get3A_638 = tpu.vector_load %arg14[%get3A_636, %get3A_637] {strides = array<i32>} : memref<128x128xf32, #tpu.memory_space<vmem>>, vector<16xf32>,
          %get3A_639 = arith.index_cast %add3A_635 : i32 to index
          %get3A_640 = arith.constant 0 : index
          %get3A_641 = tpu.vector_load %arg15[%get3A_639, %get3A_640] {strides = array<i32>} : memref<128x128xf32, #tpu.memory_space<vmem>>, vector<16xf32>,
          %add3A_642 = arith.addf %get3A_638, %get3A_641 : vector<16xf32>
          %mul3A_643 = vector.broadcast %squeeze3A_631 : f32 to vector<16xf32>
          %mul3A_644 = arith.mulf %add3A_642, %mul3A_643 : vector<16xf32>
          %swap3A_645 = arith.index_cast %add3A_635 : i32 to index
          %swap3A_646 = arith.constant 0 : index
          %swap3A_647 = tpu.vector_load %arg14[%swap3A_645, %swap3A_646] {strides = array<i32>} : memref<128x128xf32, #tpu.memory_space<vmem>>, vector<16xf32>,
          tpu.vector_store %arg14[%swap3A_645, %swap3A_646], %mul3A_644 {strides = array<i32>} : memref<128x128xf32, #tpu.memory_space<vmem>>, vector<16xf32>,
          %get3A_648 = arith.index_cast %add3A_635 : i32 to index
          %get3A_649 = arith.constant 16 : index
          %get3A_650 = tpu.vector_load %arg14[%get3A_648, %get3A_649] {strides = array<i32>} : memref<128x128xf32, #tpu.memory_space<vmem>>, vector<16xf32>,
          %get3A_651 = arith.index_cast %add3A_635 : i32 to index
          %get3A_652 = arith.constant 16 : index
          %get3A_653 = tpu.vector_load %arg15[%get3A_651, %get3A_652] {strides = array<i32>} : memref<128x128xf32, #tpu.memory_space<vmem>>, vector<16xf32>,
          %add3A_654 = arith.addf %get3A_650, %get3A_653 : vector<16xf32>
          %mul3A_655 = vector.broadcast %squeeze3A_631 : f32 to vector<16xf32>
          %mul3A_656 = arith.mulf %add3A_654, %mul3A_655 : vector<16xf32>
          %swap3A_657 = arith.index_cast %add3A_635 : i32 to index
          %swap3A_658 = arith.constant 16 : index
          %swap3A_659 = tpu.vector_load %arg14[%swap3A_657, %swap3A_658] {strides = array<i32>} : memref<128x128xf32, #tpu.memory_space<vmem>>, vector<16xf32>,
          tpu.vector_store %arg14[%swap3A_657, %swap3A_658], %mul3A_656 {strides = array<i32>} : memref<128x128xf32, #tpu.memory_space<vmem>>, vector<16xf32>,
          %get3A_660 = arith.index_cast %add3A_635 : i32 to index
          %get3A_661 = arith.constant 32 : index
          %get3A_662 = tpu.vector_load %arg14[%get3A_660, %get3A_661] {strides = array<i32>} : memref<128x128xf32, #tpu.memory_space<vmem>>, vector<16xf32>,
          %get3A_663 = arith.index_cast %add3A_635 : i32 to index
          %get3A_664 = arith.constant 32 : index
          %get3A_665 = tpu.vector_load %arg15[%get3A_663, %get3A_664] {strides = array<i32>} : memref<128x128xf32, #tpu.memory_space<vmem>>, vector<16xf32>,
          %add3A_666 = arith.addf %get3A_662, %get3A_665 : vector<16xf32>
          %mul3A_667 = vector.broadcast %squeeze3A_631 : f32 to vector<16xf32>
          %mul3A_668 = arith.mulf %add3A_666, %mul3A_667 : vector<16xf32>
          %swap3A_669 = arith.index_cast %add3A_635 : i32 to index
          %swap3A_670 = arith.constant 32 : index
          %swap3A_671 = tpu.vector_load %arg14[%swap3A_669, %swap3A_670] {strides = array<i32>} : memref<128x128xf32, #tpu.memory_space<vmem>>, vector<16xf32>,
          tpu.vector_store %arg14[%swap3A_669, %swap3A_670], %mul3A_668 {strides = array<i32>} : memref<128x128xf32, #tpu.memory_space<vmem>>, vector<16xf32>,
          %get3A_672 = arith.index_cast %add3A_635 : i32 to index
          %get3A_673 = arith.constant 48 : index
          %get3A_674 = tpu.vector_load %arg14[%get3A_672, %get3A_673] {strides = array<i32>} : memref<128x128xf32, #tpu.memory_space<vmem>>, vector<16xf32>,
          %get3A_675 = arith.index_cast %add3A_635 : i32 to index
          %get3A_676 = arith.constant 48 : index
          %get3A_677 = tpu.vector_load %arg15[%get3A_675, %get3A_676] {strides = array<i32>} : memref<128x128xf32, #tpu.memory_space<vmem>>, vector<16xf32>,
          %add3A_678 = arith.addf %get3A_674, %get3A_677 : vector<16xf32>
          %mul3A_679 = vector.broadcast %squeeze3A_631 : f32 to vector<16xf32>
          %mul3A_680 = arith.mulf %add3A_678, %mul3A_679 : vector<16xf32>
          %swap3A_681 = arith.index_cast %add3A_635 : i32 to index
          %swap3A_682 = arith.constant 48 : index
          %swap3A_683 = tpu.vector_load %arg14[%swap3A_681, %swap3A_682] {strides = array<i32>} : memref<128x128xf32, #tpu.memory_space<vmem>>, vector<16xf32>,
          tpu.vector_store %arg14[%swap3A_681, %swap3A_682], %mul3A_680 {strides = array<i32>} : memref<128x128xf32, #tpu.memory_space<vmem>>, vector<16xf32>,
          %get3A_684 = arith.index_cast %add3A_635 : i32 to index
          %get3A_685 = arith.constant 64 : index
          %get3A_686 = tpu.vector_load %arg14[%get3A_684, %get3A_685] {strides = array<i32>} : memref<128x128xf32, #tpu.memory_space<vmem>>, vector<16xf32>,
          %get3A_687 = arith.index_cast %add3A_635 : i32 to index
          %get3A_688 = arith.constant 64 : index
          %get3A_689 = tpu.vector_load %arg15[%get3A_687, %get3A_688] {strides = array<i32>} : memref<128x128xf32, #tpu.memory_space<vmem>>, vector<16xf32>,
          %add3A_690 = arith.addf %get3A_686, %get3A_689 : vector<16xf32>
          %mul3A_691 = vector.broadcast %squeeze3A_631 : f32 to vector<16xf32>
          %mul3A_692 = arith.mulf %add3A_690, %mul3A_691 : vector<16xf32>
          %swap3A_693 = arith.index_cast %add3A_635 : i32 to index
          %swap3A_694 = arith.constant 64 : index
          %swap3A_695 = tpu.vector_load %arg14[%swap3A_693, %swap3A_694] {strides = array<i32>} : memref<128x128xf32, #tpu.memory_space<vmem>>, vector<16xf32>,
          tpu.vector_store %arg14[%swap3A_693, %swap3A_694], %mul3A_692 {strides = array<i32>} : memref<128x128xf32, #tpu.memory_space<vmem>>, vector<16xf32>,
          %get3A_696 = arith.index_cast %add3A_635 : i32 to index
          %get3A_697 = arith.constant 80 : index
          %get3A_698 = tpu.vector_load %arg14[%get3A_696, %get3A_697] {strides = array<i32>} : memref<128x128xf32, #tpu.memory_space<vmem>>, vector<16xf32>,
          %get3A_699 = arith.index_cast %add3A_635 : i32 to index
          %get3A_700 = arith.constant 80 : index
          %get3A_701 = tpu.vector_load %arg15[%get3A_699, %get3A_700] {strides = array<i32>} : memref<128x128xf32, #tpu.memory_space<vmem>>, vector<16xf32>,
          %add3A_702 = arith.addf %get3A_698, %get3A_701 : vector<16xf32>
          %mul3A_703 = vector.broadcast %squeeze3A_631 : f32 to vector<16xf32>
          %mul3A_704 = arith.mulf %add3A_702, %mul3A_703 : vector<16xf32>
          %swap3A_705 = arith.index_cast %add3A_635 : i32 to index
          %swap3A_706 = arith.constant 80 : index
          %swap3A_707 = tpu.vector_load %arg14[%swap3A_705, %swap3A_706] {strides = array<i32>} : memref<128x128xf32, #tpu.memory_space<vmem>>, vector<16xf32>,
          tpu.vector_store %arg14[%swap3A_705, %swap3A_706], %mul3A_704 {strides = array<i32>} : memref<128x128xf32, #tpu.memory_space<vmem>>, vector<16xf32>,
          %get3A_708 = arith.index_cast %add3A_635 : i32 to index
          %get3A_709 = arith.constant 96 : index
          %get3A_710 = tpu.vector_load %arg14[%get3A_708, %get3A_709] {strides = array<i32>} : memref<128x128xf32, #tpu.memory_space<vmem>>, vector<16xf32>,
          %get3A_711 = arith.index_cast %add3A_635 : i32 to index
          %get3A_712 = arith.constant 96 : index
          %get3A_713 = tpu.vector_load %arg15[%get3A_711, %get3A_712] {strides = array<i32>} : memref<128x128xf32, #tpu.memory_space<vmem>>, vector<16xf32>,
          %add3A_714 = arith.addf %get3A_710, %get3A_713 : vector<16xf32>
          %mul3A_715 = vector.broadcast %squeeze3A_631 : f32 to vector<16xf32>
          %mul3A_716 = arith.mulf %add3A_714, %mul3A_715 : vector<16xf32>
          %swap3A_717 = arith.index_cast %add3A_635 : i32 to index
          %swap3A_718 = arith.constant 96 : index
          %swap3A_719 = tpu.vector_load %arg14[%swap3A_717, %swap3A_718] {strides = array<i32>} : memref<128x128xf32, #tpu.memory_space<vmem>>, vector<16xf32>,
          tpu.vector_store %arg14[%swap3A_717, %swap3A_718], %mul3A_716 {strides = array<i32>} : memref<128x128xf32, #tpu.memory_space<vmem>>, vector<16xf32>,
          %get3A_720 = arith.index_cast %add3A_635 : i32 to index
          %get3A_721 = arith.constant 112 : index
          %get3A_722 = tpu.vector_load %arg14[%get3A_720, %get3A_721] {strides = array<i32>} : memref<128x128xf32, #tpu.memory_space<vmem>>, vector<16xf32>,
          %get3A_723 = arith.index_cast %add3A_635 : i32 to index
          %get3A_724 = arith.constant 112 : index
          %get3A_725 = tpu.vector_load %arg15[%get3A_723, %get3A_724] {strides = array<i32>} : memref<128x128xf32, #tpu.memory_space<vmem>>, vector<16xf32>,
          %add3A_726 = arith.addf %get3A_722, %get3A_725 : vector<16xf32>
          %mul3A_727 = vector.broadcast %squeeze3A_631 : f32 to vector<16xf32>
          %mul3A_728 = arith.mulf %add3A_726, %mul3A_727 : vector<16xf32>
          %swap3A_729 = arith.index_cast %add3A_635 : i32 to index
          %swap3A_730 = arith.constant 112 : index
          %swap3A_731 = tpu.vector_load %arg14[%swap3A_729, %swap3A_730] {strides = array<i32>} : memref<128x128xf32, #tpu.memory_space<vmem>>, vector<16xf32>,
          tpu.vector_store %arg14[%swap3A_729, %swap3A_730], %mul3A_728 {strides = array<i32>} : memref<128x128xf32, #tpu.memory_space<vmem>>, vector<16xf32>,
          %slice3A_732 = vector.extract_strided_slice %get3A_122 {offsets = [6], sizes = [1], strides = [1]} : vector<16xf32> to vector<1xf32>
          %squeeze3A_733 = vector.extract %slice3A_732[0] : f32 from vector<1xf32>
          %mul3A_734 = arith.constant 16 : i32
          %mul3A_735 = arith.muli %scan3A_118, %mul3A_734 : i32
          %add3A_736 = arith.constant 6 : i32
          %add3A_737 = arith.addi %mul3A_735, %add3A_736 : i32
          %get3A_738 = arith.index_cast %add3A_737 : i32 to index
          %get3A_739 = arith.constant 0 : index
          %get3A_740 = tpu.vector_load %arg14[%get3A_738, %get3A_739] {strides = array<i32>} : memref<128x128xf32, #tpu.memory_space<vmem>>, vector<16xf32>,
          %get3A_741 = arith.index_cast %add3A_737 : i32 to index
          %get3A_742 = arith.constant 0 : index
          %get3A_743 = tpu.vector_load %arg15[%get3A_741, %get3A_742] {strides = array<i32>} : memref<128x128xf32, #tpu.memory_space<vmem>>, vector<16xf32>,
          %add3A_744 = arith.addf %get3A_740, %get3A_743 : vector<16xf32>
          %mul3A_745 = vector.broadcast %squeeze3A_733 : f32 to vector<16xf32>
          %mul3A_746 = arith.mulf %add3A_744, %mul3A_745 : vector<16xf32>
          %swap3A_747 = arith.index_cast %add3A_737 : i32 to index
          %swap3A_748 = arith.constant 0 : index
          %swap3A_749 = tpu.vector_load %arg14[%swap3A_747, %swap3A_748] {strides = array<i32>} : memref<128x128xf32, #tpu.memory_space<vmem>>, vector<16xf32>,
          tpu.vector_store %arg14[%swap3A_747, %swap3A_748], %mul3A_746 {strides = array<i32>} : memref<128x128xf32, #tpu.memory_space<vmem>>, vector<16xf32>,
          %get3A_750 = arith.index_cast %add3A_737 : i32 to index
          %get3A_751 = arith.constant 16 : index
          %get3A_752 = tpu.vector_load %arg14[%get3A_750, %get3A_751] {strides = array<i32>} : memref<128x128xf32, #tpu.memory_space<vmem>>, vector<16xf32>,
          %get3A_753 = arith.index_cast %add3A_737 : i32 to index
          %get3A_754 = arith.constant 16 : index
          %get3A_755 = tpu.vector_load %arg15[%get3A_753, %get3A_754] {strides = array<i32>} : memref<128x128xf32, #tpu.memory_space<vmem>>, vector<16xf32>,
          %add3A_756 = arith.addf %get3A_752, %get3A_755 : vector<16xf32>
          %mul3A_757 = vector.broadcast %squeeze3A_733 : f32 to vector<16xf32>
          %mul3A_758 = arith.mulf %add3A_756, %mul3A_757 : vector<16xf32>
          %swap3A_759 = arith.index_cast %add3A_737 : i32 to index
          %swap3A_760 = arith.constant 16 : index
          %swap3A_761 = tpu.vector_load %arg14[%swap3A_759, %swap3A_760] {strides = array<i32>} : memref<128x128xf32, #tpu.memory_space<vmem>>, vector<16xf32>,
          tpu.vector_store %arg14[%swap3A_759, %swap3A_760], %mul3A_758 {strides = array<i32>} : memref<128x128xf32, #tpu.memory_space<vmem>>, vector<16xf32>,
          %get3A_762 = arith.index_cast %add3A_737 : i32 to index
          %get3A_763 = arith.constant 32 : index
          %get3A_764 = tpu.vector_load %arg14[%get3A_762, %get3A_763] {strides = array<i32>} : memref<128x128xf32, #tpu.memory_space<vmem>>, vector<16xf32>,
          %get3A_765 = arith.index_cast %add3A_737 : i32 to index
          %get3A_766 = arith.constant 32 : index
          %get3A_767 = tpu.vector_load %arg15[%get3A_765, %get3A_766] {strides = array<i32>} : memref<128x128xf32, #tpu.memory_space<vmem>>, vector<16xf32>,
          %add3A_768 = arith.addf %get3A_764, %get3A_767 : vector<16xf32>
          %mul3A_769 = vector.broadcast %squeeze3A_733 : f32 to vector<16xf32>
          %mul3A_770 = arith.mulf %add3A_768, %mul3A_769 : vector<16xf32>
          %swap3A_771 = arith.index_cast %add3A_737 : i32 to index
          %swap3A_772 = arith.constant 32 : index
          %swap3A_773 = tpu.vector_load %arg14[%swap3A_771, %swap3A_772] {strides = array<i32>} : memref<128x128xf32, #tpu.memory_space<vmem>>, vector<16xf32>,
          tpu.vector_store %arg14[%swap3A_771, %swap3A_772], %mul3A_770 {strides = array<i32>} : memref<128x128xf32, #tpu.memory_space<vmem>>, vector<16xf32>,
          %get3A_774 = arith.index_cast %add3A_737 : i32 to index
          %get3A_775 = arith.constant 48 : index
          %get3A_776 = tpu.vector_load %arg14[%get3A_774, %get3A_775] {strides = array<i32>} : memref<128x128xf32, #tpu.memory_space<vmem>>, vector<16xf32>,
          %get3A_777 = arith.index_cast %add3A_737 : i32 to index
          %get3A_778 = arith.constant 48 : index
          %get3A_779 = tpu.vector_load %arg15[%get3A_777, %get3A_778] {strides = array<i32>} : memref<128x128xf32, #tpu.memory_space<vmem>>, vector<16xf32>,
          %add3A_780 = arith.addf %get3A_776, %get3A_779 : vector<16xf32>
          %mul3A_781 = vector.broadcast %squeeze3A_733 : f32 to vector<16xf32>
          %mul3A_782 = arith.mulf %add3A_780, %mul3A_781 : vector<16xf32>
          %swap3A_783 = arith.index_cast %add3A_737 : i32 to index
          %swap3A_784 = arith.constant 48 : index
          %swap3A_785 = tpu.vector_load %arg14[%swap3A_783, %swap3A_784] {strides = array<i32>} : memref<128x128xf32, #tpu.memory_space<vmem>>, vector<16xf32>,
          tpu.vector_store %arg14[%swap3A_783, %swap3A_784], %mul3A_782 {strides = array<i32>} : memref<128x128xf32, #tpu.memory_space<vmem>>, vector<16xf32>,
          %get3A_786 = arith.index_cast %add3A_737 : i32 to index
          %get3A_787 = arith.constant 64 : index
          %get3A_788 = tpu.vector_load %arg14[%get3A_786, %get3A_787] {strides = array<i32>} : memref<128x128xf32, #tpu.memory_space<vmem>>, vector<16xf32>,
          %get3A_789 = arith.index_cast %add3A_737 : i32 to index
          %get3A_790 = arith.constant 64 : index
          %get3A_791 = tpu.vector_load %arg15[%get3A_789, %get3A_790] {strides = array<i32>} : memref<128x128xf32, #tpu.memory_space<vmem>>, vector<16xf32>,
          %add3A_792 = arith.addf %get3A_788, %get3A_791 : vector<16xf32>
          %mul3A_793 = vector.broadcast %squeeze3A_733 : f32 to vector<16xf32>
          %mul3A_794 = arith.mulf %add3A_792, %mul3A_793 : vector<16xf32>
          %swap3A_795 = arith.index_cast %add3A_737 : i32 to index
          %swap3A_796 = arith.constant 64 : index
          %swap3A_797 = tpu.vector_load %arg14[%swap3A_795, %swap3A_796] {strides = array<i32>} : memref<128x128xf32, #tpu.memory_space<vmem>>, vector<16xf32>,
          tpu.vector_store %arg14[%swap3A_795, %swap3A_796], %mul3A_794 {strides = array<i32>} : memref<128x128xf32, #tpu.memory_space<vmem>>, vector<16xf32>,
          %get3A_798 = arith.index_cast %add3A_737 : i32 to index
          %get3A_799 = arith.constant 80 : index
          %get3A_800 = tpu.vector_load %arg14[%get3A_798, %get3A_799] {strides = array<i32>} : memref<128x128xf32, #tpu.memory_space<vmem>>, vector<16xf32>,
          %get3A_801 = arith.index_cast %add3A_737 : i32 to index
          %get3A_802 = arith.constant 80 : index
          %get3A_803 = tpu.vector_load %arg15[%get3A_801, %get3A_802] {strides = array<i32>} : memref<128x128xf32, #tpu.memory_space<vmem>>, vector<16xf32>,
          %add3A_804 = arith.addf %get3A_800, %get3A_803 : vector<16xf32>
          %mul3A_805 = vector.broadcast %squeeze3A_733 : f32 to vector<16xf32>
          %mul3A_806 = arith.mulf %add3A_804, %mul3A_805 : vector<16xf32>
          %swap3A_807 = arith.index_cast %add3A_737 : i32 to index
          %swap3A_808 = arith.constant 80 : index
          %swap3A_809 = tpu.vector_load %arg14[%swap3A_807, %swap3A_808] {strides = array<i32>} : memref<128x128xf32, #tpu.memory_space<vmem>>, vector<16xf32>,
          tpu.vector_store %arg14[%swap3A_807, %swap3A_808], %mul3A_806 {strides = array<i32>} : memref<128x128xf32, #tpu.memory_space<vmem>>, vector<16xf32>,
          %get3A_810 = arith.index_cast %add3A_737 : i32 to index
          %get3A_811 = arith.constant 96 : index
          %get3A_812 = tpu.vector_load %arg14[%get3A_810, %get3A_811] {strides = array<i32>} : memref<128x128xf32, #tpu.memory_space<vmem>>, vector<16xf32>,
          %get3A_813 = arith.index_cast %add3A_737 : i32 to index
          %get3A_814 = arith.constant 96 : index
          %get3A_815 = tpu.vector_load %arg15[%get3A_813, %get3A_814] {strides = array<i32>} : memref<128x128xf32, #tpu.memory_space<vmem>>, vector<16xf32>,
          %add3A_816 = arith.addf %get3A_812, %get3A_815 : vector<16xf32>
          %mul3A_817 = vector.broadcast %squeeze3A_733 : f32 to vector<16xf32>
          %mul3A_818 = arith.mulf %add3A_816, %mul3A_817 : vector<16xf32>
          %swap3A_819 = arith.index_cast %add3A_737 : i32 to index
          %swap3A_820 = arith.constant 96 : index
          %swap3A_821 = tpu.vector_load %arg14[%swap3A_819, %swap3A_820] {strides = array<i32>} : memref<128x128xf32, #tpu.memory_space<vmem>>, vector<16xf32>,
          tpu.vector_store %arg14[%swap3A_819, %swap3A_820], %mul3A_818 {strides = array<i32>} : memref<128x128xf32, #tpu.memory_space<vmem>>, vector<16xf32>,
          %get3A_822 = arith.index_cast %add3A_737 : i32 to index
          %get3A_823 = arith.constant 112 : index
          %get3A_824 = tpu.vector_load %arg14[%get3A_822, %get3A_823] {strides = array<i32>} : memref<128x128xf32, #tpu.memory_space<vmem>>, vector<16xf32>,
          %get3A_825 = arith.index_cast %add3A_737 : i32 to index
          %get3A_826 = arith.constant 112 : index
          %get3A_827 = tpu.vector_load %arg15[%get3A_825, %get3A_826] {strides = array<i32>} : memref<128x128xf32, #tpu.memory_space<vmem>>, vector<16xf32>,
          %add3A_828 = arith.addf %get3A_824, %get3A_827 : vector<16xf32>
          %mul3A_829 = vector.broadcast %squeeze3A_733 : f32 to vector<16xf32>
          %mul3A_830 = arith.mulf %add3A_828, %mul3A_829 : vector<16xf32>
          %swap3A_831 = arith.index_cast %add3A_737 : i32 to index
          %swap3A_832 = arith.constant 112 : index
          %swap3A_833 = tpu.vector_load %arg14[%swap3A_831, %swap3A_832] {strides = array<i32>} : memref<128x128xf32, #tpu.memory_space<vmem>>, vector<16xf32>,
          tpu.vector_store %arg14[%swap3A_831, %swap3A_832], %mul3A_830 {strides = array<i32>} : memref<128x128xf32, #tpu.memory_space<vmem>>, vector<16xf32>,
          %slice3A_834 = vector.extract_strided_slice %get3A_122 {offsets = [7], sizes = [1], strides = [1]} : vector<16xf32> to vector<1xf32>
          %squeeze3A_835 = vector.extract %slice3A_834[0] : f32 from vector<1xf32>
          %mul3A_836 = arith.constant 16 : i32
          %mul3A_837 = arith.muli %scan3A_118, %mul3A_836 : i32
          %add3A_838 = arith.constant 7 : i32
          %add3A_839 = arith.addi %mul3A_837, %add3A_838 : i32
          %get3A_840 = arith.index_cast %add3A_839 : i32 to index
          %get3A_841 = arith.constant 0 : index
          %get3A_842 = tpu.vector_load %arg14[%get3A_840, %get3A_841] {strides = array<i32>} : memref<128x128xf32, #tpu.memory_space<vmem>>, vector<16xf32>,
          %get3A_843 = arith.index_cast %add3A_839 : i32 to index
          %get3A_844 = arith.constant 0 : index
          %get3A_845 = tpu.vector_load %arg15[%get3A_843, %get3A_844] {strides = array<i32>} : memref<128x128xf32, #tpu.memory_space<vmem>>, vector<16xf32>,
          %add3A_846 = arith.addf %get3A_842, %get3A_845 : vector<16xf32>
          %mul3A_847 = vector.broadcast %squeeze3A_835 : f32 to vector<16xf32>
          %mul3A_848 = arith.mulf %add3A_846, %mul3A_847 : vector<16xf32>
          %swap3A_849 = arith.index_cast %add3A_839 : i32 to index
          %swap3A_850 = arith.constant 0 : index
          %swap3A_851 = tpu.vector_load %arg14[%swap3A_849, %swap3A_850] {strides = array<i32>} : memref<128x128xf32, #tpu.memory_space<vmem>>, vector<16xf32>,
          tpu.vector_store %arg14[%swap3A_849, %swap3A_850], %mul3A_848 {strides = array<i32>} : memref<128x128xf32, #tpu.memory_space<vmem>>, vector<16xf32>,
          %get3A_852 = arith.index_cast %add3A_839 : i32 to index
          %get3A_853 = arith.constant 16 : index
          %get3A_854 = tpu.vector_load %arg14[%get3A_852, %get3A_853] {strides = array<i32>} : memref<128x128xf32, #tpu.memory_space<vmem>>, vector<16xf32>,
          %get3A_855 = arith.index_cast %add3A_839 : i32 to index
          %get3A_856 = arith.constant 16 : index
          %get3A_857 = tpu.vector_load %arg15[%get3A_855, %get3A_856] {strides = array<i32>} : memref<128x128xf32, #tpu.memory_space<vmem>>, vector<16xf32>,
          %add3A_858 = arith.addf %get3A_854, %get3A_857 : vector<16xf32>
          %mul3A_859 = vector.broadcast %squeeze3A_835 : f32 to vector<16xf32>
          %mul3A_860 = arith.mulf %add3A_858, %mul3A_859 : vector<16xf32>
          %swap3A_861 = arith.index_cast %add3A_839 : i32 to index
          %swap3A_862 = arith.constant 16 : index
          %swap3A_863 = tpu.vector_load %arg14[%swap3A_861, %swap3A_862] {strides = array<i32>} : memref<128x128xf32, #tpu.memory_space<vmem>>, vector<16xf32>,
          tpu.vector_store %arg14[%swap3A_861, %swap3A_862], %mul3A_860 {strides = array<i32>} : memref<128x128xf32, #tpu.memory_space<vmem>>, vector<16xf32>,
          %get3A_864 = arith.index_cast %add3A_839 : i32 to index
          %get3A_865 = arith.constant 32 : index
          %get3A_866 = tpu.vector_load %arg14[%get3A_864, %get3A_865] {strides = array<i32>} : memref<128x128xf32, #tpu.memory_space<vmem>>, vector<16xf32>,
          %get3A_867 = arith.index_cast %add3A_839 : i32 to index
          %get3A_868 = arith.constant 32 : index
          %get3A_869 = tpu.vector_load %arg15[%get3A_867, %get3A_868] {strides = array<i32>} : memref<128x128xf32, #tpu.memory_space<vmem>>, vector<16xf32>,
          %add3A_870 = arith.addf %get3A_866, %get3A_869 : vector<16xf32>
          %mul3A_871 = vector.broadcast %squeeze3A_835 : f32 to vector<16xf32>
          %mul3A_872 = arith.mulf %add3A_870, %mul3A_871 : vector<16xf32>
          %swap3A_873 = arith.index_cast %add3A_839 : i32 to index
          %swap3A_874 = arith.constant 32 : index
          %swap3A_875 = tpu.vector_load %arg14[%swap3A_873, %swap3A_874] {strides = array<i32>} : memref<128x128xf32, #tpu.memory_space<vmem>>, vector<16xf32>,
          tpu.vector_store %arg14[%swap3A_873, %swap3A_874], %mul3A_872 {strides = array<i32>} : memref<128x128xf32, #tpu.memory_space<vmem>>, vector<16xf32>,
          %get3A_876 = arith.index_cast %add3A_839 : i32 to index
          %get3A_877 = arith.constant 48 : index
          %get3A_878 = tpu.vector_load %arg14[%get3A_876, %get3A_877] {strides = array<i32>} : memref<128x128xf32, #tpu.memory_space<vmem>>, vector<16xf32>,
          %get3A_879 = arith.index_cast %add3A_839 : i32 to index
          %get3A_880 = arith.constant 48 : index
          %get3A_881 = tpu.vector_load %arg15[%get3A_879, %get3A_880] {strides = array<i32>} : memref<128x128xf32, #tpu.memory_space<vmem>>, vector<16xf32>,
          %add3A_882 = arith.addf %get3A_878, %get3A_881 : vector<16xf32>
          %mul3A_883 = vector.broadcast %squeeze3A_835 : f32 to vector<16xf32>
          %mul3A_884 = arith.mulf %add3A_882, %mul3A_883 : vector<16xf32>
          %swap3A_885 = arith.index_cast %add3A_839 : i32 to index
          %swap3A_886 = arith.constant 48 : index
          %swap3A_887 = tpu.vector_load %arg14[%swap3A_885, %swap3A_886] {strides = array<i32>} : memref<128x128xf32, #tpu.memory_space<vmem>>, vector<16xf32>,
          tpu.vector_store %arg14[%swap3A_885, %swap3A_886], %mul3A_884 {strides = array<i32>} : memref<128x128xf32, #tpu.memory_space<vmem>>, vector<16xf32>,
          %get3A_888 = arith.index_cast %add3A_839 : i32 to index
          %get3A_889 = arith.constant 64 : index
          %get3A_890 = tpu.vector_load %arg14[%get3A_888, %get3A_889] {strides = array<i32>} : memref<128x128xf32, #tpu.memory_space<vmem>>, vector<16xf32>,
          %get3A_891 = arith.index_cast %add3A_839 : i32 to index
          %get3A_892 = arith.constant 64 : index
          %get3A_893 = tpu.vector_load %arg15[%get3A_891, %get3A_892] {strides = array<i32>} : memref<128x128xf32, #tpu.memory_space<vmem>>, vector<16xf32>,
          %add3A_894 = arith.addf %get3A_890, %get3A_893 : vector<16xf32>
          %mul3A_895 = vector.broadcast %squeeze3A_835 : f32 to vector<16xf32>
          %mul3A_896 = arith.mulf %add3A_894, %mul3A_895 : vector<16xf32>
          %swap3A_897 = arith.index_cast %add3A_839 : i32 to index
          %swap3A_898 = arith.constant 64 : index
          %swap3A_899 = tpu.vector_load %arg14[%swap3A_897, %swap3A_898] {strides = array<i32>} : memref<128x128xf32, #tpu.memory_space<vmem>>, vector<16xf32>,
          tpu.vector_store %arg14[%swap3A_897, %swap3A_898], %mul3A_896 {strides = array<i32>} : memref<128x128xf32, #tpu.memory_space<vmem>>, vector<16xf32>,
          %get3A_900 = arith.index_cast %add3A_839 : i32 to index
          %get3A_901 = arith.constant 80 : index
          %get3A_902 = tpu.vector_load %arg14[%get3A_900, %get3A_901] {strides = array<i32>} : memref<128x128xf32, #tpu.memory_space<vmem>>, vector<16xf32>,
          %get3A_903 = arith.index_cast %add3A_839 : i32 to index
          %get3A_904 = arith.constant 80 : index
          %get3A_905 = tpu.vector_load %arg15[%get3A_903, %get3A_904] {strides = array<i32>} : memref<128x128xf32, #tpu.memory_space<vmem>>, vector<16xf32>,
          %add3A_906 = arith.addf %get3A_902, %get3A_905 : vector<16xf32>
          %mul3A_907 = vector.broadcast %squeeze3A_835 : f32 to vector<16xf32>
          %mul3A_908 = arith.mulf %add3A_906, %mul3A_907 : vector<16xf32>
          %swap3A_909 = arith.index_cast %add3A_839 : i32 to index
          %swap3A_910 = arith.constant 80 : index
          %swap3A_911 = tpu.vector_load %arg14[%swap3A_909, %swap3A_910] {strides = array<i32>} : memref<128x128xf32, #tpu.memory_space<vmem>>, vector<16xf32>,
          tpu.vector_store %arg14[%swap3A_909, %swap3A_910], %mul3A_908 {strides = array<i32>} : memref<128x128xf32, #tpu.memory_space<vmem>>, vector<16xf32>,
          %get3A_912 = arith.index_cast %add3A_839 : i32 to index
          %get3A_913 = arith.constant 96 : index
          %get3A_914 = tpu.vector_load %arg14[%get3A_912, %get3A_913] {strides = array<i32>} : memref<128x128xf32, #tpu.memory_space<vmem>>, vector<16xf32>,
          %get3A_915 = arith.index_cast %add3A_839 : i32 to index
          %get3A_916 = arith.constant 96 : index
          %get3A_917 = tpu.vector_load %arg15[%get3A_915, %get3A_916] {strides = array<i32>} : memref<128x128xf32, #tpu.memory_space<vmem>>, vector<16xf32>,
          %add3A_918 = arith.addf %get3A_914, %get3A_917 : vector<16xf32>
          %mul3A_919 = vector.broadcast %squeeze3A_835 : f32 to vector<16xf32>
          %mul3A_920 = arith.mulf %add3A_918, %mul3A_919 : vector<16xf32>
          %swap3A_921 = arith.index_cast %add3A_839 : i32 to index
          %swap3A_922 = arith.constant 96 : index
          %swap3A_923 = tpu.vector_load %arg14[%swap3A_921, %swap3A_922] {strides = array<i32>} : memref<128x128xf32, #tpu.memory_space<vmem>>, vector<16xf32>,
          tpu.vector_store %arg14[%swap3A_921, %swap3A_922], %mul3A_920 {strides = array<i32>} : memref<128x128xf32, #tpu.memory_space<vmem>>, vector<16xf32>,
          %get3A_924 = arith.index_cast %add3A_839 : i32 to index
          %get3A_925 = arith.constant 112 : index
          %get3A_926 = tpu.vector_load %arg14[%get3A_924, %get3A_925] {strides = array<i32>} : memref<128x128xf32, #tpu.memory_space<vmem>>, vector<16xf32>,
          %get3A_927 = arith.index_cast %add3A_839 : i32 to index
          %get3A_928 = arith.constant 112 : index
          %get3A_929 = tpu.vector_load %arg15[%get3A_927, %get3A_928] {strides = array<i32>} : memref<128x128xf32, #tpu.memory_space<vmem>>, vector<16xf32>,
          %add3A_930 = arith.addf %get3A_926, %get3A_929 : vector<16xf32>
          %mul3A_931 = vector.broadcast %squeeze3A_835 : f32 to vector<16xf32>
          %mul3A_932 = arith.mulf %add3A_930, %mul3A_931 : vector<16xf32>
          %swap3A_933 = arith.index_cast %add3A_839 : i32 to index
          %swap3A_934 = arith.constant 112 : index
          %swap3A_935 = tpu.vector_load %arg14[%swap3A_933, %swap3A_934] {strides = array<i32>} : memref<128x128xf32, #tpu.memory_space<vmem>>, vector<16xf32>,
          tpu.vector_store %arg14[%swap3A_933, %swap3A_934], %mul3A_932 {strides = array<i32>} : memref<128x128xf32, #tpu.memory_space<vmem>>, vector<16xf32>,
          %slice3A_936 = vector.extract_strided_slice %get3A_122 {offsets = [8], sizes = [1], strides = [1]} : vector<16xf32> to vector<1xf32>
          %squeeze3A_937 = vector.extract %slice3A_936[0] : f32 from vector<1xf32>
          %mul3A_938 = arith.constant 16 : i32
          %mul3A_939 = arith.muli %scan3A_118, %mul3A_938 : i32
          %add3A_940 = arith.constant 8 : i32
          %add3A_941 = arith.addi %mul3A_939, %add3A_940 : i32
          %get3A_942 = arith.index_cast %add3A_941 : i32 to index
          %get3A_943 = arith.constant 0 : index
          %get3A_944 = tpu.vector_load %arg14[%get3A_942, %get3A_943] {strides = array<i32>} : memref<128x128xf32, #tpu.memory_space<vmem>>, vector<16xf32>,
          %get3A_945 = arith.index_cast %add3A_941 : i32 to index
          %get3A_946 = arith.constant 0 : index
          %get3A_947 = tpu.vector_load %arg15[%get3A_945, %get3A_946] {strides = array<i32>} : memref<128x128xf32, #tpu.memory_space<vmem>>, vector<16xf32>,
          %add3A_948 = arith.addf %get3A_944, %get3A_947 : vector<16xf32>
          %mul3A_949 = vector.broadcast %squeeze3A_937 : f32 to vector<16xf32>
          %mul3A_950 = arith.mulf %add3A_948, %mul3A_949 : vector<16xf32>
          %swap3A_951 = arith.index_cast %add3A_941 : i32 to index
          %swap3A_952 = arith.constant 0 : index
          %swap3A_953 = tpu.vector_load %arg14[%swap3A_951, %swap3A_952] {strides = array<i32>} : memref<128x128xf32, #tpu.memory_space<vmem>>, vector<16xf32>,
          tpu.vector_store %arg14[%swap3A_951, %swap3A_952], %mul3A_950 {strides = array<i32>} : memref<128x128xf32, #tpu.memory_space<vmem>>, vector<16xf32>,
          %get3A_954 = arith.index_cast %add3A_941 : i32 to index
          %get3A_955 = arith.constant 16 : index
          %get3A_956 = tpu.vector_load %arg14[%get3A_954, %get3A_955] {strides = array<i32>} : memref<128x128xf32, #tpu.memory_space<vmem>>, vector<16xf32>,
          %get3A_957 = arith.index_cast %add3A_941 : i32 to index
          %get3A_958 = arith.constant 16 : index
          %get3A_959 = tpu.vector_load %arg15[%get3A_957, %get3A_958] {strides = array<i32>} : memref<128x128xf32, #tpu.memory_space<vmem>>, vector<16xf32>,
          %add3A_960 = arith.addf %get3A_956, %get3A_959 : vector<16xf32>
          %mul3A_961 = vector.broadcast %squeeze3A_937 : f32 to vector<16xf32>
          %mul3A_962 = arith.mulf %add3A_960, %mul3A_961 : vector<16xf32>
          %swap3A_963 = arith.index_cast %add3A_941 : i32 to index
          %swap3A_964 = arith.constant 16 : index
          %swap3A_965 = tpu.vector_load %arg14[%swap3A_963, %swap3A_964] {strides = array<i32>} : memref<128x128xf32, #tpu.memory_space<vmem>>, vector<16xf32>,
          tpu.vector_store %arg14[%swap3A_963, %swap3A_964], %mul3A_962 {strides = array<i32>} : memref<128x128xf32, #tpu.memory_space<vmem>>, vector<16xf32>,
          %get3A_966 = arith.index_cast %add3A_941 : i32 to index
          %get3A_967 = arith.constant 32 : index
          %get3A_968 = tpu.vector_load %arg14[%get3A_966, %get3A_967] {strides = array<i32>} : memref<128x128xf32, #tpu.memory_space<vmem>>, vector<16xf32>,
          %get3A_969 = arith.index_cast %add3A_941 : i32 to index
          %get3A_970 = arith.constant 32 : index
          %get3A_971 = tpu.vector_load %arg15[%get3A_969, %get3A_970] {strides = array<i32>} : memref<128x128xf32, #tpu.memory_space<vmem>>, vector<16xf32>,
          %add3A_972 = arith.addf %get3A_968, %get3A_971 : vector<16xf32>
          %mul3A_973 = vector.broadcast %squeeze3A_937 : f32 to vector<16xf32>
          %mul3A_974 = arith.mulf %add3A_972, %mul3A_973 : vector<16xf32>
          %swap3A_975 = arith.index_cast %add3A_941 : i32 to index
          %swap3A_976 = arith.constant 32 : index
          %swap3A_977 = tpu.vector_load %arg14[%swap3A_975, %swap3A_976] {strides = array<i32>} : memref<128x128xf32, #tpu.memory_space<vmem>>, vector<16xf32>,
          tpu.vector_store %arg14[%swap3A_975, %swap3A_976], %mul3A_974 {strides = array<i32>} : memref<128x128xf32, #tpu.memory_space<vmem>>, vector<16xf32>,
          %get3A_978 = arith.index_cast %add3A_941 : i32 to index
          %get3A_979 = arith.constant 48 : index
          %get3A_980 = tpu.vector_load %arg14[%get3A_978, %get3A_979] {strides = array<i32>} : memref<128x128xf32, #tpu.memory_space<vmem>>, vector<16xf32>,
          %get3A_981 = arith.index_cast %add3A_941 : i32 to index
          %get3A_982 = arith.constant 48 : index
          %get3A_983 = tpu.vector_load %arg15[%get3A_981, %get3A_982] {strides = array<i32>} : memref<128x128xf32, #tpu.memory_space<vmem>>, vector<16xf32>,
          %add3A_984 = arith.addf %get3A_980, %get3A_983 : vector<16xf32>
          %mul3A_985 = vector.broadcast %squeeze3A_937 : f32 to vector<16xf32>
          %mul3A_986 = arith.mulf %add3A_984, %mul3A_985 : vector<16xf32>
          %swap3A_987 = arith.index_cast %add3A_941 : i32 to index
          %swap3A_988 = arith.constant 48 : index
          %swap3A_989 = tpu.vector_load %arg14[%swap3A_987, %swap3A_988] {strides = array<i32>} : memref<128x128xf32, #tpu.memory_space<vmem>>, vector<16xf32>,
          tpu.vector_store %arg14[%swap3A_987, %swap3A_988], %mul3A_986 {strides = array<i32>} : memref<128x128xf32, #tpu.memory_space<vmem>>, vector<16xf32>,
          %get3A_990 = arith.index_cast %add3A_941 : i32 to index
          %get3A_991 = arith.constant 64 : index
          %get3A_992 = tpu.vector_load %arg14[%get3A_990, %get3A_991] {strides = array<i32>} : memref<128x128xf32, #tpu.memory_space<vmem>>, vector<16xf32>,
          %get3A_993 = arith.index_cast %add3A_941 : i32 to index
          %get3A_994 = arith.constant 64 : index
          %get3A_995 = tpu.vector_load %arg15[%get3A_993, %get3A_994] {strides = array<i32>} : memref<128x128xf32, #tpu.memory_space<vmem>>, vector<16xf32>,
          %add3A_996 = arith.addf %get3A_992, %get3A_995 : vector<16xf32>
          %mul3A_997 = vector.broadcast %squeeze3A_937 : f32 to vector<16xf32>
          %mul3A_998 = arith.mulf %add3A_996, %mul3A_997 : vector<16xf32>
          %swap3A_999 = arith.index_cast %add3A_941 : i32 to index
          %swap3A_1000 = arith.constant 64 : index
          %swap3A_1001 = tpu.vector_load %arg14[%swap3A_999, %swap3A_1000] {strides = array<i32>} : memref<128x128xf32, #tpu.memory_space<vmem>>, vector<16xf32>,
          tpu.vector_store %arg14[%swap3A_999, %swap3A_1000], %mul3A_998 {strides = array<i32>} : memref<128x128xf32, #tpu.memory_space<vmem>>, vector<16xf32>,
          %get3A_1002 = arith.index_cast %add3A_941 : i32 to index
          %get3A_1003 = arith.constant 80 : index
          %get3A_1004 = tpu.vector_load %arg14[%get3A_1002, %get3A_1003] {strides = array<i32>} : memref<128x128xf32, #tpu.memory_space<vmem>>, vector<16xf32>,
          %get3A_1005 = arith.index_cast %add3A_941 : i32 to index
          %get3A_1006 = arith.constant 80 : index
          %get3A_1007 = tpu.vector_load %arg15[%get3A_1005, %get3A_1006] {strides = array<i32>} : memref<128x128xf32, #tpu.memory_space<vmem>>, vector<16xf32>,
          %add3A_1008 = arith.addf %get3A_1004, %get3A_1007 : vector<16xf32>
          %mul3A_1009 = vector.broadcast %squeeze3A_937 : f32 to vector<16xf32>
          %mul3A_1010 = arith.mulf %add3A_1008, %mul3A_1009 : vector<16xf32>
          %swap3A_1011 = arith.index_cast %add3A_941 : i32 to index
          %swap3A_1012 = arith.constant 80 : index
          %swap3A_1013 = tpu.vector_load %arg14[%swap3A_1011, %swap3A_1012] {strides = array<i32>} : memref<128x128xf32, #tpu.memory_space<vmem>>, vector<16xf32>,
          tpu.vector_store %arg14[%swap3A_1011, %swap3A_1012], %mul3A_1010 {strides = array<i32>} : memref<128x128xf32, #tpu.memory_space<vmem>>, vector<16xf32>,
          %get3A_1014 = arith.index_cast %add3A_941 : i32 to index
          %get3A_1015 = arith.constant 96 : index
          %get3A_1016 = tpu.vector_load %arg14[%get3A_1014, %get3A_1015] {strides = array<i32>} : memref<128x128xf32, #tpu.memory_space<vmem>>, vector<16xf32>,
          %get3A_1017 = arith.index_cast %add3A_941 : i32 to index
          %get3A_1018 = arith.constant 96 : index
          %get3A_1019 = tpu.vector_load %arg15[%get3A_1017, %get3A_1018] {strides = array<i32>} : memref<128x128xf32, #tpu.memory_space<vmem>>, vector<16xf32>,
          %add3A_1020 = arith.addf %get3A_1016, %get3A_1019 : vector<16xf32>
          %mul3A_1021 = vector.broadcast %squeeze3A_937 : f32 to vector<16xf32>
          %mul3A_1022 = arith.mulf %add3A_1020, %mul3A_1021 : vector<16xf32>
          %swap3A_1023 = arith.index_cast %add3A_941 : i32 to index
          %swap3A_1024 = arith.constant 96 : index
          %swap3A_1025 = tpu.vector_load %arg14[%swap3A_1023, %swap3A_1024] {strides = array<i32>} : memref<128x128xf32, #tpu.memory_space<vmem>>, vector<16xf32>,
          tpu.vector_store %arg14[%swap3A_1023, %swap3A_1024], %mul3A_1022 {strides = array<i32>} : memref<128x128xf32, #tpu.memory_space<vmem>>, vector<16xf32>,
          %get3A_1026 = arith.index_cast %add3A_941 : i32 to index
          %get3A_1027 = arith.constant 112 : index
          %get3A_1028 = tpu.vector_load %arg14[%get3A_1026, %get3A_1027] {strides = array<i32>} : memref<128x128xf32, #tpu.memory_space<vmem>>, vector<16xf32>,
          %get3A_1029 = arith.index_cast %add3A_941 : i32 to index
          %get3A_1030 = arith.constant 112 : index
          %get3A_1031 = tpu.vector_load %arg15[%get3A_1029, %get3A_1030] {strides = array<i32>} : memref<128x128xf32, #tpu.memory_space<vmem>>, vector<16xf32>,
          %add3A_1032 = arith.addf %get3A_1028, %get3A_1031 : vector<16xf32>
          %mul3A_1033 = vector.broadcast %squeeze3A_937 : f32 to vector<16xf32>
          %mul3A_1034 = arith.mulf %add3A_1032, %mul3A_1033 : vector<16xf32>
          %swap3A_1035 = arith.index_cast %add3A_941 : i32 to index
          %swap3A_1036 = arith.constant 112 : index
          %swap3A_1037 = tpu.vector_load %arg14[%swap3A_1035, %swap3A_1036] {strides = array<i32>} : memref<128x128xf32, #tpu.memory_space<vmem>>, vector<16xf32>,
          tpu.vector_store %arg14[%swap3A_1035, %swap3A_1036], %mul3A_1034 {strides = array<i32>} : memref<128x128xf32, #tpu.memory_space<vmem>>, vector<16xf32>,
          %slice3A_1038 = vector.extract_strided_slice %get3A_122 {offsets = [9], sizes = [1], strides = [1]} : vector<16xf32> to vector<1xf32>
          %squeeze3A_1039 = vector.extract %slice3A_1038[0] : f32 from vector<1xf32>
          %mul3A_1040 = arith.constant 16 : i32
          %mul3A_1041 = arith.muli %scan3A_118, %mul3A_1040 : i32
          %add3A_1042 = arith.constant 9 : i32
          %add3A_1043 = arith.addi %mul3A_1041, %add3A_1042 : i32
          %get3A_1044 = arith.index_cast %add3A_1043 : i32 to index
          %get3A_1045 = arith.constant 0 : index
          %get3A_1046 = tpu.vector_load %arg14[%get3A_1044, %get3A_1045] {strides = array<i32>} : memref<128x128xf32, #tpu.memory_space<vmem>>, vector<16xf32>,
          %get3A_1047 = arith.index_cast %add3A_1043 : i32 to index
          %get3A_1048 = arith.constant 0 : index
          %get3A_1049 = tpu.vector_load %arg15[%get3A_1047, %get3A_1048] {strides = array<i32>} : memref<128x128xf32, #tpu.memory_space<vmem>>, vector<16xf32>,
          %add3A_1050 = arith.addf %get3A_1046, %get3A_1049 : vector<16xf32>
          %mul3A_1051 = vector.broadcast %squeeze3A_1039 : f32 to vector<16xf32>
          %mul3A_1052 = arith.mulf %add3A_1050, %mul3A_1051 : vector<16xf32>
          %swap3A_1053 = arith.index_cast %add3A_1043 : i32 to index
          %swap3A_1054 = arith.constant 0 : index
          %swap3A_1055 = tpu.vector_load %arg14[%swap3A_1053, %swap3A_1054] {strides = array<i32>} : memref<128x128xf32, #tpu.memory_space<vmem>>, vector<16xf32>,
          tpu.vector_store %arg14[%swap3A_1053, %swap3A_1054], %mul3A_1052 {strides = array<i32>} : memref<128x128xf32, #tpu.memory_space<vmem>>, vector<16xf32>,
          %get3A_1056 = arith.index_cast %add3A_1043 : i32 to index
          %get3A_1057 = arith.constant 16 : index
          %get3A_1058 = tpu.vector_load %arg14[%get3A_1056, %get3A_1057] {strides = array<i32>} : memref<128x128xf32, #tpu.memory_space<vmem>>, vector<16xf32>,
          %get3A_1059 = arith.index_cast %add3A_1043 : i32 to index
          %get3A_1060 = arith.constant 16 : index
          %get3A_1061 = tpu.vector_load %arg15[%get3A_1059, %get3A_1060] {strides = array<i32>} : memref<128x128xf32, #tpu.memory_space<vmem>>, vector<16xf32>,
          %add3A_1062 = arith.addf %get3A_1058, %get3A_1061 : vector<16xf32>
          %mul3A_1063 = vector.broadcast %squeeze3A_1039 : f32 to vector<16xf32>
          %mul3A_1064 = arith.mulf %add3A_1062, %mul3A_1063 : vector<16xf32>
          %swap3A_1065 = arith.index_cast %add3A_1043 : i32 to index
          %swap3A_1066 = arith.constant 16 : index
          %swap3A_1067 = tpu.vector_load %arg14[%swap3A_1065, %swap3A_1066] {strides = array<i32>} : memref<128x128xf32, #tpu.memory_space<vmem>>, vector<16xf32>,
          tpu.vector_store %arg14[%swap3A_1065, %swap3A_1066], %mul3A_1064 {strides = array<i32>} : memref<128x128xf32, #tpu.memory_space<vmem>>, vector<16xf32>,
          %get3A_1068 = arith.index_cast %add3A_1043 : i32 to index
          %get3A_1069 = arith.constant 32 : index
          %get3A_1070 = tpu.vector_load %arg14[%get3A_1068, %get3A_1069] {strides = array<i32>} : memref<128x128xf32, #tpu.memory_space<vmem>>, vector<16xf32>,
          %get3A_1071 = arith.index_cast %add3A_1043 : i32 to index
          %get3A_1072 = arith.constant 32 : index
          %get3A_1073 = tpu.vector_load %arg15[%get3A_1071, %get3A_1072] {strides = array<i32>} : memref<128x128xf32, #tpu.memory_space<vmem>>, vector<16xf32>,
          %add3A_1074 = arith.addf %get3A_1070, %get3A_1073 : vector<16xf32>
          %mul3A_1075 = vector.broadcast %squeeze3A_1039 : f32 to vector<16xf32>
          %mul3A_1076 = arith.mulf %add3A_1074, %mul3A_1075 : vector<16xf32>
          %swap3A_1077 = arith.index_cast %add3A_1043 : i32 to index
          %swap3A_1078 = arith.constant 32 : index
          %swap3A_1079 = tpu.vector_load %arg14[%swap3A_1077, %swap3A_1078] {strides = array<i32>} : memref<128x128xf32, #tpu.memory_space<vmem>>, vector<16xf32>,
          tpu.vector_store %arg14[%swap3A_1077, %swap3A_1078], %mul3A_1076 {strides = array<i32>} : memref<128x128xf32, #tpu.memory_space<vmem>>, vector<16xf32>,
          %get3A_1080 = arith.index_cast %add3A_1043 : i32 to index
          %get3A_1081 = arith.constant 48 : index
          %get3A_1082 = tpu.vector_load %arg14[%get3A_1080, %get3A_1081] {strides = array<i32>} : memref<128x128xf32, #tpu.memory_space<vmem>>, vector<16xf32>,
          %get3A_1083 = arith.index_cast %add3A_1043 : i32 to index
          %get3A_1084 = arith.constant 48 : index
          %get3A_1085 = tpu.vector_load %arg15[%get3A_1083, %get3A_1084] {strides = array<i32>} : memref<128x128xf32, #tpu.memory_space<vmem>>, vector<16xf32>,
          %add3A_1086 = arith.addf %get3A_1082, %get3A_1085 : vector<16xf32>
          %mul3A_1087 = vector.broadcast %squeeze3A_1039 : f32 to vector<16xf32>
          %mul3A_1088 = arith.mulf %add3A_1086, %mul3A_1087 : vector<16xf32>
          %swap3A_1089 = arith.index_cast %add3A_1043 : i32 to index
          %swap3A_1090 = arith.constant 48 : index
          %swap3A_1091 = tpu.vector_load %arg14[%swap3A_1089, %swap3A_1090] {strides = array<i32>} : memref<128x128xf32, #tpu.memory_space<vmem>>, vector<16xf32>,
          tpu.vector_store %arg14[%swap3A_1089, %swap3A_1090], %mul3A_1088 {strides = array<i32>} : memref<128x128xf32, #tpu.memory_space<vmem>>, vector<16xf32>,
          %get3A_1092 = arith.index_cast %add3A_1043 : i32 to index
          %get3A_1093 = arith.constant 64 : index
          %get3A_1094 = tpu.vector_load %arg14[%get3A_1092, %get3A_1093] {strides = array<i32>} : memref<128x128xf32, #tpu.memory_space<vmem>>, vector<16xf32>,
          %get3A_1095 = arith.index_cast %add3A_1043 : i32 to index
          %get3A_1096 = arith.constant 64 : index
          %get3A_1097 = tpu.vector_load %arg15[%get3A_1095, %get3A_1096] {strides = array<i32>} : memref<128x128xf32, #tpu.memory_space<vmem>>, vector<16xf32>,
          %add3A_1098 = arith.addf %get3A_1094, %get3A_1097 : vector<16xf32>
          %mul3A_1099 = vector.broadcast %squeeze3A_1039 : f32 to vector<16xf32>
          %mul3A_1100 = arith.mulf %add3A_1098, %mul3A_1099 : vector<16xf32>
          %swap3A_1101 = arith.index_cast %add3A_1043 : i32 to index
          %swap3A_1102 = arith.constant 64 : index
          %swap3A_1103 = tpu.vector_load %arg14[%swap3A_1101, %swap3A_1102] {strides = array<i32>} : memref<128x128xf32, #tpu.memory_space<vmem>>, vector<16xf32>,
          tpu.vector_store %arg14[%swap3A_1101, %swap3A_1102], %mul3A_1100 {strides = array<i32>} : memref<128x128xf32, #tpu.memory_space<vmem>>, vector<16xf32>,
          %get3A_1104 = arith.index_cast %add3A_1043 : i32 to index
          %get3A_1105 = arith.constant 80 : index
          %get3A_1106 = tpu.vector_load %arg14[%get3A_1104, %get3A_1105] {strides = array<i32>} : memref<128x128xf32, #tpu.memory_space<vmem>>, vector<16xf32>,
          %get3A_1107 = arith.index_cast %add3A_1043 : i32 to index
          %get3A_1108 = arith.constant 80 : index
          %get3A_1109 = tpu.vector_load %arg15[%get3A_1107, %get3A_1108] {strides = array<i32>} : memref<128x128xf32, #tpu.memory_space<vmem>>, vector<16xf32>,
          %add3A_1110 = arith.addf %get3A_1106, %get3A_1109 : vector<16xf32>
          %mul3A_1111 = vector.broadcast %squeeze3A_1039 : f32 to vector<16xf32>
          %mul3A_1112 = arith.mulf %add3A_1110, %mul3A_1111 : vector<16xf32>
          %swap3A_1113 = arith.index_cast %add3A_1043 : i32 to index
          %swap3A_1114 = arith.constant 80 : index
          %swap3A_1115 = tpu.vector_load %arg14[%swap3A_1113, %swap3A_1114] {strides = array<i32>} : memref<128x128xf32, #tpu.memory_space<vmem>>, vector<16xf32>,
          tpu.vector_store %arg14[%swap3A_1113, %swap3A_1114], %mul3A_1112 {strides = array<i32>} : memref<128x128xf32, #tpu.memory_space<vmem>>, vector<16xf32>,
          %get3A_1116 = arith.index_cast %add3A_1043 : i32 to index
          %get3A_1117 = arith.constant 96 : index
          %get3A_1118 = tpu.vector_load %arg14[%get3A_1116, %get3A_1117] {strides = array<i32>} : memref<128x128xf32, #tpu.memory_space<vmem>>, vector<16xf32>,
          %get3A_1119 = arith.index_cast %add3A_1043 : i32 to index
          %get3A_1120 = arith.constant 96 : index
          %get3A_1121 = tpu.vector_load %arg15[%get3A_1119, %get3A_1120] {strides = array<i32>} : memref<128x128xf32, #tpu.memory_space<vmem>>, vector<16xf32>,
          %add3A_1122 = arith.addf %get3A_1118, %get3A_1121 : vector<16xf32>
          %mul3A_1123 = vector.broadcast %squeeze3A_1039 : f32 to vector<16xf32>
          %mul3A_1124 = arith.mulf %add3A_1122, %mul3A_1123 : vector<16xf32>
          %swap3A_1125 = arith.index_cast %add3A_1043 : i32 to index
          %swap3A_1126 = arith.constant 96 : index
          %swap3A_1127 = tpu.vector_load %arg14[%swap3A_1125, %swap3A_1126] {strides = array<i32>} : memref<128x128xf32, #tpu.memory_space<vmem>>, vector<16xf32>,
          tpu.vector_store %arg14[%swap3A_1125, %swap3A_1126], %mul3A_1124 {strides = array<i32>} : memref<128x128xf32, #tpu.memory_space<vmem>>, vector<16xf32>,
          %get3A_1128 = arith.index_cast %add3A_1043 : i32 to index
          %get3A_1129 = arith.constant 112 : index
          %get3A_1130 = tpu.vector_load %arg14[%get3A_1128, %get3A_1129] {strides = array<i32>} : memref<128x128xf32, #tpu.memory_space<vmem>>, vector<16xf32>,
          %get3A_1131 = arith.index_cast %add3A_1043 : i32 to index
          %get3A_1132 = arith.constant 112 : index
          %get3A_1133 = tpu.vector_load %arg15[%get3A_1131, %get3A_1132] {strides = array<i32>} : memref<128x128xf32, #tpu.memory_space<vmem>>, vector<16xf32>,
          %add3A_1134 = arith.addf %get3A_1130, %get3A_1133 : vector<16xf32>
          %mul3A_1135 = vector.broadcast %squeeze3A_1039 : f32 to vector<16xf32>
          %mul3A_1136 = arith.mulf %add3A_1134, %mul3A_1135 : vector<16xf32>
          %swap3A_1137 = arith.index_cast %add3A_1043 : i32 to index
          %swap3A_1138 = arith.constant 112 : index
          %swap3A_1139 = tpu.vector_load %arg14[%swap3A_1137, %swap3A_1138] {strides = array<i32>} : memref<128x128xf32, #tpu.memory_space<vmem>>, vector<16xf32>,
          tpu.vector_store %arg14[%swap3A_1137, %swap3A_1138], %mul3A_1136 {strides = array<i32>} : memref<128x128xf32, #tpu.memory_space<vmem>>, vector<16xf32>,
          %slice3A_1140 = vector.extract_strided_slice %get3A_122 {offsets = [10], sizes = [1], strides = [1]} : vector<16xf32> to vector<1xf32>
          %squeeze3A_1141 = vector.extract %slice3A_1140[0] : f32 from vector<1xf32>
          %mul3A_1142 = arith.constant 16 : i32
          %mul3A_1143 = arith.muli %scan3A_118, %mul3A_1142 : i32
          %add3A_1144 = arith.constant 10 : i32
          %add3A_1145 = arith.addi %mul3A_1143, %add3A_1144 : i32
          %get3A_1146 = arith.index_cast %add3A_1145 : i32 to index
          %get3A_1147 = arith.constant 0 : index
          %get3A_1148 = tpu.vector_load %arg14[%get3A_1146, %get3A_1147] {strides = array<i32>} : memref<128x128xf32, #tpu.memory_space<vmem>>, vector<16xf32>,
          %get3A_1149 = arith.index_cast %add3A_1145 : i32 to index
          %get3A_1150 = arith.constant 0 : index
          %get3A_1151 = tpu.vector_load %arg15[%get3A_1149, %get3A_1150] {strides = array<i32>} : memref<128x128xf32, #tpu.memory_space<vmem>>, vector<16xf32>,
          %add3A_1152 = arith.addf %get3A_1148, %get3A_1151 : vector<16xf32>
          %mul3A_1153 = vector.broadcast %squeeze3A_1141 : f32 to vector<16xf32>
          %mul3A_1154 = arith.mulf %add3A_1152, %mul3A_1153 : vector<16xf32>
          %swap3A_1155 = arith.index_cast %add3A_1145 : i32 to index
          %swap3A_1156 = arith.constant 0 : index
          %swap3A_1157 = tpu.vector_load %arg14[%swap3A_1155, %swap3A_1156] {strides = array<i32>} : memref<128x128xf32, #tpu.memory_space<vmem>>, vector<16xf32>,
          tpu.vector_store %arg14[%swap3A_1155, %swap3A_1156], %mul3A_1154 {strides = array<i32>} : memref<128x128xf32, #tpu.memory_space<vmem>>, vector<16xf32>,
          %get3A_1158 = arith.index_cast %add3A_1145 : i32 to index
          %get3A_1159 = arith.constant 16 : index
          %get3A_1160 = tpu.vector_load %arg14[%get3A_1158, %get3A_1159] {strides = array<i32>} : memref<128x128xf32, #tpu.memory_space<vmem>>, vector<16xf32>,
          %get3A_1161 = arith.index_cast %add3A_1145 : i32 to index
          %get3A_1162 = arith.constant 16 : index
          %get3A_1163 = tpu.vector_load %arg15[%get3A_1161, %get3A_1162] {strides = array<i32>} : memref<128x128xf32, #tpu.memory_space<vmem>>, vector<16xf32>,
          %add3A_1164 = arith.addf %get3A_1160, %get3A_1163 : vector<16xf32>
          %mul3A_1165 = vector.broadcast %squeeze3A_1141 : f32 to vector<16xf32>
          %mul3A_1166 = arith.mulf %add3A_1164, %mul3A_1165 : vector<16xf32>
          %swap3A_1167 = arith.index_cast %add3A_1145 : i32 to index
          %swap3A_1168 = arith.constant 16 : index
          %swap3A_1169 = tpu.vector_load %arg14[%swap3A_1167, %swap3A_1168] {strides = array<i32>} : memref<128x128xf32, #tpu.memory_space<vmem>>, vector<16xf32>,
          tpu.vector_store %arg14[%swap3A_1167, %swap3A_1168], %mul3A_1166 {strides = array<i32>} : memref<128x128xf32, #tpu.memory_space<vmem>>, vector<16xf32>,
          %get3A_1170 = arith.index_cast %add3A_1145 : i32 to index
          %get3A_1171 = arith.constant 32 : index
          %get3A_1172 = tpu.vector_load %arg14[%get3A_1170, %get3A_1171] {strides = array<i32>} : memref<128x128xf32, #tpu.memory_space<vmem>>, vector<16xf32>,
          %get3A_1173 = arith.index_cast %add3A_1145 : i32 to index
          %get3A_1174 = arith.constant 32 : index
          %get3A_1175 = tpu.vector_load %arg15[%get3A_1173, %get3A_1174] {strides = array<i32>} : memref<128x128xf32, #tpu.memory_space<vmem>>, vector<16xf32>,
          %add3A_1176 = arith.addf %get3A_1172, %get3A_1175 : vector<16xf32>
          %mul3A_1177 = vector.broadcast %squeeze3A_1141 : f32 to vector<16xf32>
          %mul3A_1178 = arith.mulf %add3A_1176, %mul3A_1177 : vector<16xf32>
          %swap3A_1179 = arith.index_cast %add3A_1145 : i32 to index
          %swap3A_1180 = arith.constant 32 : index
          %swap3A_1181 = tpu.vector_load %arg14[%swap3A_1179, %swap3A_1180] {strides = array<i32>} : memref<128x128xf32, #tpu.memory_space<vmem>>, vector<16xf32>,
          tpu.vector_store %arg14[%swap3A_1179, %swap3A_1180], %mul3A_1178 {strides = array<i32>} : memref<128x128xf32, #tpu.memory_space<vmem>>, vector<16xf32>,
          %get3A_1182 = arith.index_cast %add3A_1145 : i32 to index
          %get3A_1183 = arith.constant 48 : index
          %get3A_1184 = tpu.vector_load %arg14[%get3A_1182, %get3A_1183] {strides = array<i32>} : memref<128x128xf32, #tpu.memory_space<vmem>>, vector<16xf32>,
          %get3A_1185 = arith.index_cast %add3A_1145 : i32 to index
          %get3A_1186 = arith.constant 48 : index
          %get3A_1187 = tpu.vector_load %arg15[%get3A_1185, %get3A_1186] {strides = array<i32>} : memref<128x128xf32, #tpu.memory_space<vmem>>, vector<16xf32>,
          %add3A_1188 = arith.addf %get3A_1184, %get3A_1187 : vector<16xf32>
          %mul3A_1189 = vector.broadcast %squeeze3A_1141 : f32 to vector<16xf32>
          %mul3A_1190 = arith.mulf %add3A_1188, %mul3A_1189 : vector<16xf32>
          %swap3A_1191 = arith.index_cast %add3A_1145 : i32 to index
          %swap3A_1192 = arith.constant 48 : index
          %swap3A_1193 = tpu.vector_load %arg14[%swap3A_1191, %swap3A_1192] {strides = array<i32>} : memref<128x128xf32, #tpu.memory_space<vmem>>, vector<16xf32>,
          tpu.vector_store %arg14[%swap3A_1191, %swap3A_1192], %mul3A_1190 {strides = array<i32>} : memref<128x128xf32, #tpu.memory_space<vmem>>, vector<16xf32>,
          %get3A_1194 = arith.index_cast %add3A_1145 : i32 to index
          %get3A_1195 = arith.constant 64 : index
          %get3A_1196 = tpu.vector_load %arg14[%get3A_1194, %get3A_1195] {strides = array<i32>} : memref<128x128xf32, #tpu.memory_space<vmem>>, vector<16xf32>,
          %get3A_1197 = arith.index_cast %add3A_1145 : i32 to index
          %get3A_1198 = arith.constant 64 : index
          %get3A_1199 = tpu.vector_load %arg15[%get3A_1197, %get3A_1198] {strides = array<i32>} : memref<128x128xf32, #tpu.memory_space<vmem>>, vector<16xf32>,
          %add3A_1200 = arith.addf %get3A_1196, %get3A_1199 : vector<16xf32>
          %mul3A_1201 = vector.broadcast %squeeze3A_1141 : f32 to vector<16xf32>
          %mul3A_1202 = arith.mulf %add3A_1200, %mul3A_1201 : vector<16xf32>
          %swap3A_1203 = arith.index_cast %add3A_1145 : i32 to index
          %swap3A_1204 = arith.constant 64 : index
          %swap3A_1205 = tpu.vector_load %arg14[%swap3A_1203, %swap3A_1204] {strides = array<i32>} : memref<128x128xf32, #tpu.memory_space<vmem>>, vector<16xf32>,
          tpu.vector_store %arg14[%swap3A_1203, %swap3A_1204], %mul3A_1202 {strides = array<i32>} : memref<128x128xf32, #tpu.memory_space<vmem>>, vector<16xf32>,
          %get3A_1206 = arith.index_cast %add3A_1145 : i32 to index
          %get3A_1207 = arith.constant 80 : index
          %get3A_1208 = tpu.vector_load %arg14[%get3A_1206, %get3A_1207] {strides = array<i32>} : memref<128x128xf32, #tpu.memory_space<vmem>>, vector<16xf32>,
          %get3A_1209 = arith.index_cast %add3A_1145 : i32 to index
          %get3A_1210 = arith.constant 80 : index
          %get3A_1211 = tpu.vector_load %arg15[%get3A_1209, %get3A_1210] {strides = array<i32>} : memref<128x128xf32, #tpu.memory_space<vmem>>, vector<16xf32>,
          %add3A_1212 = arith.addf %get3A_1208, %get3A_1211 : vector<16xf32>
          %mul3A_1213 = vector.broadcast %squeeze3A_1141 : f32 to vector<16xf32>
          %mul3A_1214 = arith.mulf %add3A_1212, %mul3A_1213 : vector<16xf32>
          %swap3A_1215 = arith.index_cast %add3A_1145 : i32 to index
          %swap3A_1216 = arith.constant 80 : index
          %swap3A_1217 = tpu.vector_load %arg14[%swap3A_1215, %swap3A_1216] {strides = array<i32>} : memref<128x128xf32, #tpu.memory_space<vmem>>, vector<16xf32>,
          tpu.vector_store %arg14[%swap3A_1215, %swap3A_1216], %mul3A_1214 {strides = array<i32>} : memref<128x128xf32, #tpu.memory_space<vmem>>, vector<16xf32>,
          %get3A_1218 = arith.index_cast %add3A_1145 : i32 to index
          %get3A_1219 = arith.constant 96 : index
          %get3A_1220 = tpu.vector_load %arg14[%get3A_1218, %get3A_1219] {strides = array<i32>} : memref<128x128xf32, #tpu.memory_space<vmem>>, vector<16xf32>,
          %get3A_1221 = arith.index_cast %add3A_1145 : i32 to index
          %get3A_1222 = arith.constant 96 : index
          %get3A_1223 = tpu.vector_load %arg15[%get3A_1221, %get3A_1222] {strides = array<i32>} : memref<128x128xf32, #tpu.memory_space<vmem>>, vector<16xf32>,
          %add3A_1224 = arith.addf %get3A_1220, %get3A_1223 : vector<16xf32>
          %mul3A_1225 = vector.broadcast %squeeze3A_1141 : f32 to vector<16xf32>
          %mul3A_1226 = arith.mulf %add3A_1224, %mul3A_1225 : vector<16xf32>
          %swap3A_1227 = arith.index_cast %add3A_1145 : i32 to index
          %swap3A_1228 = arith.constant 96 : index
          %swap3A_1229 = tpu.vector_load %arg14[%swap3A_1227, %swap3A_1228] {strides = array<i32>} : memref<128x128xf32, #tpu.memory_space<vmem>>, vector<16xf32>,
          tpu.vector_store %arg14[%swap3A_1227, %swap3A_1228], %mul3A_1226 {strides = array<i32>} : memref<128x128xf32, #tpu.memory_space<vmem>>, vector<16xf32>,
          %get3A_1230 = arith.index_cast %add3A_1145 : i32 to index
          %get3A_1231 = arith.constant 112 : index
          %get3A_1232 = tpu.vector_load %arg14[%get3A_1230, %get3A_1231] {strides = array<i32>} : memref<128x128xf32, #tpu.memory_space<vmem>>, vector<16xf32>,
          %get3A_1233 = arith.index_cast %add3A_1145 : i32 to index
          %get3A_1234 = arith.constant 112 : index
          %get3A_1235 = tpu.vector_load %arg15[%get3A_1233, %get3A_1234] {strides = array<i32>} : memref<128x128xf32, #tpu.memory_space<vmem>>, vector<16xf32>,
          %add3A_1236 = arith.addf %get3A_1232, %get3A_1235 : vector<16xf32>
          %mul3A_1237 = vector.broadcast %squeeze3A_1141 : f32 to vector<16xf32>
          %mul3A_1238 = arith.mulf %add3A_1236, %mul3A_1237 : vector<16xf32>
          %swap3A_1239 = arith.index_cast %add3A_1145 : i32 to index
          %swap3A_1240 = arith.constant 112 : index
          %swap3A_1241 = tpu.vector_load %arg14[%swap3A_1239, %swap3A_1240] {strides = array<i32>} : memref<128x128xf32, #tpu.memory_space<vmem>>, vector<16xf32>,
          tpu.vector_store %arg14[%swap3A_1239, %swap3A_1240], %mul3A_1238 {strides = array<i32>} : memref<128x128xf32, #tpu.memory_space<vmem>>, vector<16xf32>,
          %slice3A_1242 = vector.extract_strided_slice %get3A_122 {offsets = [11], sizes = [1], strides = [1]} : vector<16xf32> to vector<1xf32>
          %squeeze3A_1243 = vector.extract %slice3A_1242[0] : f32 from vector<1xf32>
          %mul3A_1244 = arith.constant 16 : i32
          %mul3A_1245 = arith.muli %scan3A_118, %mul3A_1244 : i32
          %add3A_1246 = arith.constant 11 : i32
          %add3A_1247 = arith.addi %mul3A_1245, %add3A_1246 : i32
          %get3A_1248 = arith.index_cast %add3A_1247 : i32 to index
          %get3A_1249 = arith.constant 0 : index
          %get3A_1250 = tpu.vector_load %arg14[%get3A_1248, %get3A_1249] {strides = array<i32>} : memref<128x128xf32, #tpu.memory_space<vmem>>, vector<16xf32>,
          %get3A_1251 = arith.index_cast %add3A_1247 : i32 to index
          %get3A_1252 = arith.constant 0 : index
          %get3A_1253 = tpu.vector_load %arg15[%get3A_1251, %get3A_1252] {strides = array<i32>} : memref<128x128xf32, #tpu.memory_space<vmem>>, vector<16xf32>,
          %add3A_1254 = arith.addf %get3A_1250, %get3A_1253 : vector<16xf32>
          %mul3A_1255 = vector.broadcast %squeeze3A_1243 : f32 to vector<16xf32>
          %mul3A_1256 = arith.mulf %add3A_1254, %mul3A_1255 : vector<16xf32>
          %swap3A_1257 = arith.index_cast %add3A_1247 : i32 to index
          %swap3A_1258 = arith.constant 0 : index
          %swap3A_1259 = tpu.vector_load %arg14[%swap3A_1257, %swap3A_1258] {strides = array<i32>} : memref<128x128xf32, #tpu.memory_space<vmem>>, vector<16xf32>,
          tpu.vector_store %arg14[%swap3A_1257, %swap3A_1258], %mul3A_1256 {strides = array<i32>} : memref<128x128xf32, #tpu.memory_space<vmem>>, vector<16xf32>,
          %get3A_1260 = arith.index_cast %add3A_1247 : i32 to index
          %get3A_1261 = arith.constant 16 : index
          %get3A_1262 = tpu.vector_load %arg14[%get3A_1260, %get3A_1261] {strides = array<i32>} : memref<128x128xf32, #tpu.memory_space<vmem>>, vector<16xf32>,
          %get3A_1263 = arith.index_cast %add3A_1247 : i32 to index
          %get3A_1264 = arith.constant 16 : index
          %get3A_1265 = tpu.vector_load %arg15[%get3A_1263, %get3A_1264] {strides = array<i32>} : memref<128x128xf32, #tpu.memory_space<vmem>>, vector<16xf32>,
          %add3A_1266 = arith.addf %get3A_1262, %get3A_1265 : vector<16xf32>
          %mul3A_1267 = vector.broadcast %squeeze3A_1243 : f32 to vector<16xf32>
          %mul3A_1268 = arith.mulf %add3A_1266, %mul3A_1267 : vector<16xf32>
          %swap3A_1269 = arith.index_cast %add3A_1247 : i32 to index
          %swap3A_1270 = arith.constant 16 : index
          %swap3A_1271 = tpu.vector_load %arg14[%swap3A_1269, %swap3A_1270] {strides = array<i32>} : memref<128x128xf32, #tpu.memory_space<vmem>>, vector<16xf32>,
          tpu.vector_store %arg14[%swap3A_1269, %swap3A_1270], %mul3A_1268 {strides = array<i32>} : memref<128x128xf32, #tpu.memory_space<vmem>>, vector<16xf32>,
          %get3A_1272 = arith.index_cast %add3A_1247 : i32 to index
          %get3A_1273 = arith.constant 32 : index
          %get3A_1274 = tpu.vector_load %arg14[%get3A_1272, %get3A_1273] {strides = array<i32>} : memref<128x128xf32, #tpu.memory_space<vmem>>, vector<16xf32>,
          %get3A_1275 = arith.index_cast %add3A_1247 : i32 to index
          %get3A_1276 = arith.constant 32 : index
          %get3A_1277 = tpu.vector_load %arg15[%get3A_1275, %get3A_1276] {strides = array<i32>} : memref<128x128xf32, #tpu.memory_space<vmem>>, vector<16xf32>,
          %add3A_1278 = arith.addf %get3A_1274, %get3A_1277 : vector<16xf32>
          %mul3A_1279 = vector.broadcast %squeeze3A_1243 : f32 to vector<16xf32>
          %mul3A_1280 = arith.mulf %add3A_1278, %mul3A_1279 : vector<16xf32>
          %swap3A_1281 = arith.index_cast %add3A_1247 : i32 to index
          %swap3A_1282 = arith.constant 32 : index
          %swap3A_1283 = tpu.vector_load %arg14[%swap3A_1281, %swap3A_1282] {strides = array<i32>} : memref<128x128xf32, #tpu.memory_space<vmem>>, vector<16xf32>,
          tpu.vector_store %arg14[%swap3A_1281, %swap3A_1282], %mul3A_1280 {strides = array<i32>} : memref<128x128xf32, #tpu.memory_space<vmem>>, vector<16xf32>,
          %get3A_1284 = arith.index_cast %add3A_1247 : i32 to index
          %get3A_1285 = arith.constant 48 : index
          %get3A_1286 = tpu.vector_load %arg14[%get3A_1284, %get3A_1285] {strides = array<i32>} : memref<128x128xf32, #tpu.memory_space<vmem>>, vector<16xf32>,
          %get3A_1287 = arith.index_cast %add3A_1247 : i32 to index
          %get3A_1288 = arith.constant 48 : index
          %get3A_1289 = tpu.vector_load %arg15[%get3A_1287, %get3A_1288] {strides = array<i32>} : memref<128x128xf32, #tpu.memory_space<vmem>>, vector<16xf32>,
          %add3A_1290 = arith.addf %get3A_1286, %get3A_1289 : vector<16xf32>
          %mul3A_1291 = vector.broadcast %squeeze3A_1243 : f32 to vector<16xf32>
          %mul3A_1292 = arith.mulf %add3A_1290, %mul3A_1291 : vector<16xf32>
          %swap3A_1293 = arith.index_cast %add3A_1247 : i32 to index
          %swap3A_1294 = arith.constant 48 : index
          %swap3A_1295 = tpu.vector_load %arg14[%swap3A_1293, %swap3A_1294] {strides = array<i32>} : memref<128x128xf32, #tpu.memory_space<vmem>>, vector<16xf32>,
          tpu.vector_store %arg14[%swap3A_1293, %swap3A_1294], %mul3A_1292 {strides = array<i32>} : memref<128x128xf32, #tpu.memory_space<vmem>>, vector<16xf32>,
          %get3A_1296 = arith.index_cast %add3A_1247 : i32 to index
          %get3A_1297 = arith.constant 64 : index
          %get3A_1298 = tpu.vector_load %arg14[%get3A_1296, %get3A_1297] {strides = array<i32>} : memref<128x128xf32, #tpu.memory_space<vmem>>, vector<16xf32>,
          %get3A_1299 = arith.index_cast %add3A_1247 : i32 to index
          %get3A_1300 = arith.constant 64 : index
          %get3A_1301 = tpu.vector_load %arg15[%get3A_1299, %get3A_1300] {strides = array<i32>} : memref<128x128xf32, #tpu.memory_space<vmem>>, vector<16xf32>,
          %add3A_1302 = arith.addf %get3A_1298, %get3A_1301 : vector<16xf32>
          %mul3A_1303 = vector.broadcast %squeeze3A_1243 : f32 to vector<16xf32>
          %mul3A_1304 = arith.mulf %add3A_1302, %mul3A_1303 : vector<16xf32>
          %swap3A_1305 = arith.index_cast %add3A_1247 : i32 to index
          %swap3A_1306 = arith.constant 64 : index
          %swap3A_1307 = tpu.vector_load %arg14[%swap3A_1305, %swap3A_1306] {strides = array<i32>} : memref<128x128xf32, #tpu.memory_space<vmem>>, vector<16xf32>,
          tpu.vector_store %arg14[%swap3A_1305, %swap3A_1306], %mul3A_1304 {strides = array<i32>} : memref<128x128xf32, #tpu.memory_space<vmem>>, vector<16xf32>,
          %get3A_1308 = arith.index_cast %add3A_1247 : i32 to index
          %get3A_1309 = arith.constant 80 : index
          %get3A_1310 = tpu.vector_load %arg14[%get3A_1308, %get3A_1309] {strides = array<i32>} : memref<128x128xf32, #tpu.memory_space<vmem>>, vector<16xf32>,
          %get3A_1311 = arith.index_cast %add3A_1247 : i32 to index
          %get3A_1312 = arith.constant 80 : index
          %get3A_1313 = tpu.vector_load %arg15[%get3A_1311, %get3A_1312] {strides = array<i32>} : memref<128x128xf32, #tpu.memory_space<vmem>>, vector<16xf32>,
          %add3A_1314 = arith.addf %get3A_1310, %get3A_1313 : vector<16xf32>
          %mul3A_1315 = vector.broadcast %squeeze3A_1243 : f32 to vector<16xf32>
          %mul3A_1316 = arith.mulf %add3A_1314, %mul3A_1315 : vector<16xf32>
          %swap3A_1317 = arith.index_cast %add3A_1247 : i32 to index
          %swap3A_1318 = arith.constant 80 : index
          %swap3A_1319 = tpu.vector_load %arg14[%swap3A_1317, %swap3A_1318] {strides = array<i32>} : memref<128x128xf32, #tpu.memory_space<vmem>>, vector<16xf32>,
          tpu.vector_store %arg14[%swap3A_1317, %swap3A_1318], %mul3A_1316 {strides = array<i32>} : memref<128x128xf32, #tpu.memory_space<vmem>>, vector<16xf32>,
          %get3A_1320 = arith.index_cast %add3A_1247 : i32 to index
          %get3A_1321 = arith.constant 96 : index
          %get3A_1322 = tpu.vector_load %arg14[%get3A_1320, %get3A_1321] {strides = array<i32>} : memref<128x128xf32, #tpu.memory_space<vmem>>, vector<16xf32>,
          %get3A_1323 = arith.index_cast %add3A_1247 : i32 to index
          %get3A_1324 = arith.constant 96 : index
          %get3A_1325 = tpu.vector_load %arg15[%get3A_1323, %get3A_1324] {strides = array<i32>} : memref<128x128xf32, #tpu.memory_space<vmem>>, vector<16xf32>,
          %add3A_1326 = arith.addf %get3A_1322, %get3A_1325 : vector<16xf32>
          %mul3A_1327 = vector.broadcast %squeeze3A_1243 : f32 to vector<16xf32>
          %mul3A_1328 = arith.mulf %add3A_1326, %mul3A_1327 : vector<16xf32>
          %swap3A_1329 = arith.index_cast %add3A_1247 : i32 to index
          %swap3A_1330 = arith.constant 96 : index
          %swap3A_1331 = tpu.vector_load %arg14[%swap3A_1329, %swap3A_1330] {strides = array<i32>} : memref<128x128xf32, #tpu.memory_space<vmem>>, vector<16xf32>,
          tpu.vector_store %arg14[%swap3A_1329, %swap3A_1330], %mul3A_1328 {strides = array<i32>} : memref<128x128xf32, #tpu.memory_space<vmem>>, vector<16xf32>,
          %get3A_1332 = arith.index_cast %add3A_1247 : i32 to index
          %get3A_1333 = arith.constant 112 : index
          %get3A_1334 = tpu.vector_load %arg14[%get3A_1332, %get3A_1333] {strides = array<i32>} : memref<128x128xf32, #tpu.memory_space<vmem>>, vector<16xf32>,
          %get3A_1335 = arith.index_cast %add3A_1247 : i32 to index
          %get3A_1336 = arith.constant 112 : index
          %get3A_1337 = tpu.vector_load %arg15[%get3A_1335, %get3A_1336] {strides = array<i32>} : memref<128x128xf32, #tpu.memory_space<vmem>>, vector<16xf32>,
          %add3A_1338 = arith.addf %get3A_1334, %get3A_1337 : vector<16xf32>
          %mul3A_1339 = vector.broadcast %squeeze3A_1243 : f32 to vector<16xf32>
          %mul3A_1340 = arith.mulf %add3A_1338, %mul3A_1339 : vector<16xf32>
          %swap3A_1341 = arith.index_cast %add3A_1247 : i32 to index
          %swap3A_1342 = arith.constant 112 : index
          %swap3A_1343 = tpu.vector_load %arg14[%swap3A_1341, %swap3A_1342] {strides = array<i32>} : memref<128x128xf32, #tpu.memory_space<vmem>>, vector<16xf32>,
          tpu.vector_store %arg14[%swap3A_1341, %swap3A_1342], %mul3A_1340 {strides = array<i32>} : memref<128x128xf32, #tpu.memory_space<vmem>>, vector<16xf32>,
          %slice3A_1344 = vector.extract_strided_slice %get3A_122 {offsets = [12], sizes = [1], strides = [1]} : vector<16xf32> to vector<1xf32>
          %squeeze3A_1345 = vector.extract %slice3A_1344[0] : f32 from vector<1xf32>
          %mul3A_1346 = arith.constant 16 : i32
          %mul3A_1347 = arith.muli %scan3A_118, %mul3A_1346 : i32
          %add3A_1348 = arith.constant 12 : i32
          %add3A_1349 = arith.addi %mul3A_1347, %add3A_1348 : i32
          %get3A_1350 = arith.index_cast %add3A_1349 : i32 to index
          %get3A_1351 = arith.constant 0 : index
          %get3A_1352 = tpu.vector_load %arg14[%get3A_1350, %get3A_1351] {strides = array<i32>} : memref<128x128xf32, #tpu.memory_space<vmem>>, vector<16xf32>,
          %get3A_1353 = arith.index_cast %add3A_1349 : i32 to index
          %get3A_1354 = arith.constant 0 : index
          %get3A_1355 = tpu.vector_load %arg15[%get3A_1353, %get3A_1354] {strides = array<i32>} : memref<128x128xf32, #tpu.memory_space<vmem>>, vector<16xf32>,
          %add3A_1356 = arith.addf %get3A_1352, %get3A_1355 : vector<16xf32>
          %mul3A_1357 = vector.broadcast %squeeze3A_1345 : f32 to vector<16xf32>
          %mul3A_1358 = arith.mulf %add3A_1356, %mul3A_1357 : vector<16xf32>
          %swap3A_1359 = arith.index_cast %add3A_1349 : i32 to index
          %swap3A_1360 = arith.constant 0 : index
          %swap3A_1361 = tpu.vector_load %arg14[%swap3A_1359, %swap3A_1360] {strides = array<i32>} : memref<128x128xf32, #tpu.memory_space<vmem>>, vector<16xf32>,
          tpu.vector_store %arg14[%swap3A_1359, %swap3A_1360], %mul3A_1358 {strides = array<i32>} : memref<128x128xf32, #tpu.memory_space<vmem>>, vector<16xf32>,
          %get3A_1362 = arith.index_cast %add3A_1349 : i32 to index
          %get3A_1363 = arith.constant 16 : index
          %get3A_1364 = tpu.vector_load %arg14[%get3A_1362, %get3A_1363] {strides = array<i32>} : memref<128x128xf32, #tpu.memory_space<vmem>>, vector<16xf32>,
          %get3A_1365 = arith.index_cast %add3A_1349 : i32 to index
          %get3A_1366 = arith.constant 16 : index
          %get3A_1367 = tpu.vector_load %arg15[%get3A_1365, %get3A_1366] {strides = array<i32>} : memref<128x128xf32, #tpu.memory_space<vmem>>, vector<16xf32>,
          %add3A_1368 = arith.addf %get3A_1364, %get3A_1367 : vector<16xf32>
          %mul3A_1369 = vector.broadcast %squeeze3A_1345 : f32 to vector<16xf32>
          %mul3A_1370 = arith.mulf %add3A_1368, %mul3A_1369 : vector<16xf32>
          %swap3A_1371 = arith.index_cast %add3A_1349 : i32 to index
          %swap3A_1372 = arith.constant 16 : index
          %swap3A_1373 = tpu.vector_load %arg14[%swap3A_1371, %swap3A_1372] {strides = array<i32>} : memref<128x128xf32, #tpu.memory_space<vmem>>, vector<16xf32>,
          tpu.vector_store %arg14[%swap3A_1371, %swap3A_1372], %mul3A_1370 {strides = array<i32>} : memref<128x128xf32, #tpu.memory_space<vmem>>, vector<16xf32>,
          %get3A_1374 = arith.index_cast %add3A_1349 : i32 to index
          %get3A_1375 = arith.constant 32 : index
          %get3A_1376 = tpu.vector_load %arg14[%get3A_1374, %get3A_1375] {strides = array<i32>} : memref<128x128xf32, #tpu.memory_space<vmem>>, vector<16xf32>,
          %get3A_1377 = arith.index_cast %add3A_1349 : i32 to index
          %get3A_1378 = arith.constant 32 : index
          %get3A_1379 = tpu.vector_load %arg15[%get3A_1377, %get3A_1378] {strides = array<i32>} : memref<128x128xf32, #tpu.memory_space<vmem>>, vector<16xf32>,
          %add3A_1380 = arith.addf %get3A_1376, %get3A_1379 : vector<16xf32>
          %mul3A_1381 = vector.broadcast %squeeze3A_1345 : f32 to vector<16xf32>
          %mul3A_1382 = arith.mulf %add3A_1380, %mul3A_1381 : vector<16xf32>
          %swap3A_1383 = arith.index_cast %add3A_1349 : i32 to index
          %swap3A_1384 = arith.constant 32 : index
          %swap3A_1385 = tpu.vector_load %arg14[%swap3A_1383, %swap3A_1384] {strides = array<i32>} : memref<128x128xf32, #tpu.memory_space<vmem>>, vector<16xf32>,
          tpu.vector_store %arg14[%swap3A_1383, %swap3A_1384], %mul3A_1382 {strides = array<i32>} : memref<128x128xf32, #tpu.memory_space<vmem>>, vector<16xf32>,
          %get3A_1386 = arith.index_cast %add3A_1349 : i32 to index
          %get3A_1387 = arith.constant 48 : index
          %get3A_1388 = tpu.vector_load %arg14[%get3A_1386, %get3A_1387] {strides = array<i32>} : memref<128x128xf32, #tpu.memory_space<vmem>>, vector<16xf32>,
          %get3A_1389 = arith.index_cast %add3A_1349 : i32 to index
          %get3A_1390 = arith.constant 48 : index
          %get3A_1391 = tpu.vector_load %arg15[%get3A_1389, %get3A_1390] {strides = array<i32>} : memref<128x128xf32, #tpu.memory_space<vmem>>, vector<16xf32>,
          %add3A_1392 = arith.addf %get3A_1388, %get3A_1391 : vector<16xf32>
          %mul3A_1393 = vector.broadcast %squeeze3A_1345 : f32 to vector<16xf32>
          %mul3A_1394 = arith.mulf %add3A_1392, %mul3A_1393 : vector<16xf32>
          %swap3A_1395 = arith.index_cast %add3A_1349 : i32 to index
          %swap3A_1396 = arith.constant 48 : index
          %swap3A_1397 = tpu.vector_load %arg14[%swap3A_1395, %swap3A_1396] {strides = array<i32>} : memref<128x128xf32, #tpu.memory_space<vmem>>, vector<16xf32>,
          tpu.vector_store %arg14[%swap3A_1395, %swap3A_1396], %mul3A_1394 {strides = array<i32>} : memref<128x128xf32, #tpu.memory_space<vmem>>, vector<16xf32>,
          %get3A_1398 = arith.index_cast %add3A_1349 : i32 to index
          %get3A_1399 = arith.constant 64 : index
          %get3A_1400 = tpu.vector_load %arg14[%get3A_1398, %get3A_1399] {strides = array<i32>} : memref<128x128xf32, #tpu.memory_space<vmem>>, vector<16xf32>,
          %get3A_1401 = arith.index_cast %add3A_1349 : i32 to index
          %get3A_1402 = arith.constant 64 : index
          %get3A_1403 = tpu.vector_load %arg15[%get3A_1401, %get3A_1402] {strides = array<i32>} : memref<128x128xf32, #tpu.memory_space<vmem>>, vector<16xf32>,
          %add3A_1404 = arith.addf %get3A_1400, %get3A_1403 : vector<16xf32>
          %mul3A_1405 = vector.broadcast %squeeze3A_1345 : f32 to vector<16xf32>
          %mul3A_1406 = arith.mulf %add3A_1404, %mul3A_1405 : vector<16xf32>
          %swap3A_1407 = arith.index_cast %add3A_1349 : i32 to index
          %swap3A_1408 = arith.constant 64 : index
          %swap3A_1409 = tpu.vector_load %arg14[%swap3A_1407, %swap3A_1408] {strides = array<i32>} : memref<128x128xf32, #tpu.memory_space<vmem>>, vector<16xf32>,
          tpu.vector_store %arg14[%swap3A_1407, %swap3A_1408], %mul3A_1406 {strides = array<i32>} : memref<128x128xf32, #tpu.memory_space<vmem>>, vector<16xf32>,
          %get3A_1410 = arith.index_cast %add3A_1349 : i32 to index
          %get3A_1411 = arith.constant 80 : index
          %get3A_1412 = tpu.vector_load %arg14[%get3A_1410, %get3A_1411] {strides = array<i32>} : memref<128x128xf32, #tpu.memory_space<vmem>>, vector<16xf32>,
          %get3A_1413 = arith.index_cast %add3A_1349 : i32 to index
          %get3A_1414 = arith.constant 80 : index
          %get3A_1415 = tpu.vector_load %arg15[%get3A_1413, %get3A_1414] {strides = array<i32>} : memref<128x128xf32, #tpu.memory_space<vmem>>, vector<16xf32>,
          %add3A_1416 = arith.addf %get3A_1412, %get3A_1415 : vector<16xf32>
          %mul3A_1417 = vector.broadcast %squeeze3A_1345 : f32 to vector<16xf32>
          %mul3A_1418 = arith.mulf %add3A_1416, %mul3A_1417 : vector<16xf32>
          %swap3A_1419 = arith.index_cast %add3A_1349 : i32 to index
          %swap3A_1420 = arith.constant 80 : index
          %swap3A_1421 = tpu.vector_load %arg14[%swap3A_1419, %swap3A_1420] {strides = array<i32>} : memref<128x128xf32, #tpu.memory_space<vmem>>, vector<16xf32>,
          tpu.vector_store %arg14[%swap3A_1419, %swap3A_1420], %mul3A_1418 {strides = array<i32>} : memref<128x128xf32, #tpu.memory_space<vmem>>, vector<16xf32>,
          %get3A_1422 = arith.index_cast %add3A_1349 : i32 to index
          %get3A_1423 = arith.constant 96 : index
          %get3A_1424 = tpu.vector_load %arg14[%get3A_1422, %get3A_1423] {strides = array<i32>} : memref<128x128xf32, #tpu.memory_space<vmem>>, vector<16xf32>,
          %get3A_1425 = arith.index_cast %add3A_1349 : i32 to index
          %get3A_1426 = arith.constant 96 : index
          %get3A_1427 = tpu.vector_load %arg15[%get3A_1425, %get3A_1426] {strides = array<i32>} : memref<128x128xf32, #tpu.memory_space<vmem>>, vector<16xf32>,
          %add3A_1428 = arith.addf %get3A_1424, %get3A_1427 : vector<16xf32>
          %mul3A_1429 = vector.broadcast %squeeze3A_1345 : f32 to vector<16xf32>
          %mul3A_1430 = arith.mulf %add3A_1428, %mul3A_1429 : vector<16xf32>
          %swap3A_1431 = arith.index_cast %add3A_1349 : i32 to index
          %swap3A_1432 = arith.constant 96 : index
          %swap3A_1433 = tpu.vector_load %arg14[%swap3A_1431, %swap3A_1432] {strides = array<i32>} : memref<128x128xf32, #tpu.memory_space<vmem>>, vector<16xf32>,
          tpu.vector_store %arg14[%swap3A_1431, %swap3A_1432], %mul3A_1430 {strides = array<i32>} : memref<128x128xf32, #tpu.memory_space<vmem>>, vector<16xf32>,
          %get3A_1434 = arith.index_cast %add3A_1349 : i32 to index
          %get3A_1435 = arith.constant 112 : index
          %get3A_1436 = tpu.vector_load %arg14[%get3A_1434, %get3A_1435] {strides = array<i32>} : memref<128x128xf32, #tpu.memory_space<vmem>>, vector<16xf32>,
          %get3A_1437 = arith.index_cast %add3A_1349 : i32 to index
          %get3A_1438 = arith.constant 112 : index
          %get3A_1439 = tpu.vector_load %arg15[%get3A_1437, %get3A_1438] {strides = array<i32>} : memref<128x128xf32, #tpu.memory_space<vmem>>, vector<16xf32>,
          %add3A_1440 = arith.addf %get3A_1436, %get3A_1439 : vector<16xf32>
          %mul3A_1441 = vector.broadcast %squeeze3A_1345 : f32 to vector<16xf32>
          %mul3A_1442 = arith.mulf %add3A_1440, %mul3A_1441 : vector<16xf32>
          %swap3A_1443 = arith.index_cast %add3A_1349 : i32 to index
          %swap3A_1444 = arith.constant 112 : index
          %swap3A_1445 = tpu.vector_load %arg14[%swap3A_1443, %swap3A_1444] {strides = array<i32>} : memref<128x128xf32, #tpu.memory_space<vmem>>, vector<16xf32>,
          tpu.vector_store %arg14[%swap3A_1443, %swap3A_1444], %mul3A_1442 {strides = array<i32>} : memref<128x128xf32, #tpu.memory_space<vmem>>, vector<16xf32>,
          %slice3A_1446 = vector.extract_strided_slice %get3A_122 {offsets = [13], sizes = [1], strides = [1]} : vector<16xf32> to vector<1xf32>
          %squeeze3A_1447 = vector.extract %slice3A_1446[0] : f32 from vector<1xf32>
          %mul3A_1448 = arith.constant 16 : i32
          %mul3A_1449 = arith.muli %scan3A_118, %mul3A_1448 : i32
          %add3A_1450 = arith.constant 13 : i32
          %add3A_1451 = arith.addi %mul3A_1449, %add3A_1450 : i32
          %get3A_1452 = arith.index_cast %add3A_1451 : i32 to index
          %get3A_1453 = arith.constant 0 : index
          %get3A_1454 = tpu.vector_load %arg14[%get3A_1452, %get3A_1453] {strides = array<i32>} : memref<128x128xf32, #tpu.memory_space<vmem>>, vector<16xf32>,
          %get3A_1455 = arith.index_cast %add3A_1451 : i32 to index
          %get3A_1456 = arith.constant 0 : index
          %get3A_1457 = tpu.vector_load %arg15[%get3A_1455, %get3A_1456] {strides = array<i32>} : memref<128x128xf32, #tpu.memory_space<vmem>>, vector<16xf32>,
          %add3A_1458 = arith.addf %get3A_1454, %get3A_1457 : vector<16xf32>
          %mul3A_1459 = vector.broadcast %squeeze3A_1447 : f32 to vector<16xf32>
          %mul3A_1460 = arith.mulf %add3A_1458, %mul3A_1459 : vector<16xf32>
          %swap3A_1461 = arith.index_cast %add3A_1451 : i32 to index
          %swap3A_1462 = arith.constant 0 : index
          %swap3A_1463 = tpu.vector_load %arg14[%swap3A_1461, %swap3A_1462] {strides = array<i32>} : memref<128x128xf32, #tpu.memory_space<vmem>>, vector<16xf32>,
          tpu.vector_store %arg14[%swap3A_1461, %swap3A_1462], %mul3A_1460 {strides = array<i32>} : memref<128x128xf32, #tpu.memory_space<vmem>>, vector<16xf32>,
          %get3A_1464 = arith.index_cast %add3A_1451 : i32 to index
          %get3A_1465 = arith.constant 16 : index
          %get3A_1466 = tpu.vector_load %arg14[%get3A_1464, %get3A_1465] {strides = array<i32>} : memref<128x128xf32, #tpu.memory_space<vmem>>, vector<16xf32>,
          %get3A_1467 = arith.index_cast %add3A_1451 : i32 to index
          %get3A_1468 = arith.constant 16 : index
          %get3A_1469 = tpu.vector_load %arg15[%get3A_1467, %get3A_1468] {strides = array<i32>} : memref<128x128xf32, #tpu.memory_space<vmem>>, vector<16xf32>,
          %add3A_1470 = arith.addf %get3A_1466, %get3A_1469 : vector<16xf32>
          %mul3A_1471 = vector.broadcast %squeeze3A_1447 : f32 to vector<16xf32>
          %mul3A_1472 = arith.mulf %add3A_1470, %mul3A_1471 : vector<16xf32>
          %swap3A_1473 = arith.index_cast %add3A_1451 : i32 to index
          %swap3A_1474 = arith.constant 16 : index
          %swap3A_1475 = tpu.vector_load %arg14[%swap3A_1473, %swap3A_1474] {strides = array<i32>} : memref<128x128xf32, #tpu.memory_space<vmem>>, vector<16xf32>,
          tpu.vector_store %arg14[%swap3A_1473, %swap3A_1474], %mul3A_1472 {strides = array<i32>} : memref<128x128xf32, #tpu.memory_space<vmem>>, vector<16xf32>,
          %get3A_1476 = arith.index_cast %add3A_1451 : i32 to index
          %get3A_1477 = arith.constant 32 : index
          %get3A_1478 = tpu.vector_load %arg14[%get3A_1476, %get3A_1477] {strides = array<i32>} : memref<128x128xf32, #tpu.memory_space<vmem>>, vector<16xf32>,
          %get3A_1479 = arith.index_cast %add3A_1451 : i32 to index
          %get3A_1480 = arith.constant 32 : index
          %get3A_1481 = tpu.vector_load %arg15[%get3A_1479, %get3A_1480] {strides = array<i32>} : memref<128x128xf32, #tpu.memory_space<vmem>>, vector<16xf32>,
          %add3A_1482 = arith.addf %get3A_1478, %get3A_1481 : vector<16xf32>
          %mul3A_1483 = vector.broadcast %squeeze3A_1447 : f32 to vector<16xf32>
          %mul3A_1484 = arith.mulf %add3A_1482, %mul3A_1483 : vector<16xf32>
          %swap3A_1485 = arith.index_cast %add3A_1451 : i32 to index
          %swap3A_1486 = arith.constant 32 : index
          %swap3A_1487 = tpu.vector_load %arg14[%swap3A_1485, %swap3A_1486] {strides = array<i32>} : memref<128x128xf32, #tpu.memory_space<vmem>>, vector<16xf32>,
          tpu.vector_store %arg14[%swap3A_1485, %swap3A_1486], %mul3A_1484 {strides = array<i32>} : memref<128x128xf32, #tpu.memory_space<vmem>>, vector<16xf32>,
          %get3A_1488 = arith.index_cast %add3A_1451 : i32 to index
          %get3A_1489 = arith.constant 48 : index
          %get3A_1490 = tpu.vector_load %arg14[%get3A_1488, %get3A_1489] {strides = array<i32>} : memref<128x128xf32, #tpu.memory_space<vmem>>, vector<16xf32>,
          %get3A_1491 = arith.index_cast %add3A_1451 : i32 to index
          %get3A_1492 = arith.constant 48 : index
          %get3A_1493 = tpu.vector_load %arg15[%get3A_1491, %get3A_1492] {strides = array<i32>} : memref<128x128xf32, #tpu.memory_space<vmem>>, vector<16xf32>,
          %add3A_1494 = arith.addf %get3A_1490, %get3A_1493 : vector<16xf32>
          %mul3A_1495 = vector.broadcast %squeeze3A_1447 : f32 to vector<16xf32>
          %mul3A_1496 = arith.mulf %add3A_1494, %mul3A_1495 : vector<16xf32>
          %swap3A_1497 = arith.index_cast %add3A_1451 : i32 to index
          %swap3A_1498 = arith.constant 48 : index
          %swap3A_1499 = tpu.vector_load %arg14[%swap3A_1497, %swap3A_1498] {strides = array<i32>} : memref<128x128xf32, #tpu.memory_space<vmem>>, vector<16xf32>,
          tpu.vector_store %arg14[%swap3A_1497, %swap3A_1498], %mul3A_1496 {strides = array<i32>} : memref<128x128xf32, #tpu.memory_space<vmem>>, vector<16xf32>,
          %get3A_1500 = arith.index_cast %add3A_1451 : i32 to index
          %get3A_1501 = arith.constant 64 : index
          %get3A_1502 = tpu.vector_load %arg14[%get3A_1500, %get3A_1501] {strides = array<i32>} : memref<128x128xf32, #tpu.memory_space<vmem>>, vector<16xf32>,
          %get3A_1503 = arith.index_cast %add3A_1451 : i32 to index
          %get3A_1504 = arith.constant 64 : index
          %get3A_1505 = tpu.vector_load %arg15[%get3A_1503, %get3A_1504] {strides = array<i32>} : memref<128x128xf32, #tpu.memory_space<vmem>>, vector<16xf32>,
          %add3A_1506 = arith.addf %get3A_1502, %get3A_1505 : vector<16xf32>
          %mul3A_1507 = vector.broadcast %squeeze3A_1447 : f32 to vector<16xf32>
          %mul3A_1508 = arith.mulf %add3A_1506, %mul3A_1507 : vector<16xf32>
          %swap3A_1509 = arith.index_cast %add3A_1451 : i32 to index
          %swap3A_1510 = arith.constant 64 : index
          %swap3A_1511 = tpu.vector_load %arg14[%swap3A_1509, %swap3A_1510] {strides = array<i32>} : memref<128x128xf32, #tpu.memory_space<vmem>>, vector<16xf32>,
          tpu.vector_store %arg14[%swap3A_1509, %swap3A_1510], %mul3A_1508 {strides = array<i32>} : memref<128x128xf32, #tpu.memory_space<vmem>>, vector<16xf32>,
          %get3A_1512 = arith.index_cast %add3A_1451 : i32 to index
          %get3A_1513 = arith.constant 80 : index
          %get3A_1514 = tpu.vector_load %arg14[%get3A_1512, %get3A_1513] {strides = array<i32>} : memref<128x128xf32, #tpu.memory_space<vmem>>, vector<16xf32>,
          %get3A_1515 = arith.index_cast %add3A_1451 : i32 to index
          %get3A_1516 = arith.constant 80 : index
          %get3A_1517 = tpu.vector_load %arg15[%get3A_1515, %get3A_1516] {strides = array<i32>} : memref<128x128xf32, #tpu.memory_space<vmem>>, vector<16xf32>,
          %add3A_1518 = arith.addf %get3A_1514, %get3A_1517 : vector<16xf32>
          %mul3A_1519 = vector.broadcast %squeeze3A_1447 : f32 to vector<16xf32>
          %mul3A_1520 = arith.mulf %add3A_1518, %mul3A_1519 : vector<16xf32>
          %swap3A_1521 = arith.index_cast %add3A_1451 : i32 to index
          %swap3A_1522 = arith.constant 80 : index
          %swap3A_1523 = tpu.vector_load %arg14[%swap3A_1521, %swap3A_1522] {strides = array<i32>} : memref<128x128xf32, #tpu.memory_space<vmem>>, vector<16xf32>,
          tpu.vector_store %arg14[%swap3A_1521, %swap3A_1522], %mul3A_1520 {strides = array<i32>} : memref<128x128xf32, #tpu.memory_space<vmem>>, vector<16xf32>,
          %get3A_1524 = arith.index_cast %add3A_1451 : i32 to index
          %get3A_1525 = arith.constant 96 : index
          %get3A_1526 = tpu.vector_load %arg14[%get3A_1524, %get3A_1525] {strides = array<i32>} : memref<128x128xf32, #tpu.memory_space<vmem>>, vector<16xf32>,
          %get3A_1527 = arith.index_cast %add3A_1451 : i32 to index
          %get3A_1528 = arith.constant 96 : index
          %get3A_1529 = tpu.vector_load %arg15[%get3A_1527, %get3A_1528] {strides = array<i32>} : memref<128x128xf32, #tpu.memory_space<vmem>>, vector<16xf32>,
          %add3A_1530 = arith.addf %get3A_1526, %get3A_1529 : vector<16xf32>
          %mul3A_1531 = vector.broadcast %squeeze3A_1447 : f32 to vector<16xf32>
          %mul3A_1532 = arith.mulf %add3A_1530, %mul3A_1531 : vector<16xf32>
          %swap3A_1533 = arith.index_cast %add3A_1451 : i32 to index
          %swap3A_1534 = arith.constant 96 : index
          %swap3A_1535 = tpu.vector_load %arg14[%swap3A_1533, %swap3A_1534] {strides = array<i32>} : memref<128x128xf32, #tpu.memory_space<vmem>>, vector<16xf32>,
          tpu.vector_store %arg14[%swap3A_1533, %swap3A_1534], %mul3A_1532 {strides = array<i32>} : memref<128x128xf32, #tpu.memory_space<vmem>>, vector<16xf32>,
          %get3A_1536 = arith.index_cast %add3A_1451 : i32 to index
          %get3A_1537 = arith.constant 112 : index
          %get3A_1538 = tpu.vector_load %arg14[%get3A_1536, %get3A_1537] {strides = array<i32>} : memref<128x128xf32, #tpu.memory_space<vmem>>, vector<16xf32>,
          %get3A_1539 = arith.index_cast %add3A_1451 : i32 to index
          %get3A_1540 = arith.constant 112 : index
          %get3A_1541 = tpu.vector_load %arg15[%get3A_1539, %get3A_1540] {strides = array<i32>} : memref<128x128xf32, #tpu.memory_space<vmem>>, vector<16xf32>,
          %add3A_1542 = arith.addf %get3A_1538, %get3A_1541 : vector<16xf32>
          %mul3A_1543 = vector.broadcast %squeeze3A_1447 : f32 to vector<16xf32>
          %mul3A_1544 = arith.mulf %add3A_1542, %mul3A_1543 : vector<16xf32>
          %swap3A_1545 = arith.index_cast %add3A_1451 : i32 to index
          %swap3A_1546 = arith.constant 112 : index
          %swap3A_1547 = tpu.vector_load %arg14[%swap3A_1545, %swap3A_1546] {strides = array<i32>} : memref<128x128xf32, #tpu.memory_space<vmem>>, vector<16xf32>,
          tpu.vector_store %arg14[%swap3A_1545, %swap3A_1546], %mul3A_1544 {strides = array<i32>} : memref<128x128xf32, #tpu.memory_space<vmem>>, vector<16xf32>,
          %slice3A_1548 = vector.extract_strided_slice %get3A_122 {offsets = [14], sizes = [1], strides = [1]} : vector<16xf32> to vector<1xf32>
          %squeeze3A_1549 = vector.extract %slice3A_1548[0] : f32 from vector<1xf32>
          %mul3A_1550 = arith.constant 16 : i32
          %mul3A_1551 = arith.muli %scan3A_118, %mul3A_1550 : i32
          %add3A_1552 = arith.constant 14 : i32
          %add3A_1553 = arith.addi %mul3A_1551, %add3A_1552 : i32
          %get3A_1554 = arith.index_cast %add3A_1553 : i32 to index
          %get3A_1555 = arith.constant 0 : index
          %get3A_1556 = tpu.vector_load %arg14[%get3A_1554, %get3A_1555] {strides = array<i32>} : memref<128x128xf32, #tpu.memory_space<vmem>>, vector<16xf32>,
          %get3A_1557 = arith.index_cast %add3A_1553 : i32 to index
          %get3A_1558 = arith.constant 0 : index
          %get3A_1559 = tpu.vector_load %arg15[%get3A_1557, %get3A_1558] {strides = array<i32>} : memref<128x128xf32, #tpu.memory_space<vmem>>, vector<16xf32>,
          %add3A_1560 = arith.addf %get3A_1556, %get3A_1559 : vector<16xf32>
          %mul3A_1561 = vector.broadcast %squeeze3A_1549 : f32 to vector<16xf32>
          %mul3A_1562 = arith.mulf %add3A_1560, %mul3A_1561 : vector<16xf32>
          %swap3A_1563 = arith.index_cast %add3A_1553 : i32 to index
          %swap3A_1564 = arith.constant 0 : index
          %swap3A_1565 = tpu.vector_load %arg14[%swap3A_1563, %swap3A_1564] {strides = array<i32>} : memref<128x128xf32, #tpu.memory_space<vmem>>, vector<16xf32>,
          tpu.vector_store %arg14[%swap3A_1563, %swap3A_1564], %mul3A_1562 {strides = array<i32>} : memref<128x128xf32, #tpu.memory_space<vmem>>, vector<16xf32>,
          %get3A_1566 = arith.index_cast %add3A_1553 : i32 to index
          %get3A_1567 = arith.constant 16 : index
          %get3A_1568 = tpu.vector_load %arg14[%get3A_1566, %get3A_1567] {strides = array<i32>} : memref<128x128xf32, #tpu.memory_space<vmem>>, vector<16xf32>,
          %get3A_1569 = arith.index_cast %add3A_1553 : i32 to index
          %get3A_1570 = arith.constant 16 : index
          %get3A_1571 = tpu.vector_load %arg15[%get3A_1569, %get3A_1570] {strides = array<i32>} : memref<128x128xf32, #tpu.memory_space<vmem>>, vector<16xf32>,
          %add3A_1572 = arith.addf %get3A_1568, %get3A_1571 : vector<16xf32>
          %mul3A_1573 = vector.broadcast %squeeze3A_1549 : f32 to vector<16xf32>
          %mul3A_1574 = arith.mulf %add3A_1572, %mul3A_1573 : vector<16xf32>
          %swap3A_1575 = arith.index_cast %add3A_1553 : i32 to index
          %swap3A_1576 = arith.constant 16 : index
          %swap3A_1577 = tpu.vector_load %arg14[%swap3A_1575, %swap3A_1576] {strides = array<i32>} : memref<128x128xf32, #tpu.memory_space<vmem>>, vector<16xf32>,
          tpu.vector_store %arg14[%swap3A_1575, %swap3A_1576], %mul3A_1574 {strides = array<i32>} : memref<128x128xf32, #tpu.memory_space<vmem>>, vector<16xf32>,
          %get3A_1578 = arith.index_cast %add3A_1553 : i32 to index
          %get3A_1579 = arith.constant 32 : index
          %get3A_1580 = tpu.vector_load %arg14[%get3A_1578, %get3A_1579] {strides = array<i32>} : memref<128x128xf32, #tpu.memory_space<vmem>>, vector<16xf32>,
          %get3A_1581 = arith.index_cast %add3A_1553 : i32 to index
          %get3A_1582 = arith.constant 32 : index
          %get3A_1583 = tpu.vector_load %arg15[%get3A_1581, %get3A_1582] {strides = array<i32>} : memref<128x128xf32, #tpu.memory_space<vmem>>, vector<16xf32>,
          %add3A_1584 = arith.addf %get3A_1580, %get3A_1583 : vector<16xf32>
          %mul3A_1585 = vector.broadcast %squeeze3A_1549 : f32 to vector<16xf32>
          %mul3A_1586 = arith.mulf %add3A_1584, %mul3A_1585 : vector<16xf32>
          %swap3A_1587 = arith.index_cast %add3A_1553 : i32 to index
          %swap3A_1588 = arith.constant 32 : index
          %swap3A_1589 = tpu.vector_load %arg14[%swap3A_1587, %swap3A_1588] {strides = array<i32>} : memref<128x128xf32, #tpu.memory_space<vmem>>, vector<16xf32>,
          tpu.vector_store %arg14[%swap3A_1587, %swap3A_1588], %mul3A_1586 {strides = array<i32>} : memref<128x128xf32, #tpu.memory_space<vmem>>, vector<16xf32>,
          %get3A_1590 = arith.index_cast %add3A_1553 : i32 to index
          %get3A_1591 = arith.constant 48 : index
          %get3A_1592 = tpu.vector_load %arg14[%get3A_1590, %get3A_1591] {strides = array<i32>} : memref<128x128xf32, #tpu.memory_space<vmem>>, vector<16xf32>,
          %get3A_1593 = arith.index_cast %add3A_1553 : i32 to index
          %get3A_1594 = arith.constant 48 : index
          %get3A_1595 = tpu.vector_load %arg15[%get3A_1593, %get3A_1594] {strides = array<i32>} : memref<128x128xf32, #tpu.memory_space<vmem>>, vector<16xf32>,
          %add3A_1596 = arith.addf %get3A_1592, %get3A_1595 : vector<16xf32>
          %mul3A_1597 = vector.broadcast %squeeze3A_1549 : f32 to vector<16xf32>
          %mul3A_1598 = arith.mulf %add3A_1596, %mul3A_1597 : vector<16xf32>
          %swap3A_1599 = arith.index_cast %add3A_1553 : i32 to index
          %swap3A_1600 = arith.constant 48 : index
          %swap3A_1601 = tpu.vector_load %arg14[%swap3A_1599, %swap3A_1600] {strides = array<i32>} : memref<128x128xf32, #tpu.memory_space<vmem>>, vector<16xf32>,
          tpu.vector_store %arg14[%swap3A_1599, %swap3A_1600], %mul3A_1598 {strides = array<i32>} : memref<128x128xf32, #tpu.memory_space<vmem>>, vector<16xf32>,
          %get3A_1602 = arith.index_cast %add3A_1553 : i32 to index
          %get3A_1603 = arith.constant 64 : index
          %get3A_1604 = tpu.vector_load %arg14[%get3A_1602, %get3A_1603] {strides = array<i32>} : memref<128x128xf32, #tpu.memory_space<vmem>>, vector<16xf32>,
          %get3A_1605 = arith.index_cast %add3A_1553 : i32 to index
          %get3A_1606 = arith.constant 64 : index
          %get3A_1607 = tpu.vector_load %arg15[%get3A_1605, %get3A_1606] {strides = array<i32>} : memref<128x128xf32, #tpu.memory_space<vmem>>, vector<16xf32>,
          %add3A_1608 = arith.addf %get3A_1604, %get3A_1607 : vector<16xf32>
          %mul3A_1609 = vector.broadcast %squeeze3A_1549 : f32 to vector<16xf32>
          %mul3A_1610 = arith.mulf %add3A_1608, %mul3A_1609 : vector<16xf32>
          %swap3A_1611 = arith.index_cast %add3A_1553 : i32 to index
          %swap3A_1612 = arith.constant 64 : index
          %swap3A_1613 = tpu.vector_load %arg14[%swap3A_1611, %swap3A_1612] {strides = array<i32>} : memref<128x128xf32, #tpu.memory_space<vmem>>, vector<16xf32>,
          tpu.vector_store %arg14[%swap3A_1611, %swap3A_1612], %mul3A_1610 {strides = array<i32>} : memref<128x128xf32, #tpu.memory_space<vmem>>, vector<16xf32>,
          %get3A_1614 = arith.index_cast %add3A_1553 : i32 to index
          %get3A_1615 = arith.constant 80 : index
          %get3A_1616 = tpu.vector_load %arg14[%get3A_1614, %get3A_1615] {strides = array<i32>} : memref<128x128xf32, #tpu.memory_space<vmem>>, vector<16xf32>,
          %get3A_1617 = arith.index_cast %add3A_1553 : i32 to index
          %get3A_1618 = arith.constant 80 : index
          %get3A_1619 = tpu.vector_load %arg15[%get3A_1617, %get3A_1618] {strides = array<i32>} : memref<128x128xf32, #tpu.memory_space<vmem>>, vector<16xf32>,
          %add3A_1620 = arith.addf %get3A_1616, %get3A_1619 : vector<16xf32>
          %mul3A_1621 = vector.broadcast %squeeze3A_1549 : f32 to vector<16xf32>
          %mul3A_1622 = arith.mulf %add3A_1620, %mul3A_1621 : vector<16xf32>
          %swap3A_1623 = arith.index_cast %add3A_1553 : i32 to index
          %swap3A_1624 = arith.constant 80 : index
          %swap3A_1625 = tpu.vector_load %arg14[%swap3A_1623, %swap3A_1624] {strides = array<i32>} : memref<128x128xf32, #tpu.memory_space<vmem>>, vector<16xf32>,
          tpu.vector_store %arg14[%swap3A_1623, %swap3A_1624], %mul3A_1622 {strides = array<i32>} : memref<128x128xf32, #tpu.memory_space<vmem>>, vector<16xf32>,
          %get3A_1626 = arith.index_cast %add3A_1553 : i32 to index
          %get3A_1627 = arith.constant 96 : index
          %get3A_1628 = tpu.vector_load %arg14[%get3A_1626, %get3A_1627] {strides = array<i32>} : memref<128x128xf32, #tpu.memory_space<vmem>>, vector<16xf32>,
          %get3A_1629 = arith.index_cast %add3A_1553 : i32 to index
          %get3A_1630 = arith.constant 96 : index
          %get3A_1631 = tpu.vector_load %arg15[%get3A_1629, %get3A_1630] {strides = array<i32>} : memref<128x128xf32, #tpu.memory_space<vmem>>, vector<16xf32>,
          %add3A_1632 = arith.addf %get3A_1628, %get3A_1631 : vector<16xf32>
          %mul3A_1633 = vector.broadcast %squeeze3A_1549 : f32 to vector<16xf32>
          %mul3A_1634 = arith.mulf %add3A_1632, %mul3A_1633 : vector<16xf32>
          %swap3A_1635 = arith.index_cast %add3A_1553 : i32 to index
          %swap3A_1636 = arith.constant 96 : index
          %swap3A_1637 = tpu.vector_load %arg14[%swap3A_1635, %swap3A_1636] {strides = array<i32>} : memref<128x128xf32, #tpu.memory_space<vmem>>, vector<16xf32>,
          tpu.vector_store %arg14[%swap3A_1635, %swap3A_1636], %mul3A_1634 {strides = array<i32>} : memref<128x128xf32, #tpu.memory_space<vmem>>, vector<16xf32>,
          %get3A_1638 = arith.index_cast %add3A_1553 : i32 to index
          %get3A_1639 = arith.constant 112 : index
          %get3A_1640 = tpu.vector_load %arg14[%get3A_1638, %get3A_1639] {strides = array<i32>} : memref<128x128xf32, #tpu.memory_space<vmem>>, vector<16xf32>,
          %get3A_1641 = arith.index_cast %add3A_1553 : i32 to index
          %get3A_1642 = arith.constant 112 : index
          %get3A_1643 = tpu.vector_load %arg15[%get3A_1641, %get3A_1642] {strides = array<i32>} : memref<128x128xf32, #tpu.memory_space<vmem>>, vector<16xf32>,
          %add3A_1644 = arith.addf %get3A_1640, %get3A_1643 : vector<16xf32>
          %mul3A_1645 = vector.broadcast %squeeze3A_1549 : f32 to vector<16xf32>
          %mul3A_1646 = arith.mulf %add3A_1644, %mul3A_1645 : vector<16xf32>
          %swap3A_1647 = arith.index_cast %add3A_1553 : i32 to index
          %swap3A_1648 = arith.constant 112 : index
          %swap3A_1649 = tpu.vector_load %arg14[%swap3A_1647, %swap3A_1648] {strides = array<i32>} : memref<128x128xf32, #tpu.memory_space<vmem>>, vector<16xf32>,
          tpu.vector_store %arg14[%swap3A_1647, %swap3A_1648], %mul3A_1646 {strides = array<i32>} : memref<128x128xf32, #tpu.memory_space<vmem>>, vector<16xf32>,
          %slice3A_1650 = vector.extract_strided_slice %get3A_122 {offsets = [15], sizes = [1], strides = [1]} : vector<16xf32> to vector<1xf32>
          %squeeze3A_1651 = vector.extract %slice3A_1650[0] : f32 from vector<1xf32>
          %mul3A_1652 = arith.constant 16 : i32
          %mul3A_1653 = arith.muli %scan3A_118, %mul3A_1652 : i32
          %add3A_1654 = arith.constant 15 : i32
          %add3A_1655 = arith.addi %mul3A_1653, %add3A_1654 : i32
          %get3A_1656 = arith.index_cast %add3A_1655 : i32 to index
          %get3A_1657 = arith.constant 0 : index
          %get3A_1658 = tpu.vector_load %arg14[%get3A_1656, %get3A_1657] {strides = array<i32>} : memref<128x128xf32, #tpu.memory_space<vmem>>, vector<16xf32>,
          %get3A_1659 = arith.index_cast %add3A_1655 : i32 to index
          %get3A_1660 = arith.constant 0 : index
          %get3A_1661 = tpu.vector_load %arg15[%get3A_1659, %get3A_1660] {strides = array<i32>} : memref<128x128xf32, #tpu.memory_space<vmem>>, vector<16xf32>,
          %add3A_1662 = arith.addf %get3A_1658, %get3A_1661 : vector<16xf32>
          %mul3A_1663 = vector.broadcast %squeeze3A_1651 : f32 to vector<16xf32>
          %mul3A_1664 = arith.mulf %add3A_1662, %mul3A_1663 : vector<16xf32>
          %swap3A_1665 = arith.index_cast %add3A_1655 : i32 to index
          %swap3A_1666 = arith.constant 0 : index
          %swap3A_1667 = tpu.vector_load %arg14[%swap3A_1665, %swap3A_1666] {strides = array<i32>} : memref<128x128xf32, #tpu.memory_space<vmem>>, vector<16xf32>,
          tpu.vector_store %arg14[%swap3A_1665, %swap3A_1666], %mul3A_1664 {strides = array<i32>} : memref<128x128xf32, #tpu.memory_space<vmem>>, vector<16xf32>,
          %get3A_1668 = arith.index_cast %add3A_1655 : i32 to index
          %get3A_1669 = arith.constant 16 : index
          %get3A_1670 = tpu.vector_load %arg14[%get3A_1668, %get3A_1669] {strides = array<i32>} : memref<128x128xf32, #tpu.memory_space<vmem>>, vector<16xf32>,
          %get3A_1671 = arith.index_cast %add3A_1655 : i32 to index
          %get3A_1672 = arith.constant 16 : index
          %get3A_1673 = tpu.vector_load %arg15[%get3A_1671, %get3A_1672] {strides = array<i32>} : memref<128x128xf32, #tpu.memory_space<vmem>>, vector<16xf32>,
          %add3A_1674 = arith.addf %get3A_1670, %get3A_1673 : vector<16xf32>
          %mul3A_1675 = vector.broadcast %squeeze3A_1651 : f32 to vector<16xf32>
          %mul3A_1676 = arith.mulf %add3A_1674, %mul3A_1675 : vector<16xf32>
          %swap3A_1677 = arith.index_cast %add3A_1655 : i32 to index
          %swap3A_1678 = arith.constant 16 : index
          %swap3A_1679 = tpu.vector_load %arg14[%swap3A_1677, %swap3A_1678] {strides = array<i32>} : memref<128x128xf32, #tpu.memory_space<vmem>>, vector<16xf32>,
          tpu.vector_store %arg14[%swap3A_1677, %swap3A_1678], %mul3A_1676 {strides = array<i32>} : memref<128x128xf32, #tpu.memory_space<vmem>>, vector<16xf32>,
          %get3A_1680 = arith.index_cast %add3A_1655 : i32 to index
          %get3A_1681 = arith.constant 32 : index
          %get3A_1682 = tpu.vector_load %arg14[%get3A_1680, %get3A_1681] {strides = array<i32>} : memref<128x128xf32, #tpu.memory_space<vmem>>, vector<16xf32>,
          %get3A_1683 = arith.index_cast %add3A_1655 : i32 to index
          %get3A_1684 = arith.constant 32 : index
          %get3A_1685 = tpu.vector_load %arg15[%get3A_1683, %get3A_1684] {strides = array<i32>} : memref<128x128xf32, #tpu.memory_space<vmem>>, vector<16xf32>,
          %add3A_1686 = arith.addf %get3A_1682, %get3A_1685 : vector<16xf32>
          %mul3A_1687 = vector.broadcast %squeeze3A_1651 : f32 to vector<16xf32>
          %mul3A_1688 = arith.mulf %add3A_1686, %mul3A_1687 : vector<16xf32>
          %swap3A_1689 = arith.index_cast %add3A_1655 : i32 to index
          %swap3A_1690 = arith.constant 32 : index
          %swap3A_1691 = tpu.vector_load %arg14[%swap3A_1689, %swap3A_1690] {strides = array<i32>} : memref<128x128xf32, #tpu.memory_space<vmem>>, vector<16xf32>,
          tpu.vector_store %arg14[%swap3A_1689, %swap3A_1690], %mul3A_1688 {strides = array<i32>} : memref<128x128xf32, #tpu.memory_space<vmem>>, vector<16xf32>,
          %get3A_1692 = arith.index_cast %add3A_1655 : i32 to index
          %get3A_1693 = arith.constant 48 : index
          %get3A_1694 = tpu.vector_load %arg14[%get3A_1692, %get3A_1693] {strides = array<i32>} : memref<128x128xf32, #tpu.memory_space<vmem>>, vector<16xf32>,
          %get3A_1695 = arith.index_cast %add3A_1655 : i32 to index
          %get3A_1696 = arith.constant 48 : index
          %get3A_1697 = tpu.vector_load %arg15[%get3A_1695, %get3A_1696] {strides = array<i32>} : memref<128x128xf32, #tpu.memory_space<vmem>>, vector<16xf32>,
          %add3A_1698 = arith.addf %get3A_1694, %get3A_1697 : vector<16xf32>
          %mul3A_1699 = vector.broadcast %squeeze3A_1651 : f32 to vector<16xf32>
          %mul3A_1700 = arith.mulf %add3A_1698, %mul3A_1699 : vector<16xf32>
          %swap3A_1701 = arith.index_cast %add3A_1655 : i32 to index
          %swap3A_1702 = arith.constant 48 : index
          %swap3A_1703 = tpu.vector_load %arg14[%swap3A_1701, %swap3A_1702] {strides = array<i32>} : memref<128x128xf32, #tpu.memory_space<vmem>>, vector<16xf32>,
          tpu.vector_store %arg14[%swap3A_1701, %swap3A_1702], %mul3A_1700 {strides = array<i32>} : memref<128x128xf32, #tpu.memory_space<vmem>>, vector<16xf32>,
          %get3A_1704 = arith.index_cast %add3A_1655 : i32 to index
          %get3A_1705 = arith.constant 64 : index
          %get3A_1706 = tpu.vector_load %arg14[%get3A_1704, %get3A_1705] {strides = array<i32>} : memref<128x128xf32, #tpu.memory_space<vmem>>, vector<16xf32>,
          %get3A_1707 = arith.index_cast %add3A_1655 : i32 to index
          %get3A_1708 = arith.constant 64 : index
          %get3A_1709 = tpu.vector_load %arg15[%get3A_1707, %get3A_1708] {strides = array<i32>} : memref<128x128xf32, #tpu.memory_space<vmem>>, vector<16xf32>,
          %add3A_1710 = arith.addf %get3A_1706, %get3A_1709 : vector<16xf32>
          %mul3A_1711 = vector.broadcast %squeeze3A_1651 : f32 to vector<16xf32>
          %mul3A_1712 = arith.mulf %add3A_1710, %mul3A_1711 : vector<16xf32>
          %swap3A_1713 = arith.index_cast %add3A_1655 : i32 to index
          %swap3A_1714 = arith.constant 64 : index
          %swap3A_1715 = tpu.vector_load %arg14[%swap3A_1713, %swap3A_1714] {strides = array<i32>} : memref<128x128xf32, #tpu.memory_space<vmem>>, vector<16xf32>,
          tpu.vector_store %arg14[%swap3A_1713, %swap3A_1714], %mul3A_1712 {strides = array<i32>} : memref<128x128xf32, #tpu.memory_space<vmem>>, vector<16xf32>,
          %get3A_1716 = arith.index_cast %add3A_1655 : i32 to index
          %get3A_1717 = arith.constant 80 : index
          %get3A_1718 = tpu.vector_load %arg14[%get3A_1716, %get3A_1717] {strides = array<i32>} : memref<128x128xf32, #tpu.memory_space<vmem>>, vector<16xf32>,
          %get3A_1719 = arith.index_cast %add3A_1655 : i32 to index
          %get3A_1720 = arith.constant 80 : index
          %get3A_1721 = tpu.vector_load %arg15[%get3A_1719, %get3A_1720] {strides = array<i32>} : memref<128x128xf32, #tpu.memory_space<vmem>>, vector<16xf32>,
          %add3A_1722 = arith.addf %get3A_1718, %get3A_1721 : vector<16xf32>
          %mul3A_1723 = vector.broadcast %squeeze3A_1651 : f32 to vector<16xf32>
          %mul3A_1724 = arith.mulf %add3A_1722, %mul3A_1723 : vector<16xf32>
          %swap3A_1725 = arith.index_cast %add3A_1655 : i32 to index
          %swap3A_1726 = arith.constant 80 : index
          %swap3A_1727 = tpu.vector_load %arg14[%swap3A_1725, %swap3A_1726] {strides = array<i32>} : memref<128x128xf32, #tpu.memory_space<vmem>>, vector<16xf32>,
          tpu.vector_store %arg14[%swap3A_1725, %swap3A_1726], %mul3A_1724 {strides = array<i32>} : memref<128x128xf32, #tpu.memory_space<vmem>>, vector<16xf32>,
          %get3A_1728 = arith.index_cast %add3A_1655 : i32 to index
          %get3A_1729 = arith.constant 96 : index
          %get3A_1730 = tpu.vector_load %arg14[%get3A_1728, %get3A_1729] {strides = array<i32>} : memref<128x128xf32, #tpu.memory_space<vmem>>, vector<16xf32>,
          %get3A_1731 = arith.index_cast %add3A_1655 : i32 to index
          %get3A_1732 = arith.constant 96 : index
          %get3A_1733 = tpu.vector_load %arg15[%get3A_1731, %get3A_1732] {strides = array<i32>} : memref<128x128xf32, #tpu.memory_space<vmem>>, vector<16xf32>,
          %add3A_1734 = arith.addf %get3A_1730, %get3A_1733 : vector<16xf32>
          %mul3A_1735 = vector.broadcast %squeeze3A_1651 : f32 to vector<16xf32>
          %mul3A_1736 = arith.mulf %add3A_1734, %mul3A_1735 : vector<16xf32>
          %swap3A_1737 = arith.index_cast %add3A_1655 : i32 to index
          %swap3A_1738 = arith.constant 96 : index
          %swap3A_1739 = tpu.vector_load %arg14[%swap3A_1737, %swap3A_1738] {strides = array<i32>} : memref<128x128xf32, #tpu.memory_space<vmem>>, vector<16xf32>,
          tpu.vector_store %arg14[%swap3A_1737, %swap3A_1738], %mul3A_1736 {strides = array<i32>} : memref<128x128xf32, #tpu.memory_space<vmem>>, vector<16xf32>,
          %get3A_1740 = arith.index_cast %add3A_1655 : i32 to index
          %get3A_1741 = arith.constant 112 : index
          %get3A_1742 = tpu.vector_load %arg14[%get3A_1740, %get3A_1741] {strides = array<i32>} : memref<128x128xf32, #tpu.memory_space<vmem>>, vector<16xf32>,
          %get3A_1743 = arith.index_cast %add3A_1655 : i32 to index
          %get3A_1744 = arith.constant 112 : index
          %get3A_1745 = tpu.vector_load %arg15[%get3A_1743, %get3A_1744] {strides = array<i32>} : memref<128x128xf32, #tpu.memory_space<vmem>>, vector<16xf32>,
          %add3A_1746 = arith.addf %get3A_1742, %get3A_1745 : vector<16xf32>
          %mul3A_1747 = vector.broadcast %squeeze3A_1651 : f32 to vector<16xf32>
          %mul3A_1748 = arith.mulf %add3A_1746, %mul3A_1747 : vector<16xf32>
          %swap3A_1749 = arith.index_cast %add3A_1655 : i32 to index
          %swap3A_1750 = arith.constant 112 : index
          %swap3A_1751 = tpu.vector_load %arg14[%swap3A_1749, %swap3A_1750] {strides = array<i32>} : memref<128x128xf32, #tpu.memory_space<vmem>>, vector<16xf32>,
          tpu.vector_store %arg14[%swap3A_1749, %swap3A_1750], %mul3A_1748 {strides = array<i32>} : memref<128x128xf32, #tpu.memory_space<vmem>>, vector<16xf32>,
          %scan3A_1752 = arith.constant 0 : i32
          scf.yield %scan3A_1752 : i32
        }
        %scan3A_115 = arith.constant 8 : i32
        %dma_wait3A_116 = tpu.memref_slice %arg3[%mul3A_92] : memref<160000xi32, #tpu.memory_space<hbm>> -> memref<128xi32, #tpu.memory_space<hbm>>
        %dma_wait3A_117 = tpu.memref_slice %arg3[%mul3A_92] : memref<160000xi32, #tpu.memory_space<hbm>> -> memref<128xi32, #tpu.memory_space<hbm>>
        tpu.wait_dma2 semaphore(%arg18 : memref<!tpu.dma_semaphore, #tpu.memory_space<semaphore_mem>>) src(%dma_wait3A_117 : memref<128xi32, #tpu.memory_space<hbm>>) dst(%arg13 : memref<128xi32, #tpu.memory_space<vmem>>)
        "tpu.region"() ({
          %run_scoped3A = tpu.sem_alloc : memref<!tpu.dma_semaphore, #tpu.memory_space<semaphore_mem>>
          %dma_start3A_118 = arith.constant 0 : i32
          %dma_start3A_119 = arith.constant 0 : i32
          %dma_start3A_120 = tpu.memref_slice %arg11[%dma_start3A_118, %dma_start3A_119] : memref<10240x128xf32, #tpu.memory_space<vmem_shared>> -> memref<10240x128xf32, #tpu.memory_space<vmem_shared>>
          tpu.enqueue_indirect_dma source(%arg14 : memref<128x128xf32, #tpu.memory_space<vmem>>) target(%dma_start3A_120 : memref<10240x128xf32, #tpu.memory_space<vmem_shared>>) offsets(%arg13 : memref<128xi32, #tpu.memory_space<vmem>>) semaphore(%run_scoped3A : memref<!tpu.dma_semaphore, #tpu.memory_space<semaphore_mem>>) {add = true}
          %dma_wait3A_121 = arith.constant 0 : i32
          %dma_wait3A_122 = arith.constant 0 : i32
          %dma_wait3A_123 = tpu.memref_slice %arg11[%dma_wait3A_121, %dma_wait3A_122] : memref<10240x128xf32, #tpu.memory_space<vmem_shared>> -> memref<10240x128xf32, #tpu.memory_space<vmem_shared>>
          tpu.wait_indirect_dma semaphore(%run_scoped3A : memref<!tpu.dma_semaphore, #tpu.memory_space<semaphore_mem>>) src(%arg14 : memref<128x128xf32, #tpu.memory_space<vmem>>) dst(%dma_wait3A_123 : memref<10240x128xf32, #tpu.memory_space<vmem_shared>>)
          tpu.yield
        }) : () -> ()
      } else {
      }
      %scan3A_90 = arith.constant 0 : i32
      scf.yield %scan3A_90 : i32
    }
    %scan3A_22 = arith.constant 79 : i32
    %barrier3A_23 = arith.constant 0 : index
    tpu.barrier barrier_id(%barrier3A_23)
    %add3A_24 = arith.constant 0 : i32
    %add3A_25 = arith.addi %mul3A_0, %add3A_24 : i32
    "tpu.region"() ({
      %run_scoped3A = tpu.sem_alloc : memref<!tpu.dma_semaphore, #tpu.memory_space<semaphore_mem>>
      %dma_start3A = arith.constant 0 : i32
      %dma_start3A_81 = tpu.memref_slice %arg11[%add3A_25, %dma_start3A] : memref<10240x128xf32, #tpu.memory_space<vmem_shared>> -> memref<128x128xf32, #tpu.memory_space<vmem_shared>>
      %dma_start3A_82 = arith.constant 0 : i32
      %dma_start3A_83 = tpu.memref_slice %arg11[%add3A_25, %dma_start3A_82] : memref<10240x128xf32, #tpu.memory_space<vmem_shared>> -> memref<128x128xf32, #tpu.memory_space<vmem_shared>>
      tpu.enqueue_dma source(%dma_start3A_83 : memref<128x128xf32, #tpu.memory_space<vmem_shared>>) target(%arg14 : memref<128x128xf32, #tpu.memory_space<vmem>>) target_semaphore(%run_scoped3A : memref<!tpu.dma_semaphore, #tpu.memory_space<semaphore_mem>>)
      %dma_wait3A = arith.constant 0 : i32
      %dma_wait3A_84 = tpu.memref_slice %arg11[%add3A_25, %dma_wait3A] : memref<10240x128xf32, #tpu.memory_space<vmem_shared>> -> memref<128x128xf32, #tpu.memory_space<vmem_shared>>
      %dma_wait3A_85 = arith.constant 0 : i32
      %dma_wait3A_86 = tpu.memref_slice %arg11[%add3A_25, %dma_wait3A_85] : memref<10240x128xf32, #tpu.memory_space<vmem_shared>> -> memref<128x128xf32, #tpu.memory_space<vmem_shared>>
      tpu.wait_dma2 semaphore(%run_scoped3A : memref<!tpu.dma_semaphore, #tpu.memory_space<semaphore_mem>>) src(%dma_wait3A_86 : memref<128x128xf32, #tpu.memory_space<vmem_shared>>) dst(%arg14 : memref<128x128xf32, #tpu.memory_space<vmem>>)
      tpu.yield
    }) : () -> ()
    %eq3A = arith.constant 0 : i32
    %eq3A_26 = arith.cmpi eq, %arg0, %eq3A : i32
    %convert_element_type3A = arith.extui %eq3A_26 : i1 to i32
    %cond3A = arith.constant 0 : i32
    %cond3A_27 = arith.cmpi ne, %convert_element_type3A, %cond3A : i32
    scf.if %cond3A_27 {
      "tpu.region"() ({
        %run_scoped3A = tpu.sem_alloc : memref<!tpu.dma_semaphore, #tpu.memory_space<semaphore_mem>>
        %dma_start3A = arith.constant 0 : i32
        %dma_start3A_81 = tpu.memref_slice %arg9[%add3A_25, %dma_start3A] : memref<10240x128xf32, #tpu.memory_space<hbm>> -> memref<128x128xf32, #tpu.memory_space<hbm>>
        %dma_start3A_82 = arith.constant 0 : i32
        %dma_start3A_83 = tpu.memref_slice %arg9[%add3A_25, %dma_start3A_82] : memref<10240x128xf32, #tpu.memory_space<hbm>> -> memref<128x128xf32, #tpu.memory_space<hbm>>
        tpu.enqueue_dma source(%arg14 : memref<128x128xf32, #tpu.memory_space<vmem>>) target(%dma_start3A_83 : memref<128x128xf32, #tpu.memory_space<hbm>>) target_semaphore(%run_scoped3A : memref<!tpu.dma_semaphore, #tpu.memory_space<semaphore_mem>>)
        %dma_wait3A = arith.constant 0 : i32
        %dma_wait3A_84 = tpu.memref_slice %arg9[%add3A_25, %dma_wait3A] : memref<10240x128xf32, #tpu.memory_space<hbm>> -> memref<128x128xf32, #tpu.memory_space<hbm>>
        %dma_wait3A_85 = arith.constant 0 : i32
        %dma_wait3A_86 = tpu.memref_slice %arg9[%add3A_25, %dma_wait3A_85] : memref<10240x128xf32, #tpu.memory_space<hbm>> -> memref<128x128xf32, #tpu.memory_space<hbm>>
        tpu.wait_dma2 semaphore(%run_scoped3A : memref<!tpu.dma_semaphore, #tpu.memory_space<semaphore_mem>>) src(%arg14 : memref<128x128xf32, #tpu.memory_space<vmem>>) dst(%dma_wait3A_86 : memref<128x128xf32, #tpu.memory_space<hbm>>)
        tpu.yield
      }) : () -> ()
    } else {
    }
    %eq3A_28 = arith.constant 1 : i32
    %eq3A_29 = arith.cmpi eq, %arg0, %eq3A_28 : i32
    %convert_element_type3A_30 = arith.extui %eq3A_29 : i1 to i32
    %cond3A_31 = arith.constant 0 : i32
    %cond3A_32 = arith.cmpi ne, %convert_element_type3A_30, %cond3A_31 : i32
    scf.if %cond3A_32 {
      "tpu.region"() ({
        %run_scoped3A = tpu.sem_alloc : memref<!tpu.dma_semaphore, #tpu.memory_space<semaphore_mem>>
        %dma_start3A = arith.constant 0 : i32
        %dma_start3A_81 = tpu.memref_slice %arg10[%add3A_25, %dma_start3A] : memref<10240x128xf32, #tpu.memory_space<hbm>> -> memref<128x128xf32, #tpu.memory_space<hbm>>
        %dma_start3A_82 = arith.constant 0 : i32
        %dma_start3A_83 = tpu.memref_slice %arg10[%add3A_25, %dma_start3A_82] : memref<10240x128xf32, #tpu.memory_space<hbm>> -> memref<128x128xf32, #tpu.memory_space<hbm>>
        tpu.enqueue_dma source(%arg14 : memref<128x128xf32, #tpu.memory_space<vmem>>) target(%dma_start3A_83 : memref<128x128xf32, #tpu.memory_space<hbm>>) target_semaphore(%run_scoped3A : memref<!tpu.dma_semaphore, #tpu.memory_space<semaphore_mem>>)
        %dma_wait3A = arith.constant 0 : i32
        %dma_wait3A_84 = tpu.memref_slice %arg10[%add3A_25, %dma_wait3A] : memref<10240x128xf32, #tpu.memory_space<hbm>> -> memref<128x128xf32, #tpu.memory_space<hbm>>
        %dma_wait3A_85 = arith.constant 0 : i32
        %dma_wait3A_86 = tpu.memref_slice %arg10[%add3A_25, %dma_wait3A_85] : memref<10240x128xf32, #tpu.memory_space<hbm>> -> memref<128x128xf32, #tpu.memory_space<hbm>>
        tpu.wait_dma2 semaphore(%run_scoped3A : memref<!tpu.dma_semaphore, #tpu.memory_space<semaphore_mem>>) src(%arg14 : memref<128x128xf32, #tpu.memory_space<vmem>>) dst(%dma_wait3A_86 : memref<128x128xf32, #tpu.memory_space<hbm>>)
        tpu.yield
      }) : () -> ()
    } else {
    }
    %add3A_33 = arith.constant 128 : i32
    %add3A_34 = arith.addi %mul3A_0, %add3A_33 : i32
    "tpu.region"() ({
      %run_scoped3A = tpu.sem_alloc : memref<!tpu.dma_semaphore, #tpu.memory_space<semaphore_mem>>
      %dma_start3A = arith.constant 0 : i32
      %dma_start3A_81 = tpu.memref_slice %arg11[%add3A_34, %dma_start3A] : memref<10240x128xf32, #tpu.memory_space<vmem_shared>> -> memref<128x128xf32, #tpu.memory_space<vmem_shared>>
      %dma_start3A_82 = arith.constant 0 : i32
      %dma_start3A_83 = tpu.memref_slice %arg11[%add3A_34, %dma_start3A_82] : memref<10240x128xf32, #tpu.memory_space<vmem_shared>> -> memref<128x128xf32, #tpu.memory_space<vmem_shared>>
      tpu.enqueue_dma source(%dma_start3A_83 : memref<128x128xf32, #tpu.memory_space<vmem_shared>>) target(%arg14 : memref<128x128xf32, #tpu.memory_space<vmem>>) target_semaphore(%run_scoped3A : memref<!tpu.dma_semaphore, #tpu.memory_space<semaphore_mem>>)
      %dma_wait3A = arith.constant 0 : i32
      %dma_wait3A_84 = tpu.memref_slice %arg11[%add3A_34, %dma_wait3A] : memref<10240x128xf32, #tpu.memory_space<vmem_shared>> -> memref<128x128xf32, #tpu.memory_space<vmem_shared>>
      %dma_wait3A_85 = arith.constant 0 : i32
      %dma_wait3A_86 = tpu.memref_slice %arg11[%add3A_34, %dma_wait3A_85] : memref<10240x128xf32, #tpu.memory_space<vmem_shared>> -> memref<128x128xf32, #tpu.memory_space<vmem_shared>>
      tpu.wait_dma2 semaphore(%run_scoped3A : memref<!tpu.dma_semaphore, #tpu.memory_space<semaphore_mem>>) src(%dma_wait3A_86 : memref<128x128xf32, #tpu.memory_space<vmem_shared>>) dst(%arg14 : memref<128x128xf32, #tpu.memory_space<vmem>>)
      tpu.yield
    }) : () -> ()
    %eq3A_35 = arith.constant 0 : i32
    %eq3A_36 = arith.cmpi eq, %arg0, %eq3A_35 : i32
    %convert_element_type3A_37 = arith.extui %eq3A_36 : i1 to i32
    %cond3A_38 = arith.constant 0 : i32
    %cond3A_39 = arith.cmpi ne, %convert_element_type3A_37, %cond3A_38 : i32
    scf.if %cond3A_39 {
      "tpu.region"() ({
        %run_scoped3A = tpu.sem_alloc : memref<!tpu.dma_semaphore, #tpu.memory_space<semaphore_mem>>
        %dma_start3A = arith.constant 0 : i32
        %dma_start3A_81 = tpu.memref_slice %arg9[%add3A_34, %dma_start3A] : memref<10240x128xf32, #tpu.memory_space<hbm>> -> memref<128x128xf32, #tpu.memory_space<hbm>>
        %dma_start3A_82 = arith.constant 0 : i32
        %dma_start3A_83 = tpu.memref_slice %arg9[%add3A_34, %dma_start3A_82] : memref<10240x128xf32, #tpu.memory_space<hbm>> -> memref<128x128xf32, #tpu.memory_space<hbm>>
        tpu.enqueue_dma source(%arg14 : memref<128x128xf32, #tpu.memory_space<vmem>>) target(%dma_start3A_83 : memref<128x128xf32, #tpu.memory_space<hbm>>) target_semaphore(%run_scoped3A : memref<!tpu.dma_semaphore, #tpu.memory_space<semaphore_mem>>)
        %dma_wait3A = arith.constant 0 : i32
        %dma_wait3A_84 = tpu.memref_slice %arg9[%add3A_34, %dma_wait3A] : memref<10240x128xf32, #tpu.memory_space<hbm>> -> memref<128x128xf32, #tpu.memory_space<hbm>>
        %dma_wait3A_85 = arith.constant 0 : i32
        %dma_wait3A_86 = tpu.memref_slice %arg9[%add3A_34, %dma_wait3A_85] : memref<10240x128xf32, #tpu.memory_space<hbm>> -> memref<128x128xf32, #tpu.memory_space<hbm>>
        tpu.wait_dma2 semaphore(%run_scoped3A : memref<!tpu.dma_semaphore, #tpu.memory_space<semaphore_mem>>) src(%arg14 : memref<128x128xf32, #tpu.memory_space<vmem>>) dst(%dma_wait3A_86 : memref<128x128xf32, #tpu.memory_space<hbm>>)
        tpu.yield
      }) : () -> ()
    } else {
    }
    %eq3A_40 = arith.constant 1 : i32
    %eq3A_41 = arith.cmpi eq, %arg0, %eq3A_40 : i32
    %convert_element_type3A_42 = arith.extui %eq3A_41 : i1 to i32
    %cond3A_43 = arith.constant 0 : i32
    %cond3A_44 = arith.cmpi ne, %convert_element_type3A_42, %cond3A_43 : i32
    scf.if %cond3A_44 {
      "tpu.region"() ({
        %run_scoped3A = tpu.sem_alloc : memref<!tpu.dma_semaphore, #tpu.memory_space<semaphore_mem>>
        %dma_start3A = arith.constant 0 : i32
        %dma_start3A_81 = tpu.memref_slice %arg10[%add3A_34, %dma_start3A] : memref<10240x128xf32, #tpu.memory_space<hbm>> -> memref<128x128xf32, #tpu.memory_space<hbm>>
        %dma_start3A_82 = arith.constant 0 : i32
        %dma_start3A_83 = tpu.memref_slice %arg10[%add3A_34, %dma_start3A_82] : memref<10240x128xf32, #tpu.memory_space<hbm>> -> memref<128x128xf32, #tpu.memory_space<hbm>>
        tpu.enqueue_dma source(%arg14 : memref<128x128xf32, #tpu.memory_space<vmem>>) target(%dma_start3A_83 : memref<128x128xf32, #tpu.memory_space<hbm>>) target_semaphore(%run_scoped3A : memref<!tpu.dma_semaphore, #tpu.memory_space<semaphore_mem>>)
        %dma_wait3A = arith.constant 0 : i32
        %dma_wait3A_84 = tpu.memref_slice %arg10[%add3A_34, %dma_wait3A] : memref<10240x128xf32, #tpu.memory_space<hbm>> -> memref<128x128xf32, #tpu.memory_space<hbm>>
        %dma_wait3A_85 = arith.constant 0 : i32
        %dma_wait3A_86 = tpu.memref_slice %arg10[%add3A_34, %dma_wait3A_85] : memref<10240x128xf32, #tpu.memory_space<hbm>> -> memref<128x128xf32, #tpu.memory_space<hbm>>
        tpu.wait_dma2 semaphore(%run_scoped3A : memref<!tpu.dma_semaphore, #tpu.memory_space<semaphore_mem>>) src(%arg14 : memref<128x128xf32, #tpu.memory_space<vmem>>) dst(%dma_wait3A_86 : memref<128x128xf32, #tpu.memory_space<hbm>>)
        tpu.yield
      }) : () -> ()
    } else {
    }
    %add3A_45 = arith.constant 256 : i32
    %add3A_46 = arith.addi %mul3A_0, %add3A_45 : i32
    "tpu.region"() ({
      %run_scoped3A = tpu.sem_alloc : memref<!tpu.dma_semaphore, #tpu.memory_space<semaphore_mem>>
      %dma_start3A = arith.constant 0 : i32
      %dma_start3A_81 = tpu.memref_slice %arg11[%add3A_46, %dma_start3A] : memref<10240x128xf32, #tpu.memory_space<vmem_shared>> -> memref<128x128xf32, #tpu.memory_space<vmem_shared>>
      %dma_start3A_82 = arith.constant 0 : i32
      %dma_start3A_83 = tpu.memref_slice %arg11[%add3A_46, %dma_start3A_82] : memref<10240x128xf32, #tpu.memory_space<vmem_shared>> -> memref<128x128xf32, #tpu.memory_space<vmem_shared>>
      tpu.enqueue_dma source(%dma_start3A_83 : memref<128x128xf32, #tpu.memory_space<vmem_shared>>) target(%arg14 : memref<128x128xf32, #tpu.memory_space<vmem>>) target_semaphore(%run_scoped3A : memref<!tpu.dma_semaphore, #tpu.memory_space<semaphore_mem>>)
      %dma_wait3A = arith.constant 0 : i32
      %dma_wait3A_84 = tpu.memref_slice %arg11[%add3A_46, %dma_wait3A] : memref<10240x128xf32, #tpu.memory_space<vmem_shared>> -> memref<128x128xf32, #tpu.memory_space<vmem_shared>>
      %dma_wait3A_85 = arith.constant 0 : i32
      %dma_wait3A_86 = tpu.memref_slice %arg11[%add3A_46, %dma_wait3A_85] : memref<10240x128xf32, #tpu.memory_space<vmem_shared>> -> memref<128x128xf32, #tpu.memory_space<vmem_shared>>
      tpu.wait_dma2 semaphore(%run_scoped3A : memref<!tpu.dma_semaphore, #tpu.memory_space<semaphore_mem>>) src(%dma_wait3A_86 : memref<128x128xf32, #tpu.memory_space<vmem_shared>>) dst(%arg14 : memref<128x128xf32, #tpu.memory_space<vmem>>)
      tpu.yield
    }) : () -> ()
    %eq3A_47 = arith.constant 0 : i32
    %eq3A_48 = arith.cmpi eq, %arg0, %eq3A_47 : i32
    %convert_element_type3A_49 = arith.extui %eq3A_48 : i1 to i32
    %cond3A_50 = arith.constant 0 : i32
    %cond3A_51 = arith.cmpi ne, %convert_element_type3A_49, %cond3A_50 : i32
    scf.if %cond3A_51 {
      "tpu.region"() ({
        %run_scoped3A = tpu.sem_alloc : memref<!tpu.dma_semaphore, #tpu.memory_space<semaphore_mem>>
        %dma_start3A = arith.constant 0 : i32
        %dma_start3A_81 = tpu.memref_slice %arg9[%add3A_46, %dma_start3A] : memref<10240x128xf32, #tpu.memory_space<hbm>> -> memref<128x128xf32, #tpu.memory_space<hbm>>
        %dma_start3A_82 = arith.constant 0 : i32
        %dma_start3A_83 = tpu.memref_slice %arg9[%add3A_46, %dma_start3A_82] : memref<10240x128xf32, #tpu.memory_space<hbm>> -> memref<128x128xf32, #tpu.memory_space<hbm>>
        tpu.enqueue_dma source(%arg14 : memref<128x128xf32, #tpu.memory_space<vmem>>) target(%dma_start3A_83 : memref<128x128xf32, #tpu.memory_space<hbm>>) target_semaphore(%run_scoped3A : memref<!tpu.dma_semaphore, #tpu.memory_space<semaphore_mem>>)
        %dma_wait3A = arith.constant 0 : i32
        %dma_wait3A_84 = tpu.memref_slice %arg9[%add3A_46, %dma_wait3A] : memref<10240x128xf32, #tpu.memory_space<hbm>> -> memref<128x128xf32, #tpu.memory_space<hbm>>
        %dma_wait3A_85 = arith.constant 0 : i32
        %dma_wait3A_86 = tpu.memref_slice %arg9[%add3A_46, %dma_wait3A_85] : memref<10240x128xf32, #tpu.memory_space<hbm>> -> memref<128x128xf32, #tpu.memory_space<hbm>>
        tpu.wait_dma2 semaphore(%run_scoped3A : memref<!tpu.dma_semaphore, #tpu.memory_space<semaphore_mem>>) src(%arg14 : memref<128x128xf32, #tpu.memory_space<vmem>>) dst(%dma_wait3A_86 : memref<128x128xf32, #tpu.memory_space<hbm>>)
        tpu.yield
      }) : () -> ()
    } else {
    }
    %eq3A_52 = arith.constant 1 : i32
    %eq3A_53 = arith.cmpi eq, %arg0, %eq3A_52 : i32
    %convert_element_type3A_54 = arith.extui %eq3A_53 : i1 to i32
    %cond3A_55 = arith.constant 0 : i32
    %cond3A_56 = arith.cmpi ne, %convert_element_type3A_54, %cond3A_55 : i32
    scf.if %cond3A_56 {
      "tpu.region"() ({
        %run_scoped3A = tpu.sem_alloc : memref<!tpu.dma_semaphore, #tpu.memory_space<semaphore_mem>>
        %dma_start3A = arith.constant 0 : i32
        %dma_start3A_81 = tpu.memref_slice %arg10[%add3A_46, %dma_start3A] : memref<10240x128xf32, #tpu.memory_space<hbm>> -> memref<128x128xf32, #tpu.memory_space<hbm>>
        %dma_start3A_82 = arith.constant 0 : i32
        %dma_start3A_83 = tpu.memref_slice %arg10[%add3A_46, %dma_start3A_82] : memref<10240x128xf32, #tpu.memory_space<hbm>> -> memref<128x128xf32, #tpu.memory_space<hbm>>
        tpu.enqueue_dma source(%arg14 : memref<128x128xf32, #tpu.memory_space<vmem>>) target(%dma_start3A_83 : memref<128x128xf32, #tpu.memory_space<hbm>>) target_semaphore(%run_scoped3A : memref<!tpu.dma_semaphore, #tpu.memory_space<semaphore_mem>>)
        %dma_wait3A = arith.constant 0 : i32
        %dma_wait3A_84 = tpu.memref_slice %arg10[%add3A_46, %dma_wait3A] : memref<10240x128xf32, #tpu.memory_space<hbm>> -> memref<128x128xf32, #tpu.memory_space<hbm>>
        %dma_wait3A_85 = arith.constant 0 : i32
        %dma_wait3A_86 = tpu.memref_slice %arg10[%add3A_46, %dma_wait3A_85] : memref<10240x128xf32, #tpu.memory_space<hbm>> -> memref<128x128xf32, #tpu.memory_space<hbm>>
        tpu.wait_dma2 semaphore(%run_scoped3A : memref<!tpu.dma_semaphore, #tpu.memory_space<semaphore_mem>>) src(%arg14 : memref<128x128xf32, #tpu.memory_space<vmem>>) dst(%dma_wait3A_86 : memref<128x128xf32, #tpu.memory_space<hbm>>)
        tpu.yield
      }) : () -> ()
    } else {
    }
    %add3A_57 = arith.constant 384 : i32
    %add3A_58 = arith.addi %mul3A_0, %add3A_57 : i32
    "tpu.region"() ({
      %run_scoped3A = tpu.sem_alloc : memref<!tpu.dma_semaphore, #tpu.memory_space<semaphore_mem>>
      %dma_start3A = arith.constant 0 : i32
      %dma_start3A_81 = tpu.memref_slice %arg11[%add3A_58, %dma_start3A] : memref<10240x128xf32, #tpu.memory_space<vmem_shared>> -> memref<128x128xf32, #tpu.memory_space<vmem_shared>>
      %dma_start3A_82 = arith.constant 0 : i32
      %dma_start3A_83 = tpu.memref_slice %arg11[%add3A_58, %dma_start3A_82] : memref<10240x128xf32, #tpu.memory_space<vmem_shared>> -> memref<128x128xf32, #tpu.memory_space<vmem_shared>>
      tpu.enqueue_dma source(%dma_start3A_83 : memref<128x128xf32, #tpu.memory_space<vmem_shared>>) target(%arg14 : memref<128x128xf32, #tpu.memory_space<vmem>>) target_semaphore(%run_scoped3A : memref<!tpu.dma_semaphore, #tpu.memory_space<semaphore_mem>>)
      %dma_wait3A = arith.constant 0 : i32
      %dma_wait3A_84 = tpu.memref_slice %arg11[%add3A_58, %dma_wait3A] : memref<10240x128xf32, #tpu.memory_space<vmem_shared>> -> memref<128x128xf32, #tpu.memory_space<vmem_shared>>
      %dma_wait3A_85 = arith.constant 0 : i32
      %dma_wait3A_86 = tpu.memref_slice %arg11[%add3A_58, %dma_wait3A_85] : memref<10240x128xf32, #tpu.memory_space<vmem_shared>> -> memref<128x128xf32, #tpu.memory_space<vmem_shared>>
      tpu.wait_dma2 semaphore(%run_scoped3A : memref<!tpu.dma_semaphore, #tpu.memory_space<semaphore_mem>>) src(%dma_wait3A_86 : memref<128x128xf32, #tpu.memory_space<vmem_shared>>) dst(%arg14 : memref<128x128xf32, #tpu.memory_space<vmem>>)
      tpu.yield
    }) : () -> ()
    %eq3A_59 = arith.constant 0 : i32
    %eq3A_60 = arith.cmpi eq, %arg0, %eq3A_59 : i32
    %convert_element_type3A_61 = arith.extui %eq3A_60 : i1 to i32
    %cond3A_62 = arith.constant 0 : i32
    %cond3A_63 = arith.cmpi ne, %convert_element_type3A_61, %cond3A_62 : i32
    scf.if %cond3A_63 {
      "tpu.region"() ({
        %run_scoped3A = tpu.sem_alloc : memref<!tpu.dma_semaphore, #tpu.memory_space<semaphore_mem>>
        %dma_start3A = arith.constant 0 : i32
        %dma_start3A_81 = tpu.memref_slice %arg9[%add3A_58, %dma_start3A] : memref<10240x128xf32, #tpu.memory_space<hbm>> -> memref<128x128xf32, #tpu.memory_space<hbm>>
        %dma_start3A_82 = arith.constant 0 : i32
        %dma_start3A_83 = tpu.memref_slice %arg9[%add3A_58, %dma_start3A_82] : memref<10240x128xf32, #tpu.memory_space<hbm>> -> memref<128x128xf32, #tpu.memory_space<hbm>>
        tpu.enqueue_dma source(%arg14 : memref<128x128xf32, #tpu.memory_space<vmem>>) target(%dma_start3A_83 : memref<128x128xf32, #tpu.memory_space<hbm>>) target_semaphore(%run_scoped3A : memref<!tpu.dma_semaphore, #tpu.memory_space<semaphore_mem>>)
        %dma_wait3A = arith.constant 0 : i32
        %dma_wait3A_84 = tpu.memref_slice %arg9[%add3A_58, %dma_wait3A] : memref<10240x128xf32, #tpu.memory_space<hbm>> -> memref<128x128xf32, #tpu.memory_space<hbm>>
        %dma_wait3A_85 = arith.constant 0 : i32
        %dma_wait3A_86 = tpu.memref_slice %arg9[%add3A_58, %dma_wait3A_85] : memref<10240x128xf32, #tpu.memory_space<hbm>> -> memref<128x128xf32, #tpu.memory_space<hbm>>
        tpu.wait_dma2 semaphore(%run_scoped3A : memref<!tpu.dma_semaphore, #tpu.memory_space<semaphore_mem>>) src(%arg14 : memref<128x128xf32, #tpu.memory_space<vmem>>) dst(%dma_wait3A_86 : memref<128x128xf32, #tpu.memory_space<hbm>>)
        tpu.yield
      }) : () -> ()
    } else {
    }
    %eq3A_64 = arith.constant 1 : i32
    %eq3A_65 = arith.cmpi eq, %arg0, %eq3A_64 : i32
    %convert_element_type3A_66 = arith.extui %eq3A_65 : i1 to i32
    %cond3A_67 = arith.constant 0 : i32
    %cond3A_68 = arith.cmpi ne, %convert_element_type3A_66, %cond3A_67 : i32
    scf.if %cond3A_68 {
      "tpu.region"() ({
        %run_scoped3A = tpu.sem_alloc : memref<!tpu.dma_semaphore, #tpu.memory_space<semaphore_mem>>
        %dma_start3A = arith.constant 0 : i32
        %dma_start3A_81 = tpu.memref_slice %arg10[%add3A_58, %dma_start3A] : memref<10240x128xf32, #tpu.memory_space<hbm>> -> memref<128x128xf32, #tpu.memory_space<hbm>>
        %dma_start3A_82 = arith.constant 0 : i32
        %dma_start3A_83 = tpu.memref_slice %arg10[%add3A_58, %dma_start3A_82] : memref<10240x128xf32, #tpu.memory_space<hbm>> -> memref<128x128xf32, #tpu.memory_space<hbm>>
        tpu.enqueue_dma source(%arg14 : memref<128x128xf32, #tpu.memory_space<vmem>>) target(%dma_start3A_83 : memref<128x128xf32, #tpu.memory_space<hbm>>) target_semaphore(%run_scoped3A : memref<!tpu.dma_semaphore, #tpu.memory_space<semaphore_mem>>)
        %dma_wait3A = arith.constant 0 : i32
        %dma_wait3A_84 = tpu.memref_slice %arg10[%add3A_58, %dma_wait3A] : memref<10240x128xf32, #tpu.memory_space<hbm>> -> memref<128x128xf32, #tpu.memory_space<hbm>>
        %dma_wait3A_85 = arith.constant 0 : i32
        %dma_wait3A_86 = tpu.memref_slice %arg10[%add3A_58, %dma_wait3A_85] : memref<10240x128xf32, #tpu.memory_space<hbm>> -> memref<128x128xf32, #tpu.memory_space<hbm>>
        tpu.wait_dma2 semaphore(%run_scoped3A : memref<!tpu.dma_semaphore, #tpu.memory_space<semaphore_mem>>) src(%arg14 : memref<128x128xf32, #tpu.memory_space<vmem>>) dst(%dma_wait3A_86 : memref<128x128xf32, #tpu.memory_space<hbm>>)
        tpu.yield
      }) : () -> ()
    } else {
    }
    %add3A_69 = arith.constant 512 : i32
    %add3A_70 = arith.addi %mul3A_0, %add3A_69 : i32
    "tpu.region"() ({
      %run_scoped3A = tpu.sem_alloc : memref<!tpu.dma_semaphore, #tpu.memory_space<semaphore_mem>>
      %dma_start3A = arith.constant 0 : i32
      %dma_start3A_81 = tpu.memref_slice %arg11[%add3A_70, %dma_start3A] : memref<10240x128xf32, #tpu.memory_space<vmem_shared>> -> memref<128x128xf32, #tpu.memory_space<vmem_shared>>
      %dma_start3A_82 = arith.constant 0 : i32
      %dma_start3A_83 = tpu.memref_slice %arg11[%add3A_70, %dma_start3A_82] : memref<10240x128xf32, #tpu.memory_space<vmem_shared>> -> memref<128x128xf32, #tpu.memory_space<vmem_shared>>
      tpu.enqueue_dma source(%dma_start3A_83 : memref<128x128xf32, #tpu.memory_space<vmem_shared>>) target(%arg14 : memref<128x128xf32, #tpu.memory_space<vmem>>) target_semaphore(%run_scoped3A : memref<!tpu.dma_semaphore, #tpu.memory_space<semaphore_mem>>)
      %dma_wait3A = arith.constant 0 : i32
      %dma_wait3A_84 = tpu.memref_slice %arg11[%add3A_70, %dma_wait3A] : memref<10240x128xf32, #tpu.memory_space<vmem_shared>> -> memref<128x128xf32, #tpu.memory_space<vmem_shared>>
      %dma_wait3A_85 = arith.constant 0 : i32
      %dma_wait3A_86 = tpu.memref_slice %arg11[%add3A_70, %dma_wait3A_85] : memref<10240x128xf32, #tpu.memory_space<vmem_shared>> -> memref<128x128xf32, #tpu.memory_space<vmem_shared>>
      tpu.wait_dma2 semaphore(%run_scoped3A : memref<!tpu.dma_semaphore, #tpu.memory_space<semaphore_mem>>) src(%dma_wait3A_86 : memref<128x128xf32, #tpu.memory_space<vmem_shared>>) dst(%arg14 : memref<128x128xf32, #tpu.memory_space<vmem>>)
      tpu.yield
    }) : () -> ()
    %eq3A_71 = arith.constant 0 : i32
    %eq3A_72 = arith.cmpi eq, %arg0, %eq3A_71 : i32
    %convert_element_type3A_73 = arith.extui %eq3A_72 : i1 to i32
    %cond3A_74 = arith.constant 0 : i32
    %cond3A_75 = arith.cmpi ne, %convert_element_type3A_73, %cond3A_74 : i32
    scf.if %cond3A_75 {
      "tpu.region"() ({
        %run_scoped3A = tpu.sem_alloc : memref<!tpu.dma_semaphore, #tpu.memory_space<semaphore_mem>>
        %dma_start3A = arith.constant 0 : i32
        %dma_start3A_81 = tpu.memref_slice %arg9[%add3A_70, %dma_start3A] : memref<10240x128xf32, #tpu.memory_space<hbm>> -> memref<128x128xf32, #tpu.memory_space<hbm>>
        %dma_start3A_82 = arith.constant 0 : i32
        %dma_start3A_83 = tpu.memref_slice %arg9[%add3A_70, %dma_start3A_82] : memref<10240x128xf32, #tpu.memory_space<hbm>> -> memref<128x128xf32, #tpu.memory_space<hbm>>
        tpu.enqueue_dma source(%arg14 : memref<128x128xf32, #tpu.memory_space<vmem>>) target(%dma_start3A_83 : memref<128x128xf32, #tpu.memory_space<hbm>>) target_semaphore(%run_scoped3A : memref<!tpu.dma_semaphore, #tpu.memory_space<semaphore_mem>>)
        %dma_wait3A = arith.constant 0 : i32
        %dma_wait3A_84 = tpu.memref_slice %arg9[%add3A_70, %dma_wait3A] : memref<10240x128xf32, #tpu.memory_space<hbm>> -> memref<128x128xf32, #tpu.memory_space<hbm>>
        %dma_wait3A_85 = arith.constant 0 : i32
        %dma_wait3A_86 = tpu.memref_slice %arg9[%add3A_70, %dma_wait3A_85] : memref<10240x128xf32, #tpu.memory_space<hbm>> -> memref<128x128xf32, #tpu.memory_space<hbm>>
        tpu.wait_dma2 semaphore(%run_scoped3A : memref<!tpu.dma_semaphore, #tpu.memory_space<semaphore_mem>>) src(%arg14 : memref<128x128xf32, #tpu.memory_space<vmem>>) dst(%dma_wait3A_86 : memref<128x128xf32, #tpu.memory_space<hbm>>)
        tpu.yield
      }) : () -> ()
    } else {
    }
    %eq3A_76 = arith.constant 1 : i32
    %eq3A_77 = arith.cmpi eq, %arg0, %eq3A_76 : i32
    %convert_element_type3A_78 = arith.extui %eq3A_77 : i1 to i32
    %cond3A_79 = arith.constant 0 : i32
    %cond3A_80 = arith.cmpi ne, %convert_element_type3A_78, %cond3A_79 : i32
    scf.if %cond3A_80 {
      "tpu.region"() ({
        %run_scoped3A = tpu.sem_alloc : memref<!tpu.dma_semaphore, #tpu.memory_space<semaphore_mem>>
        %dma_start3A = arith.constant 0 : i32
        %dma_start3A_81 = tpu.memref_slice %arg10[%add3A_70, %dma_start3A] : memref<10240x128xf32, #tpu.memory_space<hbm>> -> memref<128x128xf32, #tpu.memory_space<hbm>>
        %dma_start3A_82 = arith.constant 0 : i32
        %dma_start3A_83 = tpu.memref_slice %arg10[%add3A_70, %dma_start3A_82] : memref<10240x128xf32, #tpu.memory_space<hbm>> -> memref<128x128xf32, #tpu.memory_space<hbm>>
        tpu.enqueue_dma source(%arg14 : memref<128x128xf32, #tpu.memory_space<vmem>>) target(%dma_start3A_83 : memref<128x128xf32, #tpu.memory_space<hbm>>) target_semaphore(%run_scoped3A : memref<!tpu.dma_semaphore, #tpu.memory_space<semaphore_mem>>)
        %dma_wait3A = arith.constant 0 : i32
        %dma_wait3A_84 = tpu.memref_slice %arg10[%add3A_70, %dma_wait3A] : memref<10240x128xf32, #tpu.memory_space<hbm>> -> memref<128x128xf32, #tpu.memory_space<hbm>>
        %dma_wait3A_85 = arith.constant 0 : i32
        %dma_wait3A_86 = tpu.memref_slice %arg10[%add3A_70, %dma_wait3A_85] : memref<10240x128xf32, #tpu.memory_space<hbm>> -> memref<128x128xf32, #tpu.memory_space<hbm>>
        tpu.wait_dma2 semaphore(%run_scoped3A : memref<!tpu.dma_semaphore, #tpu.memory_space<semaphore_mem>>) src(%arg14 : memref<128x128xf32, #tpu.memory_space<vmem>>) dst(%dma_wait3A_86 : memref<128x128xf32, #tpu.memory_space<hbm>>)
        tpu.yield
      }) : () -> ()
    } else {
    }
    return
  }
}

#map = affine_map<(d0, d1) -> (0)>
#map1 = affine_map<(d0, d1) -> (0, 0)>
module attributes {stable_mosaic.version = 14 : i64} {
  func.func @_sc_wbar(%arg0: i32, %arg1: i32, %arg2: memref<160000xi32, #tpu.memory_space<hbm>>, %arg3: memref<10240x128xf32, #tpu.memory_space<hbm>>, %arg4: memref<20000x128xf32, #tpu.memory_space<hbm>>, %arg5: memref<160000xf32, #tpu.memory_space<hbm>>, %arg6: memref<128xi32, #tpu.memory_space<vmem>>, %arg7: memref<16x128xf32, #tpu.memory_space<vmem>>, %arg8: memref<128x128xf32, #tpu.memory_space<vmem>>, %arg9: memref<128xf32, #tpu.memory_space<vmem>>, %arg10: memref<!tpu.dma_semaphore, #tpu.memory_space<semaphore_mem>>, %arg11: memref<!tpu.dma_semaphore, #tpu.memory_space<semaphore_mem>>) attributes {dimension_semantics = [#tpu.dimension_semantics<core_parallel>, #tpu.dimension_semantics<subcore_parallel>], iteration_bounds = array<i64: 2, 16>, scalar_prefetch = 0 : i64, scratch_operands = 6 : i64, tpu.core_type = #tpu.core_type<sc_vector_subcore>, window_params = [{transform_indices = #map}, {transform_indices = #map1}, {transform_indices = #map1}, {transform_indices = #map}]} {
    %mul3A = arith.constant 16 : i32
    %mul3A_0 = arith.muli %arg0, %mul3A : i32
    %add3A = arith.addi %mul3A_0, %arg1 : i32
    %iota3A = tpu.iota {dimensions = array<i32: 0>} : vector<16xi32>
    %scan3A = arith.constant 0 : i32
    %scan3A_1 = arith.constant 0 : i32
    %scan3A_2 = arith.constant 40 : i32
    %scan3A_3 = arith.addi %scan3A_1, %scan3A_2 : i32
    %scan3A_4 = arith.constant 1 : i32
    %scan3A_5 = scf.for %scan3A_7 = %scan3A_1 to %scan3A_3 step %scan3A_4 iter_args(%scan3A_8 = %scan3A) -> (i32)  : i32 {
      %mul3A_9 = arith.constant 32 : i32
      %mul3A_10 = arith.muli %mul3A_9, %scan3A_7 : i32
      %add3A_11 = arith.addi %add3A, %mul3A_10 : i32
      %lt3A = arith.constant 1250 : i32
      %lt3A_12 = arith.cmpi slt, %add3A_11, %lt3A : i32
      %convert_element_type3A = arith.extui %lt3A_12 : i1 to i32
      %cond3A = arith.constant 0 : i32
      %cond3A_13 = arith.cmpi ne, %convert_element_type3A, %cond3A : i32
      scf.if %cond3A_13 {
        %mul3A_15 = arith.constant 128 : i32
        %mul3A_16 = arith.muli %add3A_11, %mul3A_15 : i32
        %dma_start3A = tpu.memref_slice %arg2[%mul3A_16] : memref<160000xi32, #tpu.memory_space<hbm>> -> memref<128xi32, #tpu.memory_space<hbm>>
        %dma_start3A_17 = tpu.memref_slice %arg2[%mul3A_16] : memref<160000xi32, #tpu.memory_space<hbm>> -> memref<128xi32, #tpu.memory_space<hbm>>
        tpu.enqueue_dma source(%dma_start3A_17 : memref<128xi32, #tpu.memory_space<hbm>>) target(%arg6 : memref<128xi32, #tpu.memory_space<vmem>>) target_semaphore(%arg10 : memref<!tpu.dma_semaphore, #tpu.memory_space<semaphore_mem>>)
        %mul3A_18 = arith.constant 16 : i32
        %mul3A_19 = arith.muli %add3A_11, %mul3A_18 : i32
        %dma_start3A_20 = arith.constant 0 : i32
        %dma_start3A_21 = tpu.memref_slice %arg4[%mul3A_19, %dma_start3A_20] : memref<20000x128xf32, #tpu.memory_space<hbm>> -> memref<16x128xf32, #tpu.memory_space<hbm>>
        %dma_start3A_22 = arith.constant 0 : i32
        %dma_start3A_23 = tpu.memref_slice %arg4[%mul3A_19, %dma_start3A_22] : memref<20000x128xf32, #tpu.memory_space<hbm>> -> memref<16x128xf32, #tpu.memory_space<hbm>>
        tpu.enqueue_dma source(%dma_start3A_23 : memref<16x128xf32, #tpu.memory_space<hbm>>) target(%arg7 : memref<16x128xf32, #tpu.memory_space<vmem>>) target_semaphore(%arg11 : memref<!tpu.dma_semaphore, #tpu.memory_space<semaphore_mem>>)
        %dma_wait3A = tpu.memref_slice %arg2[%mul3A_16] : memref<160000xi32, #tpu.memory_space<hbm>> -> memref<128xi32, #tpu.memory_space<hbm>>
        %dma_wait3A_24 = tpu.memref_slice %arg2[%mul3A_16] : memref<160000xi32, #tpu.memory_space<hbm>> -> memref<128xi32, #tpu.memory_space<hbm>>
        tpu.wait_dma2 semaphore(%arg10 : memref<!tpu.dma_semaphore, #tpu.memory_space<semaphore_mem>>) src(%dma_wait3A_24 : memref<128xi32, #tpu.memory_space<hbm>>) dst(%arg6 : memref<128xi32, #tpu.memory_space<vmem>>)
        %dma_start3A_25 = arith.constant 0 : i32
        %dma_start3A_26 = arith.constant 0 : i32
        %dma_start3A_27 = tpu.memref_slice %arg3[%dma_start3A_25, %dma_start3A_26] : memref<10240x128xf32, #tpu.memory_space<hbm>> -> memref<10240x128xf32, #tpu.memory_space<hbm>>
        tpu.enqueue_indirect_dma source(%dma_start3A_27 : memref<10240x128xf32, #tpu.memory_space<hbm>>) target(%arg8 : memref<128x128xf32, #tpu.memory_space<vmem>>) offsets(%arg6 : memref<128xi32, #tpu.memory_space<vmem>>) semaphore(%arg10 : memref<!tpu.dma_semaphore, #tpu.memory_space<semaphore_mem>>)
        %dma_wait3A_28 = arith.constant 0 : i32
        %dma_wait3A_29 = arith.constant 0 : i32
        %dma_wait3A_30 = tpu.memref_slice %arg3[%dma_wait3A_28, %dma_wait3A_29] : memref<10240x128xf32, #tpu.memory_space<hbm>> -> memref<10240x128xf32, #tpu.memory_space<hbm>>
        tpu.wait_indirect_dma semaphore(%arg10 : memref<!tpu.dma_semaphore, #tpu.memory_space<semaphore_mem>>) src(%dma_wait3A_30 : memref<10240x128xf32, #tpu.memory_space<hbm>>) dst(%arg8 : memref<128x128xf32, #tpu.memory_space<vmem>>)
        %dma_wait3A_31 = arith.constant 0 : i32
        %dma_wait3A_32 = tpu.memref_slice %arg4[%mul3A_19, %dma_wait3A_31] : memref<20000x128xf32, #tpu.memory_space<hbm>> -> memref<16x128xf32, #tpu.memory_space<hbm>>
        %dma_wait3A_33 = arith.constant 0 : i32
        %dma_wait3A_34 = tpu.memref_slice %arg4[%mul3A_19, %dma_wait3A_33] : memref<20000x128xf32, #tpu.memory_space<hbm>> -> memref<16x128xf32, #tpu.memory_space<hbm>>
        tpu.wait_dma2 semaphore(%arg11 : memref<!tpu.dma_semaphore, #tpu.memory_space<semaphore_mem>>) src(%dma_wait3A_34 : memref<16x128xf32, #tpu.memory_space<hbm>>) dst(%arg7 : memref<16x128xf32, #tpu.memory_space<vmem>>)
        %scan3A_35 = arith.constant 0 : i32
        %scan3A_36 = arith.constant 0 : i32
        %scan3A_37 = arith.constant 8 : i32
        %scan3A_38 = arith.addi %scan3A_36, %scan3A_37 : i32
        %scan3A_39 = arith.constant 1 : i32
        %scan3A_40 = scf.for %scan3A_42 = %scan3A_36 to %scan3A_38 step %scan3A_39 iter_args(%scan3A_43 = %scan3A_35) -> (i32)  : i32 {
          %mul3A_44 = arith.constant 16 : i32
          %mul3A_45 = arith.muli %scan3A_42, %mul3A_44 : i32
          %add3A_46 = vector.broadcast %mul3A_45 : i32 to vector<16xi32>
          %add3A_47 = arith.addi %iota3A, %add3A_46 : vector<16xi32>
          %shift_right_logical3A = arith.constant 3 : i32
          %shift_right_logical3A_48 = vector.broadcast %shift_right_logical3A : i32 to vector<16xi32>
          %shift_right_logical3A_49 = arith.shrui %add3A_47, %shift_right_logical3A_48 : vector<16xi32>
          %and3A = arith.constant 7 : i32
          %and3A_50 = vector.broadcast %and3A : i32 to vector<16xi32>
          %and3A_51 = arith.andi %add3A_47, %and3A_50 : vector<16xi32>
          %shift_left3A = arith.constant 4 : i32
          %shift_left3A_52 = vector.broadcast %shift_left3A : i32 to vector<16xi32>
          %shift_left3A_53 = arith.shli %and3A_51, %shift_left3A_52 : vector<16xi32>
          %broadcast_in_dim3A = arith.constant 0.000000e+00 : f32
          %broadcast_in_dim3A_54 = vector.broadcast %broadcast_in_dim3A : f32 to vector<16xf32>
          %broadcast_in_dim3A_55 = arith.constant 0 : i32
          %broadcast_in_dim3A_56 = vector.broadcast %broadcast_in_dim3A_55 : i32 to vector<16xi32>
          %add3A_57 = arith.constant 0 : i32
          %add3A_58 = vector.broadcast %add3A_57 : i32 to vector<16xi32>
          %add3A_59 = arith.addi %shift_left3A_53, %add3A_58 : vector<16xi32>
          %gather3A = tpu.vector_load_idx %arg7[%shift_right_logical3A_49, %add3A_59] : memref<16x128xf32, #tpu.memory_space<vmem>>[vector<16xi32>, vector<16xi32>], vector<16xf32>,
          %gather3A_60 = tpu.vector_load_idx %arg8[%add3A_47, %broadcast_in_dim3A_56] : memref<128x128xf32, #tpu.memory_space<vmem>>[vector<16xi32>, vector<16xi32>], vector<16xf32>,
          %mul3A_61 = arith.mulf %gather3A, %gather3A_60 : vector<16xf32>
          %add3A_62 = arith.addf %broadcast_in_dim3A_54, %mul3A_61 : vector<16xf32>
          %broadcast_in_dim3A_63 = arith.constant 1 : i32
          %broadcast_in_dim3A_64 = vector.broadcast %broadcast_in_dim3A_63 : i32 to vector<16xi32>
          %add3A_65 = arith.constant 1 : i32
          %add3A_66 = vector.broadcast %add3A_65 : i32 to vector<16xi32>
          %add3A_67 = arith.addi %shift_left3A_53, %add3A_66 : vector<16xi32>
          %gather3A_68 = tpu.vector_load_idx %arg7[%shift_right_logical3A_49, %add3A_67] : memref<16x128xf32, #tpu.memory_space<vmem>>[vector<16xi32>, vector<16xi32>], vector<16xf32>,
          %gather3A_69 = tpu.vector_load_idx %arg8[%add3A_47, %broadcast_in_dim3A_64] : memref<128x128xf32, #tpu.memory_space<vmem>>[vector<16xi32>, vector<16xi32>], vector<16xf32>,
          %mul3A_70 = arith.mulf %gather3A_68, %gather3A_69 : vector<16xf32>
          %add3A_71 = arith.addf %add3A_62, %mul3A_70 : vector<16xf32>
          %broadcast_in_dim3A_72 = arith.constant 2 : i32
          %broadcast_in_dim3A_73 = vector.broadcast %broadcast_in_dim3A_72 : i32 to vector<16xi32>
          %add3A_74 = arith.constant 2 : i32
          %add3A_75 = vector.broadcast %add3A_74 : i32 to vector<16xi32>
          %add3A_76 = arith.addi %shift_left3A_53, %add3A_75 : vector<16xi32>
          %gather3A_77 = tpu.vector_load_idx %arg7[%shift_right_logical3A_49, %add3A_76] : memref<16x128xf32, #tpu.memory_space<vmem>>[vector<16xi32>, vector<16xi32>], vector<16xf32>,
          %gather3A_78 = tpu.vector_load_idx %arg8[%add3A_47, %broadcast_in_dim3A_73] : memref<128x128xf32, #tpu.memory_space<vmem>>[vector<16xi32>, vector<16xi32>], vector<16xf32>,
          %mul3A_79 = arith.mulf %gather3A_77, %gather3A_78 : vector<16xf32>
          %add3A_80 = arith.addf %add3A_71, %mul3A_79 : vector<16xf32>
          %broadcast_in_dim3A_81 = arith.constant 3 : i32
          %broadcast_in_dim3A_82 = vector.broadcast %broadcast_in_dim3A_81 : i32 to vector<16xi32>
          %add3A_83 = arith.constant 3 : i32
          %add3A_84 = vector.broadcast %add3A_83 : i32 to vector<16xi32>
          %add3A_85 = arith.addi %shift_left3A_53, %add3A_84 : vector<16xi32>
          %gather3A_86 = tpu.vector_load_idx %arg7[%shift_right_logical3A_49, %add3A_85] : memref<16x128xf32, #tpu.memory_space<vmem>>[vector<16xi32>, vector<16xi32>], vector<16xf32>,
          %gather3A_87 = tpu.vector_load_idx %arg8[%add3A_47, %broadcast_in_dim3A_82] : memref<128x128xf32, #tpu.memory_space<vmem>>[vector<16xi32>, vector<16xi32>], vector<16xf32>,
          %mul3A_88 = arith.mulf %gather3A_86, %gather3A_87 : vector<16xf32>
          %add3A_89 = arith.addf %add3A_80, %mul3A_88 : vector<16xf32>
          %broadcast_in_dim3A_90 = arith.constant 4 : i32
          %broadcast_in_dim3A_91 = vector.broadcast %broadcast_in_dim3A_90 : i32 to vector<16xi32>
          %add3A_92 = arith.constant 4 : i32
          %add3A_93 = vector.broadcast %add3A_92 : i32 to vector<16xi32>
          %add3A_94 = arith.addi %shift_left3A_53, %add3A_93 : vector<16xi32>
          %gather3A_95 = tpu.vector_load_idx %arg7[%shift_right_logical3A_49, %add3A_94] : memref<16x128xf32, #tpu.memory_space<vmem>>[vector<16xi32>, vector<16xi32>], vector<16xf32>,
          %gather3A_96 = tpu.vector_load_idx %arg8[%add3A_47, %broadcast_in_dim3A_91] : memref<128x128xf32, #tpu.memory_space<vmem>>[vector<16xi32>, vector<16xi32>], vector<16xf32>,
          %mul3A_97 = arith.mulf %gather3A_95, %gather3A_96 : vector<16xf32>
          %add3A_98 = arith.addf %add3A_89, %mul3A_97 : vector<16xf32>
          %broadcast_in_dim3A_99 = arith.constant 5 : i32
          %broadcast_in_dim3A_100 = vector.broadcast %broadcast_in_dim3A_99 : i32 to vector<16xi32>
          %add3A_101 = arith.constant 5 : i32
          %add3A_102 = vector.broadcast %add3A_101 : i32 to vector<16xi32>
          %add3A_103 = arith.addi %shift_left3A_53, %add3A_102 : vector<16xi32>
          %gather3A_104 = tpu.vector_load_idx %arg7[%shift_right_logical3A_49, %add3A_103] : memref<16x128xf32, #tpu.memory_space<vmem>>[vector<16xi32>, vector<16xi32>], vector<16xf32>,
          %gather3A_105 = tpu.vector_load_idx %arg8[%add3A_47, %broadcast_in_dim3A_100] : memref<128x128xf32, #tpu.memory_space<vmem>>[vector<16xi32>, vector<16xi32>], vector<16xf32>,
          %mul3A_106 = arith.mulf %gather3A_104, %gather3A_105 : vector<16xf32>
          %add3A_107 = arith.addf %add3A_98, %mul3A_106 : vector<16xf32>
          %broadcast_in_dim3A_108 = arith.constant 6 : i32
          %broadcast_in_dim3A_109 = vector.broadcast %broadcast_in_dim3A_108 : i32 to vector<16xi32>
          %add3A_110 = arith.constant 6 : i32
          %add3A_111 = vector.broadcast %add3A_110 : i32 to vector<16xi32>
          %add3A_112 = arith.addi %shift_left3A_53, %add3A_111 : vector<16xi32>
          %gather3A_113 = tpu.vector_load_idx %arg7[%shift_right_logical3A_49, %add3A_112] : memref<16x128xf32, #tpu.memory_space<vmem>>[vector<16xi32>, vector<16xi32>], vector<16xf32>,
          %gather3A_114 = tpu.vector_load_idx %arg8[%add3A_47, %broadcast_in_dim3A_109] : memref<128x128xf32, #tpu.memory_space<vmem>>[vector<16xi32>, vector<16xi32>], vector<16xf32>,
          %mul3A_115 = arith.mulf %gather3A_113, %gather3A_114 : vector<16xf32>
          %add3A_116 = arith.addf %add3A_107, %mul3A_115 : vector<16xf32>
          %broadcast_in_dim3A_117 = arith.constant 7 : i32
          %broadcast_in_dim3A_118 = vector.broadcast %broadcast_in_dim3A_117 : i32 to vector<16xi32>
          %add3A_119 = arith.constant 7 : i32
          %add3A_120 = vector.broadcast %add3A_119 : i32 to vector<16xi32>
          %add3A_121 = arith.addi %shift_left3A_53, %add3A_120 : vector<16xi32>
          %gather3A_122 = tpu.vector_load_idx %arg7[%shift_right_logical3A_49, %add3A_121] : memref<16x128xf32, #tpu.memory_space<vmem>>[vector<16xi32>, vector<16xi32>], vector<16xf32>,
          %gather3A_123 = tpu.vector_load_idx %arg8[%add3A_47, %broadcast_in_dim3A_118] : memref<128x128xf32, #tpu.memory_space<vmem>>[vector<16xi32>, vector<16xi32>], vector<16xf32>,
          %mul3A_124 = arith.mulf %gather3A_122, %gather3A_123 : vector<16xf32>
          %add3A_125 = arith.addf %add3A_116, %mul3A_124 : vector<16xf32>
          %mul3A_126 = arith.constant 1.250000e-01 : f32
          %mul3A_127 = vector.broadcast %mul3A_126 : f32 to vector<16xf32>
          %mul3A_128 = arith.mulf %add3A_125, %mul3A_127 : vector<16xf32>
          %mul3A_129 = arith.constant 16 : i32
          %mul3A_130 = arith.muli %scan3A_42, %mul3A_129 : i32
          %swap3A = arith.index_cast %mul3A_130 : i32 to index
          %swap3A_131 = tpu.vector_load %arg9[%swap3A] {strides = array<i32>} : memref<128xf32, #tpu.memory_space<vmem>>, vector<16xf32>,
          tpu.vector_store %arg9[%swap3A], %mul3A_128 {strides = array<i32>} : memref<128xf32, #tpu.memory_space<vmem>>, vector<16xf32>,
          %scan3A_132 = arith.constant 0 : i32
          scf.yield %scan3A_132 : i32
        }
        %scan3A_41 = arith.constant 8 : i32
        "tpu.region"() ({
          %run_scoped3A = tpu.sem_alloc : memref<!tpu.dma_semaphore, #tpu.memory_space<semaphore_mem>>
          %dma_start3A_42 = tpu.memref_slice %arg5[%mul3A_16] : memref<160000xf32, #tpu.memory_space<hbm>> -> memref<128xf32, #tpu.memory_space<hbm>>
          %dma_start3A_43 = tpu.memref_slice %arg5[%mul3A_16] : memref<160000xf32, #tpu.memory_space<hbm>> -> memref<128xf32, #tpu.memory_space<hbm>>
          tpu.enqueue_dma source(%arg9 : memref<128xf32, #tpu.memory_space<vmem>>) target(%dma_start3A_43 : memref<128xf32, #tpu.memory_space<hbm>>) target_semaphore(%run_scoped3A : memref<!tpu.dma_semaphore, #tpu.memory_space<semaphore_mem>>)
          %dma_wait3A_44 = tpu.memref_slice %arg5[%mul3A_16] : memref<160000xf32, #tpu.memory_space<hbm>> -> memref<128xf32, #tpu.memory_space<hbm>>
          %dma_wait3A_45 = tpu.memref_slice %arg5[%mul3A_16] : memref<160000xf32, #tpu.memory_space<hbm>> -> memref<128xf32, #tpu.memory_space<hbm>>
          tpu.wait_dma2 semaphore(%run_scoped3A : memref<!tpu.dma_semaphore, #tpu.memory_space<semaphore_mem>>) src(%arg9 : memref<128xf32, #tpu.memory_space<vmem>>) dst(%dma_wait3A_45 : memref<128xf32, #tpu.memory_space<hbm>>)
          tpu.yield
        }) : () -> ()
      } else {
      }
      %scan3A_14 = arith.constant 0 : i32
      scf.yield %scan3A_14 : i32
    }
    %scan3A_6 = arith.constant 40 : i32
    return
  }
}

#map = affine_map<(d0, d1) -> (0)>
#map1 = affine_map<(d0, d1) -> (0, 0)>
module attributes {stable_mosaic.version = 14 : i64} {
  func.func @_sc_den(%arg0: i32, %arg1: i32, %arg2: memref<160000xi32, #tpu.memory_space<hbm>>, %arg3: memref<160000xi32, #tpu.memory_space<hbm>>, %arg4: memref<10240x128xf32, #tpu.memory_space<hbm>>, %arg5: memref<20000x128xf32, #tpu.memory_space<hbm>>, %arg6: memref<10240x128xf32, #tpu.memory_space<hbm>>, %arg7: memref<10240x128xf32, #tpu.memory_space<hbm>>, %arg8: memref<20000x128xf32, #tpu.memory_space<hbm>>, %arg9: memref<10240x128xf32, #tpu.memory_space<vmem_shared>>, %arg10: memref<128xi32, #tpu.memory_space<vmem>>, %arg11: memref<128xi32, #tpu.memory_space<vmem>>, %arg12: memref<128x128xf32, #tpu.memory_space<vmem>>, %arg13: memref<16x128xf32, #tpu.memory_space<vmem>>, %arg14: memref<16x128xf32, #tpu.memory_space<vmem>>, %arg15: memref<!tpu.dma_semaphore, #tpu.memory_space<semaphore_mem>>, %arg16: memref<!tpu.dma_semaphore, #tpu.memory_space<semaphore_mem>>, %arg17: memref<!tpu.dma_semaphore, #tpu.memory_space<semaphore_mem>>) attributes {dimension_semantics = [#tpu.dimension_semantics<core_parallel>, #tpu.dimension_semantics<subcore_parallel>], iteration_bounds = array<i64: 2, 16>, scalar_prefetch = 0 : i64, scratch_operands = 9 : i64, tpu.core_type = #tpu.core_type<sc_vector_subcore>, window_params = [{transform_indices = #map}, {transform_indices = #map}, {transform_indices = #map1}, {transform_indices = #map1}, {transform_indices = #map1}, {transform_indices = #map1}, {transform_indices = #map1}]} {
    %mul3A = arith.constant 16 : i32
    %mul3A_0 = arith.muli %arg0, %mul3A : i32
    %add3A = arith.addi %mul3A_0, %arg1 : i32
    %mul3A_1 = arith.constant 640 : i32
    %mul3A_2 = arith.muli %arg1, %mul3A_1 : i32
    %scan3A = arith.constant 0 : i32
    %scan3A_3 = arith.constant 0 : i32
    %scan3A_4 = arith.constant 1024 : i32
    %scan3A_5 = arith.addi %scan3A_3, %scan3A_4 : i32
    %scan3A_6 = arith.constant 1 : i32
    %scan3A_7 = scf.for %scan3A_84 = %scan3A_3 to %scan3A_5 step %scan3A_6 iter_args(%scan3A_85 = %scan3A) -> (i32)  : i32 {
      %broadcast_in_dim3A = arith.constant 0.000000e+00 : f32
      %broadcast_in_dim3A_86 = vector.broadcast %broadcast_in_dim3A : f32 to vector<16xf32>
      %jit3A = arith.constant 8 : i32
      %div3A = arith.divsi %scan3A_84, %jit3A : i32
      %sign3A = arith.constant 0 : i32
      %sign3A_87 = arith.cmpi sgt, %scan3A_84, %sign3A : i32
      %sign3A_88 = arith.extui %sign3A_87 : i1 to i32
      %sign3A_89 = arith.constant 0 : i32
      %sign3A_90 = arith.cmpi slt, %scan3A_84, %sign3A_89 : i32
      %sign3A_91 = arith.extui %sign3A_90 : i1 to i32
      %sign3A_92 = arith.subi %sign3A_88, %sign3A_91 : i32
      %sign3A_93 = arith.constant 0 : i32
      %sign3A_94 = arith.cmpi sgt, %jit3A, %sign3A_93 : i32
      %sign3A_95 = arith.extui %sign3A_94 : i1 to i32
      %sign3A_96 = arith.constant 0 : i32
      %sign3A_97 = arith.cmpi slt, %jit3A, %sign3A_96 : i32
      %sign3A_98 = arith.extui %sign3A_97 : i1 to i32
      %sign3A_99 = arith.subi %sign3A_95, %sign3A_98 : i32
      %ne3A = arith.cmpi ne, %sign3A_92, %sign3A_99 : i32
      %rem3A = arith.remsi %scan3A_84, %jit3A : i32
      %ne3A_100 = arith.constant 0 : i32
      %ne3A_101 = arith.cmpi ne, %rem3A, %ne3A_100 : i32
      %and3A = arith.andi %ne3A, %ne3A_101 : i1
      %sub3A = arith.constant 1 : i32
      %sub3A_102 = arith.subi %div3A, %sub3A : i32
      %select_n3A = arith.select %and3A, %sub3A_102, %div3A : i32
      %jit3A_103 = arith.constant 8 : i32
      %eq3A_104 = arith.constant 0 : i32
      %eq3A_105 = arith.cmpi eq, %jit3A_103, %eq3A_104 : i32
      %jit3A_106 = arith.constant 1 : i32
      %select_n3A_107 = arith.select %eq3A_105, %jit3A_106, %jit3A_103 : i32
      %rem3A_108 = arith.remsi %scan3A_84, %select_n3A_107 : i32
      %ne3A_109 = arith.constant 0 : i32
      %ne3A_110 = arith.cmpi ne, %rem3A_108, %ne3A_109 : i32
      %lt3A = arith.constant 0 : i32
      %lt3A_111 = arith.cmpi slt, %rem3A_108, %lt3A : i32
      %lt3A_112 = arith.constant 0 : i32
      %lt3A_113 = arith.cmpi slt, %select_n3A_107, %lt3A_112 : i32
      %ne3A_114 = arith.xori %lt3A_111, %lt3A_113 : i1
      %and3A_115 = arith.andi %ne3A_114, %ne3A_110 : i1
      %add3A_116 = arith.addi %rem3A_108, %select_n3A_107 : i32
      %select_n3A_117 = arith.select %and3A_115, %add3A_116, %rem3A_108 : i32
      %mul3A_118 = arith.constant 16 : i32
      %mul3A_119 = arith.muli %select_n3A_117, %mul3A_118 : i32
      %swap3A = arith.index_cast %select_n3A : i32 to index
      %swap3A_120 = arith.index_cast %mul3A_119 : i32 to index
      %swap3A_121 = tpu.vector_load %arg12[%swap3A, %swap3A_120] {strides = array<i32>} : memref<128x128xf32, #tpu.memory_space<vmem>>, vector<16xf32>,
      tpu.vector_store %arg12[%swap3A, %swap3A_120], %broadcast_in_dim3A_86 {strides = array<i32>} : memref<128x128xf32, #tpu.memory_space<vmem>>, vector<16xf32>,
      %scan3A_122 = arith.constant 0 : i32
      scf.yield %scan3A_122 : i32
    }
    %scan3A_8 = arith.constant 1024 : i32
    %add3A_9 = arith.constant 0 : i32
    %add3A_10 = arith.addi %mul3A_2, %add3A_9 : i32
    "tpu.region"() ({
      %run_scoped3A = tpu.sem_alloc : memref<!tpu.dma_semaphore, #tpu.memory_space<semaphore_mem>>
      %dma_start3A = arith.constant 0 : i32
      %dma_start3A_84 = tpu.memref_slice %arg9[%add3A_10, %dma_start3A] : memref<10240x128xf32, #tpu.memory_space<vmem_shared>> -> memref<128x128xf32, #tpu.memory_space<vmem_shared>>
      %dma_start3A_85 = arith.constant 0 : i32
      %dma_start3A_86 = tpu.memref_slice %arg9[%add3A_10, %dma_start3A_85] : memref<10240x128xf32, #tpu.memory_space<vmem_shared>> -> memref<128x128xf32, #tpu.memory_space<vmem_shared>>
      tpu.enqueue_dma source(%arg12 : memref<128x128xf32, #tpu.memory_space<vmem>>) target(%dma_start3A_86 : memref<128x128xf32, #tpu.memory_space<vmem_shared>>) target_semaphore(%run_scoped3A : memref<!tpu.dma_semaphore, #tpu.memory_space<semaphore_mem>>)
      %dma_wait3A = arith.constant 0 : i32
      %dma_wait3A_87 = tpu.memref_slice %arg9[%add3A_10, %dma_wait3A] : memref<10240x128xf32, #tpu.memory_space<vmem_shared>> -> memref<128x128xf32, #tpu.memory_space<vmem_shared>>
      %dma_wait3A_88 = arith.constant 0 : i32
      %dma_wait3A_89 = tpu.memref_slice %arg9[%add3A_10, %dma_wait3A_88] : memref<10240x128xf32, #tpu.memory_space<vmem_shared>> -> memref<128x128xf32, #tpu.memory_space<vmem_shared>>
      tpu.wait_dma2 semaphore(%run_scoped3A : memref<!tpu.dma_semaphore, #tpu.memory_space<semaphore_mem>>) src(%arg12 : memref<128x128xf32, #tpu.memory_space<vmem>>) dst(%dma_wait3A_89 : memref<128x128xf32, #tpu.memory_space<vmem_shared>>)
      tpu.yield
    }) : () -> ()
    %add3A_11 = arith.constant 128 : i32
    %add3A_12 = arith.addi %mul3A_2, %add3A_11 : i32
    "tpu.region"() ({
      %run_scoped3A = tpu.sem_alloc : memref<!tpu.dma_semaphore, #tpu.memory_space<semaphore_mem>>
      %dma_start3A = arith.constant 0 : i32
      %dma_start3A_84 = tpu.memref_slice %arg9[%add3A_12, %dma_start3A] : memref<10240x128xf32, #tpu.memory_space<vmem_shared>> -> memref<128x128xf32, #tpu.memory_space<vmem_shared>>
      %dma_start3A_85 = arith.constant 0 : i32
      %dma_start3A_86 = tpu.memref_slice %arg9[%add3A_12, %dma_start3A_85] : memref<10240x128xf32, #tpu.memory_space<vmem_shared>> -> memref<128x128xf32, #tpu.memory_space<vmem_shared>>
      tpu.enqueue_dma source(%arg12 : memref<128x128xf32, #tpu.memory_space<vmem>>) target(%dma_start3A_86 : memref<128x128xf32, #tpu.memory_space<vmem_shared>>) target_semaphore(%run_scoped3A : memref<!tpu.dma_semaphore, #tpu.memory_space<semaphore_mem>>)
      %dma_wait3A = arith.constant 0 : i32
      %dma_wait3A_87 = tpu.memref_slice %arg9[%add3A_12, %dma_wait3A] : memref<10240x128xf32, #tpu.memory_space<vmem_shared>> -> memref<128x128xf32, #tpu.memory_space<vmem_shared>>
      %dma_wait3A_88 = arith.constant 0 : i32
      %dma_wait3A_89 = tpu.memref_slice %arg9[%add3A_12, %dma_wait3A_88] : memref<10240x128xf32, #tpu.memory_space<vmem_shared>> -> memref<128x128xf32, #tpu.memory_space<vmem_shared>>
      tpu.wait_dma2 semaphore(%run_scoped3A : memref<!tpu.dma_semaphore, #tpu.memory_space<semaphore_mem>>) src(%arg12 : memref<128x128xf32, #tpu.memory_space<vmem>>) dst(%dma_wait3A_89 : memref<128x128xf32, #tpu.memory_space<vmem_shared>>)
      tpu.yield
    }) : () -> ()
    %add3A_13 = arith.constant 256 : i32
    %add3A_14 = arith.addi %mul3A_2, %add3A_13 : i32
    "tpu.region"() ({
      %run_scoped3A = tpu.sem_alloc : memref<!tpu.dma_semaphore, #tpu.memory_space<semaphore_mem>>
      %dma_start3A = arith.constant 0 : i32
      %dma_start3A_84 = tpu.memref_slice %arg9[%add3A_14, %dma_start3A] : memref<10240x128xf32, #tpu.memory_space<vmem_shared>> -> memref<128x128xf32, #tpu.memory_space<vmem_shared>>
      %dma_start3A_85 = arith.constant 0 : i32
      %dma_start3A_86 = tpu.memref_slice %arg9[%add3A_14, %dma_start3A_85] : memref<10240x128xf32, #tpu.memory_space<vmem_shared>> -> memref<128x128xf32, #tpu.memory_space<vmem_shared>>
      tpu.enqueue_dma source(%arg12 : memref<128x128xf32, #tpu.memory_space<vmem>>) target(%dma_start3A_86 : memref<128x128xf32, #tpu.memory_space<vmem_shared>>) target_semaphore(%run_scoped3A : memref<!tpu.dma_semaphore, #tpu.memory_space<semaphore_mem>>)
      %dma_wait3A = arith.constant 0 : i32
      %dma_wait3A_87 = tpu.memref_slice %arg9[%add3A_14, %dma_wait3A] : memref<10240x128xf32, #tpu.memory_space<vmem_shared>> -> memref<128x128xf32, #tpu.memory_space<vmem_shared>>
      %dma_wait3A_88 = arith.constant 0 : i32
      %dma_wait3A_89 = tpu.memref_slice %arg9[%add3A_14, %dma_wait3A_88] : memref<10240x128xf32, #tpu.memory_space<vmem_shared>> -> memref<128x128xf32, #tpu.memory_space<vmem_shared>>
      tpu.wait_dma2 semaphore(%run_scoped3A : memref<!tpu.dma_semaphore, #tpu.memory_space<semaphore_mem>>) src(%arg12 : memref<128x128xf32, #tpu.memory_space<vmem>>) dst(%dma_wait3A_89 : memref<128x128xf32, #tpu.memory_space<vmem_shared>>)
      tpu.yield
    }) : () -> ()
    %add3A_15 = arith.constant 384 : i32
    %add3A_16 = arith.addi %mul3A_2, %add3A_15 : i32
    "tpu.region"() ({
      %run_scoped3A = tpu.sem_alloc : memref<!tpu.dma_semaphore, #tpu.memory_space<semaphore_mem>>
      %dma_start3A = arith.constant 0 : i32
      %dma_start3A_84 = tpu.memref_slice %arg9[%add3A_16, %dma_start3A] : memref<10240x128xf32, #tpu.memory_space<vmem_shared>> -> memref<128x128xf32, #tpu.memory_space<vmem_shared>>
      %dma_start3A_85 = arith.constant 0 : i32
      %dma_start3A_86 = tpu.memref_slice %arg9[%add3A_16, %dma_start3A_85] : memref<10240x128xf32, #tpu.memory_space<vmem_shared>> -> memref<128x128xf32, #tpu.memory_space<vmem_shared>>
      tpu.enqueue_dma source(%arg12 : memref<128x128xf32, #tpu.memory_space<vmem>>) target(%dma_start3A_86 : memref<128x128xf32, #tpu.memory_space<vmem_shared>>) target_semaphore(%run_scoped3A : memref<!tpu.dma_semaphore, #tpu.memory_space<semaphore_mem>>)
      %dma_wait3A = arith.constant 0 : i32
      %dma_wait3A_87 = tpu.memref_slice %arg9[%add3A_16, %dma_wait3A] : memref<10240x128xf32, #tpu.memory_space<vmem_shared>> -> memref<128x128xf32, #tpu.memory_space<vmem_shared>>
      %dma_wait3A_88 = arith.constant 0 : i32
      %dma_wait3A_89 = tpu.memref_slice %arg9[%add3A_16, %dma_wait3A_88] : memref<10240x128xf32, #tpu.memory_space<vmem_shared>> -> memref<128x128xf32, #tpu.memory_space<vmem_shared>>
      tpu.wait_dma2 semaphore(%run_scoped3A : memref<!tpu.dma_semaphore, #tpu.memory_space<semaphore_mem>>) src(%arg12 : memref<128x128xf32, #tpu.memory_space<vmem>>) dst(%dma_wait3A_89 : memref<128x128xf32, #tpu.memory_space<vmem_shared>>)
      tpu.yield
    }) : () -> ()
    %add3A_17 = arith.constant 512 : i32
    %add3A_18 = arith.addi %mul3A_2, %add3A_17 : i32
    "tpu.region"() ({
      %run_scoped3A = tpu.sem_alloc : memref<!tpu.dma_semaphore, #tpu.memory_space<semaphore_mem>>
      %dma_start3A = arith.constant 0 : i32
      %dma_start3A_84 = tpu.memref_slice %arg9[%add3A_18, %dma_start3A] : memref<10240x128xf32, #tpu.memory_space<vmem_shared>> -> memref<128x128xf32, #tpu.memory_space<vmem_shared>>
      %dma_start3A_85 = arith.constant 0 : i32
      %dma_start3A_86 = tpu.memref_slice %arg9[%add3A_18, %dma_start3A_85] : memref<10240x128xf32, #tpu.memory_space<vmem_shared>> -> memref<128x128xf32, #tpu.memory_space<vmem_shared>>
      tpu.enqueue_dma source(%arg12 : memref<128x128xf32, #tpu.memory_space<vmem>>) target(%dma_start3A_86 : memref<128x128xf32, #tpu.memory_space<vmem_shared>>) target_semaphore(%run_scoped3A : memref<!tpu.dma_semaphore, #tpu.memory_space<semaphore_mem>>)
      %dma_wait3A = arith.constant 0 : i32
      %dma_wait3A_87 = tpu.memref_slice %arg9[%add3A_18, %dma_wait3A] : memref<10240x128xf32, #tpu.memory_space<vmem_shared>> -> memref<128x128xf32, #tpu.memory_space<vmem_shared>>
      %dma_wait3A_88 = arith.constant 0 : i32
      %dma_wait3A_89 = tpu.memref_slice %arg9[%add3A_18, %dma_wait3A_88] : memref<10240x128xf32, #tpu.memory_space<vmem_shared>> -> memref<128x128xf32, #tpu.memory_space<vmem_shared>>
      tpu.wait_dma2 semaphore(%run_scoped3A : memref<!tpu.dma_semaphore, #tpu.memory_space<semaphore_mem>>) src(%arg12 : memref<128x128xf32, #tpu.memory_space<vmem>>) dst(%dma_wait3A_89 : memref<128x128xf32, #tpu.memory_space<vmem_shared>>)
      tpu.yield
    }) : () -> ()
    %barrier3A = arith.constant 0 : index
    tpu.barrier barrier_id(%barrier3A)
    %scan3A_19 = arith.constant 0 : i32
    %scan3A_20 = arith.constant 0 : i32
    %scan3A_21 = arith.constant 40 : i32
    %scan3A_22 = arith.addi %scan3A_20, %scan3A_21 : i32
    %scan3A_23 = arith.constant 1 : i32
    %scan3A_24 = scf.for %scan3A_84 = %scan3A_20 to %scan3A_22 step %scan3A_23 iter_args(%scan3A_85 = %scan3A_19) -> (i32)  : i32 {
      %mul3A_86 = arith.constant 32 : i32
      %mul3A_87 = arith.muli %mul3A_86, %scan3A_84 : i32
      %add3A_88 = arith.addi %add3A, %mul3A_87 : i32
      %lt3A = arith.constant 1250 : i32
      %lt3A_89 = arith.cmpi slt, %add3A_88, %lt3A : i32
      %convert_element_type3A_90 = arith.extui %lt3A_89 : i1 to i32
      %cond3A_91 = arith.constant 0 : i32
      %cond3A_92 = arith.cmpi ne, %convert_element_type3A_90, %cond3A_91 : i32
      scf.if %cond3A_92 {
        %mul3A_94 = arith.constant 128 : i32
        %mul3A_95 = arith.muli %add3A_88, %mul3A_94 : i32
        %dma_start3A = tpu.memref_slice %arg2[%mul3A_95] : memref<160000xi32, #tpu.memory_space<hbm>> -> memref<128xi32, #tpu.memory_space<hbm>>
        %dma_start3A_96 = tpu.memref_slice %arg2[%mul3A_95] : memref<160000xi32, #tpu.memory_space<hbm>> -> memref<128xi32, #tpu.memory_space<hbm>>
        tpu.enqueue_dma source(%dma_start3A_96 : memref<128xi32, #tpu.memory_space<hbm>>) target(%arg10 : memref<128xi32, #tpu.memory_space<vmem>>) target_semaphore(%arg15 : memref<!tpu.dma_semaphore, #tpu.memory_space<semaphore_mem>>)
        %dma_start3A_97 = tpu.memref_slice %arg3[%mul3A_95] : memref<160000xi32, #tpu.memory_space<hbm>> -> memref<128xi32, #tpu.memory_space<hbm>>
        %dma_start3A_98 = tpu.memref_slice %arg3[%mul3A_95] : memref<160000xi32, #tpu.memory_space<hbm>> -> memref<128xi32, #tpu.memory_space<hbm>>
        tpu.enqueue_dma source(%dma_start3A_98 : memref<128xi32, #tpu.memory_space<hbm>>) target(%arg11 : memref<128xi32, #tpu.memory_space<vmem>>) target_semaphore(%arg16 : memref<!tpu.dma_semaphore, #tpu.memory_space<semaphore_mem>>)
        %mul3A_99 = arith.constant 16 : i32
        %mul3A_100 = arith.muli %add3A_88, %mul3A_99 : i32
        %dma_start3A_101 = arith.constant 0 : i32
        %dma_start3A_102 = tpu.memref_slice %arg5[%mul3A_100, %dma_start3A_101] : memref<20000x128xf32, #tpu.memory_space<hbm>> -> memref<16x128xf32, #tpu.memory_space<hbm>>
        %dma_start3A_103 = arith.constant 0 : i32
        %dma_start3A_104 = tpu.memref_slice %arg5[%mul3A_100, %dma_start3A_103] : memref<20000x128xf32, #tpu.memory_space<hbm>> -> memref<16x128xf32, #tpu.memory_space<hbm>>
        tpu.enqueue_dma source(%dma_start3A_104 : memref<16x128xf32, #tpu.memory_space<hbm>>) target(%arg13 : memref<16x128xf32, #tpu.memory_space<vmem>>) target_semaphore(%arg17 : memref<!tpu.dma_semaphore, #tpu.memory_space<semaphore_mem>>)
        %dma_wait3A = tpu.memref_slice %arg2[%mul3A_95] : memref<160000xi32, #tpu.memory_space<hbm>> -> memref<128xi32, #tpu.memory_space<hbm>>
        %dma_wait3A_105 = tpu.memref_slice %arg2[%mul3A_95] : memref<160000xi32, #tpu.memory_space<hbm>> -> memref<128xi32, #tpu.memory_space<hbm>>
        tpu.wait_dma2 semaphore(%arg15 : memref<!tpu.dma_semaphore, #tpu.memory_space<semaphore_mem>>) src(%dma_wait3A_105 : memref<128xi32, #tpu.memory_space<hbm>>) dst(%arg10 : memref<128xi32, #tpu.memory_space<vmem>>)
        %dma_start3A_106 = arith.constant 0 : i32
        %dma_start3A_107 = arith.constant 0 : i32
        %dma_start3A_108 = tpu.memref_slice %arg4[%dma_start3A_106, %dma_start3A_107] : memref<10240x128xf32, #tpu.memory_space<hbm>> -> memref<10240x128xf32, #tpu.memory_space<hbm>>
        tpu.enqueue_indirect_dma source(%dma_start3A_108 : memref<10240x128xf32, #tpu.memory_space<hbm>>) target(%arg12 : memref<128x128xf32, #tpu.memory_space<vmem>>) offsets(%arg10 : memref<128xi32, #tpu.memory_space<vmem>>) semaphore(%arg15 : memref<!tpu.dma_semaphore, #tpu.memory_space<semaphore_mem>>)
        %dma_wait3A_109 = arith.constant 0 : i32
        %dma_wait3A_110 = arith.constant 0 : i32
        %dma_wait3A_111 = tpu.memref_slice %arg4[%dma_wait3A_109, %dma_wait3A_110] : memref<10240x128xf32, #tpu.memory_space<hbm>> -> memref<10240x128xf32, #tpu.memory_space<hbm>>
        tpu.wait_indirect_dma semaphore(%arg15 : memref<!tpu.dma_semaphore, #tpu.memory_space<semaphore_mem>>) src(%dma_wait3A_111 : memref<10240x128xf32, #tpu.memory_space<hbm>>) dst(%arg12 : memref<128x128xf32, #tpu.memory_space<vmem>>)
        %dma_wait3A_112 = tpu.memref_slice %arg3[%mul3A_95] : memref<160000xi32, #tpu.memory_space<hbm>> -> memref<128xi32, #tpu.memory_space<hbm>>
        %dma_wait3A_113 = tpu.memref_slice %arg3[%mul3A_95] : memref<160000xi32, #tpu.memory_space<hbm>> -> memref<128xi32, #tpu.memory_space<hbm>>
        tpu.wait_dma2 semaphore(%arg16 : memref<!tpu.dma_semaphore, #tpu.memory_space<semaphore_mem>>) src(%dma_wait3A_113 : memref<128xi32, #tpu.memory_space<hbm>>) dst(%arg11 : memref<128xi32, #tpu.memory_space<vmem>>)
        %dma_wait3A_114 = arith.constant 0 : i32
        %dma_wait3A_115 = tpu.memref_slice %arg5[%mul3A_100, %dma_wait3A_114] : memref<20000x128xf32, #tpu.memory_space<hbm>> -> memref<16x128xf32, #tpu.memory_space<hbm>>
        %dma_wait3A_116 = arith.constant 0 : i32
        %dma_wait3A_117 = tpu.memref_slice %arg5[%mul3A_100, %dma_wait3A_116] : memref<20000x128xf32, #tpu.memory_space<hbm>> -> memref<16x128xf32, #tpu.memory_space<hbm>>
        tpu.wait_dma2 semaphore(%arg17 : memref<!tpu.dma_semaphore, #tpu.memory_space<semaphore_mem>>) src(%dma_wait3A_117 : memref<16x128xf32, #tpu.memory_space<hbm>>) dst(%arg13 : memref<16x128xf32, #tpu.memory_space<vmem>>)
        %scan3A_118 = arith.constant 0 : i32
        %scan3A_119 = arith.constant 0 : i32
        %scan3A_120 = arith.constant 128 : i32
        %scan3A_121 = arith.addi %scan3A_119, %scan3A_120 : i32
        %scan3A_122 = arith.constant 1 : i32
        %scan3A_123 = scf.for %scan3A_127 = %scan3A_119 to %scan3A_121 step %scan3A_122 iter_args(%scan3A_128 = %scan3A_118) -> (i32)  : i32 {
          %get3A = arith.index_cast %scan3A_127 : i32 to index
          %get3A_129 = arith.constant 0 : index
          %get3A_130 = tpu.vector_load %arg12[%get3A, %get3A_129] {strides = array<i32>} : memref<128x128xf32, #tpu.memory_space<vmem>>, vector<16xf32>,
          %jit3A = arith.constant 8 : i32
          %div3A = arith.divsi %scan3A_127, %jit3A : i32
          %sign3A = arith.constant 0 : i32
          %sign3A_131 = arith.cmpi sgt, %scan3A_127, %sign3A : i32
          %sign3A_132 = arith.extui %sign3A_131 : i1 to i32
          %sign3A_133 = arith.constant 0 : i32
          %sign3A_134 = arith.cmpi slt, %scan3A_127, %sign3A_133 : i32
          %sign3A_135 = arith.extui %sign3A_134 : i1 to i32
          %sign3A_136 = arith.subi %sign3A_132, %sign3A_135 : i32
          %sign3A_137 = arith.constant 0 : i32
          %sign3A_138 = arith.cmpi sgt, %jit3A, %sign3A_137 : i32
          %sign3A_139 = arith.extui %sign3A_138 : i1 to i32
          %sign3A_140 = arith.constant 0 : i32
          %sign3A_141 = arith.cmpi slt, %jit3A, %sign3A_140 : i32
          %sign3A_142 = arith.extui %sign3A_141 : i1 to i32
          %sign3A_143 = arith.subi %sign3A_139, %sign3A_142 : i32
          %ne3A = arith.cmpi ne, %sign3A_136, %sign3A_143 : i32
          %rem3A = arith.remsi %scan3A_127, %jit3A : i32
          %ne3A_144 = arith.constant 0 : i32
          %ne3A_145 = arith.cmpi ne, %rem3A, %ne3A_144 : i32
          %and3A = arith.andi %ne3A, %ne3A_145 : i1
          %sub3A = arith.constant 1 : i32
          %sub3A_146 = arith.subi %div3A, %sub3A : i32
          %select_n3A = arith.select %and3A, %sub3A_146, %div3A : i32
          %jit3A_147 = arith.constant 8 : i32
          %eq3A_148 = arith.constant 0 : i32
          %eq3A_149 = arith.cmpi eq, %jit3A_147, %eq3A_148 : i32
          %jit3A_150 = arith.constant 1 : i32
          %select_n3A_151 = arith.select %eq3A_149, %jit3A_150, %jit3A_147 : i32
          %rem3A_152 = arith.remsi %scan3A_127, %select_n3A_151 : i32
          %ne3A_153 = arith.constant 0 : i32
          %ne3A_154 = arith.cmpi ne, %rem3A_152, %ne3A_153 : i32
          %lt3A_155 = arith.constant 0 : i32
          %lt3A_156 = arith.cmpi slt, %rem3A_152, %lt3A_155 : i32
          %lt3A_157 = arith.constant 0 : i32
          %lt3A_158 = arith.cmpi slt, %select_n3A_151, %lt3A_157 : i32
          %ne3A_159 = arith.xori %lt3A_156, %lt3A_158 : i1
          %and3A_160 = arith.andi %ne3A_159, %ne3A_154 : i1
          %add3A_161 = arith.addi %rem3A_152, %select_n3A_151 : i32
          %select_n3A_162 = arith.select %and3A_160, %add3A_161, %rem3A_152 : i32
          %mul3A_163 = arith.constant 16 : i32
          %mul3A_164 = arith.muli %select_n3A_162, %mul3A_163 : i32
          %get3A_165 = arith.index_cast %select_n3A : i32 to index
          %get3A_166 = arith.index_cast %mul3A_164 : i32 to index
          %get3A_167 = tpu.vector_load %arg13[%get3A_165, %get3A_166] {strides = array<i32>} : memref<16x128xf32, #tpu.memory_space<vmem>>, vector<16xf32>,
          %add3A_168 = arith.addf %get3A_130, %get3A_167 : vector<16xf32>
          %exp3A = math.exp %add3A_168 : vector<16xf32>
          %swap3A = arith.index_cast %scan3A_127 : i32 to index
          %swap3A_169 = arith.constant 0 : index
          %swap3A_170 = tpu.vector_load %arg12[%swap3A, %swap3A_169] {strides = array<i32>} : memref<128x128xf32, #tpu.memory_space<vmem>>, vector<16xf32>,
          tpu.vector_store %arg12[%swap3A, %swap3A_169], %exp3A {strides = array<i32>} : memref<128x128xf32, #tpu.memory_space<vmem>>, vector<16xf32>,
          %jit3A_171 = arith.constant 8 : i32
          %div3A_172 = arith.divsi %scan3A_127, %jit3A_171 : i32
          %sign3A_173 = arith.constant 0 : i32
          %sign3A_174 = arith.cmpi sgt, %scan3A_127, %sign3A_173 : i32
          %sign3A_175 = arith.extui %sign3A_174 : i1 to i32
          %sign3A_176 = arith.constant 0 : i32
          %sign3A_177 = arith.cmpi slt, %scan3A_127, %sign3A_176 : i32
          %sign3A_178 = arith.extui %sign3A_177 : i1 to i32
          %sign3A_179 = arith.subi %sign3A_175, %sign3A_178 : i32
          %sign3A_180 = arith.constant 0 : i32
          %sign3A_181 = arith.cmpi sgt, %jit3A_171, %sign3A_180 : i32
          %sign3A_182 = arith.extui %sign3A_181 : i1 to i32
          %sign3A_183 = arith.constant 0 : i32
          %sign3A_184 = arith.cmpi slt, %jit3A_171, %sign3A_183 : i32
          %sign3A_185 = arith.extui %sign3A_184 : i1 to i32
          %sign3A_186 = arith.subi %sign3A_182, %sign3A_185 : i32
          %ne3A_187 = arith.cmpi ne, %sign3A_179, %sign3A_186 : i32
          %rem3A_188 = arith.remsi %scan3A_127, %jit3A_171 : i32
          %ne3A_189 = arith.constant 0 : i32
          %ne3A_190 = arith.cmpi ne, %rem3A_188, %ne3A_189 : i32
          %and3A_191 = arith.andi %ne3A_187, %ne3A_190 : i1
          %sub3A_192 = arith.constant 1 : i32
          %sub3A_193 = arith.subi %div3A_172, %sub3A_192 : i32
          %select_n3A_194 = arith.select %and3A_191, %sub3A_193, %div3A_172 : i32
          %jit3A_195 = arith.constant 8 : i32
          %eq3A_196 = arith.constant 0 : i32
          %eq3A_197 = arith.cmpi eq, %jit3A_195, %eq3A_196 : i32
          %jit3A_198 = arith.constant 1 : i32
          %select_n3A_199 = arith.select %eq3A_197, %jit3A_198, %jit3A_195 : i32
          %rem3A_200 = arith.remsi %scan3A_127, %select_n3A_199 : i32
          %ne3A_201 = arith.constant 0 : i32
          %ne3A_202 = arith.cmpi ne, %rem3A_200, %ne3A_201 : i32
          %lt3A_203 = arith.constant 0 : i32
          %lt3A_204 = arith.cmpi slt, %rem3A_200, %lt3A_203 : i32
          %lt3A_205 = arith.constant 0 : i32
          %lt3A_206 = arith.cmpi slt, %select_n3A_199, %lt3A_205 : i32
          %ne3A_207 = arith.xori %lt3A_204, %lt3A_206 : i1
          %and3A_208 = arith.andi %ne3A_207, %ne3A_202 : i1
          %add3A_209 = arith.addi %rem3A_200, %select_n3A_199 : i32
          %select_n3A_210 = arith.select %and3A_208, %add3A_209, %rem3A_200 : i32
          %mul3A_211 = arith.constant 16 : i32
          %mul3A_212 = arith.muli %select_n3A_210, %mul3A_211 : i32
          %swap3A_213 = arith.index_cast %select_n3A_194 : i32 to index
          %swap3A_214 = arith.index_cast %mul3A_212 : i32 to index
          %swap3A_215 = tpu.vector_load %arg14[%swap3A_213, %swap3A_214] {strides = array<i32>} : memref<16x128xf32, #tpu.memory_space<vmem>>, vector<16xf32>,
          tpu.vector_store %arg14[%swap3A_213, %swap3A_214], %exp3A {strides = array<i32>} : memref<16x128xf32, #tpu.memory_space<vmem>>, vector<16xf32>,
          %scan3A_216 = arith.constant 0 : i32
          scf.yield %scan3A_216 : i32
        }
        %scan3A_124 = arith.constant 128 : i32
        "tpu.region"() ({
          %run_scoped3A = tpu.sem_alloc : memref<!tpu.dma_semaphore, #tpu.memory_space<semaphore_mem>>
          %dma_start3A_127 = arith.constant 0 : i32
          %dma_start3A_128 = arith.constant 0 : i32
          %dma_start3A_129 = tpu.memref_slice %arg9[%dma_start3A_127, %dma_start3A_128] : memref<10240x128xf32, #tpu.memory_space<vmem_shared>> -> memref<10240x128xf32, #tpu.memory_space<vmem_shared>>
          tpu.enqueue_indirect_dma source(%arg12 : memref<128x128xf32, #tpu.memory_space<vmem>>) target(%dma_start3A_129 : memref<10240x128xf32, #tpu.memory_space<vmem_shared>>) offsets(%arg11 : memref<128xi32, #tpu.memory_space<vmem>>) semaphore(%run_scoped3A : memref<!tpu.dma_semaphore, #tpu.memory_space<semaphore_mem>>) {add = true}
          %dma_wait3A_130 = arith.constant 0 : i32
          %dma_wait3A_131 = arith.constant 0 : i32
          %dma_wait3A_132 = tpu.memref_slice %arg9[%dma_wait3A_130, %dma_wait3A_131] : memref<10240x128xf32, #tpu.memory_space<vmem_shared>> -> memref<10240x128xf32, #tpu.memory_space<vmem_shared>>
          tpu.wait_indirect_dma semaphore(%run_scoped3A : memref<!tpu.dma_semaphore, #tpu.memory_space<semaphore_mem>>) src(%arg12 : memref<128x128xf32, #tpu.memory_space<vmem>>) dst(%dma_wait3A_132 : memref<10240x128xf32, #tpu.memory_space<vmem_shared>>)
          tpu.yield
        }) : () -> ()
        %mul3A_125 = arith.constant 16 : i32
        %mul3A_126 = arith.muli %add3A_88, %mul3A_125 : i32
        "tpu.region"() ({
          %run_scoped3A = tpu.sem_alloc : memref<!tpu.dma_semaphore, #tpu.memory_space<semaphore_mem>>
          %dma_start3A_127 = arith.constant 0 : i32
          %dma_start3A_128 = tpu.memref_slice %arg8[%mul3A_126, %dma_start3A_127] : memref<20000x128xf32, #tpu.memory_space<hbm>> -> memref<16x128xf32, #tpu.memory_space<hbm>>
          %dma_start3A_129 = arith.constant 0 : i32
          %dma_start3A_130 = tpu.memref_slice %arg8[%mul3A_126, %dma_start3A_129] : memref<20000x128xf32, #tpu.memory_space<hbm>> -> memref<16x128xf32, #tpu.memory_space<hbm>>
          tpu.enqueue_dma source(%arg14 : memref<16x128xf32, #tpu.memory_space<vmem>>) target(%dma_start3A_130 : memref<16x128xf32, #tpu.memory_space<hbm>>) target_semaphore(%run_scoped3A : memref<!tpu.dma_semaphore, #tpu.memory_space<semaphore_mem>>)
          %dma_wait3A_131 = arith.constant 0 : i32
          %dma_wait3A_132 = tpu.memref_slice %arg8[%mul3A_126, %dma_wait3A_131] : memref<20000x128xf32, #tpu.memory_space<hbm>> -> memref<16x128xf32, #tpu.memory_space<hbm>>
          %dma_wait3A_133 = arith.constant 0 : i32
          %dma_wait3A_134 = tpu.memref_slice %arg8[%mul3A_126, %dma_wait3A_133] : memref<20000x128xf32, #tpu.memory_space<hbm>> -> memref<16x128xf32, #tpu.memory_space<hbm>>
          tpu.wait_dma2 semaphore(%run_scoped3A : memref<!tpu.dma_semaphore, #tpu.memory_space<semaphore_mem>>) src(%arg14 : memref<16x128xf32, #tpu.memory_space<vmem>>) dst(%dma_wait3A_134 : memref<16x128xf32, #tpu.memory_space<hbm>>)
          tpu.yield
        }) : () -> ()
      } else {
      }
      %scan3A_93 = arith.constant 0 : i32
      scf.yield %scan3A_93 : i32
    }
    %scan3A_25 = arith.constant 40 : i32
    %barrier3A_26 = arith.constant 0 : index
    tpu.barrier barrier_id(%barrier3A_26)
    %add3A_27 = arith.constant 0 : i32
    %add3A_28 = arith.addi %mul3A_2, %add3A_27 : i32
    "tpu.region"() ({
      %run_scoped3A = tpu.sem_alloc : memref<!tpu.dma_semaphore, #tpu.memory_space<semaphore_mem>>
      %dma_start3A = arith.constant 0 : i32
      %dma_start3A_84 = tpu.memref_slice %arg9[%add3A_28, %dma_start3A] : memref<10240x128xf32, #tpu.memory_space<vmem_shared>> -> memref<128x128xf32, #tpu.memory_space<vmem_shared>>
      %dma_start3A_85 = arith.constant 0 : i32
      %dma_start3A_86 = tpu.memref_slice %arg9[%add3A_28, %dma_start3A_85] : memref<10240x128xf32, #tpu.memory_space<vmem_shared>> -> memref<128x128xf32, #tpu.memory_space<vmem_shared>>
      tpu.enqueue_dma source(%dma_start3A_86 : memref<128x128xf32, #tpu.memory_space<vmem_shared>>) target(%arg12 : memref<128x128xf32, #tpu.memory_space<vmem>>) target_semaphore(%run_scoped3A : memref<!tpu.dma_semaphore, #tpu.memory_space<semaphore_mem>>)
      %dma_wait3A = arith.constant 0 : i32
      %dma_wait3A_87 = tpu.memref_slice %arg9[%add3A_28, %dma_wait3A] : memref<10240x128xf32, #tpu.memory_space<vmem_shared>> -> memref<128x128xf32, #tpu.memory_space<vmem_shared>>
      %dma_wait3A_88 = arith.constant 0 : i32
      %dma_wait3A_89 = tpu.memref_slice %arg9[%add3A_28, %dma_wait3A_88] : memref<10240x128xf32, #tpu.memory_space<vmem_shared>> -> memref<128x128xf32, #tpu.memory_space<vmem_shared>>
      tpu.wait_dma2 semaphore(%run_scoped3A : memref<!tpu.dma_semaphore, #tpu.memory_space<semaphore_mem>>) src(%dma_wait3A_89 : memref<128x128xf32, #tpu.memory_space<vmem_shared>>) dst(%arg12 : memref<128x128xf32, #tpu.memory_space<vmem>>)
      tpu.yield
    }) : () -> ()
    %eq3A = arith.constant 0 : i32
    %eq3A_29 = arith.cmpi eq, %arg0, %eq3A : i32
    %convert_element_type3A = arith.extui %eq3A_29 : i1 to i32
    %cond3A = arith.constant 0 : i32
    %cond3A_30 = arith.cmpi ne, %convert_element_type3A, %cond3A : i32
    scf.if %cond3A_30 {
      "tpu.region"() ({
        %run_scoped3A = tpu.sem_alloc : memref<!tpu.dma_semaphore, #tpu.memory_space<semaphore_mem>>
        %dma_start3A = arith.constant 0 : i32
        %dma_start3A_84 = tpu.memref_slice %arg6[%add3A_28, %dma_start3A] : memref<10240x128xf32, #tpu.memory_space<hbm>> -> memref<128x128xf32, #tpu.memory_space<hbm>>
        %dma_start3A_85 = arith.constant 0 : i32
        %dma_start3A_86 = tpu.memref_slice %arg6[%add3A_28, %dma_start3A_85] : memref<10240x128xf32, #tpu.memory_space<hbm>> -> memref<128x128xf32, #tpu.memory_space<hbm>>
        tpu.enqueue_dma source(%arg12 : memref<128x128xf32, #tpu.memory_space<vmem>>) target(%dma_start3A_86 : memref<128x128xf32, #tpu.memory_space<hbm>>) target_semaphore(%run_scoped3A : memref<!tpu.dma_semaphore, #tpu.memory_space<semaphore_mem>>)
        %dma_wait3A = arith.constant 0 : i32
        %dma_wait3A_87 = tpu.memref_slice %arg6[%add3A_28, %dma_wait3A] : memref<10240x128xf32, #tpu.memory_space<hbm>> -> memref<128x128xf32, #tpu.memory_space<hbm>>
        %dma_wait3A_88 = arith.constant 0 : i32
        %dma_wait3A_89 = tpu.memref_slice %arg6[%add3A_28, %dma_wait3A_88] : memref<10240x128xf32, #tpu.memory_space<hbm>> -> memref<128x128xf32, #tpu.memory_space<hbm>>
        tpu.wait_dma2 semaphore(%run_scoped3A : memref<!tpu.dma_semaphore, #tpu.memory_space<semaphore_mem>>) src(%arg12 : memref<128x128xf32, #tpu.memory_space<vmem>>) dst(%dma_wait3A_89 : memref<128x128xf32, #tpu.memory_space<hbm>>)
        tpu.yield
      }) : () -> ()
    } else {
    }
    %eq3A_31 = arith.constant 1 : i32
    %eq3A_32 = arith.cmpi eq, %arg0, %eq3A_31 : i32
    %convert_element_type3A_33 = arith.extui %eq3A_32 : i1 to i32
    %cond3A_34 = arith.constant 0 : i32
    %cond3A_35 = arith.cmpi ne, %convert_element_type3A_33, %cond3A_34 : i32
    scf.if %cond3A_35 {
      "tpu.region"() ({
        %run_scoped3A = tpu.sem_alloc : memref<!tpu.dma_semaphore, #tpu.memory_space<semaphore_mem>>
        %dma_start3A = arith.constant 0 : i32
        %dma_start3A_84 = tpu.memref_slice %arg7[%add3A_28, %dma_start3A] : memref<10240x128xf32, #tpu.memory_space<hbm>> -> memref<128x128xf32, #tpu.memory_space<hbm>>
        %dma_start3A_85 = arith.constant 0 : i32
        %dma_start3A_86 = tpu.memref_slice %arg7[%add3A_28, %dma_start3A_85] : memref<10240x128xf32, #tpu.memory_space<hbm>> -> memref<128x128xf32, #tpu.memory_space<hbm>>
        tpu.enqueue_dma source(%arg12 : memref<128x128xf32, #tpu.memory_space<vmem>>) target(%dma_start3A_86 : memref<128x128xf32, #tpu.memory_space<hbm>>) target_semaphore(%run_scoped3A : memref<!tpu.dma_semaphore, #tpu.memory_space<semaphore_mem>>)
        %dma_wait3A = arith.constant 0 : i32
        %dma_wait3A_87 = tpu.memref_slice %arg7[%add3A_28, %dma_wait3A] : memref<10240x128xf32, #tpu.memory_space<hbm>> -> memref<128x128xf32, #tpu.memory_space<hbm>>
        %dma_wait3A_88 = arith.constant 0 : i32
        %dma_wait3A_89 = tpu.memref_slice %arg7[%add3A_28, %dma_wait3A_88] : memref<10240x128xf32, #tpu.memory_space<hbm>> -> memref<128x128xf32, #tpu.memory_space<hbm>>
        tpu.wait_dma2 semaphore(%run_scoped3A : memref<!tpu.dma_semaphore, #tpu.memory_space<semaphore_mem>>) src(%arg12 : memref<128x128xf32, #tpu.memory_space<vmem>>) dst(%dma_wait3A_89 : memref<128x128xf32, #tpu.memory_space<hbm>>)
        tpu.yield
      }) : () -> ()
    } else {
    }
    %add3A_36 = arith.constant 128 : i32
    %add3A_37 = arith.addi %mul3A_2, %add3A_36 : i32
    "tpu.region"() ({
      %run_scoped3A = tpu.sem_alloc : memref<!tpu.dma_semaphore, #tpu.memory_space<semaphore_mem>>
      %dma_start3A = arith.constant 0 : i32
      %dma_start3A_84 = tpu.memref_slice %arg9[%add3A_37, %dma_start3A] : memref<10240x128xf32, #tpu.memory_space<vmem_shared>> -> memref<128x128xf32, #tpu.memory_space<vmem_shared>>
      %dma_start3A_85 = arith.constant 0 : i32
      %dma_start3A_86 = tpu.memref_slice %arg9[%add3A_37, %dma_start3A_85] : memref<10240x128xf32, #tpu.memory_space<vmem_shared>> -> memref<128x128xf32, #tpu.memory_space<vmem_shared>>
      tpu.enqueue_dma source(%dma_start3A_86 : memref<128x128xf32, #tpu.memory_space<vmem_shared>>) target(%arg12 : memref<128x128xf32, #tpu.memory_space<vmem>>) target_semaphore(%run_scoped3A : memref<!tpu.dma_semaphore, #tpu.memory_space<semaphore_mem>>)
      %dma_wait3A = arith.constant 0 : i32
      %dma_wait3A_87 = tpu.memref_slice %arg9[%add3A_37, %dma_wait3A] : memref<10240x128xf32, #tpu.memory_space<vmem_shared>> -> memref<128x128xf32, #tpu.memory_space<vmem_shared>>
      %dma_wait3A_88 = arith.constant 0 : i32
      %dma_wait3A_89 = tpu.memref_slice %arg9[%add3A_37, %dma_wait3A_88] : memref<10240x128xf32, #tpu.memory_space<vmem_shared>> -> memref<128x128xf32, #tpu.memory_space<vmem_shared>>
      tpu.wait_dma2 semaphore(%run_scoped3A : memref<!tpu.dma_semaphore, #tpu.memory_space<semaphore_mem>>) src(%dma_wait3A_89 : memref<128x128xf32, #tpu.memory_space<vmem_shared>>) dst(%arg12 : memref<128x128xf32, #tpu.memory_space<vmem>>)
      tpu.yield
    }) : () -> ()
    %eq3A_38 = arith.constant 0 : i32
    %eq3A_39 = arith.cmpi eq, %arg0, %eq3A_38 : i32
    %convert_element_type3A_40 = arith.extui %eq3A_39 : i1 to i32
    %cond3A_41 = arith.constant 0 : i32
    %cond3A_42 = arith.cmpi ne, %convert_element_type3A_40, %cond3A_41 : i32
    scf.if %cond3A_42 {
      "tpu.region"() ({
        %run_scoped3A = tpu.sem_alloc : memref<!tpu.dma_semaphore, #tpu.memory_space<semaphore_mem>>
        %dma_start3A = arith.constant 0 : i32
        %dma_start3A_84 = tpu.memref_slice %arg6[%add3A_37, %dma_start3A] : memref<10240x128xf32, #tpu.memory_space<hbm>> -> memref<128x128xf32, #tpu.memory_space<hbm>>
        %dma_start3A_85 = arith.constant 0 : i32
        %dma_start3A_86 = tpu.memref_slice %arg6[%add3A_37, %dma_start3A_85] : memref<10240x128xf32, #tpu.memory_space<hbm>> -> memref<128x128xf32, #tpu.memory_space<hbm>>
        tpu.enqueue_dma source(%arg12 : memref<128x128xf32, #tpu.memory_space<vmem>>) target(%dma_start3A_86 : memref<128x128xf32, #tpu.memory_space<hbm>>) target_semaphore(%run_scoped3A : memref<!tpu.dma_semaphore, #tpu.memory_space<semaphore_mem>>)
        %dma_wait3A = arith.constant 0 : i32
        %dma_wait3A_87 = tpu.memref_slice %arg6[%add3A_37, %dma_wait3A] : memref<10240x128xf32, #tpu.memory_space<hbm>> -> memref<128x128xf32, #tpu.memory_space<hbm>>
        %dma_wait3A_88 = arith.constant 0 : i32
        %dma_wait3A_89 = tpu.memref_slice %arg6[%add3A_37, %dma_wait3A_88] : memref<10240x128xf32, #tpu.memory_space<hbm>> -> memref<128x128xf32, #tpu.memory_space<hbm>>
        tpu.wait_dma2 semaphore(%run_scoped3A : memref<!tpu.dma_semaphore, #tpu.memory_space<semaphore_mem>>) src(%arg12 : memref<128x128xf32, #tpu.memory_space<vmem>>) dst(%dma_wait3A_89 : memref<128x128xf32, #tpu.memory_space<hbm>>)
        tpu.yield
      }) : () -> ()
    } else {
    }
    %eq3A_43 = arith.constant 1 : i32
    %eq3A_44 = arith.cmpi eq, %arg0, %eq3A_43 : i32
    %convert_element_type3A_45 = arith.extui %eq3A_44 : i1 to i32
    %cond3A_46 = arith.constant 0 : i32
    %cond3A_47 = arith.cmpi ne, %convert_element_type3A_45, %cond3A_46 : i32
    scf.if %cond3A_47 {
      "tpu.region"() ({
        %run_scoped3A = tpu.sem_alloc : memref<!tpu.dma_semaphore, #tpu.memory_space<semaphore_mem>>
        %dma_start3A = arith.constant 0 : i32
        %dma_start3A_84 = tpu.memref_slice %arg7[%add3A_37, %dma_start3A] : memref<10240x128xf32, #tpu.memory_space<hbm>> -> memref<128x128xf32, #tpu.memory_space<hbm>>
        %dma_start3A_85 = arith.constant 0 : i32
        %dma_start3A_86 = tpu.memref_slice %arg7[%add3A_37, %dma_start3A_85] : memref<10240x128xf32, #tpu.memory_space<hbm>> -> memref<128x128xf32, #tpu.memory_space<hbm>>
        tpu.enqueue_dma source(%arg12 : memref<128x128xf32, #tpu.memory_space<vmem>>) target(%dma_start3A_86 : memref<128x128xf32, #tpu.memory_space<hbm>>) target_semaphore(%run_scoped3A : memref<!tpu.dma_semaphore, #tpu.memory_space<semaphore_mem>>)
        %dma_wait3A = arith.constant 0 : i32
        %dma_wait3A_87 = tpu.memref_slice %arg7[%add3A_37, %dma_wait3A] : memref<10240x128xf32, #tpu.memory_space<hbm>> -> memref<128x128xf32, #tpu.memory_space<hbm>>
        %dma_wait3A_88 = arith.constant 0 : i32
        %dma_wait3A_89 = tpu.memref_slice %arg7[%add3A_37, %dma_wait3A_88] : memref<10240x128xf32, #tpu.memory_space<hbm>> -> memref<128x128xf32, #tpu.memory_space<hbm>>
        tpu.wait_dma2 semaphore(%run_scoped3A : memref<!tpu.dma_semaphore, #tpu.memory_space<semaphore_mem>>) src(%arg12 : memref<128x128xf32, #tpu.memory_space<vmem>>) dst(%dma_wait3A_89 : memref<128x128xf32, #tpu.memory_space<hbm>>)
        tpu.yield
      }) : () -> ()
    } else {
    }
    %add3A_48 = arith.constant 256 : i32
    %add3A_49 = arith.addi %mul3A_2, %add3A_48 : i32
    "tpu.region"() ({
      %run_scoped3A = tpu.sem_alloc : memref<!tpu.dma_semaphore, #tpu.memory_space<semaphore_mem>>
      %dma_start3A = arith.constant 0 : i32
      %dma_start3A_84 = tpu.memref_slice %arg9[%add3A_49, %dma_start3A] : memref<10240x128xf32, #tpu.memory_space<vmem_shared>> -> memref<128x128xf32, #tpu.memory_space<vmem_shared>>
      %dma_start3A_85 = arith.constant 0 : i32
      %dma_start3A_86 = tpu.memref_slice %arg9[%add3A_49, %dma_start3A_85] : memref<10240x128xf32, #tpu.memory_space<vmem_shared>> -> memref<128x128xf32, #tpu.memory_space<vmem_shared>>
      tpu.enqueue_dma source(%dma_start3A_86 : memref<128x128xf32, #tpu.memory_space<vmem_shared>>) target(%arg12 : memref<128x128xf32, #tpu.memory_space<vmem>>) target_semaphore(%run_scoped3A : memref<!tpu.dma_semaphore, #tpu.memory_space<semaphore_mem>>)
      %dma_wait3A = arith.constant 0 : i32
      %dma_wait3A_87 = tpu.memref_slice %arg9[%add3A_49, %dma_wait3A] : memref<10240x128xf32, #tpu.memory_space<vmem_shared>> -> memref<128x128xf32, #tpu.memory_space<vmem_shared>>
      %dma_wait3A_88 = arith.constant 0 : i32
      %dma_wait3A_89 = tpu.memref_slice %arg9[%add3A_49, %dma_wait3A_88] : memref<10240x128xf32, #tpu.memory_space<vmem_shared>> -> memref<128x128xf32, #tpu.memory_space<vmem_shared>>
      tpu.wait_dma2 semaphore(%run_scoped3A : memref<!tpu.dma_semaphore, #tpu.memory_space<semaphore_mem>>) src(%dma_wait3A_89 : memref<128x128xf32, #tpu.memory_space<vmem_shared>>) dst(%arg12 : memref<128x128xf32, #tpu.memory_space<vmem>>)
      tpu.yield
    }) : () -> ()
    %eq3A_50 = arith.constant 0 : i32
    %eq3A_51 = arith.cmpi eq, %arg0, %eq3A_50 : i32
    %convert_element_type3A_52 = arith.extui %eq3A_51 : i1 to i32
    %cond3A_53 = arith.constant 0 : i32
    %cond3A_54 = arith.cmpi ne, %convert_element_type3A_52, %cond3A_53 : i32
    scf.if %cond3A_54 {
      "tpu.region"() ({
        %run_scoped3A = tpu.sem_alloc : memref<!tpu.dma_semaphore, #tpu.memory_space<semaphore_mem>>
        %dma_start3A = arith.constant 0 : i32
        %dma_start3A_84 = tpu.memref_slice %arg6[%add3A_49, %dma_start3A] : memref<10240x128xf32, #tpu.memory_space<hbm>> -> memref<128x128xf32, #tpu.memory_space<hbm>>
        %dma_start3A_85 = arith.constant 0 : i32
        %dma_start3A_86 = tpu.memref_slice %arg6[%add3A_49, %dma_start3A_85] : memref<10240x128xf32, #tpu.memory_space<hbm>> -> memref<128x128xf32, #tpu.memory_space<hbm>>
        tpu.enqueue_dma source(%arg12 : memref<128x128xf32, #tpu.memory_space<vmem>>) target(%dma_start3A_86 : memref<128x128xf32, #tpu.memory_space<hbm>>) target_semaphore(%run_scoped3A : memref<!tpu.dma_semaphore, #tpu.memory_space<semaphore_mem>>)
        %dma_wait3A = arith.constant 0 : i32
        %dma_wait3A_87 = tpu.memref_slice %arg6[%add3A_49, %dma_wait3A] : memref<10240x128xf32, #tpu.memory_space<hbm>> -> memref<128x128xf32, #tpu.memory_space<hbm>>
        %dma_wait3A_88 = arith.constant 0 : i32
        %dma_wait3A_89 = tpu.memref_slice %arg6[%add3A_49, %dma_wait3A_88] : memref<10240x128xf32, #tpu.memory_space<hbm>> -> memref<128x128xf32, #tpu.memory_space<hbm>>
        tpu.wait_dma2 semaphore(%run_scoped3A : memref<!tpu.dma_semaphore, #tpu.memory_space<semaphore_mem>>) src(%arg12 : memref<128x128xf32, #tpu.memory_space<vmem>>) dst(%dma_wait3A_89 : memref<128x128xf32, #tpu.memory_space<hbm>>)
        tpu.yield
      }) : () -> ()
    } else {
    }
    %eq3A_55 = arith.constant 1 : i32
    %eq3A_56 = arith.cmpi eq, %arg0, %eq3A_55 : i32
    %convert_element_type3A_57 = arith.extui %eq3A_56 : i1 to i32
    %cond3A_58 = arith.constant 0 : i32
    %cond3A_59 = arith.cmpi ne, %convert_element_type3A_57, %cond3A_58 : i32
    scf.if %cond3A_59 {
      "tpu.region"() ({
        %run_scoped3A = tpu.sem_alloc : memref<!tpu.dma_semaphore, #tpu.memory_space<semaphore_mem>>
        %dma_start3A = arith.constant 0 : i32
        %dma_start3A_84 = tpu.memref_slice %arg7[%add3A_49, %dma_start3A] : memref<10240x128xf32, #tpu.memory_space<hbm>> -> memref<128x128xf32, #tpu.memory_space<hbm>>
        %dma_start3A_85 = arith.constant 0 : i32
        %dma_start3A_86 = tpu.memref_slice %arg7[%add3A_49, %dma_start3A_85] : memref<10240x128xf32, #tpu.memory_space<hbm>> -> memref<128x128xf32, #tpu.memory_space<hbm>>
        tpu.enqueue_dma source(%arg12 : memref<128x128xf32, #tpu.memory_space<vmem>>) target(%dma_start3A_86 : memref<128x128xf32, #tpu.memory_space<hbm>>) target_semaphore(%run_scoped3A : memref<!tpu.dma_semaphore, #tpu.memory_space<semaphore_mem>>)
        %dma_wait3A = arith.constant 0 : i32
        %dma_wait3A_87 = tpu.memref_slice %arg7[%add3A_49, %dma_wait3A] : memref<10240x128xf32, #tpu.memory_space<hbm>> -> memref<128x128xf32, #tpu.memory_space<hbm>>
        %dma_wait3A_88 = arith.constant 0 : i32
        %dma_wait3A_89 = tpu.memref_slice %arg7[%add3A_49, %dma_wait3A_88] : memref<10240x128xf32, #tpu.memory_space<hbm>> -> memref<128x128xf32, #tpu.memory_space<hbm>>
        tpu.wait_dma2 semaphore(%run_scoped3A : memref<!tpu.dma_semaphore, #tpu.memory_space<semaphore_mem>>) src(%arg12 : memref<128x128xf32, #tpu.memory_space<vmem>>) dst(%dma_wait3A_89 : memref<128x128xf32, #tpu.memory_space<hbm>>)
        tpu.yield
      }) : () -> ()
    } else {
    }
    %add3A_60 = arith.constant 384 : i32
    %add3A_61 = arith.addi %mul3A_2, %add3A_60 : i32
    "tpu.region"() ({
      %run_scoped3A = tpu.sem_alloc : memref<!tpu.dma_semaphore, #tpu.memory_space<semaphore_mem>>
      %dma_start3A = arith.constant 0 : i32
      %dma_start3A_84 = tpu.memref_slice %arg9[%add3A_61, %dma_start3A] : memref<10240x128xf32, #tpu.memory_space<vmem_shared>> -> memref<128x128xf32, #tpu.memory_space<vmem_shared>>
      %dma_start3A_85 = arith.constant 0 : i32
      %dma_start3A_86 = tpu.memref_slice %arg9[%add3A_61, %dma_start3A_85] : memref<10240x128xf32, #tpu.memory_space<vmem_shared>> -> memref<128x128xf32, #tpu.memory_space<vmem_shared>>
      tpu.enqueue_dma source(%dma_start3A_86 : memref<128x128xf32, #tpu.memory_space<vmem_shared>>) target(%arg12 : memref<128x128xf32, #tpu.memory_space<vmem>>) target_semaphore(%run_scoped3A : memref<!tpu.dma_semaphore, #tpu.memory_space<semaphore_mem>>)
      %dma_wait3A = arith.constant 0 : i32
      %dma_wait3A_87 = tpu.memref_slice %arg9[%add3A_61, %dma_wait3A] : memref<10240x128xf32, #tpu.memory_space<vmem_shared>> -> memref<128x128xf32, #tpu.memory_space<vmem_shared>>
      %dma_wait3A_88 = arith.constant 0 : i32
      %dma_wait3A_89 = tpu.memref_slice %arg9[%add3A_61, %dma_wait3A_88] : memref<10240x128xf32, #tpu.memory_space<vmem_shared>> -> memref<128x128xf32, #tpu.memory_space<vmem_shared>>
      tpu.wait_dma2 semaphore(%run_scoped3A : memref<!tpu.dma_semaphore, #tpu.memory_space<semaphore_mem>>) src(%dma_wait3A_89 : memref<128x128xf32, #tpu.memory_space<vmem_shared>>) dst(%arg12 : memref<128x128xf32, #tpu.memory_space<vmem>>)
      tpu.yield
    }) : () -> ()
    %eq3A_62 = arith.constant 0 : i32
    %eq3A_63 = arith.cmpi eq, %arg0, %eq3A_62 : i32
    %convert_element_type3A_64 = arith.extui %eq3A_63 : i1 to i32
    %cond3A_65 = arith.constant 0 : i32
    %cond3A_66 = arith.cmpi ne, %convert_element_type3A_64, %cond3A_65 : i32
    scf.if %cond3A_66 {
      "tpu.region"() ({
        %run_scoped3A = tpu.sem_alloc : memref<!tpu.dma_semaphore, #tpu.memory_space<semaphore_mem>>
        %dma_start3A = arith.constant 0 : i32
        %dma_start3A_84 = tpu.memref_slice %arg6[%add3A_61, %dma_start3A] : memref<10240x128xf32, #tpu.memory_space<hbm>> -> memref<128x128xf32, #tpu.memory_space<hbm>>
        %dma_start3A_85 = arith.constant 0 : i32
        %dma_start3A_86 = tpu.memref_slice %arg6[%add3A_61, %dma_start3A_85] : memref<10240x128xf32, #tpu.memory_space<hbm>> -> memref<128x128xf32, #tpu.memory_space<hbm>>
        tpu.enqueue_dma source(%arg12 : memref<128x128xf32, #tpu.memory_space<vmem>>) target(%dma_start3A_86 : memref<128x128xf32, #tpu.memory_space<hbm>>) target_semaphore(%run_scoped3A : memref<!tpu.dma_semaphore, #tpu.memory_space<semaphore_mem>>)
        %dma_wait3A = arith.constant 0 : i32
        %dma_wait3A_87 = tpu.memref_slice %arg6[%add3A_61, %dma_wait3A] : memref<10240x128xf32, #tpu.memory_space<hbm>> -> memref<128x128xf32, #tpu.memory_space<hbm>>
        %dma_wait3A_88 = arith.constant 0 : i32
        %dma_wait3A_89 = tpu.memref_slice %arg6[%add3A_61, %dma_wait3A_88] : memref<10240x128xf32, #tpu.memory_space<hbm>> -> memref<128x128xf32, #tpu.memory_space<hbm>>
        tpu.wait_dma2 semaphore(%run_scoped3A : memref<!tpu.dma_semaphore, #tpu.memory_space<semaphore_mem>>) src(%arg12 : memref<128x128xf32, #tpu.memory_space<vmem>>) dst(%dma_wait3A_89 : memref<128x128xf32, #tpu.memory_space<hbm>>)
        tpu.yield
      }) : () -> ()
    } else {
    }
    %eq3A_67 = arith.constant 1 : i32
    %eq3A_68 = arith.cmpi eq, %arg0, %eq3A_67 : i32
    %convert_element_type3A_69 = arith.extui %eq3A_68 : i1 to i32
    %cond3A_70 = arith.constant 0 : i32
    %cond3A_71 = arith.cmpi ne, %convert_element_type3A_69, %cond3A_70 : i32
    scf.if %cond3A_71 {
      "tpu.region"() ({
        %run_scoped3A = tpu.sem_alloc : memref<!tpu.dma_semaphore, #tpu.memory_space<semaphore_mem>>
        %dma_start3A = arith.constant 0 : i32
        %dma_start3A_84 = tpu.memref_slice %arg7[%add3A_61, %dma_start3A] : memref<10240x128xf32, #tpu.memory_space<hbm>> -> memref<128x128xf32, #tpu.memory_space<hbm>>
        %dma_start3A_85 = arith.constant 0 : i32
        %dma_start3A_86 = tpu.memref_slice %arg7[%add3A_61, %dma_start3A_85] : memref<10240x128xf32, #tpu.memory_space<hbm>> -> memref<128x128xf32, #tpu.memory_space<hbm>>
        tpu.enqueue_dma source(%arg12 : memref<128x128xf32, #tpu.memory_space<vmem>>) target(%dma_start3A_86 : memref<128x128xf32, #tpu.memory_space<hbm>>) target_semaphore(%run_scoped3A : memref<!tpu.dma_semaphore, #tpu.memory_space<semaphore_mem>>)
        %dma_wait3A = arith.constant 0 : i32
        %dma_wait3A_87 = tpu.memref_slice %arg7[%add3A_61, %dma_wait3A] : memref<10240x128xf32, #tpu.memory_space<hbm>> -> memref<128x128xf32, #tpu.memory_space<hbm>>
        %dma_wait3A_88 = arith.constant 0 : i32
        %dma_wait3A_89 = tpu.memref_slice %arg7[%add3A_61, %dma_wait3A_88] : memref<10240x128xf32, #tpu.memory_space<hbm>> -> memref<128x128xf32, #tpu.memory_space<hbm>>
        tpu.wait_dma2 semaphore(%run_scoped3A : memref<!tpu.dma_semaphore, #tpu.memory_space<semaphore_mem>>) src(%arg12 : memref<128x128xf32, #tpu.memory_space<vmem>>) dst(%dma_wait3A_89 : memref<128x128xf32, #tpu.memory_space<hbm>>)
        tpu.yield
      }) : () -> ()
    } else {
    }
    %add3A_72 = arith.constant 512 : i32
    %add3A_73 = arith.addi %mul3A_2, %add3A_72 : i32
    "tpu.region"() ({
      %run_scoped3A = tpu.sem_alloc : memref<!tpu.dma_semaphore, #tpu.memory_space<semaphore_mem>>
      %dma_start3A = arith.constant 0 : i32
      %dma_start3A_84 = tpu.memref_slice %arg9[%add3A_73, %dma_start3A] : memref<10240x128xf32, #tpu.memory_space<vmem_shared>> -> memref<128x128xf32, #tpu.memory_space<vmem_shared>>
      %dma_start3A_85 = arith.constant 0 : i32
      %dma_start3A_86 = tpu.memref_slice %arg9[%add3A_73, %dma_start3A_85] : memref<10240x128xf32, #tpu.memory_space<vmem_shared>> -> memref<128x128xf32, #tpu.memory_space<vmem_shared>>
      tpu.enqueue_dma source(%dma_start3A_86 : memref<128x128xf32, #tpu.memory_space<vmem_shared>>) target(%arg12 : memref<128x128xf32, #tpu.memory_space<vmem>>) target_semaphore(%run_scoped3A : memref<!tpu.dma_semaphore, #tpu.memory_space<semaphore_mem>>)
      %dma_wait3A = arith.constant 0 : i32
      %dma_wait3A_87 = tpu.memref_slice %arg9[%add3A_73, %dma_wait3A] : memref<10240x128xf32, #tpu.memory_space<vmem_shared>> -> memref<128x128xf32, #tpu.memory_space<vmem_shared>>
      %dma_wait3A_88 = arith.constant 0 : i32
      %dma_wait3A_89 = tpu.memref_slice %arg9[%add3A_73, %dma_wait3A_88] : memref<10240x128xf32, #tpu.memory_space<vmem_shared>> -> memref<128x128xf32, #tpu.memory_space<vmem_shared>>
      tpu.wait_dma2 semaphore(%run_scoped3A : memref<!tpu.dma_semaphore, #tpu.memory_space<semaphore_mem>>) src(%dma_wait3A_89 : memref<128x128xf32, #tpu.memory_space<vmem_shared>>) dst(%arg12 : memref<128x128xf32, #tpu.memory_space<vmem>>)
      tpu.yield
    }) : () -> ()
    %eq3A_74 = arith.constant 0 : i32
    %eq3A_75 = arith.cmpi eq, %arg0, %eq3A_74 : i32
    %convert_element_type3A_76 = arith.extui %eq3A_75 : i1 to i32
    %cond3A_77 = arith.constant 0 : i32
    %cond3A_78 = arith.cmpi ne, %convert_element_type3A_76, %cond3A_77 : i32
    scf.if %cond3A_78 {
      "tpu.region"() ({
        %run_scoped3A = tpu.sem_alloc : memref<!tpu.dma_semaphore, #tpu.memory_space<semaphore_mem>>
        %dma_start3A = arith.constant 0 : i32
        %dma_start3A_84 = tpu.memref_slice %arg6[%add3A_73, %dma_start3A] : memref<10240x128xf32, #tpu.memory_space<hbm>> -> memref<128x128xf32, #tpu.memory_space<hbm>>
        %dma_start3A_85 = arith.constant 0 : i32
        %dma_start3A_86 = tpu.memref_slice %arg6[%add3A_73, %dma_start3A_85] : memref<10240x128xf32, #tpu.memory_space<hbm>> -> memref<128x128xf32, #tpu.memory_space<hbm>>
        tpu.enqueue_dma source(%arg12 : memref<128x128xf32, #tpu.memory_space<vmem>>) target(%dma_start3A_86 : memref<128x128xf32, #tpu.memory_space<hbm>>) target_semaphore(%run_scoped3A : memref<!tpu.dma_semaphore, #tpu.memory_space<semaphore_mem>>)
        %dma_wait3A = arith.constant 0 : i32
        %dma_wait3A_87 = tpu.memref_slice %arg6[%add3A_73, %dma_wait3A] : memref<10240x128xf32, #tpu.memory_space<hbm>> -> memref<128x128xf32, #tpu.memory_space<hbm>>
        %dma_wait3A_88 = arith.constant 0 : i32
        %dma_wait3A_89 = tpu.memref_slice %arg6[%add3A_73, %dma_wait3A_88] : memref<10240x128xf32, #tpu.memory_space<hbm>> -> memref<128x128xf32, #tpu.memory_space<hbm>>
        tpu.wait_dma2 semaphore(%run_scoped3A : memref<!tpu.dma_semaphore, #tpu.memory_space<semaphore_mem>>) src(%arg12 : memref<128x128xf32, #tpu.memory_space<vmem>>) dst(%dma_wait3A_89 : memref<128x128xf32, #tpu.memory_space<hbm>>)
        tpu.yield
      }) : () -> ()
    } else {
    }
    %eq3A_79 = arith.constant 1 : i32
    %eq3A_80 = arith.cmpi eq, %arg0, %eq3A_79 : i32
    %convert_element_type3A_81 = arith.extui %eq3A_80 : i1 to i32
    %cond3A_82 = arith.constant 0 : i32
    %cond3A_83 = arith.cmpi ne, %convert_element_type3A_81, %cond3A_82 : i32
    scf.if %cond3A_83 {
      "tpu.region"() ({
        %run_scoped3A = tpu.sem_alloc : memref<!tpu.dma_semaphore, #tpu.memory_space<semaphore_mem>>
        %dma_start3A = arith.constant 0 : i32
        %dma_start3A_84 = tpu.memref_slice %arg7[%add3A_73, %dma_start3A] : memref<10240x128xf32, #tpu.memory_space<hbm>> -> memref<128x128xf32, #tpu.memory_space<hbm>>
        %dma_start3A_85 = arith.constant 0 : i32
        %dma_start3A_86 = tpu.memref_slice %arg7[%add3A_73, %dma_start3A_85] : memref<10240x128xf32, #tpu.memory_space<hbm>> -> memref<128x128xf32, #tpu.memory_space<hbm>>
        tpu.enqueue_dma source(%arg12 : memref<128x128xf32, #tpu.memory_space<vmem>>) target(%dma_start3A_86 : memref<128x128xf32, #tpu.memory_space<hbm>>) target_semaphore(%run_scoped3A : memref<!tpu.dma_semaphore, #tpu.memory_space<semaphore_mem>>)
        %dma_wait3A = arith.constant 0 : i32
        %dma_wait3A_87 = tpu.memref_slice %arg7[%add3A_73, %dma_wait3A] : memref<10240x128xf32, #tpu.memory_space<hbm>> -> memref<128x128xf32, #tpu.memory_space<hbm>>
        %dma_wait3A_88 = arith.constant 0 : i32
        %dma_wait3A_89 = tpu.memref_slice %arg7[%add3A_73, %dma_wait3A_88] : memref<10240x128xf32, #tpu.memory_space<hbm>> -> memref<128x128xf32, #tpu.memory_space<hbm>>
        tpu.wait_dma2 semaphore(%run_scoped3A : memref<!tpu.dma_semaphore, #tpu.memory_space<semaphore_mem>>) src(%arg12 : memref<128x128xf32, #tpu.memory_space<vmem>>) dst(%dma_wait3A_89 : memref<128x128xf32, #tpu.memory_space<hbm>>)
        tpu.yield
      }) : () -> ()
    } else {
    }
    return
  }
}

module attributes {stable_mosaic.version = 14 : i64} {
  func.func @_tc_edges_body(%arg0: i32, %arg1: memref<1600x256xf32, #tpu.memory_space<vmem>>, %arg2: memref<256x256xf32, #tpu.memory_space<vmem>>, %arg3: memref<256x8xf32, #tpu.memory_space<vmem>>, %arg4: memref<1600x128xf32, #tpu.memory_space<vmem>>, %arg5: memref<1600x128xf32, #tpu.memory_space<vmem>>, %arg6: memref<1600x16xf32, #tpu.memory_space<vmem>>) attributes {dimension_semantics = [#tpu.dimension_semantics<arbitrary>], iteration_bounds = array<i64: 100>, scalar_prefetch = 0 : i64, scratch_operands = 0 : i64, tpu.core_type = #tpu.core_type<tc>, window_params = [{transform_indices = @transform_0, window_bounds = array<i64: 1600, 256>}, {pipeline_mode = #tpu.pipeline_mode<synchronous>, transform_indices = @transform_1, window_bounds = array<i64: 256, 256>}, {pipeline_mode = #tpu.pipeline_mode<synchronous>, transform_indices = @transform_2, window_bounds = array<i64: 256, 8>}, {transform_indices = @transform_3, window_bounds = array<i64: 1600, 128>}, {transform_indices = @transform_4, window_bounds = array<i64: 1600, 128>}, {transform_indices = @transform_5, window_bounds = array<i64: 1600, 16>}]} {
    %get3A = arith.constant 0 : index
    %get3A_0 = arith.constant 0 : index
    %get3A_1 = vector.load %arg1[%get3A, %get3A_0] : memref<1600x256xf32, #tpu.memory_space<vmem>>, vector<1600x256xf32>
    %get3A_2 = arith.constant 0 : index
    %get3A_3 = arith.constant 0 : index
    %get3A_4 = vector.load %arg2[%get3A_2, %get3A_3] : memref<256x256xf32, #tpu.memory_space<vmem>>, vector<256x256xf32>
    %dot_general3A = arith.constant dense<0.000000e+00> : vector<1600x256xf32>
    %dot_general3A_5 = tpu.matmul %get3A_1, %get3A_4, %dot_general3A {dimension_numbers = #tpu.dot_dimension_numbers<[1], [0], [0], [1], [0, 0, 1, 1], [], []>, transpose_lhs_hint = false} : vector<1600x256xf32>, vector<256x256xf32>, vector<1600x256xf32> -> vector<1600x256xf32>
    %slice3A = vector.extract_strided_slice %dot_general3A_5 {offsets = [0, 0], sizes = [1600, 128], strides = [1, 1]} : vector<1600x256xf32> to vector<1600x128xf32>
    %swap3A = arith.constant 0 : index
    %swap3A_6 = arith.constant 0 : index
    %swap3A_7 = vector.load %arg4[%swap3A, %swap3A_6] : memref<1600x128xf32, #tpu.memory_space<vmem>>, vector<1600x128xf32>
    tpu.vector_store %arg4[%swap3A, %swap3A_6], %slice3A {strides = array<i32>} : memref<1600x128xf32, #tpu.memory_space<vmem>>, vector<1600x128xf32>,
    %slice3A_8 = vector.extract_strided_slice %dot_general3A_5 {offsets = [0, 128], sizes = [1600, 128], strides = [1, 1]} : vector<1600x256xf32> to vector<1600x128xf32>
    %swap3A_9 = arith.constant 0 : index
    %swap3A_10 = arith.constant 0 : index
    %swap3A_11 = vector.load %arg5[%swap3A_9, %swap3A_10] : memref<1600x128xf32, #tpu.memory_space<vmem>>, vector<1600x128xf32>
    tpu.vector_store %arg5[%swap3A_9, %swap3A_10], %slice3A_8 {strides = array<i32>} : memref<1600x128xf32, #tpu.memory_space<vmem>>, vector<1600x128xf32>,
    %get3A_12 = arith.constant 0 : index
    %get3A_13 = arith.constant 0 : index
    %get3A_14 = vector.load %arg3[%get3A_12, %get3A_13] : memref<256x8xf32, #tpu.memory_space<vmem>>, vector<256x8xf32>
    %dot_general3A_15 = arith.constant dense<0.000000e+00> : vector<1600x8xf32>
    %dot_general3A_16 = tpu.matmul %dot_general3A_5, %get3A_14, %dot_general3A_15 {dimension_numbers = #tpu.dot_dimension_numbers<[1], [0], [0], [1], [0, 0, 1, 1], [], []>, transpose_lhs_hint = false} : vector<1600x256xf32>, vector<256x8xf32>, vector<1600x8xf32> -> vector<1600x8xf32>
    %broadcast_in_dim3A = arith.constant 0.000000e+00 : f32
    %broadcast_in_dim3A_17 = vector.broadcast %broadcast_in_dim3A : f32 to vector<1600x8xf32>
    %concatenate3A = tpu.concatenate %dot_general3A_16, %broadcast_in_dim3A_17 in 1 : vector<1600x8xf32>, vector<1600x8xf32> -> vector<1600x16xf32>
    %swap3A_18 = arith.constant 0 : index
    %swap3A_19 = arith.constant 0 : index
    %swap3A_20 = vector.load %arg6[%swap3A_18, %swap3A_19] : memref<1600x16xf32, #tpu.memory_space<vmem>>, vector<1600x16xf32>
    tpu.vector_store %arg6[%swap3A_18, %swap3A_19], %concatenate3A {strides = array<i32>} : memref<1600x16xf32, #tpu.memory_space<vmem>>, vector<1600x16xf32>,
    return
  }
  func.func @transform_0(%arg0: i32) -> (i32, i32) {
    %c0_i32 = arith.constant 0 : i32
    %c0_i32_0 = arith.constant 0 : i32
    return %arg0, %c0_i32 : i32, i32
  }
  func.func @transform_1(%arg0: i32) -> (i32, i32) {
    %c0_i32 = arith.constant 0 : i32
    %c0_i32_0 = arith.constant 0 : i32
    %c0_i32_1 = arith.constant 0 : i32
    return %c0_i32, %c0_i32_0 : i32, i32
  }
  func.func @transform_2(%arg0: i32) -> (i32, i32) {
    %c0_i32 = arith.constant 0 : i32
    %c0_i32_0 = arith.constant 0 : i32
    %c0_i32_1 = arith.constant 0 : i32
    return %c0_i32, %c0_i32_0 : i32, i32
  }
  func.func @transform_3(%arg0: i32) -> (i32, i32) {
    %c0_i32 = arith.constant 0 : i32
    %c0_i32_0 = arith.constant 0 : i32
    return %arg0, %c0_i32 : i32, i32
  }
  func.func @transform_4(%arg0: i32) -> (i32, i32) {
    %c0_i32 = arith.constant 0 : i32
    %c0_i32_0 = arith.constant 0 : i32
    return %arg0, %c0_i32 : i32, i32
  }
  func.func @transform_5(%arg0: i32) -> (i32, i32) {
    %c0_i32 = arith.constant 0 : i32
    %c0_i32_0 = arith.constant 0 : i32
    return %arg0, %c0_i32 : i32, i32
  }
}

module attributes {stable_mosaic.version = 14 : i64} {
  func.func @_tc_nodes_body(%arg0: i32, %arg1: memref<1000x256xf32, #tpu.memory_space<vmem>>, %arg2: memref<256x256xf32, #tpu.memory_space<vmem>>, %arg3: memref<1x256xf32, #tpu.memory_space<vmem>>, %arg4: memref<256x8xf32, #tpu.memory_space<vmem>>, %arg5: memref<1x8xf32, #tpu.memory_space<vmem>>, %arg6: memref<1000x128xf32, #tpu.memory_space<vmem>>, %arg7: memref<1000x128xf32, #tpu.memory_space<vmem>>, %arg8: memref<1000x128xf32, #tpu.memory_space<vmem>>) attributes {dimension_semantics = [#tpu.dimension_semantics<arbitrary>], iteration_bounds = array<i64: 10>, scalar_prefetch = 0 : i64, scratch_operands = 0 : i64, tpu.core_type = #tpu.core_type<tc>, window_params = [{transform_indices = @transform_0, window_bounds = array<i64: 1000, 256>}, {pipeline_mode = #tpu.pipeline_mode<synchronous>, transform_indices = @transform_1, window_bounds = array<i64: 256, 256>}, {pipeline_mode = #tpu.pipeline_mode<synchronous>, transform_indices = @transform_2, window_bounds = array<i64: 1, 256>}, {pipeline_mode = #tpu.pipeline_mode<synchronous>, transform_indices = @transform_3, window_bounds = array<i64: 256, 8>}, {pipeline_mode = #tpu.pipeline_mode<synchronous>, transform_indices = @transform_4, window_bounds = array<i64: 1, 8>}, {transform_indices = @transform_5, window_bounds = array<i64: 1000, 128>}, {transform_indices = @transform_6, window_bounds = array<i64: 1000, 128>}, {transform_indices = @transform_7, window_bounds = array<i64: 1000, 128>}]} {
    %get3A = arith.constant 0 : index
    %get3A_0 = arith.constant 0 : index
    %get3A_1 = vector.load %arg1[%get3A, %get3A_0] : memref<1000x256xf32, #tpu.memory_space<vmem>>, vector<1000x256xf32>
    %get3A_2 = arith.constant 0 : index
    %get3A_3 = arith.constant 0 : index
    %get3A_4 = vector.load %arg2[%get3A_2, %get3A_3] : memref<256x256xf32, #tpu.memory_space<vmem>>, vector<256x256xf32>
    %dot_general3A = arith.constant dense<0.000000e+00> : vector<1000x256xf32>
    %dot_general3A_5 = tpu.matmul %get3A_1, %get3A_4, %dot_general3A {dimension_numbers = #tpu.dot_dimension_numbers<[1], [0], [0], [1], [0, 0, 1, 1], [], []>, transpose_lhs_hint = false} : vector<1000x256xf32>, vector<256x256xf32>, vector<1000x256xf32> -> vector<1000x256xf32>
    %get3A_6 = arith.constant 0 : index
    %get3A_7 = arith.constant 0 : index
    %get3A_8 = vector.load %arg3[%get3A_6, %get3A_7] : memref<1x256xf32, #tpu.memory_space<vmem>>, vector<1x256xf32>
    %add3A = vector.broadcast %get3A_8 : vector<1x256xf32> to vector<1000x256xf32>
    %add3A_9 = arith.addf %dot_general3A_5, %add3A : vector<1000x256xf32>
    %slice3A = vector.extract_strided_slice %add3A_9 {offsets = [0, 0], sizes = [1000, 128], strides = [1, 1]} : vector<1000x256xf32> to vector<1000x128xf32>
    %swap3A = arith.constant 0 : index
    %swap3A_10 = arith.constant 0 : index
    %swap3A_11 = vector.load %arg6[%swap3A, %swap3A_10] : memref<1000x128xf32, #tpu.memory_space<vmem>>, vector<1000x128xf32>
    tpu.vector_store %arg6[%swap3A, %swap3A_10], %slice3A {strides = array<i32>} : memref<1000x128xf32, #tpu.memory_space<vmem>>, vector<1000x128xf32>,
    %slice3A_12 = vector.extract_strided_slice %add3A_9 {offsets = [0, 128], sizes = [1000, 128], strides = [1, 1]} : vector<1000x256xf32> to vector<1000x128xf32>
    %swap3A_13 = arith.constant 0 : index
    %swap3A_14 = arith.constant 0 : index
    %swap3A_15 = vector.load %arg7[%swap3A_13, %swap3A_14] : memref<1000x128xf32, #tpu.memory_space<vmem>>, vector<1000x128xf32>
    tpu.vector_store %arg7[%swap3A_13, %swap3A_14], %slice3A_12 {strides = array<i32>} : memref<1000x128xf32, #tpu.memory_space<vmem>>, vector<1000x128xf32>,
    %get3A_16 = arith.constant 0 : index
    %get3A_17 = arith.constant 0 : index
    %get3A_18 = vector.load %arg4[%get3A_16, %get3A_17] : memref<256x8xf32, #tpu.memory_space<vmem>>, vector<256x8xf32>
    %dot_general3A_19 = arith.constant dense<0.000000e+00> : vector<1000x8xf32>
    %dot_general3A_20 = tpu.matmul %add3A_9, %get3A_18, %dot_general3A_19 {dimension_numbers = #tpu.dot_dimension_numbers<[1], [0], [0], [1], [0, 0, 1, 1], [], []>, transpose_lhs_hint = false} : vector<1000x256xf32>, vector<256x8xf32>, vector<1000x8xf32> -> vector<1000x8xf32>
    %get3A_21 = arith.constant 0 : index
    %get3A_22 = arith.constant 0 : index
    %get3A_23 = vector.load %arg5[%get3A_21, %get3A_22] : memref<1x8xf32, #tpu.memory_space<vmem>>, vector<1x8xf32>
    %add3A_24 = vector.broadcast %get3A_23 : vector<1x8xf32> to vector<1000x8xf32>
    %add3A_25 = arith.addf %dot_general3A_20, %add3A_24 : vector<1000x8xf32>
    %broadcast_in_dim3A = arith.constant 0.000000e+00 : f32
    %broadcast_in_dim3A_26 = vector.broadcast %broadcast_in_dim3A : f32 to vector<1000x1xf32>
    %broadcast_in_dim3A_27 = arith.constant -1.000000e+30 : f32
    %broadcast_in_dim3A_28 = vector.broadcast %broadcast_in_dim3A_27 : f32 to vector<1000x119xf32>
    %concatenate3A = tpu.concatenate %add3A_25, %broadcast_in_dim3A_26, %broadcast_in_dim3A_28 in 1 : vector<1000x8xf32>, vector<1000x1xf32>, vector<1000x119xf32> -> vector<1000x128xf32>
    %swap3A_29 = arith.constant 0 : index
    %swap3A_30 = arith.constant 0 : index
    %swap3A_31 = vector.load %arg8[%swap3A_29, %swap3A_30] : memref<1000x128xf32, #tpu.memory_space<vmem>>, vector<1000x128xf32>
    tpu.vector_store %arg8[%swap3A_29, %swap3A_30], %concatenate3A {strides = array<i32>} : memref<1000x128xf32, #tpu.memory_space<vmem>>, vector<1000x128xf32>,
    return
  }
  func.func @transform_0(%arg0: i32) -> (i32, i32) {
    %c0_i32 = arith.constant 0 : i32
    %c0_i32_0 = arith.constant 0 : i32
    return %arg0, %c0_i32 : i32, i32
  }
  func.func @transform_1(%arg0: i32) -> (i32, i32) {
    %c0_i32 = arith.constant 0 : i32
    %c0_i32_0 = arith.constant 0 : i32
    %c0_i32_1 = arith.constant 0 : i32
    return %c0_i32, %c0_i32_0 : i32, i32
  }
  func.func @transform_2(%arg0: i32) -> (i32, i32) {
    %c0_i32 = arith.constant 0 : i32
    %c0_i32_0 = arith.constant 0 : i32
    %c0_i32_1 = arith.constant 0 : i32
    return %c0_i32, %c0_i32_0 : i32, i32
  }
  func.func @transform_3(%arg0: i32) -> (i32, i32) {
    %c0_i32 = arith.constant 0 : i32
    %c0_i32_0 = arith.constant 0 : i32
    %c0_i32_1 = arith.constant 0 : i32
    return %c0_i32, %c0_i32_0 : i32, i32
  }
  func.func @transform_4(%arg0: i32) -> (i32, i32) {
    %c0_i32 = arith.constant 0 : i32
    %c0_i32_0 = arith.constant 0 : i32
    %c0_i32_1 = arith.constant 0 : i32
    return %c0_i32, %c0_i32_0 : i32, i32
  }
  func.func @transform_5(%arg0: i32) -> (i32, i32) {
    %c0_i32 = arith.constant 0 : i32
    %c0_i32_0 = arith.constant 0 : i32
    return %arg0, %c0_i32 : i32, i32
  }
  func.func @transform_6(%arg0: i32) -> (i32, i32) {
    %c0_i32 = arith.constant 0 : i32
    %c0_i32_0 = arith.constant 0 : i32
    return %arg0, %c0_i32 : i32, i32
  }
  func.func @transform_7(%arg0: i32) -> (i32, i32) {
    %c0_i32 = arith.constant 0 : i32
    %c0_i32_0 = arith.constant 0 : i32
    return %arg0, %c0_i32 : i32, i32
  }
}

module attributes {stable_mosaic.version = 14 : i64} {
  func.func @_tc_sum_body(%arg0: i32, %arg1: memref<1024x128xf32, #tpu.memory_space<vmem>>, %arg2: memref<1024x128xf32, #tpu.memory_space<vmem>>, %arg3: memref<1024x128xf32, #tpu.memory_space<vmem>>, %arg4: memref<1024x128xf32, #tpu.memory_space<vmem>>) attributes {dimension_semantics = [#tpu.dimension_semantics<arbitrary>], iteration_bounds = array<i64: 10>, scalar_prefetch = 0 : i64, scratch_operands = 0 : i64, tpu.core_type = #tpu.core_type<tc>, window_params = [{transform_indices = @transform_0, window_bounds = array<i64: 1024, 128>}, {transform_indices = @transform_1, window_bounds = array<i64: 1024, 128>}, {transform_indices = @transform_2, window_bounds = array<i64: 1024, 128>}, {transform_indices = @transform_3, window_bounds = array<i64: 1024, 128>}]} {
    %get3A = arith.constant 0 : index
    %get3A_0 = arith.constant 0 : index
    %get3A_1 = vector.load %arg1[%get3A, %get3A_0] : memref<1024x128xf32, #tpu.memory_space<vmem>>, vector<1024x128xf32>
    %get3A_2 = arith.constant 0 : index
    %get3A_3 = arith.constant 0 : index
    %get3A_4 = vector.load %arg2[%get3A_2, %get3A_3] : memref<1024x128xf32, #tpu.memory_space<vmem>>, vector<1024x128xf32>
    %add3A = arith.addf %get3A_1, %get3A_4 : vector<1024x128xf32>
    %swap3A = arith.constant 0 : index
    %swap3A_5 = arith.constant 0 : index
    %swap3A_6 = vector.load %arg3[%swap3A, %swap3A_5] : memref<1024x128xf32, #tpu.memory_space<vmem>>, vector<1024x128xf32>
    tpu.vector_store %arg3[%swap3A, %swap3A_5], %add3A {strides = array<i32>} : memref<1024x128xf32, #tpu.memory_space<vmem>>, vector<1024x128xf32>,
    %div3A = arith.constant 1.000000e+00 : f32
    %div3A_7 = vector.broadcast %div3A : f32 to vector<1024x128xf32>
    %div3A_8 = arith.divf %div3A_7, %add3A : vector<1024x128xf32>
    %swap3A_9 = arith.constant 0 : index
    %swap3A_10 = arith.constant 0 : index
    %swap3A_11 = vector.load %arg4[%swap3A_9, %swap3A_10] : memref<1024x128xf32, #tpu.memory_space<vmem>>, vector<1024x128xf32>
    tpu.vector_store %arg4[%swap3A_9, %swap3A_10], %div3A_8 {strides = array<i32>} : memref<1024x128xf32, #tpu.memory_space<vmem>>, vector<1024x128xf32>,
    return
  }
  func.func @transform_0(%arg0: i32) -> (i32, i32) {
    %c0_i32 = arith.constant 0 : i32
    %c0_i32_0 = arith.constant 0 : i32
    return %arg0, %c0_i32 : i32, i32
  }
  func.func @transform_1(%arg0: i32) -> (i32, i32) {
    %c0_i32 = arith.constant 0 : i32
    %c0_i32_0 = arith.constant 0 : i32
    return %arg0, %c0_i32 : i32, i32
  }
  func.func @transform_2(%arg0: i32) -> (i32, i32) {
    %c0_i32 = arith.constant 0 : i32
    %c0_i32_0 = arith.constant 0 : i32
    return %arg0, %c0_i32 : i32, i32
  }
  func.func @transform_3(%arg0: i32) -> (i32, i32) {
    %c0_i32 = arith.constant 0 : i32
    %c0_i32_0 = arith.constant 0 : i32
    return %arg0, %c0_i32 : i32, i32
  }
}

module attributes {stable_mosaic.version = 14 : i64} {
  func.func @_tc_selfiso_body(%arg0: i32, %arg1: memref<1000x256xf32, #tpu.memory_space<vmem>>, %arg2: memref<256x256xf32, #tpu.memory_space<vmem>>, %arg3: memref<1x256xf32, #tpu.memory_space<vmem>>, %arg4: memref<256x256xf32, #tpu.memory_space<vmem>>, %arg5: memref<1x256xf32, #tpu.memory_space<vmem>>, %arg6: memref<1000x256xf32, #tpu.memory_space<vmem>>, %arg7: memref<1000x256xf32, #tpu.memory_space<vmem>>) attributes {dimension_semantics = [#tpu.dimension_semantics<arbitrary>], iteration_bounds = array<i64: 10>, scalar_prefetch = 0 : i64, scratch_operands = 0 : i64, tpu.core_type = #tpu.core_type<tc>, window_params = [{transform_indices = @transform_0, window_bounds = array<i64: 1000, 256>}, {pipeline_mode = #tpu.pipeline_mode<synchronous>, transform_indices = @transform_1, window_bounds = array<i64: 256, 256>}, {pipeline_mode = #tpu.pipeline_mode<synchronous>, transform_indices = @transform_2, window_bounds = array<i64: 1, 256>}, {pipeline_mode = #tpu.pipeline_mode<synchronous>, transform_indices = @transform_3, window_bounds = array<i64: 256, 256>}, {pipeline_mode = #tpu.pipeline_mode<synchronous>, transform_indices = @transform_4, window_bounds = array<i64: 1, 256>}, {transform_indices = @transform_5, window_bounds = array<i64: 1000, 256>}, {transform_indices = @transform_6, window_bounds = array<i64: 1000, 256>}]} {
    %get3A = arith.constant 0 : index
    %get3A_0 = arith.constant 0 : index
    %get3A_1 = vector.load %arg1[%get3A, %get3A_0] : memref<1000x256xf32, #tpu.memory_space<vmem>>, vector<1000x256xf32>
    %get3A_2 = arith.constant 0 : index
    %get3A_3 = arith.constant 0 : index
    %get3A_4 = vector.load %arg2[%get3A_2, %get3A_3] : memref<256x256xf32, #tpu.memory_space<vmem>>, vector<256x256xf32>
    %dot_general3A = arith.constant dense<0.000000e+00> : vector<1000x256xf32>
    %dot_general3A_5 = tpu.matmul %get3A_1, %get3A_4, %dot_general3A {dimension_numbers = #tpu.dot_dimension_numbers<[1], [0], [0], [1], [0, 0, 1, 1], [], []>, transpose_lhs_hint = false} : vector<1000x256xf32>, vector<256x256xf32>, vector<1000x256xf32> -> vector<1000x256xf32>
    %get3A_6 = arith.constant 0 : index
    %get3A_7 = arith.constant 0 : index
    %get3A_8 = vector.load %arg3[%get3A_6, %get3A_7] : memref<1x256xf32, #tpu.memory_space<vmem>>, vector<1x256xf32>
    %add3A = vector.broadcast %get3A_8 : vector<1x256xf32> to vector<1000x256xf32>
    %add3A_9 = arith.addf %dot_general3A_5, %add3A : vector<1000x256xf32>
    %swap3A = arith.constant 0 : index
    %swap3A_10 = arith.constant 0 : index
    %swap3A_11 = vector.load %arg6[%swap3A, %swap3A_10] : memref<1000x256xf32, #tpu.memory_space<vmem>>, vector<1000x256xf32>
    tpu.vector_store %arg6[%swap3A, %swap3A_10], %add3A_9 {strides = array<i32>} : memref<1000x256xf32, #tpu.memory_space<vmem>>, vector<1000x256xf32>,
    %get3A_12 = arith.constant 0 : index
    %get3A_13 = arith.constant 0 : index
    %get3A_14 = vector.load %arg1[%get3A_12, %get3A_13] : memref<1000x256xf32, #tpu.memory_space<vmem>>, vector<1000x256xf32>
    %get3A_15 = arith.constant 0 : index
    %get3A_16 = arith.constant 0 : index
    %get3A_17 = vector.load %arg4[%get3A_15, %get3A_16] : memref<256x256xf32, #tpu.memory_space<vmem>>, vector<256x256xf32>
    %dot_general3A_18 = arith.constant dense<0.000000e+00> : vector<1000x256xf32>
    %dot_general3A_19 = tpu.matmul %get3A_14, %get3A_17, %dot_general3A_18 {dimension_numbers = #tpu.dot_dimension_numbers<[1], [0], [0], [1], [0, 0, 1, 1], [], []>, transpose_lhs_hint = false} : vector<1000x256xf32>, vector<256x256xf32>, vector<1000x256xf32> -> vector<1000x256xf32>
    %get3A_20 = arith.constant 0 : index
    %get3A_21 = arith.constant 0 : index
    %get3A_22 = vector.load %arg5[%get3A_20, %get3A_21] : memref<1x256xf32, #tpu.memory_space<vmem>>, vector<1x256xf32>
    %add3A_23 = vector.broadcast %get3A_22 : vector<1x256xf32> to vector<1000x256xf32>
    %add3A_24 = arith.addf %dot_general3A_19, %add3A_23 : vector<1000x256xf32>
    %swap3A_25 = arith.constant 0 : index
    %swap3A_26 = arith.constant 0 : index
    %swap3A_27 = vector.load %arg7[%swap3A_25, %swap3A_26] : memref<1000x256xf32, #tpu.memory_space<vmem>>, vector<1000x256xf32>
    tpu.vector_store %arg7[%swap3A_25, %swap3A_26], %add3A_24 {strides = array<i32>} : memref<1000x256xf32, #tpu.memory_space<vmem>>, vector<1000x256xf32>,
    return
  }
  func.func @transform_0(%arg0: i32) -> (i32, i32) {
    %c0_i32 = arith.constant 0 : i32
    %c0_i32_0 = arith.constant 0 : i32
    return %arg0, %c0_i32 : i32, i32
  }
  func.func @transform_1(%arg0: i32) -> (i32, i32) {
    %c0_i32 = arith.constant 0 : i32
    %c0_i32_0 = arith.constant 0 : i32
    %c0_i32_1 = arith.constant 0 : i32
    return %c0_i32, %c0_i32_0 : i32, i32
  }
  func.func @transform_2(%arg0: i32) -> (i32, i32) {
    %c0_i32 = arith.constant 0 : i32
    %c0_i32_0 = arith.constant 0 : i32
    %c0_i32_1 = arith.constant 0 : i32
    return %c0_i32, %c0_i32_0 : i32, i32
  }
  func.func @transform_3(%arg0: i32) -> (i32, i32) {
    %c0_i32 = arith.constant 0 : i32
    %c0_i32_0 = arith.constant 0 : i32
    %c0_i32_1 = arith.constant 0 : i32
    return %c0_i32, %c0_i32_0 : i32, i32
  }
  func.func @transform_4(%arg0: i32) -> (i32, i32) {
    %c0_i32 = arith.constant 0 : i32
    %c0_i32_0 = arith.constant 0 : i32
    %c0_i32_1 = arith.constant 0 : i32
    return %c0_i32, %c0_i32_0 : i32, i32
  }
  func.func @transform_5(%arg0: i32) -> (i32, i32) {
    %c0_i32 = arith.constant 0 : i32
    %c0_i32_0 = arith.constant 0 : i32
    return %arg0, %c0_i32 : i32, i32
  }
  func.func @transform_6(%arg0: i32) -> (i32, i32) {
    %c0_i32 = arith.constant 0 : i32
    %c0_i32_0 = arith.constant 0 : i32
    return %arg0, %c0_i32 : i32, i32
  }
}

module attributes {stable_mosaic.version = 14 : i64} {
  func.func @_tc_final_body(%arg0: i32, %arg1: memref<1000x256xf32, #tpu.memory_space<vmem>>, %arg2: memref<1000x256xf32, #tpu.memory_space<vmem>>, %arg3: memref<1000x128xf32, #tpu.memory_space<vmem>>, %arg4: memref<1000x128xf32, #tpu.memory_space<vmem>>, %arg5: memref<1000x128xf32, #tpu.memory_space<vmem>>, %arg6: memref<1000x256xf32, #tpu.memory_space<vmem>>) attributes {dimension_semantics = [#tpu.dimension_semantics<arbitrary>], iteration_bounds = array<i64: 10>, scalar_prefetch = 0 : i64, scratch_operands = 0 : i64, tpu.core_type = #tpu.core_type<tc>, window_params = [{transform_indices = @transform_0, window_bounds = array<i64: 1000, 256>}, {transform_indices = @transform_1, window_bounds = array<i64: 1000, 256>}, {transform_indices = @transform_2, window_bounds = array<i64: 1000, 128>}, {transform_indices = @transform_3, window_bounds = array<i64: 1000, 128>}, {transform_indices = @transform_4, window_bounds = array<i64: 1000, 128>}, {transform_indices = @transform_5, window_bounds = array<i64: 1000, 256>}]} {
    %get3A = arith.constant 0 : index
    %get3A_0 = arith.constant 8 : index
    %get3A_1 = vector.load %arg5[%get3A, %get3A_0] : memref<1000x128xf32, #tpu.memory_space<vmem>>, vector<1000x1xf32>
    %get3A_2 = arith.constant 0 : index
    %get3A_3 = arith.constant 0 : index
    %get3A_4 = vector.load %arg3[%get3A_2, %get3A_3] : memref<1000x128xf32, #tpu.memory_space<vmem>>, vector<1000x128xf32>
    %get3A_5 = arith.constant 0 : index
    %get3A_6 = arith.constant 0 : index
    %get3A_7 = vector.load %arg4[%get3A_5, %get3A_6] : memref<1000x128xf32, #tpu.memory_space<vmem>>, vector<1000x128xf32>
    %concatenate3A = tpu.concatenate %get3A_4, %get3A_7 in 1 : vector<1000x128xf32>, vector<1000x128xf32> -> vector<1000x256xf32>
    %eq3A = arith.constant 0.000000e+00 : f32
    %eq3A_8 = vector.broadcast %eq3A : f32 to vector<1000x1xf32>
    %eq3A_9 = arith.cmpf oeq, %get3A_1, %eq3A_8 : vector<1000x1xf32>
    %get3A_10 = arith.constant 0 : index
    %get3A_11 = arith.constant 0 : index
    %get3A_12 = vector.load %arg2[%get3A_10, %get3A_11] : memref<1000x256xf32, #tpu.memory_space<vmem>>, vector<1000x256xf32>
    %get3A_13 = arith.constant 0 : index
    %get3A_14 = arith.constant 0 : index
    %get3A_15 = vector.load %arg1[%get3A_13, %get3A_14] : memref<1000x256xf32, #tpu.memory_space<vmem>>, vector<1000x256xf32>
    %broadcast_in_dim3A = vector.shape_cast %eq3A_9 : vector<1000x1xi1> to vector<1000x1xi1>
    %broadcast_in_dim3A_16 = vector.broadcast %broadcast_in_dim3A : vector<1000x1xi1> to vector<1000x256xi1>
    %select_n3A = arith.select %broadcast_in_dim3A_16, %get3A_12, %get3A_15 : vector<1000x256xi1>, vector<1000x256xf32>
    %add3A = arith.addf %select_n3A, %concatenate3A : vector<1000x256xf32>
    %ge3A = arith.constant 0.000000e+00 : f32
    %ge3A_17 = vector.broadcast %ge3A : f32 to vector<1000x256xf32>
    %ge3A_18 = arith.cmpf oge, %add3A, %ge3A_17 : vector<1000x256xf32>
    %mul3A = arith.constant 0.229166672 : f32
    %mul3A_19 = vector.broadcast %mul3A : f32 to vector<1000x256xf32>
    %mul3A_20 = arith.mulf %mul3A_19, %add3A : vector<1000x256xf32>
    %select_n3A_21 = arith.select %ge3A_18, %add3A, %mul3A_20 : vector<1000x256xi1>, vector<1000x256xf32>
    %swap3A = arith.constant 0 : index
    %swap3A_22 = arith.constant 0 : index
    %swap3A_23 = vector.load %arg6[%swap3A, %swap3A_22] : memref<1000x256xf32, #tpu.memory_space<vmem>>, vector<1000x256xf32>
    tpu.vector_store %arg6[%swap3A, %swap3A_22], %select_n3A_21 {strides = array<i32>} : memref<1000x256xf32, #tpu.memory_space<vmem>>, vector<1000x256xf32>,
    return
  }
  func.func @transform_0(%arg0: i32) -> (i32, i32) {
    %c0_i32 = arith.constant 0 : i32
    %c0_i32_0 = arith.constant 0 : i32
    return %arg0, %c0_i32 : i32, i32
  }
  func.func @transform_1(%arg0: i32) -> (i32, i32) {
    %c0_i32 = arith.constant 0 : i32
    %c0_i32_0 = arith.constant 0 : i32
    return %arg0, %c0_i32 : i32, i32
  }
  func.func @transform_2(%arg0: i32) -> (i32, i32) {
    %c0_i32 = arith.constant 0 : i32
    %c0_i32_0 = arith.constant 0 : i32
    return %arg0, %c0_i32 : i32, i32
  }
  func.func @transform_3(%arg0: i32) -> (i32, i32) {
    %c0_i32 = arith.constant 0 : i32
    %c0_i32_0 = arith.constant 0 : i32
    return %arg0, %c0_i32 : i32, i32
  }
  func.func @transform_4(%arg0: i32) -> (i32, i32) {
    %c0_i32 = arith.constant 0 : i32
    %c0_i32_0 = arith.constant 0 : i32
    return %arg0, %c0_i32 : i32, i32
  }
  func.func @transform_5(%arg0: i32) -> (i32, i32) {
    %c0_i32 = arith.constant 0 : i32
    %c0_i32_0 = arith.constant 0 : i32
    return %arg0, %c0_i32 : i32, i32
  }
}

</mosaic_0001>

<sc_bundles>
// kernel: kernel.10.cloned.1.call-start
scs
__scs_entry_jumppad:
0x0: {  	(pc) =	sbr.rel $0x88, $3  }
0x1: {  	(tag) =	ssettag $0x0;
	lr =	simm.s32 $0x1  }
0x2: {  	[smem:$0x3F96] =	sst lr;
	_ =	strace $0xD0000000  }
0x3: {  	_ = 	snop  }
0x4: {  	_ = 	snop  }
0x5: {  	_ = 	snop  }
0x6: {  	_ = 	snop  }
0x7: {  	_ = 	snop  }
__scs_overlays_trampoline_lowered:
0x8: {  	[smem:$0x3FA5] =	sst s0  }
0x9: {  	[smem:$0x3FA6] =	sst s1  }
0xa: {  	[smem:$0x3FA7] =	sst s2  }
0xb: {  	[smem:$0x3FA8] =	sst s3  }
0xc: {  	[smem:$0x3FA9] =	sst s4  }
0xd: {  	[smem:$0x3FAA] =	sst s5  }
0xe: {  	[smem:$0x3FAB] =	sst s6  }
0xf: {  	[smem:$0x3FAC] =	sst s7  }
0x10: {  	[smem:$0x3FAD] =	sst s8  }
0x11: {  	[smem:$0x3FAE] =	sst s9;
	s0 =	simm.s32 @!p0 $0x0  }
0x12: {  	s1 =	sld [smem:$0x3F94];
	s0 =	simm.s32 @p0 $0x1  }
0x13: {  	[smem:$0x3FAF] =	sst s0;
	s0 =	simm.s32 @!p1 $0x0  }
0x14: {  	s2 =	sld [smem:$0x3F93];
	s0 =	simm.s32 @p1 $0x1  }
0x15: {  	[smem:$0x3FB0] =	sst s0;
	s0 =	simm.s32 @!p2 $0x0  }
0x16: {  	s3 =	sld [smem:$0x3FDB];
	s0 =	simm.s32 @p2 $0x1  }
0x17: {  	s4 =	simm.s32 $0x1BF5;
	[smem:$0x3FB2] =	sst s0  }
0x18: {  	s0 =	sld [smem:$0x3F95];
	_ =	swait.ge [sflag:s4], $0x0  }
0x19: {  	s7 =	sld [smem:$0x3F96]  }
0x1a: {  	s8 =	sadd.s32 $0xFFFFE003, lr  }
0x1b: {  	s9 =	sadd.s32 $0xFFFFFEF7, lr;
	s5 =	simm.s32 $0xFFFFFFFF;
	p2 =	slt.u32 s8, $0xFFFFF086  }
0x1c: {  	p1 =	slt.u32 s9, $0xF7A;
	s5 =	simm.s32 @!p2 $0x0  }
0x1d: {  	s5 =	simm.s32 @p1 $0x1;
	p0 =	seq.s32 s7, s2  }
0x1e: {  	s7 =	smul.u32 @!p0 $0xF7A, s2;
	p2 =	seq.s32 @!p0 s5, $0x0  }
0x1f: {  	s9 =	smul.u32 $0xF7A, s1;
	s8 =	simm.s32 @!p0 $0x1BF5;
	p2 =	por !p2, p0  }
0x20: {  	[sflag:s8] =	ssyncset.s32 @!p0 $0xFFFFF086;
	s6 =	sadd.s32 @!p0 s3, s7;
	s7 =	simm.s32 @!p0 $0x108  }
0x21: {  	s3 =	sadd.s32 s3, s9;
	s6 =	sadd.s32 @!p0 $0x88, s6;
	s7 =	simm.s32 @p2 $0x1082  }
0x22: {  	[simem:s7], [sflag:s8] =	dma.local @!p0 [hbm:s6], $0xF7A  }
0x23: {  	s9 =	sor.u32 $0xD0000000, s2;
	s6 =	simm.s32 $0x108;
	_ =	swait.ge @!p0 [sflag:s8], $0x0  }
0x24: {  	s3 =	sadd.s32 $0x88, s3;
	s6 =	simm.s32 @!p1 $0x1082;
	[sflag:s4] =	ssyncset.s32 $0xFFFFF086  }
0x25: {  	[simem:s6], [sflag:s4] =	dma.local [hbm:s3], $0xF7A  }
0x26: {  	[smem:$0x3F96] =	sst s1;
	(tag) =	ssettag s2;
	_ =	strace s9  }
0x27: {  	s1 =	sld [smem:$0x3FA6]  }
0x28: {  	s2 =	sld [smem:$0x3FA7]  }
0x29: {  	s4 =	sld [smem:$0x3FA9]  }
0x2a: {  	p0 =	seq.s32 s5, $0x0;
	s5 =	sld [smem:$0x3FAA]  }
0x2b: {  	s6 =	sld [smem:$0x3FAB]  }
0x2c: {  	s7 =	sld [smem:$0x3FAC]  }
0x2d: {  	s3 =	simm.s32 $0x108;
	s8 =	sld [smem:$0x3FAD]  }
0x2e: {  	s3 =	simm.s32 @!p0 $0x1082;
	s9 =	sld [smem:$0x3FAE]  }
0x2f: {  	lr =	sadd.s32 s0, s3;
	s0 =	sld [smem:$0x3FA5]  }
0x30: {  	s3 =	sld [smem:$0x3FA8]  }
0x31: {  	[smem:$0x3FB1] =	sst s10  }
0x32: {  	s10 =	sld [smem:$0x3FAF];
	_ =	sdelay $0x3  }
0x33: {  	p0 =	seq.s32 s10, $0x1;
	s10 =	sld [smem:$0x3FB1];
	_ =	sdelay $0x3  }
0x34: {  	[smem:$0x3FB1] =	sst s10  }
0x35: {  	s10 =	sld [smem:$0x3FB0];
	_ =	sdelay $0x3  }
0x36: {  	p1 =	seq.s32 s10, $0x1;
	s10 =	sld [smem:$0x3FB1];
	_ =	sdelay $0x3  }
0x37: {  	[smem:$0x3FB1] =	sst s10  }
0x38: {  	s10 =	sld [smem:$0x3FB2]  }
0x39: {  	_ = 	snop;
	(pc) =	sbr.ind lr, $3  }
0x3a: {  	_ = 	snop  }
0x3b: {  	_ = 	snop  }
0x3c: {  	p2 =	seq.s32 s10, $0x1;
	s10 =	sld [smem:$0x3FB1]  }
0x3d: {  	_ =	shalt  }
0x3e: {  	_ =	shalt  }
0x3f: {  	_ =	shalt  }
0x40: {  	_ =	shalt  }
0x41: {  	_ =	shalt  }
0x42: {  	_ =	shalt  }
0x43: {  	_ =	shalt  }
0x44: {  	_ =	shalt  }
0x45: {  	_ =	shalt  }
0x46: {  	_ =	shalt  }
0x47: {  	_ =	shalt  }
0x48: {  	_ =	shalt  }
0x49: {  	_ =	shalt  }
0x4a: {  	_ =	shalt  }
0x4b: {  	_ =	shalt  }
0x4c: {  	_ =	shalt  }
0x4d: {  	_ =	shalt  }
0x4e: {  	_ =	shalt  }
0x4f: {  	_ =	shalt  }
0x50: {  	_ =	shalt  }
0x51: {  	_ =	shalt  }
0x52: {  	_ =	shalt  }
0x53: {  	_ =	shalt  }
0x54: {  	_ =	shalt  }
0x55: {  	_ =	shalt  }
0x56: {  	_ =	shalt  }
0x57: {  	_ =	shalt  }
0x58: {  	_ =	shalt  }
0x59: {  	_ =	shalt  }
0x5a: {  	_ =	shalt  }
0x5b: {  	_ =	shalt  }
0x5c: {  	_ =	shalt  }
0x5d: {  	_ =	shalt  }
0x5e: {  	_ =	shalt  }
0x5f: {  	_ =	shalt  }
0x60: {  	_ =	shalt  }
0x61: {  	_ =	shalt  }
0x62: {  	_ =	shalt  }
0x63: {  	_ =	shalt  }
0x64: {  	_ =	shalt  }
0x65: {  	_ =	shalt  }
0x66: {  	_ =	shalt  }
0x67: {  	_ =	shalt  }
0x68: {  	_ =	shalt  }
0x69: {  	_ =	shalt  }
0x6a: {  	_ =	shalt  }
0x6b: {  	_ =	shalt  }
0x6c: {  	_ =	shalt  }
0x6d: {  	_ =	shalt  }
0x6e: {  	_ =	shalt  }
0x6f: {  	_ =	shalt  }
0x70: {  	_ =	shalt  }
0x71: {  	_ =	shalt  }
0x72: {  	_ =	shalt  }
0x73: {  	_ =	shalt  }
0x74: {  	_ =	shalt  }
0x75: {  	_ =	shalt  }
0x76: {  	_ =	shalt  }
0x77: {  	_ =	shalt  }
0x78: {  	_ =	shalt  }
0x79: {  	_ =	shalt  }
0x7a: {  	_ =	shalt  }
0x7b: {  	_ =	shalt  }
0x7c: {  	_ =	shalt  }
0x7d: {  	_ =	shalt  }
0x7e: {  	_ =	shalt  }
0x7f: {  	_ =	shalt  }
0x80: {  	_ =	shalt  }
0x81: {  	_ =	shalt  }
0x82: {  	_ =	shalt  }
0x83: {  	_ =	shalt  }
0x84: {  	_ =	shalt  }
0x85: {  	_ =	shalt  }
0x86: {  	_ =	shalt  }
0x87: {  	_ =	shalt  }
.Lfunc_end0:
.L_simem_size_0:
called_computation_lowered:
.L_overlay_start_0:
0x88: {  	s2 =	sld [smem:$0x3FD9]  }
0x89: {  	s3 =	sld [smem:$0x3FFE];
	_ =	sdelay $0x1  }
0x8a: {  	s1 =	srdreg.scid  }
0x8b: {  	s0 =	sand.u32 $0x1, s1  }
0x8c: {  	s17 =	sshll.u32 s0, $0xA;
	s2 =	sadd.s32 s3, s2  }
0x8d: {  	s2 =	sadd.s32 s2, s17  }
0x8e: {  	[smem:$0x3FBD] =	sst s2  }
0x8f: {  	_ = 	snop  }
0x90: {  	s2 =	sld [smem:$0x3FD0];
	(tm) =	ssettm $0x1  }
0x91: {  	s18 =	sld [smem:$0x3FFB];
	_ =	sdelay $0x3  }
0x92: {  	_ =	strace s18  }
0x93: {  	s3 =	sld [smem:$0x3FFC];
	_ =	sdelay $0x3  }
0x94: {  	_ =	strace s3  }
0x95: {  	s3 =	sld [smem:$0x3FFD];
	_ =	sdelay $0x3  }
0x96: {  	_ =	strace s3  }
0x97: {  	_ =	strace $0x8FFFFFFF  }
0x98: {  	s19 =	sld [smem:$0x3FDB];
	_ =	sdelay $0x1  }
0x99: {  	s4 =	simm.s32 $_scs_section_size  }
0x9a: {  	s5 =	simm.s32 $_size__tile_overlayer_lowered;
	s6 =	simm.s32 $_tile_overlayer_lowered  }
0x9b: {  	s22 =	simm.s32 $0x1BFF;
	s21 =	sshll.u32 s6, $0x1;
	s3 =	sadd.s32 s4, s19  }
0x9c: {  	s7 =	simm.s32 $0x0;
	s20 =	sshll.u32 s5, $0x1;
	s5 =	sadd.s32 s21, s3  }
0x9d: {  	[timem:s7], [sflag:s22] =	dma.local [hbm:s5], s20  }
0x9e: {  	_ =	swait.ge [sflag:s22], s20  }
0x9f: {  	s4 =	ssub.s32 $0x0, s20;
	[sflag:s22] =	ssyncset.done $0x0  }
0xa0: {  	[sflag:s22] =	ssyncadd.s32 s4;
	_ =	sdelay $0x1  }
0xa1: {  	s23 =	simm.s32 $0x1B8B  }
0xa2: {  	_ =	swait.ge [sflag:s23], $0x1  }
0xa3: {  	[sflag:s23] =	ssyncset.done $0x0  }
0xa4: {  	s25 =	simm.s32 $0x1B8E;
	s24 =	sld [smem:$0x3FFE];
	[sflag:s23] =	ssyncadd.s32 $0xFFFFFFFF  }
0xa5: {  	s26 =	simm.s32 $execute0_lowered;
	[smem:$0x3FD2] =	sst s25  }
0xa6: {  	s5 =	sshll.u32 s26, $0x1;
	_ =	strace $0x80000046;
	[dreg:$0x1] =	wrdreg $0xFFFFFFFF  }
0xa7: {  	s28 =	simm.s32 $_size_execute0_lowered;
	s3 =	sadd.s32 s3, s5;
	[dreg:$0x0] =	wrdreg $0x0  }
0xa8: {  	s5 =	sshll.u32 s28, $0x1;
	[dreg:$0x2] =	wrdreg s3  }
0xa9: {  	[dreg:$0x3] =	wrdreg s5  }
0xaa: {  	[dreg:$0x4] =	wrdreg $0xC0  }
0xab: {  	_ =	task [dreg:s7], $0x5FFFF  }
0xac: {  	[dreg:$0x1] =	wrdreg $0xFFFFFFFF  }
0xad: {  	[dreg:$0x0] =	wrdreg $0x60  }
0xae: {  	[dreg:$0x2] =	wrdreg s24  }
0xaf: {  	[dreg:$0x3] =	wrdreg s2  }
0xb0: {  	[dreg:$0x4] =	wrdreg $0x0  }
0xb1: {  	[dreg:$0x5] =	wrdreg $0x9  }
0xb2: {  	_ =	task.clear_ibuf [dreg:s7], $0x6FFFF;
	_ =	strace $0x90000046  }
0xb3: {  	s29 =	simm.s32 $0x9;
	_ =	strace $0x80000048  }
0xb4: {  	_ =	swait.ge [sflag:s29], $0x1  }
0xb5: {  	[sflag:s29] =	ssyncadd.s32 $0xFFFFFFFF  }
0xb6: {  	_ =	strace $0x90000048  }
0xb7: {  	_ =	sfence  }
0xb8: {  	s30 =	sld [smem:$0x0];
	_ =	sdelay $0x2  }
0xb9: {  	s31 =	sshll.u32 s1, $0xD;
	s1 =	sshrl.u32 s1, $0x2  }
0xba: {  	s3 =	sand.u32 $0x4000, s31;
	s1 =	sadd.s32 s1, s30  }
0xbb: {  	s0 =	sor.u32 s3, s0;
	s1 =	sshll.u32 s1, $0x11  }
0xbc: {  	s0 =	sor.u32 s1, s0  }
0xbd: {  	s0 =	sadd.s32 $0x8F2B, s0  }
0xbe: {  	[sflag:s0] =	ssyncadd.remote.s32 $0x1  }
0xbf: {  	_ =	sfence.sel $0xFFFF  }
0xc0: {  	[dreg:$0x0] =	wrdreg $0xFFFFFFFF;
	(pc) =	sbr.abs _section_cstart, $3  }
0xc1: {  	[dreg:$0x1] =	wrdreg $0xFFFFFFFF  }
0xc2: {  	_ =	task.clear_ibuf [dreg:s7], $0x2FFFF;
	_ =	strace $0x9FFFFFFF  }
0xc3: {  	(tm) =	ssettm $0x7FFFFFFF  }
tec
execute0_lowered:
.L_overlay_start_1:
0x0: {  	(tag) =	ssettag $0x1  }
0x1: {  	s0 =	rddreg [dreg:$0x0]  }
0x2: {  	s1 =	rddreg [dreg:$0x1]  }
0x3: {  	s2 =	rddreg [dreg:$0x2];
	s3 =	simm.s32 $0x0;
	s7 =	srdreg.scid  }
0x4: {  	s4 =	stileid.u32;
	s21 =	simm.s32 $0x85E00;
	s28 =	simm.s32 $0x80  }
0x5: {  	s29 =	simm.s32 $0x2;
	s30 =	simm.s32 $0x3;
	s31 =	simm.s32 $0x5  }
0x6: {  	[smem:$0x7FF] =	sst s3;
	s5 =	sadd.s32 $0x8E00, s0;
	s12 =	smul.u32 $0x280, s4  }
0x7: {  	s6 =	sadd.s32 $0x3E00, s0;
	s15 =	sand.u32 $0x1, s7;
	s10 =	smul.u32 $0x50000, s4  }
0x8: {  	s7 =	sadd.s32 $0xDE00, s0;
	s8 =	sadd.s32 $0xD5E00, s0;
	s26 =	smul.u32 $0x2800, s4  }
0x9: {  	_ =	strace $0x80000047;
	s9 =	ssub.s32 $0x2, s15;
	p0 =	seq.s32 s15, $0x0  }
0xa: {  	s11 =	sshrl.u32 s9, $0x1;
	s16 =	sadd.s32 $0x80, s12;
	s10 =	sshrl.u32 s10, $0x2  }
0xb: {  	s18 =	sadd.s32 $0x100, s12;
	s19 =	sadd.s32 $0x180, s12;
	s20 =	sadd.s32 $0x200, s12  }
0xc: {  	s21 =	simm.s32 @!p0 $0xADE00;
	s17 =	ssub.s32 s9, s11;
	s24 =	sshll.u32 s16, $0x7  }
0xd: {  	s9 =	sshll.u32 s15, $0x4;
	s10 =	sadd.s32 s10, s2;
	s25 =	sshll.u32 s18, $0x7  }
0xe: {  	s13 =	sshll.u32 s19, $0x7;
	s14 =	sshll.u32 s20, $0x7;
	s16 =	sshll.u32 s16, $0x4  }
0xf: {  	s18 =	sshll.u32 s18, $0x4;
	s19 =	sshll.u32 s19, $0x4;
	s20 =	sshll.u32 s20, $0x4  }
0x10: {  	s0 =	sadd.s32 s21, s0;
	[dreg:$0x4] =	wrdreg s10;
	s22 =	smax.u32 s17, $0x1  }
0x11: {  	s21 =	simm.s32 $0x14100;
	s23 =	sadd.s32 s0, s26;
	[dreg:$0x5] =	wrdreg s22  }
0x12: {  	s11 =	sadd.s32 s24, s2;
	s24 =	sadd.s32 s0, s16;
	[dreg:$0x6] =	wrdreg s23  }
0x13: {  	s12 =	sadd.s32 s25, s2;
	s25 =	sadd.s32 s0, s18;
	[dreg:$0x7] =	wrdreg s24  }
.Ltmp0:
0x14: {  	s26 =	sadd.s32 s0, s19;
	[dreg:$0x8] =	wrdreg s25;
	(pc) =	sbr.rel .LBB2_1-.Ltmp0, $4  }
0x15: {  	s15 =	simm.s32 $0x0;
	s0 =	sadd.s32 s0, s20;
	[dreg:$0x9] =	wrdreg s26  }
0x16: {  	s13 =	sadd.s32 s13, s2;
	s14 =	sadd.s32 s14, s2;
	[dreg:$0xa] =	wrdreg s0  }
0x17: {  	s22 =	simm.s32 $0x4;
	s23 =	simm.s32 $0x14000;
	s24 =	simm.s32 $0x14080  }
0x18: {  	v0 =	vimm.f32 $0.0e+00;
	s25 =	simm.s32 $0x18100;
	s26 =	simm.s32 $0x1;
	s0 =	simm.s32 $0x18900  }
.LBB2_9:
0x19: {  	[bflag:$0x0] =	sbarrier.arrive $0xFFFF  }
0x1a: {  	s10 =	rddreg [dreg:$0x4]  }
0x1b: {  	[tilespmem:s21], [sflag:$0x4] =	stream.linear.gather [spmem:s10], $0x4000, $0x38;
	[tilespmem:$0x19100] =	vst v63  }
0x1c: {  	_ =	swait.ge [sflag:s22], $0x4000  }
0x1d: {  	[sflag:s22] =	ssyncset.done $0x0  }
0x1e: {  	s20 =	rddreg [dreg:$0x6];
	[sflag:s22] =	ssyncadd.s32 $0xFFFFC000  }
0x1f: {  	[hbm4b:s20+s3] =	stream.linear.scatter [tilespmem:s21], [sflag:$0x4], $0x4000, $0x38;
	[tilespmem:$0x19100] =	vst v63  }
0x20: {  	_ =	swait.ge [sflag:s22], $0x4000  }
0x21: {  	[sflag:s22] =	ssyncset.done $0x0  }
0x22: {  	[sflag:s22] =	ssyncadd.s32 $0xFFFFC000  }
0x23: {  	[tilespmem:s21], [sflag:$0x4] =	stream.linear.gather [spmem:s11], $0x4000, $0x38;
	[tilespmem:$0x19100] =	vst v63  }
0x24: {  	_ =	swait.ge [sflag:s22], $0x4000  }
0x25: {  	[sflag:s22] =	ssyncset.done $0x0  }
0x26: {  	s16 =	rddreg [dreg:$0x7];
	[sflag:s22] =	ssyncadd.s32 $0xFFFFC000  }
0x27: {  	[hbm4b:s16+s3] =	stream.linear.scatter [tilespmem:s21], [sflag:$0x4], $0x4000, $0x38;
	[tilespmem:$0x19100] =	vst v63  }
0x28: {  	_ =	swait.ge [sflag:s22], $0x4000  }
0x29: {  	[sflag:s22] =	ssyncset.done $0x0  }
0x2a: {  	[sflag:s22] =	ssyncadd.s32 $0xFFFFC000  }
0x2b: {  	[tilespmem:s21], [sflag:$0x4] =	stream.linear.gather [spmem:s12], $0x4000, $0x38;
	[tilespmem:$0x19100] =	vst v63  }
0x2c: {  	_ =	swait.ge [sflag:s22], $0x4000  }
0x2d: {  	[sflag:s22] =	ssyncset.done $0x0  }
0x2e: {  	s17 =	rddreg [dreg:$0x8];
	[sflag:s22] =	ssyncadd.s32 $0xFFFFC000  }
0x2f: {  	[hbm4b:s17+s3] =	stream.linear.scatter [tilespmem:s21], [sflag:$0x4], $0x4000, $0x38;
	[tilespmem:$0x19100] =	vst v63  }
0x30: {  	_ =	swait.ge [sflag:s22], $0x4000  }
0x31: {  	[sflag:s22] =	ssyncset.done $0x0  }
0x32: {  	[sflag:s22] =	ssyncadd.s32 $0xFFFFC000  }
0x33: {  	[tilespmem:s21], [sflag:$0x4] =	stream.linear.gather [spmem:s13], $0x4000, $0x38;
	[tilespmem:$0x19100] =	vst v63  }
0x34: {  	_ =	swait.ge [sflag:s22], $0x4000  }
0x35: {  	[sflag:s22] =	ssyncset.done $0x0  }
0x36: {  	s18 =	rddreg [dreg:$0x9];
	[sflag:s22] =	ssyncadd.s32 $0xFFFFC000  }
0x37: {  	[hbm4b:s18+s3] =	stream.linear.scatter [tilespmem:s21], [sflag:$0x4], $0x4000, $0x38;
	[tilespmem:$0x19100] =	vst v63  }
0x38: {  	_ =	swait.ge [sflag:s22], $0x4000  }
0x39: {  	[sflag:s22] =	ssyncset.done $0x0  }
0x3a: {  	[sflag:s22] =	ssyncadd.s32 $0xFFFFC000  }
0x3b: {  	[tilespmem:s21], [sflag:$0x4] =	stream.linear.gather [spmem:s14], $0x4000, $0x38;
	[tilespmem:$0x19100] =	vst v63  }
0x3c: {  	_ =	swait.ge [sflag:s22], $0x4000  }
0x3d: {  	[sflag:s22] =	ssyncset.done $0x0  }
0x3e: {  	s19 =	rddreg [dreg:$0xa];
	[sflag:s22] =	ssyncadd.s32 $0xFFFFC000  }
0x3f: {  	[hbm4b:s19+s3] =	stream.linear.scatter [tilespmem:s21], [sflag:$0x4], $0x4000, $0x38;
	[tilespmem:$0x19100] =	vst v63  }
0x40: {  	_ =	swait.ge [sflag:s22], $0x4000  }
0x41: {  	s15 =	sadd.s32 $0x1, s15;
	s20 =	rddreg [dreg:$0x5]  }
0x42: {  	p0 =	sne.s32 s15, s20  }
.Ltmp1:
0x43: {  	_ = 	snop;
	(pc) =	sbr.rel @!p0 .LBB2_10-.Ltmp1, $3  }
0x44: {  	_ =	sdelay $0x1  }
0x45: {  	[sflag:s22] =	ssyncset.done $0x0  }
0x46: {  	[sflag:s22] =	ssyncadd.s32 $0xFFFFC000  }
.LBB2_1:
0x47: {  	s16 =	sand.u32 $0xFE00, s3  }
0x48: {  	s17 =	sand.u32 $0x70, s3;
	s18 =	sshrl.u32 s16, $0x2  }
0x49: {  	s16 =	simm.s32 $0x40;
	s18 =	sor.u32 s17, s18;
	s17 =	simm.s32 $0x0  }
.LBB2_2:
0x4a: {  	p0 =	sne.s32 s16, $0xFFC0  }
0x4b: {  	[tilespmem:s18+$0x14100] =	vst v0;
	s17 =	sadd.s32 $0x10, s17;
	s18 =	smov.u32 s16;
	s16 =	sadd.s32 $0x40, s16  }
.Ltmp2:
0x4c: {  	(pc) =	sbr.rel @p0 .LBB2_2-.Ltmp2, $4  }
0x4d: {  	_ = 	snop  }
0x4e: {  	s18 =	sand.u32 $0xFE00, s18  }
0x4f: {  	s19 =	sand.u32 $0x70, s17;
	s18 =	sshrl.u32 s18, $0x2  }
0x50: {  	s18 =	sor.u32 s19, s18  }
0x51: {  	[tilespmem:s18+$0x14100] =	vst v0;
	s10 =	rddreg [dreg:$0x4]  }
0x52: {  	[spmem:s10] =	stream.linear.scatter [tilespmem:s21], [sflag:$0x4], $0x4000, $0x38;
	[tilespmem:$0x19100] =	vst v63  }
0x53: {  	_ =	swait.ge [sflag:s22], $0x4000  }
0x54: {  	[sflag:s22] =	ssyncset.done $0x0  }
0x55: {  	[sflag:s22] =	ssyncadd.s32 $0xFFFFC000  }
0x56: {  	[spmem:s11] =	stream.linear.scatter [tilespmem:s21], [sflag:$0x4], $0x4000, $0x38;
	[tilespmem:$0x19100] =	vst v63  }
0x57: {  	_ =	swait.ge [sflag:s22], $0x4000  }
0x58: {  	[sflag:s22] =	ssyncset.done $0x0  }
0x59: {  	[sflag:s22] =	ssyncadd.s32 $0xFFFFC000  }
0x5a: {  	[spmem:s12] =	stream.linear.scatter [tilespmem:s21], [sflag:$0x4], $0x4000, $0x38;
	[tilespmem:$0x19100] =	vst v63  }
0x5b: {  	_ =	swait.ge [sflag:s22], $0x4000  }
0x5c: {  	[sflag:s22] =	ssyncset.done $0x0  }
0x5d: {  	[sflag:s22] =	ssyncadd.s32 $0xFFFFC000  }
0x5e: {  	[spmem:s13] =	stream.linear.scatter [tilespmem:s21], [sflag:$0x4], $0x4000, $0x38;
	[tilespmem:$0x19100] =	vst v63  }
0x5f: {  	_ =	swait.ge [sflag:s22], $0x4000  }
0x60: {  	[sflag:s22] =	ssyncset.done $0x0  }
0x61: {  	[sflag:s22] =	ssyncadd.s32 $0xFFFFC000  }
0x62: {  	[spmem:s14] =	stream.linear.scatter [tilespmem:s21], [sflag:$0x4], $0x4000, $0x38;
	[tilespmem:$0x19100] =	vst v63  }
.Ltmp3:
0x63: {  	_ =	swait.ge [sflag:s22], $0x4000;
	(pc) =	sbr.rel .LBB2_4-.Ltmp3, $4  }
0x64: {  	[sflag:s22] =	ssyncset.done $0x0  }
0x65: {  	[sflag:s22] =	ssyncadd.s32 $0xFFFFC000  }
0x66: {  	[bflag:$0x0] =	sbarrier.arrive $0xFFFF  }
0x67: {  	s16 =	simm.s32 $0x0  }
.LBB2_8:
0x68: {  	s16 =	sadd.s32 $0x1, s16  }
0x69: {  	p0 =	sne.s32 s16, $0x28  }
.Ltmp4:
0x6a: {  	_ = 	snop;
	(pc) =	sbr.rel @!p0 .LBB2_9-.Ltmp4, $1  }
0x6b: {  	_ =	sdelay $0x3  }
.LBB2_4:
0x6c: {  	s17 =	sshll.u32 s16, $0x5  }
0x6d: {  	s17 =	sor.u32 s17, s9  }
0x6e: {  	s17 =	sor.u32 s4, s17  }
0x6f: {  	p0 =	sgt.u32 s17, $0x4E1  }
.Ltmp5:
0x70: {  	_ = 	snop;
	(pc) =	sbr.rel @p0 .LBB2_8-.Ltmp5, $1  }
0x71: {  	_ =	sdelay $0x3  }
0x72: {  	s18 =	sshll.u32 s17, $0x4  }
0x73: {  	s20 =	simm.s32 $0x0;
	s19 =	sadd.s32 s5, s18  }
0x74: {  	[tilespmem:s23], [sflag:$0x1] =	stream.linear.gather [hbm4b:s19+s20], $0x80, $0x38;
	[tilespmem:$0x19100] =	vst v63  }
0x75: {  	s17 =	sshll.u32 s17, $0x8;
	s18 =	sadd.s32 s6, s18  }
0x76: {  	[tilespmem:s24], [sflag:$0x2] =	stream.linear.gather [hbm4b:s18+s20], $0x80, $0x38;
	[tilespmem:$0x19100] =	vst v63  }
0x77: {  	s19 =	sadd.s32 s1, s17  }
0x78: {  	[tilespmem:s25], [sflag:$0x3] =	stream.linear.gather [hbm4b:s19+s20], $0x800, $0x38;
	[tilespmem:$0x19100] =	vst v63  }
0x79: {  	_ =	swait.ge [sflag:s26], $0x80  }
0x7a: {  	[sflag:s26] =	ssyncset.done $0x0  }
0x7b: {  	s18 =	simm.s32 $0x14100;
	[sflag:s26] =	ssyncadd.s32 $0xFFFFFF80  }
0x7c: {  	[tilespmem:s18], [sflag:$0x1] =	stream.indirect.gather [hbm4b:s7+s28], $0x80, s23, s28, $0xb8;
	[tilespmem:$0x19100] =	vst v63  }
0x7d: {  	_ =	swait.ge [sflag:s26], $0x4000  }
0x7e: {  	[sflag:s26] =	ssyncset.done $0x0  }
0x7f: {  	[sflag:s26] =	ssyncadd.s32 $0xFFFFC000  }
0x80: {  	_ =	swait.ge [sflag:s29], $0x80  }
0x81: {  	[sflag:s29] =	ssyncset.done $0x0  }
0x82: {  	[sflag:s29] =	ssyncadd.s32 $0xFFFFFF80  }
0x83: {  	_ =	swait.ge [sflag:s30], $0x800  }
0x84: {  	[sflag:s30] =	ssyncset.done $0x0  }
0x85: {  	s19 =	simm.s32 $0x0;
	[sflag:s30] =	ssyncadd.s32 $0xFFFFF800  }
0x86: {  	v1 =	vld [tilespmem:s19+$0x18100]  }
0x87: {  	s20 =	simm.s32 $0x40;
	v2 =	vld [tilespmem:s18+$0x0]  }
.LBB2_6:
0x88: {  	p0 =	sne.s32 s20, $0x1FC0;
	_ =	sdelay $0x3  }
0x89: {  	v1 =	vadd.f32 v1, v2;
	_ =	sdelay $0x1  }
0x8a: {  	v1 =	vmul.f32 $1.442695020e+00, v1;
	_ =	sdelay $0x1  }
0x8b: {  	(erf) = vpow2.f32 v1;
	_ =	sdelay $0x7  }
.Ltmp6:
0x8c: {  	(pc) =	sbr.rel @p0 .LBB2_6-.Ltmp6, $4  }
0x8d: {  	v2 =	vpop (erf)  }
0x8e: {  	s10 =	sshra.s32 s20, $0x2;
	[tilespmem:s18+$0x0] =	vst v2  }
0x8f: {  	s18 =	sadd.s32 $0x80, s18;
	v1 =	vld [tilespmem:s10+$0x18100];
	[tilespmem:s19+$0x18900] =	vst v2;
	s19 =	smov.u32 s10  }
0x90: {  	s20 =	sadd.s32 $0x40, s20;
	v2 =	vld [tilespmem:s18+$0x0]  }
0x91: {  	_ =	sdelay $0x3  }
0x92: {  	v1 =	vadd.f32 v1, v2;
	_ =	sdelay $0x1  }
0x93: {  	v1 =	vmul.f32 $1.442695020e+00, v1;
	_ =	sdelay $0x1  }
0x94: {  	(erf) = vpow2.f32 v1;
	_ =	sdelay $0x8  }
0x95: {  	v1 =	vpop (erf)  }
0x96: {  	[tilespmem:s18+$0x0] =	vst v1  }
0x97: {  	[tilespmem:s19+$0x18900] =	vst v1  }
0x98: {  	[spmem:s2] =	stream.indirect.scatter.add.f32 [tilespmem:s21], [sflag:$0x5], $0x80, s24, s28, $0xb8;
	[tilespmem:$0x19100] =	vst v63  }
0x99: {  	_ =	swait.ge [sflag:s31], $0x4000  }
0x9a: {  	[sflag:s31] =	ssyncset.done $0x0  }
.Ltmp7:
0x9b: {  	s10 =	sadd.s32 s8, s17;
	[sflag:s31] =	ssyncadd.s32 $0xFFFFC000;
	(pc) =	sbr.rel .LBB2_8-.Ltmp7, $4  }
0x9c: {  	[hbm4b:s10+s3] =	stream.linear.scatter [tilespmem:s0], [sflag:$0x4], $0x800, $0x38;
	[tilespmem:$0x19100] =	vst v63  }
0x9d: {  	_ =	swait.ge [sflag:s22], $0x800  }
0x9e: {  	[sflag:s22] =	ssyncset.done $0x0  }
0x9f: {  	[sflag:s22] =	ssyncadd.s32 $0xFFFFF800  }
.LBB2_10:
0xa0: {  	_ =	sfence.sel $0x180000  }
0xa1: {  	[bflag:$0x0] =	sbarrier.arrive $0xFFFF  }
0xa2: {  	_ =	strace $0x90000047  }
0xa3: {  	[bflag:$0x2] =	sbarrier.arrive $0xFFFF  }
0xa4: {  	p0 =	sne.s32 s4, $0x0;
	s0 =	rddreg [dreg:$0x3]  }
0xa5: {  	s0 =	sadd.s32 @!p0 $0x100000, s0  }
0xa6: {  	[sflag:s0] =	ssyncadd.tile.s32 @!p0 $0x1;
	_ =	shalt  }
.Lfunc_end2:
_tile_overlayer_lowered:
.L_overlay_start_2:
0xa7: {  	(tag) =	ssettag $0x2  }
0xa8: {  	s0 =	rddreg [dreg:$0x0];
	s2 =	stileid.u32  }
0xa9: {  	s1 =	rddreg [dreg:$0x1];
	p0 =	sne.s32 s2, $0x0  }
0xaa: {  	s3 =	rddreg [dreg:$0x2];
	[bflag:$0x3] =	sbarrier.arrive $0xFFFF;
	s2 =	simm.s32 @!p0 $0x1C04  }
0xab: {  	[timem:s3], [sflag:s2] =	dma.local @!p0 [hbm:s0], s1  }
0xac: {  	s0 =	simm.s32 @!p0 $0x4  }
0xad: {  	_ =	swait.ge @!p0 [sflag:s0], s1  }
0xae: {  	s1 =	ssub.s32 @!p0 $0x0, s1;
	[sflag:s0] =	ssyncset.done @!p0 $0x0  }
0xaf: {  	[sflag:s0] =	ssyncadd.s32 @!p0 s1  }
0xb0: {  	[bflag:$0x3] =	sbarrier.arrive $0xFFFF  }
0xb1: {  	_ =	shalt  }

// kernel: kernel.13.cloned.1.call-start
scs
__scs_entry_jumppad:
0x0: {  	(pc) =	sbr.rel $0x88, $3  }
0x1: {  	(tag) =	ssettag $0x0;
	lr =	simm.s32 $0x1  }
0x2: {  	[smem:$0x3F96] =	sst lr;
	_ =	strace $0xD0000000  }
0x3: {  	_ = 	snop  }
0x4: {  	_ = 	snop  }
0x5: {  	_ = 	snop  }
0x6: {  	_ = 	snop  }
0x7: {  	_ = 	snop  }
__scs_overlays_trampoline_lowered:
0x8: {  	[smem:$0x3FA5] =	sst s0  }
0x9: {  	[smem:$0x3FA6] =	sst s1  }
0xa: {  	[smem:$0x3FA7] =	sst s2  }
0xb: {  	[smem:$0x3FA8] =	sst s3  }
0xc: {  	[smem:$0x3FA9] =	sst s4  }
0xd: {  	[smem:$0x3FAA] =	sst s5  }
0xe: {  	[smem:$0x3FAB] =	sst s6  }
0xf: {  	[smem:$0x3FAC] =	sst s7  }
0x10: {  	[smem:$0x3FAD] =	sst s8  }
0x11: {  	[smem:$0x3FAE] =	sst s9;
	s0 =	simm.s32 @!p0 $0x0  }
0x12: {  	s1 =	sld [smem:$0x3F94];
	s0 =	simm.s32 @p0 $0x1  }
0x13: {  	[smem:$0x3FAF] =	sst s0;
	s0 =	simm.s32 @!p1 $0x0  }
0x14: {  	s2 =	sld [smem:$0x3F93];
	s0 =	simm.s32 @p1 $0x1  }
0x15: {  	[smem:$0x3FB0] =	sst s0;
	s0 =	simm.s32 @!p2 $0x0  }
0x16: {  	s3 =	sld [smem:$0x3FDB];
	s0 =	simm.s32 @p2 $0x1  }
0x17: {  	s4 =	simm.s32 $0x1BF5;
	[smem:$0x3FB2] =	sst s0  }
0x18: {  	s0 =	sld [smem:$0x3F95];
	_ =	swait.ge [sflag:s4], $0x0  }
0x19: {  	s7 =	sld [smem:$0x3F96]  }
0x1a: {  	s8 =	sadd.s32 $0xFFFFE003, lr  }
0x1b: {  	s9 =	sadd.s32 $0xFFFFFEF7, lr;
	s5 =	simm.s32 $0xFFFFFFFF;
	p2 =	slt.u32 s8, $0xFFFFF086  }
0x1c: {  	p1 =	slt.u32 s9, $0xF7A;
	s5 =	simm.s32 @!p2 $0x0  }
0x1d: {  	s5 =	simm.s32 @p1 $0x1;
	p0 =	seq.s32 s7, s2  }
0x1e: {  	s7 =	smul.u32 @!p0 $0xF7A, s2;
	p2 =	seq.s32 @!p0 s5, $0x0  }
0x1f: {  	s9 =	smul.u32 $0xF7A, s1;
	s8 =	simm.s32 @!p0 $0x1BF5;
	p2 =	por !p2, p0  }
0x20: {  	[sflag:s8] =	ssyncset.s32 @!p0 $0xFFFFF086;
	s6 =	sadd.s32 @!p0 s3, s7;
	s7 =	simm.s32 @!p0 $0x108  }
0x21: {  	s3 =	sadd.s32 s3, s9;
	s6 =	sadd.s32 @!p0 $0x88, s6;
	s7 =	simm.s32 @p2 $0x1082  }
0x22: {  	[simem:s7], [sflag:s8] =	dma.local @!p0 [hbm:s6], $0xF7A  }
0x23: {  	s9 =	sor.u32 $0xD0000000, s2;
	s6 =	simm.s32 $0x108;
	_ =	swait.ge @!p0 [sflag:s8], $0x0  }
0x24: {  	s3 =	sadd.s32 $0x88, s3;
	s6 =	simm.s32 @!p1 $0x1082;
	[sflag:s4] =	ssyncset.s32 $0xFFFFF086  }
0x25: {  	[simem:s6], [sflag:s4] =	dma.local [hbm:s3], $0xF7A  }
0x26: {  	[smem:$0x3F96] =	sst s1;
	(tag) =	ssettag s2;
	_ =	strace s9  }
0x27: {  	s1 =	sld [smem:$0x3FA6]  }
0x28: {  	s2 =	sld [smem:$0x3FA7]  }
0x29: {  	s4 =	sld [smem:$0x3FA9]  }
0x2a: {  	p0 =	seq.s32 s5, $0x0;
	s5 =	sld [smem:$0x3FAA]  }
0x2b: {  	s6 =	sld [smem:$0x3FAB]  }
0x2c: {  	s7 =	sld [smem:$0x3FAC]  }
0x2d: {  	s3 =	simm.s32 $0x108;
	s8 =	sld [smem:$0x3FAD]  }
0x2e: {  	s3 =	simm.s32 @!p0 $0x1082;
	s9 =	sld [smem:$0x3FAE]  }
0x2f: {  	lr =	sadd.s32 s0, s3;
	s0 =	sld [smem:$0x3FA5]  }
0x30: {  	s3 =	sld [smem:$0x3FA8]  }
0x31: {  	[smem:$0x3FB1] =	sst s10  }
0x32: {  	s10 =	sld [smem:$0x3FAF];
	_ =	sdelay $0x3  }
0x33: {  	p0 =	seq.s32 s10, $0x1;
	s10 =	sld [smem:$0x3FB1];
	_ =	sdelay $0x3  }
0x34: {  	[smem:$0x3FB1] =	sst s10  }
0x35: {  	s10 =	sld [smem:$0x3FB0];
	_ =	sdelay $0x3  }
0x36: {  	p1 =	seq.s32 s10, $0x1;
	s10 =	sld [smem:$0x3FB1];
	_ =	sdelay $0x3  }
0x37: {  	[smem:$0x3FB1] =	sst s10  }
0x38: {  	s10 =	sld [smem:$0x3FB2]  }
0x39: {  	_ = 	snop;
	(pc) =	sbr.ind lr, $3  }
0x3a: {  	_ = 	snop  }
0x3b: {  	_ = 	snop  }
0x3c: {  	p2 =	seq.s32 s10, $0x1;
	s10 =	sld [smem:$0x3FB1]  }
0x3d: {  	_ =	shalt  }
0x3e: {  	_ =	shalt  }
0x3f: {  	_ =	shalt  }
0x40: {  	_ =	shalt  }
0x41: {  	_ =	shalt  }
0x42: {  	_ =	shalt  }
0x43: {  	_ =	shalt  }
0x44: {  	_ =	shalt  }
0x45: {  	_ =	shalt  }
0x46: {  	_ =	shalt  }
0x47: {  	_ =	shalt  }
0x48: {  	_ =	shalt  }
0x49: {  	_ =	shalt  }
0x4a: {  	_ =	shalt  }
0x4b: {  	_ =	shalt  }
0x4c: {  	_ =	shalt  }
0x4d: {  	_ =	shalt  }
0x4e: {  	_ =	shalt  }
0x4f: {  	_ =	shalt  }
0x50: {  	_ =	shalt  }
0x51: {  	_ =	shalt  }
0x52: {  	_ =	shalt  }
0x53: {  	_ =	shalt  }
0x54: {  	_ =	shalt  }
0x55: {  	_ =	shalt  }
0x56: {  	_ =	shalt  }
0x57: {  	_ =	shalt  }
0x58: {  	_ =	shalt  }
0x59: {  	_ =	shalt  }
0x5a: {  	_ =	shalt  }
0x5b: {  	_ =	shalt  }
0x5c: {  	_ =	shalt  }
0x5d: {  	_ =	shalt  }
0x5e: {  	_ =	shalt  }
0x5f: {  	_ =	shalt  }
0x60: {  	_ =	shalt  }
0x61: {  	_ =	shalt  }
0x62: {  	_ =	shalt  }
0x63: {  	_ =	shalt  }
0x64: {  	_ =	shalt  }
0x65: {  	_ =	shalt  }
0x66: {  	_ =	shalt  }
0x67: {  	_ =	shalt  }
0x68: {  	_ =	shalt  }
0x69: {  	_ =	shalt  }
0x6a: {  	_ =	shalt  }
0x6b: {  	_ =	shalt  }
0x6c: {  	_ =	shalt  }
0x6d: {  	_ =	shalt  }
0x6e: {  	_ =	shalt  }
0x6f: {  	_ =	shalt  }
0x70: {  	_ =	shalt  }
0x71: {  	_ =	shalt  }
0x72: {  	_ =	shalt  }
0x73: {  	_ =	shalt  }
0x74: {  	_ =	shalt  }
0x75: {  	_ =	shalt  }
0x76: {  	_ =	shalt  }
0x77: {  	_ =	shalt  }
0x78: {  	_ =	shalt  }
0x79: {  	_ =	shalt  }
0x7a: {  	_ =	shalt  }
0x7b: {  	_ =	shalt  }
0x7c: {  	_ =	shalt  }
0x7d: {  	_ =	shalt  }
0x7e: {  	_ =	shalt  }
0x7f: {  	_ =	shalt  }
0x80: {  	_ =	shalt  }
0x81: {  	_ =	shalt  }
0x82: {  	_ =	shalt  }
0x83: {  	_ =	shalt  }
0x84: {  	_ =	shalt  }
0x85: {  	_ =	shalt  }
0x86: {  	_ =	shalt  }
0x87: {  	_ =	shalt  }
.Lfunc_end0:
.L_simem_size_0:
called_computation.1_lowered:
.L_overlay_start_0:
0x88: {  	s2 =	sld [smem:$0x3FD9]  }
0x89: {  	s3 =	sld [smem:$0x3FFE];
	_ =	sdelay $0x1  }
0x8a: {  	s1 =	srdreg.scid  }
0x8b: {  	s0 =	sand.u32 $0x1, s1  }
0x8c: {  	s17 =	sshll.u32 s0, $0xA;
	s2 =	sadd.s32 s3, s2  }
0x8d: {  	s2 =	sadd.s32 s2, s17  }
0x8e: {  	[smem:$0x3FBD] =	sst s2  }
0x8f: {  	_ = 	snop  }
0x90: {  	s2 =	sld [smem:$0x3FD0];
	(tm) =	ssettm $0x1  }
0x91: {  	s18 =	sld [smem:$0x3FFB];
	_ =	sdelay $0x3  }
0x92: {  	_ =	strace s18  }
0x93: {  	s3 =	sld [smem:$0x3FFC];
	_ =	sdelay $0x3  }
0x94: {  	_ =	strace s3  }
0x95: {  	s3 =	sld [smem:$0x3FFD];
	_ =	sdelay $0x3  }
0x96: {  	_ =	strace s3  }
0x97: {  	_ =	strace $0x8FFFFFFF  }
0x98: {  	s19 =	sld [smem:$0x3FDB];
	_ =	sdelay $0x1  }
0x99: {  	s4 =	simm.s32 $_scs_section_size  }
0x9a: {  	s5 =	simm.s32 $_size__tile_overlayer_lowered;
	s6 =	simm.s32 $_tile_overlayer_lowered  }
0x9b: {  	s22 =	simm.s32 $0x1BFF;
	s21 =	sshll.u32 s6, $0x1;
	s3 =	sadd.s32 s4, s19  }
0x9c: {  	s7 =	simm.s32 $0x0;
	s20 =	sshll.u32 s5, $0x1;
	s5 =	sadd.s32 s21, s3  }
0x9d: {  	[timem:s7], [sflag:s22] =	dma.local [hbm:s5], s20  }
0x9e: {  	_ =	swait.ge [sflag:s22], s20  }
0x9f: {  	s4 =	ssub.s32 $0x0, s20;
	[sflag:s22] =	ssyncset.done $0x0  }
0xa0: {  	[sflag:s22] =	ssyncadd.s32 s4;
	_ =	sdelay $0x1  }
0xa1: {  	s23 =	simm.s32 $0x1B8B  }
0xa2: {  	_ =	swait.ge [sflag:s23], $0x1  }
0xa3: {  	[sflag:s23] =	ssyncset.done $0x0  }
0xa4: {  	s25 =	simm.s32 $0x1B8E;
	s24 =	sld [smem:$0x3FFE];
	[sflag:s23] =	ssyncadd.s32 $0xFFFFFFFF  }
0xa5: {  	s26 =	simm.s32 $execute0_lowered;
	[smem:$0x3FD2] =	sst s25  }
0xa6: {  	s5 =	sshll.u32 s26, $0x1;
	_ =	strace $0x80000049;
	[dreg:$0x1] =	wrdreg $0xFFFFFFFF  }
0xa7: {  	s28 =	simm.s32 $_size_execute0_lowered;
	s3 =	sadd.s32 s3, s5;
	[dreg:$0x0] =	wrdreg $0x0  }
0xa8: {  	s5 =	sshll.u32 s28, $0x1;
	[dreg:$0x2] =	wrdreg s3  }
0xa9: {  	[dreg:$0x3] =	wrdreg s5  }
0xaa: {  	[dreg:$0x4] =	wrdreg $0xC0  }
0xab: {  	_ =	task [dreg:s7], $0x5FFFF  }
0xac: {  	[dreg:$0x1] =	wrdreg $0xFFFFFFFF  }
0xad: {  	[dreg:$0x0] =	wrdreg $0x60  }
0xae: {  	[dreg:$0x2] =	wrdreg s24  }
0xaf: {  	[dreg:$0x3] =	wrdreg s2  }
0xb0: {  	[dreg:$0x4] =	wrdreg $0x9  }
0xb1: {  	_ =	task.clear_ibuf [dreg:s7], $0x5FFFF;
	_ =	strace $0x90000049  }
0xb2: {  	s29 =	simm.s32 $0x9;
	_ =	strace $0x8000004B  }
0xb3: {  	_ =	swait.ge [sflag:s29], $0x1  }
0xb4: {  	[sflag:s29] =	ssyncadd.s32 $0xFFFFFFFF  }
0xb5: {  	_ =	strace $0x9000004B  }
0xb6: {  	_ =	sfence  }
0xb7: {  	s30 =	sld [smem:$0x0];
	_ =	sdelay $0x2  }
0xb8: {  	s31 =	sshll.u32 s1, $0xD;
	s1 =	sshrl.u32 s1, $0x2  }
0xb9: {  	s3 =	sand.u32 $0x4000, s31;
	s1 =	sadd.s32 s1, s30  }
0xba: {  	s0 =	sor.u32 s3, s0;
	s1 =	sshll.u32 s1, $0x11  }
0xbb: {  	s0 =	sor.u32 s1, s0  }
0xbc: {  	s0 =	sadd.s32 $0x8F2B, s0  }
0xbd: {  	[sflag:s0] =	ssyncadd.remote.s32 $0x1  }
0xbe: {  	_ =	sfence.sel $0xFFFF  }
0xbf: {  	[dreg:$0x0] =	wrdreg $0xFFFFFFFF;
	(pc) =	sbr.abs _section_cstart, $3  }
0xc0: {  	[dreg:$0x1] =	wrdreg $0xFFFFFFFF  }
0xc1: {  	_ =	task.clear_ibuf [dreg:s7], $0x2FFFF;
	_ =	strace $0x9FFFFFFF  }
0xc2: {  	(tm) =	ssettm $0x7FFFFFFF  }
0xc3: {  	_ =	shalt  }
tec
execute0_lowered:
.L_overlay_start_1:
0x0: {  	(tag) =	ssettag $0x1  }
0x1: {  	s4 =	rddreg [dreg:$0x0]  }
0x2: {  	s1 =	rddreg [dreg:$0x1]  }
0x3: {  	s0 =	rddreg [dreg:$0x2];
	s2 =	simm.s32 $0x0;
	s3 =	srdreg.scid  }
0x4: {  	v0 =	vlaneseq.u32;
	s10 =	simm.s32 $0x1;
	s11 =	simm.s32 $0x880;
	s12 =	simm.s32 $0x2  }
0x5: {  	s13 =	simm.s32 $0x4880;
	s14 =	simm.s32 $0x3;
	s15 =	simm.s32 $0x0;
	v1 =	vand.u32 $0x7, v0  }
.Ltmp0:
0x6: {  	s20 =	simm.s32 $0x0;
	s7 =	sand.u32 $0x1, s3;
	v1 =	vmul.u32 $0x10, v1;
	(pc) =	sbr.rel .LBB2_1-.Ltmp0, $4  }
0x7: {  	[smem:$0x7FF] =	sst s2;
	s3 =	sadd.s32 $0x3E00, s4;
	s8 =	ssub.s32 $0x2, s7  }
0x8: {  	s5 =	sadd.s32 $0xD5E00, s4;
	s6 =	sadd.s32 $0x85E00, s4;
	s9 =	sshrl.u32 s8, $0x1;
	v2 =	vor.u32 $0x1, v1  }
0x9: {  	s4 =	stileid.u32;
	_ =	strace $0x8000004A;
	s8 =	ssub.s32 s8, s9;
	v3 =	vor.u32 $0x2, v1;
	v4 =	vor.u32 $0x3, v1;
	v5 =	vor.u32 $0x4, v1  }
0xa: {  	s7 =	sshll.u32 s7, $0x4;
	s9 =	simm.s32 $0x80;
	v6 =	vor.u32 $0x5, v1;
	v7 =	vor.u32 $0x6, v1;
	v8 =	vor.u32 $0x7, v1;
	s8 =	smax.u32 s8, $0x1  }
.LBB2_7:
0xb: {  	s15 =	sadd.s32 $0x1, s15  }
0xc: {  	p0 =	sne.s32 s15, s8  }
.Ltmp1:
0xd: {  	_ = 	snop;
	(pc) =	sbr.rel @!p0 .LBB2_8-.Ltmp1, $1  }
0xe: {  	_ =	sdelay $0x3  }
.LBB2_1:
.Ltmp2:
0xf: {  	(pc) =	sbr.rel .LBB2_2-.Ltmp2, $2  }
0x10: {  	_ =	sdelay $0x2  }
0x11: {  	s16 =	simm.s32 $0x0  }
.LBB2_6:
0x12: {  	s16 =	sadd.s32 $0x1, s16  }
0x13: {  	p0 =	sne.s32 s16, $0x28  }
.Ltmp3:
0x14: {  	_ = 	snop;
	(pc) =	sbr.rel @!p0 .LBB2_7-.Ltmp3, $1  }
0x15: {  	_ =	sdelay $0x3  }
.LBB2_2:
0x16: {  	s17 =	sshll.u32 s16, $0x5  }
0x17: {  	s17 =	sor.u32 s17, s7  }
0x18: {  	s18 =	sor.u32 s4, s17  }
0x19: {  	p0 =	sgt.u32 s18, $0x4E1  }
.Ltmp4:
0x1a: {  	_ = 	snop;
	(pc) =	sbr.rel @p0 .LBB2_6-.Ltmp4, $1  }
0x1b: {  	_ =	sdelay $0x3  }
0x1c: {  	s17 =	sshll.u32 s18, $0x4  }
0x1d: {  	s29 =	sshll.u32 s18, $0x8;
	s19 =	sadd.s32 s3, s17  }
0x1e: {  	[tilespmem:s20], [sflag:$0x1] =	stream.linear.gather [hbm4b:s19+s20], $0x80, $0x38;
	[tilespmem:$0x4900] =	vst v63  }
0x1f: {  	s18 =	sadd.s32 s5, s29  }
0x20: {  	[tilespmem:s9], [sflag:$0x2] =	stream.linear.gather [hbm4b:s18+s20], $0x800, $0x38;
	[tilespmem:$0x4900] =	vst v63  }
0x21: {  	_ =	swait.ge [sflag:s10], $0x80  }
0x22: {  	[sflag:s10] =	ssyncset.done $0x0  }
0x23: {  	[sflag:s10] =	ssyncadd.s32 $0xFFFFFF80  }
0x24: {  	v9 =	vor.u32 s20, v0;
	[tilespmem:s11], [sflag:$0x1] =	stream.indirect.gather [hbm4b:s1+s9], $0x80, s20, s9, $0xb8;
	[tilespmem:$0x4900] =	vst v63  }
0x25: {  	v10 =	vshll.u32 v9, $0x4;
	_ =	swait.ge [sflag:s10], $0x4000  }
0x26: {  	v9 =	vshll.u32 v9, $0x7;
	v10 =	vand.u32 $0x780, v10;
	[sflag:s10] =	ssyncset.done $0x0  }
0x27: {  	v11 =	vor.u32 v1, v10;
	[sflag:s10] =	ssyncadd.s32 $0xFFFFC000  }
0x28: {  	v12 =	vor.u32 v2, v10;
	_ =	swait.ge [sflag:s12], $0x800  }
0x29: {  	v13 =	vor.u32 $0x1, v9;
	[sflag:s12] =	ssyncset.done $0x0  }
0x2a: {  	v14 =	vor.u32 v3, v10;
	[sflag:s12] =	ssyncadd.s32 $0xFFFFF800  }
0x2b: {  	v16 =	vor.u32 $0x2, v9;
	v15 =	vld.idx.msk [tilespmem:v9+s11+$0x0], $0xffff  }
0x2c: {  	v17 =	vor.u32 v4, v10;
	v11 =	vld.idx.msk [tilespmem:v11+s9+$0x0], $0xffff  }
0x2d: {  	v18 =	vor.u32 $0x3, v9;
	v12 =	vld.idx.msk [tilespmem:v12+s9+$0x0], $0xffff  }
0x2e: {  	v19 =	vor.u32 v5, v10;
	v13 =	vld.idx.msk [tilespmem:v13+s11+$0x0], $0xffff  }
0x2f: {  	v20 =	vor.u32 $0x4, v9;
	v14 =	vld.idx.msk [tilespmem:v14+s9+$0x0], $0xffff  }
0x30: {  	v21 =	vor.u32 v6, v10;
	v16 =	vld.idx.msk [tilespmem:v16+s11+$0x0], $0xffff  }
0x31: {  	v22 =	vor.u32 $0x5, v9;
	v17 =	vld.idx.msk [tilespmem:v17+s9+$0x0], $0xffff;
	v11 =	vmul.f32 v15, v11  }
0x32: {  	v31 =	vor.u32 v7, v10;
	v30 =	vld.idx.msk [tilespmem:v18+s11+$0x0], $0xffff  }
0x33: {  	v23 =	vor.u32 $0x6, v9;
	v19 =	vld.idx.msk [tilespmem:v19+s9+$0x0], $0xffff;
	v12 =	vmul.f32 v13, v12;
	v11 =	vadd.f32 $0.0e+00, v11  }
0x34: {  	v10 =	vor.u32 v8, v10;
	v32 =	vld.idx.msk [tilespmem:v20+s11+$0x0], $0xffff  }
0x35: {  	v33 =	vld.idx.msk [tilespmem:v21+s9+$0x0], $0xffff;
	v9 =	vor.u32 $0x7, v9;
	v34 =	vmul.f32 v16, v14;
	v11 =	vadd.f32 v12, v11  }
0x36: {  	v35 =	vld.idx.msk [tilespmem:v22+s11+$0x0], $0xffff  }
0x37: {  	v36 =	vld.idx.msk [tilespmem:v31+s9+$0x0], $0xffff;
	v37 =	vmul.f32 v30, v17;
	v11 =	vadd.f32 v34, v11  }
0x38: {  	v38 =	vld.idx.msk [tilespmem:v23+s11+$0x0], $0xffff  }
0x39: {  	v10 =	vld.idx.msk [tilespmem:v10+s9+$0x0], $0xffff;
	v39 =	vmul.f32 v32, v19;
	v11 =	vadd.f32 v37, v11  }
0x3a: {  	v9 =	vld.idx.msk [tilespmem:v9+s11+$0x0], $0xffff  }
0x3b: {  	v40 =	vmul.f32 v35, v33;
	v11 =	vadd.f32 v39, v11;
	_ =	sdelay $0x1  }
0x3c: {  	v41 =	vmul.f32 v38, v36;
	v11 =	vadd.f32 v40, v11  }
0x3d: {  	s30 =	simm.s32 $0x10  }
0x3e: {  	v42 =	vor.u32 s30, v0;
	v9 =	vmul.f32 v9, v10;
	v11 =	vadd.f32 v41, v11  }
0x3f: {  	v10 =	vshll.u32 v42, $0x4  }
0x40: {  	v43 =	vshll.u32 v42, $0x7;
	v10 =	vand.u32 $0x780, v10;
	v9 =	vadd.f32 v9, v11  }
0x41: {  	v11 =	vor.u32 v1, v10  }
0x42: {  	v44 =	vor.u32 v2, v10;
	v9 =	vmul.f32 $1.250000000e-01, v9  }
0x43: {  	v45 =	vor.u32 $0x1, v43;
	s18 =	simm.s32 $0x4880  }
0x44: {  	v46 =	vor.u32 v3, v10;
	[tilespmem:s18+$0x0] =	vst v9  }
0x45: {  	v47 =	vor.u32 $0x2, v43;
	v9 =	vld.idx.msk [tilespmem:v43+s11+$0x0], $0xffff  }
0x46: {  	v48 =	vor.u32 v4, v10;
	v11 =	vld.idx.msk [tilespmem:v11+s9+$0x0], $0xffff  }
0x47: {  	v49 =	vor.u32 $0x3, v43;
	v13 =	vld.idx.msk [tilespmem:v44+s9+$0x0], $0xffff  }
0x48: {  	v50 =	vor.u32 v5, v10;
	v14 =	vld.idx.msk [tilespmem:v45+s11+$0x0], $0xffff  }
0x49: {  	v51 =	vor.u32 $0x4, v43;
	v15 =	vld.idx.msk [tilespmem:v46+s9+$0x0], $0xffff  }
0x4a: {  	v52 =	vor.u32 v6, v10;
	v16 =	vld.idx.msk [tilespmem:v47+s11+$0x0], $0xffff  }
0x4b: {  	v53 =	vor.u32 $0x5, v43;
	v17 =	vld.idx.msk [tilespmem:v48+s9+$0x0], $0xffff;
	v9 =	vmul.f32 v9, v11  }
0x4c: {  	v54 =	vor.u32 v7, v10;
	v11 =	vld.idx.msk [tilespmem:v49+s11+$0x0], $0xffff  }
0x4d: {  	v55 =	vor.u32 $0x6, v43;
	v19 =	vld.idx.msk [tilespmem:v50+s9+$0x0], $0xffff;
	v13 =	vmul.f32 v14, v13;
	v9 =	vadd.f32 $0.0e+00, v9  }
0x4e: {  	v10 =	vor.u32 v8, v10;
	v56 =	vld.idx.msk [tilespmem:v51+s11+$0x0], $0xffff  }
0x4f: {  	v12 =	vor.u32 $0x7, v43;
	v57 =	vld.idx.msk [tilespmem:v52+s9+$0x0], $0xffff;
	v58 =	vmul.f32 v16, v15;
	v9 =	vadd.f32 v13, v9  }
0x50: {  	v59 =	vld.idx.msk [tilespmem:v53+s11+$0x0], $0xffff  }
0x51: {  	v60 =	vld.idx.msk [tilespmem:v54+s9+$0x0], $0xffff;
	v11 =	vmul.f32 v11, v17;
	v9 =	vadd.f32 v58, v9  }
0x52: {  	v61 =	vld.idx.msk [tilespmem:v55+s11+$0x0], $0xffff  }
0x53: {  	v62 =	vld.idx.msk [tilespmem:v10+s9+$0x0], $0xffff;
	v10 =	vmul.f32 v56, v19;
	v9 =	vadd.f32 v11, v9  }
0x54: {  	v11 =	vld.idx.msk [tilespmem:v12+s11+$0x0], $0xffff  }
0x55: {  	v9 =	vadd.f32 v10, v9;
	v10 =	vmul.f32 v59, v57;
	_ =	sdelay $0x1  }
0x56: {  	v63 =	vmul.f32 v61, v60;
	v10 =	vadd.f32 v10, v9  }
0x57: {  	s31 =	simm.s32 $0x20  }
0x58: {  	s19 =	simm.s32 $0x30;
	v9 =	vor.u32 s31, v0;
	v11 =	vmul.f32 v11, v62;
	v10 =	vadd.f32 v63, v10  }
.LBB2_4:
0x59: {  	p0 =	sne.s32 s19, $0x70;
	v12 =	vshll.u32 v9, $0x4  }
0x5a: {  	v9 =	vshll.u32 v9, $0x7;
	v12 =	vand.u32 $0x780, v12;
	v10 =	vadd.f32 v11, v10  }
0x5b: {  	v11 =	vor.u32 v1, v12  }
0x5c: {  	v13 =	vor.u32 v2, v12;
	v10 =	vmul.f32 $1.250000000e-01, v10  }
0x5d: {  	s18 =	sadd.s32 $0x10, s18;
	v14 =	vor.u32 $0x1, v9  }
0x5e: {  	v15 =	vor.u32 v3, v12;
	[tilespmem:s18+$0x0] =	vst v10  }
0x5f: {  	v16 =	vor.u32 $0x2, v9;
	v10 =	vld.idx.msk [tilespmem:v9+s11+$0x0], $0xffff  }
0x60: {  	v17 =	vor.u32 v4, v12;
	v11 =	vld.idx.msk [tilespmem:v11+s9+$0x0], $0xffff  }
0x61: {  	v18 =	vor.u32 $0x3, v9;
	v13 =	vld.idx.msk [tilespmem:v13+s9+$0x0], $0xffff  }
0x62: {  	v19 =	vor.u32 v5, v12;
	v14 =	vld.idx.msk [tilespmem:v14+s11+$0x0], $0xffff  }
0x63: {  	v20 =	vor.u32 $0x4, v9;
	v15 =	vld.idx.msk [tilespmem:v15+s9+$0x0], $0xffff  }
0x64: {  	v21 =	vor.u32 v6, v12;
	v16 =	vld.idx.msk [tilespmem:v16+s11+$0x0], $0xffff  }
0x65: {  	v22 =	vor.u32 $0x5, v9;
	v17 =	vld.idx.msk [tilespmem:v17+s9+$0x0], $0xffff  }
0x66: {  	v10 =	vmul.f32 v10, v11;
	v11 =	vld.idx.msk [tilespmem:v18+s11+$0x0], $0xffff;
	v18 =	vor.u32 v7, v12  }
0x67: {  	v23 =	vor.u32 $0x6, v9;
	v19 =	vld.idx.msk [tilespmem:v19+s9+$0x0], $0xffff  }
0x68: {  	v12 =	vor.u32 v8, v12;
	v10 =	vadd.f32 $0.0e+00, v10;
	v13 =	vmul.f32 v14, v13;
	v14 =	vld.idx.msk [tilespmem:v20+s11+$0x0], $0xffff  }
0x69: {  	v9 =	vor.u32 $0x7, v9;
	v20 =	vld.idx.msk [tilespmem:v21+s9+$0x0], $0xffff  }
0x6a: {  	v10 =	vadd.f32 v13, v10;
	v13 =	vmul.f32 v16, v15;
	v15 =	vld.idx.msk [tilespmem:v22+s11+$0x0], $0xffff  }
0x6b: {  	v16 =	vld.idx.msk [tilespmem:v18+s9+$0x0], $0xffff  }
0x6c: {  	v10 =	vadd.f32 v13, v10;
	v11 =	vmul.f32 v11, v17;
	v13 =	vld.idx.msk [tilespmem:v23+s11+$0x0], $0xffff  }
0x6d: {  	v12 =	vld.idx.msk [tilespmem:v12+s9+$0x0], $0xffff  }
0x6e: {  	v10 =	vadd.f32 v11, v10;
	v11 =	vmul.f32 v14, v19;
	v14 =	vld.idx.msk [tilespmem:v9+s11+$0x0], $0xffff;
	_ =	sdelay $0x1  }
.Ltmp5:
0x6f: {  	v9 =	vadd.f32 v11, v10;
	v10 =	vmul.f32 v15, v20;
	(pc) =	sbr.rel @p0 .LBB2_4-.Ltmp5, $3  }
0x70: {  	_ = 	snop  }
0x71: {  	v10 =	vadd.f32 v10, v9;
	v11 =	vmul.f32 v13, v16;
	_ =	sdelay $0x1  }
0x72: {  	v9 =	vor.u32 s19, v0;
	s19 =	sadd.s32 $0x10, s19;
	v10 =	vadd.f32 v11, v10;
	v11 =	vmul.f32 v14, v12  }
0x73: {  	v12 =	vshll.u32 v9, $0x4  }
0x74: {  	v9 =	vshll.u32 v9, $0x7;
	v12 =	vand.u32 $0x780, v12;
	v10 =	vadd.f32 v11, v10  }
0x75: {  	v11 =	vor.u32 v1, v12  }
0x76: {  	v14 =	vor.u32 $0x1, v9;
	v10 =	vmul.f32 $1.250000000e-01, v10  }
0x77: {  	s18 =	sadd.s32 $0x10, s18;
	v13 =	vor.u32 v2, v12  }
0x78: {  	v16 =	vor.u32 $0x2, v9;
	[tilespmem:s18+$0x0] =	vst v10  }
0x79: {  	v15 =	vor.u32 v3, v12;
	v10 =	vld.idx.msk [tilespmem:v9+s11+$0x0], $0xffff  }
0x7a: {  	v17 =	vor.u32 v4, v12;
	v11 =	vld.idx.msk [tilespmem:v11+s9+$0x0], $0xffff  }
0x7b: {  	v18 =	vor.u32 $0x3, v9;
	v14 =	vld.idx.msk [tilespmem:v14+s11+$0x0], $0xffff  }
0x7c: {  	v20 =	vor.u32 $0x4, v9;
	v13 =	vld.idx.msk [tilespmem:v13+s9+$0x0], $0xffff  }
0x7d: {  	v19 =	vor.u32 v5, v12;
	v16 =	vld.idx.msk [tilespmem:v16+s11+$0x0], $0xffff  }
0x7e: {  	v22 =	vor.u32 $0x5, v9;
	v15 =	vld.idx.msk [tilespmem:v15+s9+$0x0], $0xffff  }
0x7f: {  	v21 =	vor.u32 v6, v12;
	v17 =	vld.idx.msk [tilespmem:v17+s9+$0x0], $0xffff;
	v10 =	vmul.f32 v10, v11  }
0x80: {  	v23 =	vor.u32 $0x6, v9;
	v11 =	vld.idx.msk [tilespmem:v18+s11+$0x0], $0xffff  }
0x81: {  	v57 =	vor.u32 v7, v12;
	v58 =	vld.idx.msk [tilespmem:v20+s11+$0x0], $0xffff;
	v13 =	vmul.f32 v14, v13;
	v10 =	vadd.f32 $0.0e+00, v10  }
0x82: {  	v12 =	vor.u32 v8, v12;
	v19 =	vld.idx.msk [tilespmem:v19+s9+$0x0], $0xffff  }
0x83: {  	v9 =	vor.u32 $0x7, v9;
	v61 =	vld.idx.msk [tilespmem:v22+s11+$0x0], $0xffff;
	v60 =	vmul.f32 v16, v15;
	v10 =	vadd.f32 v13, v10  }
0x84: {  	v59 =	vld.idx.msk [tilespmem:v21+s9+$0x0], $0xffff  }
0x85: {  	v63 =	vld.idx.msk [tilespmem:v23+s11+$0x0], $0xffff;
	v11 =	vmul.f32 v11, v17;
	v10 =	vadd.f32 v60, v10  }
0x86: {  	v62 =	vld.idx.msk [tilespmem:v57+s9+$0x0], $0xffff  }
0x87: {  	v12 =	vld.idx.msk [tilespmem:v12+s9+$0x0], $0xffff;
	v10 =	vadd.f32 v11, v10;
	v11 =	vmul.f32 v58, v19  }
0x88: {  	v9 =	vld.idx.msk [tilespmem:v9+s11+$0x0], $0xffff  }
0x89: {  	v10 =	vadd.f32 v11, v10;
	v11 =	vmul.f32 v61, v59;
	_ =	sdelay $0x1  }
0x8a: {  	v10 =	vadd.f32 v11, v10;
	v11 =	vmul.f32 v63, v62;
	_ =	sdelay $0x1  }
0x8b: {  	v9 =	vmul.f32 v9, v12;
	v10 =	vadd.f32 v11, v10;
	_ =	sdelay $0x1  }
0x8c: {  	v9 =	vadd.f32 v9, v10;
	_ =	sdelay $0x1  }
0x8d: {  	v9 =	vmul.f32 $1.250000000e-01, v9  }
0x8e: {  	s18 =	sadd.s32 $0x10, s18  }
.Ltmp6:
0x8f: {  	s17 =	sadd.s32 s6, s17;
	[tilespmem:s18+$0x0] =	vst v9;
	(pc) =	sbr.rel .LBB2_6-.Ltmp6, $4  }
0x90: {  	[hbm4b:s17+s2] =	stream.linear.scatter [tilespmem:s13], [sflag:$0x3], $0x80, $0x38;
	[tilespmem:$0x4900] =	vst v63  }
0x91: {  	_ =	swait.ge [sflag:s14], $0x80  }
0x92: {  	[sflag:s14] =	ssyncset.done $0x0  }
0x93: {  	[sflag:s14] =	ssyncadd.s32 $0xFFFFFF80  }
.LBB2_8:
0x94: {  	_ =	sfence.sel $0x180000  }
0x95: {  	[bflag:$0x0] =	sbarrier.arrive $0xFFFF  }
0x96: {  	p0 =	sne.s32 s4, $0x0;
	_ =	strace $0x9000004A  }
0x97: {  	s0 =	sadd.s32 @!p0 $0x100000, s0;
	[bflag:$0x2] =	sbarrier.arrive $0xFFFF  }
0x98: {  	[sflag:s0] =	ssyncadd.tile.s32 @!p0 $0x1;
	_ =	shalt  }
.Lfunc_end2:
_tile_overlayer_lowered:
.L_overlay_start_2:
0x99: {  	(tag) =	ssettag $0x2  }
0x9a: {  	s0 =	rddreg [dreg:$0x0];
	s2 =	stileid.u32  }
0x9b: {  	s1 =	rddreg [dreg:$0x1];
	p0 =	sne.s32 s2, $0x0  }
0x9c: {  	s3 =	rddreg [dreg:$0x2];
	[bflag:$0x3] =	sbarrier.arrive $0xFFFF;
	s2 =	simm.s32 @!p0 $0x1C03  }
0x9d: {  	[timem:s3], [sflag:s2] =	dma.local @!p0 [hbm:s0], s1  }
0x9e: {  	s0 =	simm.s32 @!p0 $0x3  }
0x9f: {  	_ =	swait.ge @!p0 [sflag:s0], s1  }
0xa0: {  	s1 =	ssub.s32 @!p0 $0x0, s1;
	[sflag:s0] =	ssyncset.done @!p0 $0x0  }
0xa1: {  	[sflag:s0] =	ssyncadd.s32 @!p0 s1  }
0xa2: {  	[bflag:$0x3] =	sbarrier.arrive $0xFFFF  }
0xa3: {  	_ =	shalt  }

// kernel: kernel.16.cloned.1.call-start
scs
__scs_entry_jumppad:
0x0: {  	(pc) =	sbr.rel $0x88, $3  }
0x1: {  	(tag) =	ssettag $0x0;
	lr =	simm.s32 $0x1  }
0x2: {  	[smem:$0x3F96] =	sst lr;
	_ =	strace $0xD0000000  }
0x3: {  	_ = 	snop  }
0x4: {  	_ = 	snop  }
0x5: {  	_ = 	snop  }
0x6: {  	_ = 	snop  }
0x7: {  	_ = 	snop  }
__scs_overlays_trampoline_lowered:
0x8: {  	[smem:$0x3FA5] =	sst s0  }
0x9: {  	[smem:$0x3FA6] =	sst s1  }
0xa: {  	[smem:$0x3FA7] =	sst s2  }
0xb: {  	[smem:$0x3FA8] =	sst s3  }
0xc: {  	[smem:$0x3FA9] =	sst s4  }
0xd: {  	[smem:$0x3FAA] =	sst s5  }
0xe: {  	[smem:$0x3FAB] =	sst s6  }
0xf: {  	[smem:$0x3FAC] =	sst s7  }
0x10: {  	[smem:$0x3FAD] =	sst s8  }
0x11: {  	[smem:$0x3FAE] =	sst s9;
	s0 =	simm.s32 @!p0 $0x0  }
0x12: {  	s1 =	sld [smem:$0x3F94];
	s0 =	simm.s32 @p0 $0x1  }
0x13: {  	[smem:$0x3FAF] =	sst s0;
	s0 =	simm.s32 @!p1 $0x0  }
0x14: {  	s2 =	sld [smem:$0x3F93];
	s0 =	simm.s32 @p1 $0x1  }
0x15: {  	[smem:$0x3FB0] =	sst s0;
	s0 =	simm.s32 @!p2 $0x0  }
0x16: {  	s3 =	sld [smem:$0x3FDB];
	s0 =	simm.s32 @p2 $0x1  }
0x17: {  	s4 =	simm.s32 $0x1BF5;
	[smem:$0x3FB2] =	sst s0  }
0x18: {  	s0 =	sld [smem:$0x3F95];
	_ =	swait.ge [sflag:s4], $0x0  }
0x19: {  	s7 =	sld [smem:$0x3F96]  }
0x1a: {  	s8 =	sadd.s32 $0xFFFFE003, lr  }
0x1b: {  	s9 =	sadd.s32 $0xFFFFFEF7, lr;
	s5 =	simm.s32 $0xFFFFFFFF;
	p2 =	slt.u32 s8, $0xFFFFF086  }
0x1c: {  	p1 =	slt.u32 s9, $0xF7A;
	s5 =	simm.s32 @!p2 $0x0  }
0x1d: {  	s5 =	simm.s32 @p1 $0x1;
	p0 =	seq.s32 s7, s2  }
0x1e: {  	s7 =	smul.u32 @!p0 $0xF7A, s2;
	p2 =	seq.s32 @!p0 s5, $0x0  }
0x1f: {  	s9 =	smul.u32 $0xF7A, s1;
	s8 =	simm.s32 @!p0 $0x1BF5;
	p2 =	por !p2, p0  }
0x20: {  	[sflag:s8] =	ssyncset.s32 @!p0 $0xFFFFF086;
	s6 =	sadd.s32 @!p0 s3, s7;
	s7 =	simm.s32 @!p0 $0x108  }
0x21: {  	s3 =	sadd.s32 s3, s9;
	s6 =	sadd.s32 @!p0 $0x88, s6;
	s7 =	simm.s32 @p2 $0x1082  }
0x22: {  	[simem:s7], [sflag:s8] =	dma.local @!p0 [hbm:s6], $0xF7A  }
0x23: {  	s9 =	sor.u32 $0xD0000000, s2;
	s6 =	simm.s32 $0x108;
	_ =	swait.ge @!p0 [sflag:s8], $0x0  }
0x24: {  	s3 =	sadd.s32 $0x88, s3;
	s6 =	simm.s32 @!p1 $0x1082;
	[sflag:s4] =	ssyncset.s32 $0xFFFFF086  }
0x25: {  	[simem:s6], [sflag:s4] =	dma.local [hbm:s3], $0xF7A  }
0x26: {  	[smem:$0x3F96] =	sst s1;
	(tag) =	ssettag s2;
	_ =	strace s9  }
0x27: {  	s1 =	sld [smem:$0x3FA6]  }
0x28: {  	s2 =	sld [smem:$0x3FA7]  }
0x29: {  	s4 =	sld [smem:$0x3FA9]  }
0x2a: {  	p0 =	seq.s32 s5, $0x0;
	s5 =	sld [smem:$0x3FAA]  }
0x2b: {  	s6 =	sld [smem:$0x3FAB]  }
0x2c: {  	s7 =	sld [smem:$0x3FAC]  }
0x2d: {  	s3 =	simm.s32 $0x108;
	s8 =	sld [smem:$0x3FAD]  }
0x2e: {  	s3 =	simm.s32 @!p0 $0x1082;
	s9 =	sld [smem:$0x3FAE]  }
0x2f: {  	lr =	sadd.s32 s0, s3;
	s0 =	sld [smem:$0x3FA5]  }
0x30: {  	s3 =	sld [smem:$0x3FA8]  }
0x31: {  	[smem:$0x3FB1] =	sst s10  }
0x32: {  	s10 =	sld [smem:$0x3FAF];
	_ =	sdelay $0x3  }
0x33: {  	p0 =	seq.s32 s10, $0x1;
	s10 =	sld [smem:$0x3FB1];
	_ =	sdelay $0x3  }
0x34: {  	[smem:$0x3FB1] =	sst s10  }
0x35: {  	s10 =	sld [smem:$0x3FB0];
	_ =	sdelay $0x3  }
0x36: {  	p1 =	seq.s32 s10, $0x1;
	s10 =	sld [smem:$0x3FB1];
	_ =	sdelay $0x3  }
0x37: {  	[smem:$0x3FB1] =	sst s10  }
0x38: {  	s10 =	sld [smem:$0x3FB2]  }
0x39: {  	_ = 	snop;
	(pc) =	sbr.ind lr, $3  }
0x3a: {  	_ = 	snop  }
0x3b: {  	_ = 	snop  }
0x3c: {  	p2 =	seq.s32 s10, $0x1;
	s10 =	sld [smem:$0x3FB1]  }
0x3d: {  	_ =	shalt  }
0x3e: {  	_ =	shalt  }
0x3f: {  	_ =	shalt  }
0x40: {  	_ =	shalt  }
0x41: {  	_ =	shalt  }
0x42: {  	_ =	shalt  }
0x43: {  	_ =	shalt  }
0x44: {  	_ =	shalt  }
0x45: {  	_ =	shalt  }
0x46: {  	_ =	shalt  }
0x47: {  	_ =	shalt  }
0x48: {  	_ =	shalt  }
0x49: {  	_ =	shalt  }
0x4a: {  	_ =	shalt  }
0x4b: {  	_ =	shalt  }
0x4c: {  	_ =	shalt  }
0x4d: {  	_ =	shalt  }
0x4e: {  	_ =	shalt  }
0x4f: {  	_ =	shalt  }
0x50: {  	_ =	shalt  }
0x51: {  	_ =	shalt  }
0x52: {  	_ =	shalt  }
0x53: {  	_ =	shalt  }
0x54: {  	_ =	shalt  }
0x55: {  	_ =	shalt  }
0x56: {  	_ =	shalt  }
0x57: {  	_ =	shalt  }
0x58: {  	_ =	shalt  }
0x59: {  	_ =	shalt  }
0x5a: {  	_ =	shalt  }
0x5b: {  	_ =	shalt  }
0x5c: {  	_ =	shalt  }
0x5d: {  	_ =	shalt  }
0x5e: {  	_ =	shalt  }
0x5f: {  	_ =	shalt  }
0x60: {  	_ =	shalt  }
0x61: {  	_ =	shalt  }
0x62: {  	_ =	shalt  }
0x63: {  	_ =	shalt  }
0x64: {  	_ =	shalt  }
0x65: {  	_ =	shalt  }
0x66: {  	_ =	shalt  }
0x67: {  	_ =	shalt  }
0x68: {  	_ =	shalt  }
0x69: {  	_ =	shalt  }
0x6a: {  	_ =	shalt  }
0x6b: {  	_ =	shalt  }
0x6c: {  	_ =	shalt  }
0x6d: {  	_ =	shalt  }
0x6e: {  	_ =	shalt  }
0x6f: {  	_ =	shalt  }
0x70: {  	_ =	shalt  }
0x71: {  	_ =	shalt  }
0x72: {  	_ =	shalt  }
0x73: {  	_ =	shalt  }
0x74: {  	_ =	shalt  }
0x75: {  	_ =	shalt  }
0x76: {  	_ =	shalt  }
0x77: {  	_ =	shalt  }
0x78: {  	_ =	shalt  }
0x79: {  	_ =	shalt  }
0x7a: {  	_ =	shalt  }
0x7b: {  	_ =	shalt  }
0x7c: {  	_ =	shalt  }
0x7d: {  	_ =	shalt  }
0x7e: {  	_ =	shalt  }
0x7f: {  	_ =	shalt  }
0x80: {  	_ =	shalt  }
0x81: {  	_ =	shalt  }
0x82: {  	_ =	shalt  }
0x83: {  	_ =	shalt  }
0x84: {  	_ =	shalt  }
0x85: {  	_ =	shalt  }
0x86: {  	_ =	shalt  }
0x87: {  	_ =	shalt  }
.Lfunc_end0:
.L_simem_size_0:
called_computation.2_lowered:
.L_overlay_start_0:
0x88: {  	s2 =	sld [smem:$0x3FD9]  }
0x89: {  	s3 =	sld [smem:$0x3FFE];
	_ =	sdelay $0x1  }
0x8a: {  	s1 =	srdreg.scid  }
0x8b: {  	s0 =	sand.u32 $0x1, s1  }
0x8c: {  	s17 =	sshll.u32 s0, $0xA;
	s2 =	sadd.s32 s3, s2  }
0x8d: {  	s2 =	sadd.s32 s2, s17  }
0x8e: {  	[smem:$0x3FBD] =	sst s2  }
0x8f: {  	_ = 	snop  }
0x90: {  	s2 =	sld [smem:$0x3FD0];
	(tm) =	ssettm $0x1  }
0x91: {  	s18 =	sld [smem:$0x3FFB];
	_ =	sdelay $0x3  }
0x92: {  	_ =	strace s18  }
0x93: {  	s3 =	sld [smem:$0x3FFC];
	_ =	sdelay $0x3  }
0x94: {  	_ =	strace s3  }
0x95: {  	s3 =	sld [smem:$0x3FFD];
	_ =	sdelay $0x3  }
0x96: {  	_ =	strace s3  }
0x97: {  	_ =	strace $0x8FFFFFFF  }
0x98: {  	s19 =	sld [smem:$0x3FDB];
	_ =	sdelay $0x1  }
0x99: {  	s4 =	simm.s32 $_scs_section_size  }
0x9a: {  	s5 =	simm.s32 $_size__tile_overlayer_lowered;
	s6 =	simm.s32 $_tile_overlayer_lowered  }
0x9b: {  	s22 =	simm.s32 $0x1BFF;
	s21 =	sshll.u32 s6, $0x1;
	s3 =	sadd.s32 s4, s19  }
0x9c: {  	s7 =	simm.s32 $0x0;
	s20 =	sshll.u32 s5, $0x1;
	s5 =	sadd.s32 s21, s3  }
0x9d: {  	[timem:s7], [sflag:s22] =	dma.local [hbm:s5], s20  }
0x9e: {  	_ =	swait.ge [sflag:s22], s20  }
0x9f: {  	s4 =	ssub.s32 $0x0, s20;
	[sflag:s22] =	ssyncset.done $0x0  }
0xa0: {  	[sflag:s22] =	ssyncadd.s32 s4;
	_ =	sdelay $0x1  }
0xa1: {  	s23 =	simm.s32 $0x1B8B  }
0xa2: {  	_ =	swait.ge [sflag:s23], $0x1  }
0xa3: {  	[sflag:s23] =	ssyncset.done $0x0  }
0xa4: {  	s25 =	simm.s32 $0x1B8E;
	s24 =	sld [smem:$0x3FFE];
	[sflag:s23] =	ssyncadd.s32 $0xFFFFFFFF  }
0xa5: {  	s26 =	simm.s32 $execute0_lowered;
	[smem:$0x3FD2] =	sst s25  }
0xa6: {  	s5 =	sshll.u32 s26, $0x1;
	_ =	strace $0x8000004C;
	[dreg:$0x1] =	wrdreg $0xFFFFFFFF  }
0xa7: {  	s28 =	simm.s32 $_size_execute0_lowered;
	s3 =	sadd.s32 s3, s5;
	[dreg:$0x0] =	wrdreg $0x0  }
0xa8: {  	s5 =	sshll.u32 s28, $0x1;
	[dreg:$0x2] =	wrdreg s3  }
0xa9: {  	[dreg:$0x3] =	wrdreg s5  }
0xaa: {  	[dreg:$0x4] =	wrdreg $0xC0  }
0xab: {  	_ =	task [dreg:s7], $0x5FFFF  }
0xac: {  	[dreg:$0x1] =	wrdreg $0xFFFFFFFF  }
0xad: {  	[dreg:$0x0] =	wrdreg $0x60  }
0xae: {  	[dreg:$0x2] =	wrdreg s24  }
0xaf: {  	[dreg:$0x3] =	wrdreg s2  }
0xb0: {  	[dreg:$0x4] =	wrdreg $0x0  }
0xb1: {  	[dreg:$0x5] =	wrdreg $0x9  }
0xb2: {  	_ =	task.clear_ibuf [dreg:s7], $0x6FFFF;
	_ =	strace $0x9000004C  }
0xb3: {  	s29 =	simm.s32 $0x9;
	_ =	strace $0x8000004E  }
0xb4: {  	_ =	swait.ge [sflag:s29], $0x1  }
0xb5: {  	[sflag:s29] =	ssyncadd.s32 $0xFFFFFFFF  }
0xb6: {  	_ =	strace $0x9000004E  }
0xb7: {  	_ =	sfence  }
0xb8: {  	s30 =	sld [smem:$0x0];
	_ =	sdelay $0x2  }
0xb9: {  	s31 =	sshll.u32 s1, $0xD;
	s1 =	sshrl.u32 s1, $0x2  }
0xba: {  	s3 =	sand.u32 $0x4000, s31;
	s1 =	sadd.s32 s1, s30  }
0xbb: {  	s0 =	sor.u32 s3, s0;
	s1 =	sshll.u32 s1, $0x11  }
0xbc: {  	s0 =	sor.u32 s1, s0  }
0xbd: {  	s0 =	sadd.s32 $0x8F2B, s0  }
0xbe: {  	[sflag:s0] =	ssyncadd.remote.s32 $0x1  }
0xbf: {  	_ =	sfence.sel $0xFFFF  }
0xc0: {  	[dreg:$0x0] =	wrdreg $0xFFFFFFFF;
	(pc) =	sbr.abs _section_cstart, $3  }
0xc1: {  	[dreg:$0x1] =	wrdreg $0xFFFFFFFF  }
0xc2: {  	_ =	task.clear_ibuf [dreg:s7], $0x2FFFF;
	_ =	strace $0x9FFFFFFF  }
0xc3: {  	(tm) =	ssettm $0x7FFFFFFF  }
tec
execute0_lowered:
.L_overlay_start_1:
0x0: {  	(tag) =	ssettag $0x1  }
0x1: {  	s0 =	rddreg [dreg:$0x0]  }
0x2: {  	s14 =	rddreg [dreg:$0x1]  }
0x3: {  	s1 =	rddreg [dreg:$0x2];
	s2 =	simm.s32 $0x0;
	s9 =	srdreg.scid  }
0x4: {  	s5 =	stileid.u32;
	s28 =	simm.s32 $0x18100;
	s29 =	simm.s32 $0x4  }
0x5: {  	s30 =	simm.s32 $0x3;
	s31 =	simm.s32 $0x2;
	[smem:$0x7FF] =	sst s2  }
0x6: {  	s3 =	sadd.s32 $0x8E00, s0;
	s4 =	sadd.s32 $0x3E00, s0;
	s6 =	sadd.s32 $0x85E00, s0  }
0x7: {  	s7 =	sadd.s32 $0x35E00, s0;
	s15 =	sadd.s32 $0x5DE00, s0;
	s8 =	sadd.s32 $0x274E00, s0  }
0x8: {  	s16 =	sand.u32 $0x1, s9;
	s11 =	smul.u32 $0x280, s5;
	s17 =	sadd.s32 $0x4E5E00, s0  }
0x9: {  	s10 =	smul.u32 $0x50000, s5;
	s0 =	sadd.s32 $0x8AE00, s0;
	_ =	strace $0x8000004D  }
0xa: {  	s9 =	ssub.s32 $0x2, s16;
	p0 =	seq.s32 s16, $0x1;
	p1 =	seq.s32 s16, $0x0  }
0xb: {  	s12 =	sshrl.u32 s9, $0x1;
	s18 =	sadd.s32 $0x80, s11;
	s23 =	sshrl.u32 s10, $0x2  }
0xc: {  	s20 =	sadd.s32 $0x100, s11;
	s21 =	sadd.s32 $0x180, s11;
	s22 =	sadd.s32 $0x200, s11  }
0xd: {  	s8 =	smov.u32 @p0 s17;
	s0 =	smov.u32 @p1 s14;
	s7 =	smov.u32 @p0 s15  }
0xe: {  	s19 =	ssub.s32 s9, s12;
	s24 =	sshll.u32 s18, $0x7;
	s9 =	sadd.s32 s23, s1  }
0xf: {  	s25 =	sshll.u32 s20, $0x7;
	s26 =	sshll.u32 s21, $0x7;
	s13 =	sshll.u32 s22, $0x7  }
0x10: {  	s23 =	smul.u32 $0x2800, s5;
	s18 =	sshll.u32 s18, $0x4;
	s20 =	sshll.u32 s20, $0x4  }
0x11: {  	s21 =	sshll.u32 s21, $0x4;
	s22 =	sshll.u32 s22, $0x4;
	s10 =	sadd.s32 s24, s1  }
0x12: {  	s11 =	sadd.s32 s25, s1;
	s12 =	sadd.s32 s26, s1;
	s13 =	sadd.s32 s13, s1  }
0x13: {  	s19 =	smax.u32 s19, $0x1;
	s24 =	sadd.s32 s0, s18;
	s25 =	sadd.s32 s0, s20  }
0x14: {  	s26 =	sadd.s32 s0, s21;
	s20 =	simm.s32 $0x14100;
	[dreg:$0x4] =	wrdreg s19  }
.Ltmp0:
0x15: {  	s21 =	simm.s32 $0x5;
	[dreg:$0x6] =	wrdreg s24;
	(pc) =	sbr.rel .LBB2_1-.Ltmp0, $4  }
0x16: {  	s18 =	simm.s32 $0x0;
	s14 =	sadd.s32 s0, s23;
	[dreg:$0x7] =	wrdreg s25  }
0x17: {  	[dreg:$0x8] =	wrdreg s26;
	s19 =	sadd.s32 s0, s22;
	s22 =	simm.s32 $0x14000  }
0x18: {  	s23 =	simm.s32 $0x14080;
	s24 =	simm.s32 $0x1C100;
	s25 =	simm.s32 $0x1  }
0x19: {  	v0 =	vimm.f32 $0.0e+00;
	s26 =	simm.s32 $0x80;
	s0 =	simm.s32 $0x0;
	[dreg:$0x5] =	wrdreg s14  }
.LBB2_9:
0x1a: {  	[bflag:$0x0] =	sbarrier.arrive $0xFFFF  }
0x1b: {  	[tilespmem:s20], [sflag:$0x5] =	stream.linear.gather [spmem:s9], $0x4000, $0x38;
	[tilespmem:$0x1C180] =	vst v63  }
0x1c: {  	_ =	swait.ge [sflag:s21], $0x4000  }
0x1d: {  	[sflag:s21] =	ssyncset.done $0x0  }
0x1e: {  	s14 =	rddreg [dreg:$0x5];
	[sflag:s21] =	ssyncadd.s32 $0xFFFFC000  }
0x1f: {  	[hbm4b:s14+s2] =	stream.linear.scatter [tilespmem:s20], [sflag:$0x5], $0x4000, $0x38;
	[tilespmem:$0x1C180] =	vst v63  }
0x20: {  	_ =	swait.ge [sflag:s21], $0x4000  }
0x21: {  	[sflag:s21] =	ssyncset.done $0x0  }
0x22: {  	[sflag:s21] =	ssyncadd.s32 $0xFFFFC000  }
0x23: {  	[tilespmem:s20], [sflag:$0x5] =	stream.linear.gather [spmem:s10], $0x4000, $0x38;
	[tilespmem:$0x1C180] =	vst v63  }
0x24: {  	_ =	swait.ge [sflag:s21], $0x4000  }
0x25: {  	[sflag:s21] =	ssyncset.done $0x0  }
0x26: {  	s17 =	rddreg [dreg:$0x6];
	[sflag:s21] =	ssyncadd.s32 $0xFFFFC000  }
0x27: {  	[hbm4b:s17+s2] =	stream.linear.scatter [tilespmem:s20], [sflag:$0x5], $0x4000, $0x38;
	[tilespmem:$0x1C180] =	vst v63  }
0x28: {  	_ =	swait.ge [sflag:s21], $0x4000  }
0x29: {  	[sflag:s21] =	ssyncset.done $0x0  }
0x2a: {  	[sflag:s21] =	ssyncadd.s32 $0xFFFFC000  }
0x2b: {  	[tilespmem:s20], [sflag:$0x5] =	stream.linear.gather [spmem:s11], $0x4000, $0x38;
	[tilespmem:$0x1C180] =	vst v63  }
0x2c: {  	_ =	swait.ge [sflag:s21], $0x4000  }
0x2d: {  	[sflag:s21] =	ssyncset.done $0x0  }
0x2e: {  	s15 =	rddreg [dreg:$0x7];
	[sflag:s21] =	ssyncadd.s32 $0xFFFFC000  }
0x2f: {  	[hbm4b:s15+s2] =	stream.linear.scatter [tilespmem:s20], [sflag:$0x5], $0x4000, $0x38;
	[tilespmem:$0x1C180] =	vst v63  }
0x30: {  	_ =	swait.ge [sflag:s21], $0x4000  }
0x31: {  	[sflag:s21] =	ssyncset.done $0x0  }
0x32: {  	[sflag:s21] =	ssyncadd.s32 $0xFFFFC000  }
0x33: {  	[tilespmem:s20], [sflag:$0x5] =	stream.linear.gather [spmem:s12], $0x4000, $0x38;
	[tilespmem:$0x1C180] =	vst v63  }
0x34: {  	_ =	swait.ge [sflag:s21], $0x4000  }
0x35: {  	[sflag:s21] =	ssyncset.done $0x0  }
0x36: {  	s16 =	rddreg [dreg:$0x8];
	[sflag:s21] =	ssyncadd.s32 $0xFFFFC000  }
0x37: {  	[hbm4b:s16+s2] =	stream.linear.scatter [tilespmem:s20], [sflag:$0x5], $0x4000, $0x38;
	[tilespmem:$0x1C180] =	vst v63  }
0x38: {  	_ =	swait.ge [sflag:s21], $0x4000  }
0x39: {  	[sflag:s21] =	ssyncset.done $0x0  }
0x3a: {  	[sflag:s21] =	ssyncadd.s32 $0xFFFFC000  }
0x3b: {  	[tilespmem:s20], [sflag:$0x5] =	stream.linear.gather [spmem:s13], $0x4000, $0x38;
	[tilespmem:$0x1C180] =	vst v63  }
0x3c: {  	_ =	swait.ge [sflag:s21], $0x4000  }
0x3d: {  	[sflag:s21] =	ssyncset.done $0x0  }
0x3e: {  	[sflag:s21] =	ssyncadd.s32 $0xFFFFC000  }
0x3f: {  	[hbm4b:s19+s2] =	stream.linear.scatter [tilespmem:s20], [sflag:$0x5], $0x4000, $0x38;
	[tilespmem:$0x1C180] =	vst v63  }
0x40: {  	_ =	swait.ge [sflag:s21], $0x4000  }
0x41: {  	s0 =	sadd.s32 $0x1, s0;
	s17 =	rddreg [dreg:$0x4]  }
0x42: {  	p0 =	sne.s32 s0, s17  }
.Ltmp1:
0x43: {  	_ = 	snop;
	(pc) =	sbr.rel @!p0 .LBB2_10-.Ltmp1, $3  }
0x44: {  	_ =	sdelay $0x1  }
0x45: {  	[sflag:s21] =	ssyncset.done $0x0  }
0x46: {  	[sflag:s21] =	ssyncadd.s32 $0xFFFFC000  }
.LBB2_1:
0x47: {  	s14 =	sand.u32 $0xFE00, s2  }
0x48: {  	s15 =	sand.u32 $0x70, s2;
	s16 =	sshrl.u32 s14, $0x2  }
0x49: {  	s14 =	simm.s32 $0x40;
	s16 =	sor.u32 s15, s16;
	s15 =	simm.s32 $0x0  }
.LBB2_2:
0x4a: {  	p0 =	sne.s32 s14, $0xFFC0  }
0x4b: {  	[tilespmem:s16+$0x14100] =	vst v0;
	s15 =	sadd.s32 $0x10, s15;
	s16 =	smov.u32 s14;
	s14 =	sadd.s32 $0x40, s14  }
.Ltmp2:
0x4c: {  	(pc) =	sbr.rel @p0 .LBB2_2-.Ltmp2, $4  }
0x4d: {  	_ = 	snop  }
0x4e: {  	s16 =	sand.u32 $0xFE00, s16  }
0x4f: {  	s17 =	sand.u32 $0x70, s15;
	s16 =	sshrl.u32 s16, $0x2  }
0x50: {  	s16 =	sor.u32 s17, s16  }
0x51: {  	[tilespmem:s16+$0x14100] =	vst v0  }
0x52: {  	[spmem:s9] =	stream.linear.scatter [tilespmem:s20], [sflag:$0x5], $0x4000, $0x38;
	[tilespmem:$0x1C180] =	vst v63  }
0x53: {  	_ =	swait.ge [sflag:s21], $0x4000  }
0x54: {  	[sflag:s21] =	ssyncset.done $0x0  }
0x55: {  	[sflag:s21] =	ssyncadd.s32 $0xFFFFC000  }
0x56: {  	[spmem:s10] =	stream.linear.scatter [tilespmem:s20], [sflag:$0x5], $0x4000, $0x38;
	[tilespmem:$0x1C180] =	vst v63  }
0x57: {  	_ =	swait.ge [sflag:s21], $0x4000  }
0x58: {  	[sflag:s21] =	ssyncset.done $0x0  }
0x59: {  	[sflag:s21] =	ssyncadd.s32 $0xFFFFC000  }
0x5a: {  	[spmem:s11] =	stream.linear.scatter [tilespmem:s20], [sflag:$0x5], $0x4000, $0x38;
	[tilespmem:$0x1C180] =	vst v63  }
0x5b: {  	_ =	swait.ge [sflag:s21], $0x4000  }
0x5c: {  	[sflag:s21] =	ssyncset.done $0x0  }
0x5d: {  	[sflag:s21] =	ssyncadd.s32 $0xFFFFC000  }
0x5e: {  	[spmem:s12] =	stream.linear.scatter [tilespmem:s20], [sflag:$0x5], $0x4000, $0x38;
	[tilespmem:$0x1C180] =	vst v63  }
0x5f: {  	_ =	swait.ge [sflag:s21], $0x4000  }
0x60: {  	[sflag:s21] =	ssyncset.done $0x0  }
0x61: {  	[sflag:s21] =	ssyncadd.s32 $0xFFFFC000  }
0x62: {  	[spmem:s13] =	stream.linear.scatter [tilespmem:s20], [sflag:$0x5], $0x4000, $0x38;
	[tilespmem:$0x1C180] =	vst v63  }
.Ltmp3:
0x63: {  	_ =	swait.ge [sflag:s21], $0x4000;
	(pc) =	sbr.rel .LBB2_4-.Ltmp3, $4  }
0x64: {  	[sflag:s21] =	ssyncset.done $0x0  }
0x65: {  	[sflag:s21] =	ssyncadd.s32 $0xFFFFC000  }
0x66: {  	[bflag:$0x0] =	sbarrier.arrive $0xFFFF  }
0x67: {  	s14 =	simm.s32 $0x0  }
.LBB2_8:
0x68: {  	s14 =	sadd.s32 $0x1, s14  }
0x69: {  	p0 =	sne.s32 s14, $0x4F  }
.Ltmp4:
0x6a: {  	_ = 	snop;
	(pc) =	sbr.rel @!p0 .LBB2_9-.Ltmp4, $1  }
0x6b: {  	_ =	sdelay $0x3  }
.LBB2_4:
0x6c: {  	s15 =	sshll.u32 s14, $0x4  }
0x6d: {  	s15 =	sor.u32 s5, s15  }
0x6e: {  	p0 =	sgt.u32 s15, $0x4E1  }
.Ltmp5:
0x6f: {  	_ = 	snop;
	(pc) =	sbr.rel @p0 .LBB2_8-.Ltmp5, $1  }
0x70: {  	_ =	sdelay $0x3  }
0x71: {  	s16 =	sshll.u32 s15, $0x4  }
0x72: {  	s17 =	sadd.s32 s3, s16  }
0x73: {  	[tilespmem:s22], [sflag:$0x1] =	stream.linear.gather [hbm4b:s17+s18], $0x80, $0x38;
	[tilespmem:$0x1C180] =	vst v63  }
0x74: {  	s17 =	sadd.s32 s4, s16  }
0x75: {  	[tilespmem:s23], [sflag:$0x2] =	stream.linear.gather [hbm4b:s17+s18], $0x80, $0x38;
	[tilespmem:$0x1C180] =	vst v63  }
0x76: {  	s16 =	sadd.s32 s6, s16;
	s17 =	sshll.u32 s15, $0xB  }
0x77: {  	[tilespmem:s24], [sflag:$0x3] =	stream.linear.gather [hbm4b:s16+s18], $0x80, $0x38;
	[tilespmem:$0x1C180] =	vst v63  }
0x78: {  	s15 =	sadd.s32 s8, s17  }
0x79: {  	[tilespmem:s20], [sflag:$0x4] =	stream.linear.gather [hbm4b:s15+s18], $0x4000, $0x38;
	[tilespmem:$0x1C180] =	vst v63  }
0x7a: {  	_ =	swait.ge [sflag:s25], $0x80  }
0x7b: {  	[sflag:s25] =	ssyncset.done $0x0  }
0x7c: {  	[sflag:s25] =	ssyncadd.s32 $0xFFFFFF80  }
0x7d: {  	[tilespmem:s28], [sflag:$0x1] =	stream.indirect.gather [hbm4b:s7+s26], $0x80, s22, s26, $0xb8;
	[tilespmem:$0x1C180] =	vst v63  }
0x7e: {  	_ =	swait.ge [sflag:s25], $0x4000  }
0x7f: {  	[sflag:s25] =	ssyncset.done $0x0  }
0x80: {  	[sflag:s25] =	ssyncadd.s32 $0xFFFFC000  }
0x81: {  	_ =	swait.ge [sflag:s29], $0x4000  }
0x82: {  	[sflag:s29] =	ssyncset.done $0x0  }
0x83: {  	[sflag:s29] =	ssyncadd.s32 $0xFFFFC000  }
0x84: {  	_ =	swait.ge [sflag:s30], $0x80  }
0x85: {  	[sflag:s30] =	ssyncset.done $0x0  }
0x86: {  	s15 =	simm.s32 $0x0;
	[sflag:s30] =	ssyncadd.s32 $0xFFFFFF80  }
0x87: {  	v0 =	vld [tilespmem:s15+$0x18160];
	_ =	sdelay $0x4  }
0x88: {  	[tilespmem:$0x1F940] =	vst v0;
	v0 =	vld [tilespmem:s15+$0x18180];
	_ =	sdelay $0x4  }
0x89: {  	[tilespmem:$0x1F950] =	vst v0;
	v0 =	vld [tilespmem:s15+$0x18190];
	_ =	sdelay $0x4  }
0x8a: {  	[tilespmem:$0x1F960] =	vst v0;
	v0 =	vld [tilespmem:s15+$0x181A0];
	_ =	sdelay $0x4  }
0x8b: {  	[tilespmem:$0x1F970] =	vst v0;
	v0 =	vld [tilespmem:s15+$0x181B0];
	_ =	sdelay $0x4  }
0x8c: {  	[tilespmem:$0x1F980] =	vst v0;
	v0 =	vld [tilespmem:s15+$0x181C0];
	_ =	sdelay $0x4  }
0x8d: {  	[tilespmem:$0x1F990] =	vst v0;
	v0 =	vld [tilespmem:s15+$0x181D0];
	_ =	sdelay $0x4  }
0x8e: {  	[tilespmem:$0x1F9A0] =	vst v0;
	v0 =	vld [tilespmem:s15+$0x181E0];
	_ =	sdelay $0x4  }
0x8f: {  	[tilespmem:$0x1F9B0] =	vst v0;
	v0 =	vld [tilespmem:s15+$0x18200];
	_ =	sdelay $0x4  }
0x90: {  	[tilespmem:$0x1F9C0] =	vst v0;
	v0 =	vld [tilespmem:s15+$0x18210];
	_ =	sdelay $0x4  }
0x91: {  	[tilespmem:$0x1F9D0] =	vst v0;
	v0 =	vld [tilespmem:s15+$0x18220];
	_ =	sdelay $0x4  }
0x92: {  	[tilespmem:$0x1F9E0] =	vst v0;
	v0 =	vld [tilespmem:s15+$0x18230];
	_ =	sdelay $0x4  }
0x93: {  	[tilespmem:$0x1F9F0] =	vst v0;
	v0 =	vld [tilespmem:s15+$0x18240];
	_ =	sdelay $0x4  }
0x94: {  	[tilespmem:$0x1FA00] =	vst v0;
	v0 =	vld [tilespmem:s15+$0x18250];
	_ =	sdelay $0x4  }
0x95: {  	[tilespmem:$0x1FA10] =	vst v0;
	v0 =	vld [tilespmem:s15+$0x18260];
	_ =	sdelay $0x4  }
0x96: {  	[tilespmem:$0x1FA20] =	vst v0;
	v0 =	vld [tilespmem:s15+$0x18270];
	_ =	sdelay $0x4  }
0x97: {  	[tilespmem:$0x1FA30] =	vst v0;
	v0 =	vld [tilespmem:s15+$0x18280];
	_ =	sdelay $0x4  }
0x98: {  	[tilespmem:$0x1FA40] =	vst v0;
	v0 =	vld [tilespmem:s15+$0x18290];
	_ =	sdelay $0x4  }
0x99: {  	[tilespmem:$0x1FA50] =	vst v0;
	v0 =	vld [tilespmem:s15+$0x182A0];
	_ =	sdelay $0x4  }
0x9a: {  	[tilespmem:$0x1FA60] =	vst v0;
	v0 =	vld [tilespmem:s15+$0x182B0];
	_ =	sdelay $0x4  }
0x9b: {  	[tilespmem:$0x1FA70] =	vst v0;
	v0 =	vld [tilespmem:s15+$0x182C0];
	_ =	sdelay $0x4  }
0x9c: {  	[tilespmem:$0x1FA80] =	vst v0;
	v0 =	vld [tilespmem:s15+$0x182D0];
	_ =	sdelay $0x4  }
0x9d: {  	[tilespmem:$0x1FA90] =	vst v0;
	v0 =	vld [tilespmem:s15+$0x182E0];
	_ =	sdelay $0x4  }
0x9e: {  	[tilespmem:$0x1FAA0] =	vst v0;
	v0 =	vld [tilespmem:s15+$0x182F0];
	_ =	sdelay $0x4  }
0x9f: {  	[tilespmem:$0x1FAB0] =	vst v0;
	v0 =	vld [tilespmem:s15+$0x18300];
	_ =	sdelay $0x4  }
0xa0: {  	[tilespmem:$0x1FAC0] =	vst v0;
	v0 =	vld [tilespmem:s15+$0x18310];
	_ =	sdelay $0x4  }
0xa1: {  	[tilespmem:$0x1FAD0] =	vst v0;
	v0 =	vld [tilespmem:s15+$0x18320];
	_ =	sdelay $0x4  }
0xa2: {  	[tilespmem:$0x1FAE0] =	vst v0;
	v0 =	vld [tilespmem:s15+$0x18330];
	_ =	sdelay $0x4  }
0xa3: {  	[tilespmem:$0x1FAF0] =	vst v0;
	v0 =	vld [tilespmem:s15+$0x18340];
	_ =	sdelay $0x4  }
0xa4: {  	[tilespmem:$0x1FB00] =	vst v0;
	v0 =	vld [tilespmem:s15+$0x18350];
	_ =	sdelay $0x4  }
0xa5: {  	[tilespmem:$0x1FB10] =	vst v0;
	v0 =	vld [tilespmem:s15+$0x18360];
	_ =	sdelay $0x4  }
0xa6: {  	[tilespmem:$0x1FB20] =	vst v0;
	v0 =	vld [tilespmem:s15+$0x18380];
	_ =	sdelay $0x4  }
0xa7: {  	[tilespmem:$0x1FB30] =	vst v0;
	v0 =	vld [tilespmem:s15+$0x18390];
	_ =	sdelay $0x4  }
0xa8: {  	[tilespmem:$0x1FB40] =	vst v0;
	v0 =	vld [tilespmem:s15+$0x183A0];
	_ =	sdelay $0x4  }
0xa9: {  	[tilespmem:$0x1FB50] =	vst v0;
	v0 =	vld [tilespmem:s15+$0x183B0];
	_ =	sdelay $0x4  }
0xaa: {  	[tilespmem:$0x1FB60] =	vst v0;
	v0 =	vld [tilespmem:s15+$0x183C0];
	_ =	sdelay $0x4  }
0xab: {  	[tilespmem:$0x1FB70] =	vst v0;
	v0 =	vld [tilespmem:s15+$0x183E0];
	_ =	sdelay $0x4  }
0xac: {  	[tilespmem:$0x1FB80] =	vst v0;
	v0 =	vld [tilespmem:s15+$0x18400];
	_ =	sdelay $0x4  }
0xad: {  	[tilespmem:$0x1FB90] =	vst v0;
	v0 =	vld [tilespmem:s15+$0x18410];
	_ =	sdelay $0x4  }
0xae: {  	[tilespmem:$0x1FBA0] =	vst v0;
	v0 =	vld [tilespmem:s15+$0x18420];
	_ =	sdelay $0x4  }
0xaf: {  	[tilespmem:$0x1FBB0] =	vst v0;
	v0 =	vld [tilespmem:s15+$0x18430];
	_ =	sdelay $0x4  }
0xb0: {  	[tilespmem:$0x1FBC0] =	vst v0;
	v0 =	vld [tilespmem:s15+$0x18450];
	_ =	sdelay $0x4  }
0xb1: {  	[tilespmem:$0x1FBD0] =	vst v0;
	v0 =	vld [tilespmem:s15+$0x18470];
	_ =	sdelay $0x4  }
0xb2: {  	[tilespmem:$0x1FBE0] =	vst v0;
	v0 =	vld [tilespmem:s15+$0x184B0];
	_ =	sdelay $0x4  }
0xb3: {  	[tilespmem:$0x1FFE0] =	vst v0;
	v0 =	vld [tilespmem:s15+$0x184D0];
	_ =	sdelay $0x4  }
0xb4: {  	[tilespmem:$0x1FFC0] =	vst v0;
	v0 =	vld [tilespmem:s15+$0x184E0];
	_ =	sdelay $0x4  }
0xb5: {  	[tilespmem:$0x1FBF0] =	vst v0;
	v0 =	vld [tilespmem:s15+$0x184F0];
	_ =	sdelay $0x4  }
0xb6: {  	[tilespmem:$0x1FFD0] =	vst v0;
	v0 =	vld [tilespmem:s15+$0x18500];
	_ =	sdelay $0x4  }
0xb7: {  	[tilespmem:$0x1FC00] =	vst v0;
	v0 =	vld [tilespmem:s15+$0x18510];
	_ =	sdelay $0x4  }
0xb8: {  	[tilespmem:$0x1FC10] =	vst v0;
	v0 =	vld [tilespmem:s15+$0x18520];
	_ =	sdelay $0x4  }
0xb9: {  	[tilespmem:$0x1FC20] =	vst v0;
	v0 =	vld [tilespmem:s15+$0x18540];
	_ =	sdelay $0x4  }
0xba: {  	[tilespmem:$0x1FC30] =	vst v0;
	v0 =	vld [tilespmem:s15+$0x18550];
	_ =	sdelay $0x4  }
0xbb: {  	[tilespmem:$0x1FC40] =	vst v0;
	v0 =	vld [tilespmem:s15+$0x18560];
	_ =	sdelay $0x4  }
0xbc: {  	[tilespmem:$0x1FC50] =	vst v0;
	v0 =	vld [tilespmem:s15+$0x18570];
	_ =	sdelay $0x4  }
0xbd: {  	[tilespmem:$0x1FC60] =	vst v0;
	v0 =	vld [tilespmem:s15+$0x18580];
	_ =	sdelay $0x4  }
0xbe: {  	[tilespmem:$0x1FC70] =	vst v0;
	v0 =	vld [tilespmem:s15+$0x18590];
	_ =	sdelay $0x4  }
0xbf: {  	[tilespmem:$0x1FFA0] =	vst v0;
	v0 =	vld [tilespmem:s15+$0x185A0];
	_ =	sdelay $0x4  }
0xc0: {  	[tilespmem:$0x1FC80] =	vst v0;
	v0 =	vld [tilespmem:s15+$0x185B0];
	_ =	sdelay $0x4  }
0xc1: {  	[tilespmem:$0x1FFB0] =	vst v0;
	v0 =	vld [tilespmem:s15+$0x185C0];
	_ =	sdelay $0x4  }
0xc2: {  	[tilespmem:$0x1FC90] =	vst v0;
	v0 =	vld [tilespmem:s15+$0x185D0];
	_ =	sdelay $0x4  }
0xc3: {  	[tilespmem:$0x1FF80] =	vst v0;
	v0 =	vld [tilespmem:s15+$0x185E0];
	_ =	sdelay $0x4  }
0xc4: {  	[tilespmem:$0x1FCA0] =	vst v0;
	v0 =	vld [tilespmem:s15+$0x185F0];
	_ =	sdelay $0x4  }
0xc5: {  	[tilespmem:$0x1FF90] =	vst v0;
	v0 =	vld [tilespmem:s15+$0x18600];
	_ =	sdelay $0x4  }
0xc6: {  	[tilespmem:$0x1FCB0] =	vst v0;
	v0 =	vld [tilespmem:s15+$0x18610];
	_ =	sdelay $0x4  }
0xc7: {  	[tilespmem:$0x1FCC0] =	vst v0;
	v0 =	vld [tilespmem:s15+$0x18640];
	_ =	sdelay $0x4  }
0xc8: {  	[tilespmem:$0x1FCD0] =	vst v0;
	v0 =	vld [tilespmem:s15+$0x18650];
	_ =	sdelay $0x4  }
0xc9: {  	[tilespmem:$0x1FCE0] =	vst v0;
	v0 =	vld [tilespmem:s15+$0x18660];
	_ =	sdelay $0x4  }
0xca: {  	[tilespmem:$0x1FCF0] =	vst v0;
	v0 =	vld [tilespmem:s15+$0x18670];
	_ =	sdelay $0x4  }
0xcb: {  	[tilespmem:$0x1FD00] =	vst v0;
	v0 =	vld [tilespmem:s15+$0x18680];
	_ =	sdelay $0x4  }
0xcc: {  	[tilespmem:$0x1FD10] =	vst v0;
	v0 =	vld [tilespmem:s15+$0x186A0];
	_ =	sdelay $0x4  }
0xcd: {  	[tilespmem:$0x1FD20] =	vst v0;
	v0 =	vld [tilespmem:s15+$0x186C0];
	_ =	sdelay $0x4  }
0xce: {  	[tilespmem:$0x1FD30] =	vst v0;
	v0 =	vld [tilespmem:s15+$0x186E0];
	_ =	sdelay $0x4  }
0xcf: {  	[tilespmem:$0x1FD40] =	vst v0;
	v0 =	vld [tilespmem:s15+$0x18700];
	_ =	sdelay $0x4  }
0xd0: {  	[tilespmem:$0x1FD50] =	vst v0;
	v0 =	vld [tilespmem:s15+$0x18710];
	_ =	sdelay $0x4  }
0xd1: {  	[tilespmem:$0x1FD60] =	vst v0;
	v0 =	vld [tilespmem:s15+$0x18730];
	_ =	sdelay $0x4  }
0xd2: {  	[tilespmem:$0x1FD70] =	vst v0;
	v0 =	vld [tilespmem:s15+$0x18750];
	_ =	sdelay $0x4  }
0xd3: {  	[tilespmem:$0x1FD90] =	vst v0;
	v0 =	vld [tilespmem:s15+$0x18770];
	_ =	sdelay $0x4  }
0xd4: {  	[tilespmem:$0x1FDB0] =	vst v0;
	v0 =	vld [tilespmem:s15+$0x18780]  }
0xd5: {  	v1 =	vld [tilespmem:s15+$0x18740]  }
0xd6: {  	v24 =	vld [tilespmem:s15+$0x18100]  }
0xd7: {  	v25 =	vld [tilespmem:s15+$0x18110]  }
0xd8: {  	v33 =	vld [tilespmem:s15+$0x18120]  }
0xd9: {  	[tilespmem:$0x1FDC0] =	vst v0;
	v0 =	vld [tilespmem:s15+$0x18800]  }
0xda: {  	[tilespmem:$0x1FD80] =	vst v1;
	v1 =	vld [tilespmem:s15+$0x18760]  }
0xdb: {  	v48 =	vld [tilespmem:s15+$0x18130]  }
0xdc: {  	v47 =	vld [tilespmem:s15+$0x18140]  }
0xdd: {  	v52 =	vld [tilespmem:s15+$0x18150]  }
0xde: {  	[tilespmem:$0x1FE00] =	vst v0;
	v0 =	vld [tilespmem:s15+$0x18810]  }
0xdf: {  	[tilespmem:$0x1FDA0] =	vst v1;
	v1 =	vld [tilespmem:s15+$0x187A0]  }
0xe0: {  	v58 =	vld [tilespmem:s15+$0x18170]  }
0xe1: {  	v53 =	vld [tilespmem:s15+$0x181F0]  }
0xe2: {  	v59 =	vld [tilespmem:s15+$0x18370]  }
0xe3: {  	[tilespmem:$0x1FE10] =	vst v0;
	v0 =	vld [tilespmem:s15+$0x18820]  }
0xe4: {  	[tilespmem:$0x1FDD0] =	vst v1;
	v1 =	vld [tilespmem:s15+$0x187C0]  }
0xe5: {  	v22 =	vld [tilespmem:s15+$0x183D0]  }
0xe6: {  	v23 =	vld [tilespmem:s15+$0x183F0]  }
0xe7: {  	v49 =	vld [tilespmem:s15+$0x18440]  }
0xe8: {  	[tilespmem:$0x1FE20] =	vst v0;
	v0 =	vld [tilespmem:s15+$0x18830]  }
0xe9: {  	[tilespmem:$0x1FDE0] =	vst v1;
	v1 =	vld [tilespmem:s15+$0x187E0]  }
0xea: {  	v60 =	vld [tilespmem:s15+$0x18460]  }
0xeb: {  	v57 =	vld [tilespmem:s15+$0x18480]  }
0xec: {  	v32 =	vld [tilespmem:s15+$0x18490]  }
0xed: {  	[tilespmem:$0x1FE30] =	vst v0;
	v0 =	vld [tilespmem:s15+$0x18840]  }
0xee: {  	[tilespmem:$0x1FDF0] =	vst v1;
	v1 =	vld [tilespmem:s15+$0x18850]  }
0xef: {  	v56 =	vld [tilespmem:s15+$0x184A0]  }
0xf0: {  	v54 =	vld [tilespmem:s15+$0x184C0]  }
0xf1: {  	v50 =	vld [tilespmem:s15+$0x18530]  }
0xf2: {  	[tilespmem:$0x1FE40] =	vst v0;
	v0 =	vld [tilespmem:s15+$0x14770]  }
0xf3: {  	[tilespmem:$0x1FE50] =	vst v1;
	v1 =	vld [tilespmem:s15+$0x18860]  }
0xf4: {  	v63 =	vld [tilespmem:s15+$0x18620]  }
0xf5: {  	v51 =	vld [tilespmem:s15+$0x18630]  }
0xf6: {  	v34 =	vld [tilespmem:s15+$0x18690]  }
0xf7: {  	[tilespmem:$0x1FEE0] =	vst v0;
	v0 =	vld [tilespmem:s15+$0x14750]  }
0xf8: {  	[tilespmem:$0x1FE60] =	vst v1;
	v1 =	vld [tilespmem:s15+$0x18870]  }
0xf9: {  	v28 =	vld [tilespmem:s15+$0x186B0]  }
0xfa: {  	v27 =	vld [tilespmem:s15+$0x186D0]  }
0xfb: {  	v31 =	vld [tilespmem:s15+$0x186F0]  }
0xfc: {  	[tilespmem:$0x1FEF0] =	vst v0;
	v0 =	vld [tilespmem:s15+$0x14670]  }
0xfd: {  	[tilespmem:$0x1FE70] =	vst v1;
	v1 =	vld [tilespmem:s15+$0x18880]  }
0xfe: {  	v61 =	vld [tilespmem:s15+$0x18720]  }
0xff: {  	v29 =	vld [tilespmem:s15+$0x18790]  }
0x100: {  	v30 =	vld [tilespmem:s15+$0x187B0]  }
0x101: {  	[tilespmem:$0x1FF00] =	vst v0;
	v0 =	vld [tilespmem:s15+$0x14650]  }
0x102: {  	[tilespmem:$0x1FE80] =	vst v1;
	v1 =	vld [tilespmem:s15+$0x188A0]  }
0x103: {  	v26 =	vld [tilespmem:s15+$0x187D0]  }
0x104: {  	v17 =	vld [tilespmem:s15+$0x187F0]  }
0x105: {  	v16 =	vld [tilespmem:s15+$0x18890]  }
0x106: {  	[tilespmem:$0x1FF10] =	vst v0;
	v0 =	vld [tilespmem:s15+$0x14570]  }
0x107: {  	[tilespmem:$0x1FE90] =	vst v1;
	v1 =	vld [tilespmem:s15+$0x188C0]  }
0x108: {  	v36 =	vld [tilespmem:s15+$0x188B0]  }
0x109: {  	v21 =	vld [tilespmem:s15+$0x188D0]  }
0x10a: {  	v37 =	vld [tilespmem:s15+$0x188F0]  }
0x10b: {  	[tilespmem:$0x1FF20] =	vst v0;
	v0 =	vld [tilespmem:s15+$0x14550]  }
0x10c: {  	[tilespmem:$0x1FEA0] =	vst v1;
	v1 =	vld [tilespmem:s15+$0x188E0]  }
0x10d: {  	v38 =	vld [tilespmem:s15+$0x148F0]  }
0x10e: {  	v39 =	vld [tilespmem:s15+$0x148D0]  }
0x10f: {  	v40 =	vld [tilespmem:s15+$0x148B0]  }
0x110: {  	[tilespmem:$0x1FF30] =	vst v0;
	v0 =	vld [tilespmem:s15+$0x144B0]  }
0x111: {  	[tilespmem:$0x1FEB0] =	vst v1;
	v1 =	vld [tilespmem:s15+$0x14870]  }
0x112: {  	v41 =	vld [tilespmem:s15+$0x14890]  }
0x113: {  	v42 =	vld [tilespmem:s15+$0x147F0]  }
0x114: {  	v43 =	vld [tilespmem:s15+$0x147D0]  }
0x115: {  	v44 =	vld [tilespmem:s15+$0x147B0];
	[tilespmem:$0x1FFF0] =	vst v0;
	v0 =	vadd.f32 v21, v39  }
0x116: {  	v45 =	vld [tilespmem:s15+$0x14790];
	[tilespmem:$0x1FEC0] =	vst v1  }
0x117: {  	v1 =	vld [tilespmem:s15+$0x14850];
	[tilespmem:$0x1FF40] =	vst v0;
	v0 =	vadd.f32 v37, v38  }
0x118: {  	v46 =	vld [tilespmem:s15+$0x146F0]  }
0x119: {  	v55 =	vld [tilespmem:s15+$0x146D0];
	[tilespmem:$0x1FF50] =	vst v0;
	v0 =	vadd.f32 v16, v41  }
0x11a: {  	v62 =	vld [tilespmem:s15+$0x146B0]  }
0x11b: {  	v2 =	vld [tilespmem:s15+$0x14690];
	[tilespmem:$0x1FF60] =	vst v0;
	v0 =	vadd.f32 v26, v43  }
0x11c: {  	[tilespmem:$0x1FED0] =	vst v1;
	v1 =	vld [tilespmem:s15+$0x145D0]  }
0x11d: {  	[tilespmem:$0x1FF70] =	vst v0;
	v0 =	vld [tilespmem:$0x1FF80]  }
0x11e: {  	v8 =	vld [tilespmem:s15+$0x145F0]  }
0x11f: {  	v35 =	vld [tilespmem:s15+$0x145B0]  }
0x120: {  	v5 =	vld [tilespmem:s15+$0x14590]  }
0x121: {  	v10 =	vld [tilespmem:s15+$0x144F0]  }
0x122: {  	v28 =	vadd.f32 v28, v62;
	v62 =	vadd.f32 v0, v1;
	v0 =	vld [tilespmem:$0x1FF90]  }
0x123: {  	v6 =	vld [tilespmem:s15+$0x144D0]  }
0x124: {  	v7 =	vld [tilespmem:s15+$0x14490]  }
0x125: {  	v4 =	vld [tilespmem:s15+$0x14470]  }
0x126: {  	v3 =	vld [tilespmem:s15+$0x14450];
	v41 =	vadd.f32 v30, v44  }
0x127: {  	v44 =	vadd.f32 v27, v55;
	v55 =	vadd.f32 v0, v8;
	v0 =	vld [tilespmem:$0x1FFA0]  }
0x128: {  	v13 =	vld [tilespmem:s15+$0x143F0]  }
0x129: {  	v9 =	vld [tilespmem:s15+$0x143D0]  }
0x12a: {  	v14 =	vld [tilespmem:s15+$0x143B0]  }
0x12b: {  	v15 =	vld [tilespmem:s15+$0x14390];
	v43 =	vadd.f32 v31, v46  }
0x12c: {  	v31 =	vadd.f32 v34, v2;
	v2 =	vadd.f32 v0, v5;
	v0 =	vld [tilespmem:$0x1FFB0]  }
0x12d: {  	v11 =	vld [tilespmem:s15+$0x14370]  }
0x12e: {  	v12 =	vld [tilespmem:s15+$0x14350]  }
0x12f: {  	v18 =	vld [tilespmem:s15+$0x142F0]  }
0x130: {  	v19 =	vld [tilespmem:s15+$0x142D0]  }
0x131: {  	v1 =	vadd.f32 v0, v35;
	v0 =	vld [tilespmem:$0x1FFC0]  }
0x132: {  	v20 =	vld [tilespmem:s15+$0x142B0]  }
0x133: {  	v21 =	vld [tilespmem:s15+$0x14290]  }
0x134: {  	v39 =	vadd.f32 v36, v40;
	v40 =	vadd.f32 v17, v42;
	v17 =	vld [tilespmem:s15+$0x14250]  }
0x135: {  	v36 =	vld [tilespmem:s15+$0x14150]  }
0x136: {  	v5 =	vadd.f32 v0, v6;
	v0 =	vld [tilespmem:$0x1FFD0]  }
0x137: {  	v37 =	vld [tilespmem:s15+$0x14130]  }
0x138: {  	v38 =	vld [tilespmem:s15+$0x14110]  }
0x139: {  	v16 =	vld [tilespmem:s15+$0x14270]  }
0x13a: {  	v6 =	vld [tilespmem:$0x1FFF0]  }
0x13b: {  	v42 =	vadd.f32 v29, v45;
	v29 =	vadd.f32 v0, v10;
	v0 =	vld [tilespmem:$0x1FFE0]  }
0x13c: {  	v30 =	vld [tilespmem:s15+$0x141F0]  }
0x13d: {  	v27 =	vld [tilespmem:s15+$0x141B0]  }
0x13e: {  	v26 =	vld [tilespmem:s15+$0x141D0]  }
0x13f: {  	v34 =	vld [tilespmem:s15+$0x14190];
	v8 =	vadd.f32 v32, v7;
	v10 =	vadd.f32 v22, v9  }
0x140: {  	s17 =	simm.s32 $0x0;
	s16 =	simm.s32 $0x1;
	v35 =	vld [tilespmem:s15+$0x14170];
	v9 =	vadd.f32 v23, v13;
	v7 =	vadd.f32 v0, v6  }
.LBB2_6:
0x141: {  	v0 =	vld [tilespmem:$0x1FB40]  }
0x142: {  	v6 =	vld [tilespmem:$0x1FA90];
	_ =	sdelay $0x3  }
0x143: {  	v15 =	vadd.f32 v0, v15;
	v0 =	vld [tilespmem:$0x1FB60]  }
0x144: {  	v19 =	vadd.f32 v6, v19;
	v6 =	vld [tilespmem:$0x1FAB0];
	_ =	sdelay $0x4  }
0x145: {  	v13 =	vadd.f32 v0, v14;
	v14 =	vadd.f32 v6, v18;
	v6 =	vld [tilespmem:$0x1FA50];
	_ =	sdelay $0x4  }
0x146: {  	v21 =	vadd.f32 v6, v21;
	v6 =	vld [tilespmem:$0x1FA70];
	_ =	sdelay $0x4  }
0x147: {  	v20 =	vadd.f32 v6, v20;
	v6 =	vld [tilespmem:$0x1F9A0]  }
0x148: {  	v46 =	vld [tilespmem:s15+$0x14100]  }
0x149: {  	v22 =	vld [tilespmem:$0x1F940]  }
0x14a: {  	s17 =	sand.u32 $0x3FFFFFF0, s17;
	v30 =	vadd.f32 v53, v30;
	v53 =	vmov v41;
	v41 =	vld [tilespmem:s15+$0x14160]  }
0x14b: {  	v0 =	vld [tilespmem:s17+$0x1C100]  }
0x14c: {  	v26 =	vadd.f32 v6, v26;
	v6 =	vld [tilespmem:$0x1F960];
	_ =	sdelay $0x1  }
0x14d: {  	[tilespmem:$0x1F8A0] =	vst v40;
	v40 =	vld [tilespmem:s15+$0x14140]  }
0x14e: {  	v36 =	vadd.f32 v52, v36;
	v52 =	vmov v42;
	v42 =	vld [tilespmem:s15+$0x14180]  }
0x14f: {  	v41 =	vadd.f32 v22, v41;
	v22 =	vld [tilespmem:$0x1F950]  }
0x150: {  	[tilespmem:$0x1F8B0] =	vst v39;
	v39 =	vadd.f32 v24, v46;
	v32 =	vbroadcast v0, $0x0;
	v34 =	vadd.f32 v6, v34;
	v6 =	vld [tilespmem:$0x1F980];
	_ =	sdelay $0x1  }
0x151: {  	v40 =	vadd.f32 v47, v40;
	v39 =	vmul.f32 v39, v32;
	_ =	sdelay $0x1  }
0x152: {  	[tilespmem:s15+$0x14100] =	vst v39;
	v39 =	vmul.f32 v40, v32;
	v40 =	vadd.f32 v22, v42;
	v22 =	vld [tilespmem:$0x1F970]  }
0x153: {  	v27 =	vadd.f32 v6, v27;
	v6 =	vmov v59;
	v59 =	vmov v44;
	v44 =	vld [tilespmem:s15+$0x141A0]  }
0x154: {  	v23 =	vld [tilespmem:$0x1F9C0];
	v38 =	vadd.f32 v25, v38  }
0x155: {  	v18 =	vld [tilespmem:s15+$0x14120]  }
0x156: {  	v35 =	vadd.f32 v58, v35;
	v58 =	vmov v43;
	v43 =	vld [tilespmem:s15+$0x14200];
	v38 =	vmul.f32 v38, v32  }
0x157: {  	v46 =	vld [tilespmem:s15+$0x141C0]  }
0x158: {  	[tilespmem:s15+$0x14110] =	vst v38;
	v38 =	vmul.f32 v41, v32;
	v41 =	vadd.f32 v22, v44;
	v22 =	vld [tilespmem:$0x1F990];
	_ =	sdelay $0x1  }
0x159: {  	v37 =	vadd.f32 v48, v37;
	v48 =	vld [tilespmem:s15+$0x141E0];
	v18 =	vadd.f32 v33, v18;
	v36 =	vmul.f32 v36, v32  }
0x15a: {  	v42 =	vld [tilespmem:s15+$0x14210]  }
0x15b: {  	v18 =	vmul.f32 v18, v32;
	[tilespmem:s15+$0x14150] =	vst v36;
	v36 =	vadd.f32 v23, v43;
	v23 =	vld [tilespmem:$0x1F9D0]  }
0x15c: {  	v37 =	vmul.f32 v37, v32;
	v35 =	vmul.f32 v35, v32;
	v32 =	vadd.f32 v22, v46;
	v22 =	vld [tilespmem:$0x1F9B0];
	_ =	sdelay $0x3  }
0x15d: {  	v44 =	vld [tilespmem:s15+$0x14220]  }
0x15e: {  	v33 =	vadd.f32 v22, v48;
	v48 =	vadd.f32 v23, v42;
	v23 =	vld [tilespmem:$0x1F9E0];
	_ =	sdelay $0x3  }
0x15f: {  	v47 =	vld [tilespmem:s15+$0x14230]  }
0x160: {  	[tilespmem:s15+$0x14170] =	vst v35;
	v35 =	vadd.f32 v23, v44;
	v23 =	vld [tilespmem:$0x1F9F0];
	_ =	sdelay $0x2  }
0x161: {  	v46 =	vld [tilespmem:s15+$0x14240]  }
0x162: {  	v22 =	vld [tilespmem:$0x1FA30]  }
0x163: {  	v43 =	vadd.f32 v23, v47;
	v23 =	vld [tilespmem:$0x1FA00]  }
0x164: {  	v45 =	vbroadcast v0, $0x1;
	_ =	sdelay $0x1  }
0x165: {  	[tilespmem:s15+$0x14120] =	vst v18;
	v18 =	vmul.f32 v40, v45;
	v40 =	vld [tilespmem:s15+$0x14260]  }
0x166: {  	v16 =	vadd.f32 v22, v16;
	v22 =	vld [tilespmem:$0x1FA10]  }
0x167: {  	[tilespmem:s15+$0x14130] =	vst v37;
	v37 =	vmul.f32 v41, v45;
	v41 =	vadd.f32 v23, v46;
	v23 =	vld [tilespmem:$0x1FA20]  }
0x168: {  	[tilespmem:s15+$0x14160] =	vst v38;
	v38 =	vbroadcast v0, $0x2;
	v11 =	vadd.f32 v6, v11;
	v6 =	vld [tilespmem:$0x1FB10];
	_ =	sdelay $0x1  }
0x169: {  	[tilespmem:s15+$0x14180] =	vst v18;
	v18 =	vmul.f32 v36, v38;
	v34 =	vmul.f32 v34, v45  }
0x16a: {  	v27 =	vmul.f32 v27, v45;
	v36 =	vmul.f32 v48, v38;
	v17 =	vadd.f32 v22, v17  }
0x16b: {  	[tilespmem:s15+$0x14190] =	vst v34;
	v34 =	vmul.f32 v35, v38;
	v16 =	vmul.f32 v16, v38;
	v40 =	vadd.f32 v23, v40  }
0x16c: {  	[tilespmem:s15+$0x141B0] =	vst v27;
	v12 =	vadd.f32 v6, v12;
	v6 =	vld [tilespmem:$0x1FAC0];
	v35 =	vmul.f32 v43, v38;
	v17 =	vmul.f32 v17, v38  }
0x16d: {  	[tilespmem:s15+$0x141A0] =	vst v37;
	v37 =	vmul.f32 v41, v38;
	v27 =	vmul.f32 v40, v38;
	v38 =	vld [tilespmem:s15+$0x14300];
	_ =	sdelay $0x3  }
0x16e: {  	v25 =	vld [tilespmem:s15+$0x14310]  }
0x16f: {  	[tilespmem:s15+$0x14200] =	vst v18;
	v18 =	vadd.f32 v6, v38;
	v6 =	vld [tilespmem:$0x1FAD0];
	_ =	sdelay $0x3  }
0x170: {  	v47 =	vld [tilespmem:s15+$0x14320]  }
0x171: {  	v26 =	vmul.f32 v26, v45;
	v25 =	vadd.f32 v6, v25;
	v6 =	vld [tilespmem:$0x1FAE0];
	_ =	sdelay $0x1  }
0x172: {  	[tilespmem:s15+$0x141D0] =	vst v26;
	v26 =	vld [tilespmem:$0x1FAA0]  }
0x173: {  	v48 =	vld [tilespmem:s15+$0x142E0]  }
0x174: {  	v43 =	vld [tilespmem:s15+$0x14330]  }
0x175: {  	v46 =	vadd.f32 v6, v47;
	v6 =	vld [tilespmem:$0x1FAF0]  }
0x176: {  	[tilespmem:s15+$0x14140] =	vst v39;
	v39 =	vmul.f32 v32, v45;
	v32 =	vld [tilespmem:$0x1FA80]  }
0x177: {  	v30 =	vmul.f32 v30, v45;
	v24 =	vmul.f32 v33, v45;
	v45 =	vld [tilespmem:s15+$0x142C0];
	_ =	sdelay $0x1  }
0x178: {  	v26 =	vadd.f32 v26, v48;
	v48 =	vld [tilespmem:s15+$0x14340]  }
0x179: {  	v47 =	vadd.f32 v6, v43;
	v6 =	vld [tilespmem:$0x1FB00];
	_ =	sdelay $0x1  }
0x17a: {  	v44 =	vbroadcast v0, $0x3;
	v45 =	vadd.f32 v32, v45;
	v22 =	vld [tilespmem:s15+$0x14280]  }
0x17b: {  	v23 =	vld [tilespmem:$0x1FA40]  }
0x17c: {  	[tilespmem:s15+$0x141E0] =	vst v24;
	v24 =	vmul.f32 v45, v44;
	v45 =	vld [tilespmem:s15+$0x14360]  }
0x17d: {  	v32 =	vadd.f32 v6, v48;
	v6 =	vld [tilespmem:$0x1FB20];
	_ =	sdelay $0x1  }
0x17e: {  	v42 =	vld [tilespmem:s15+$0x142A0]  }
0x17f: {  	v22 =	vadd.f32 v23, v22;
	v23 =	vld [tilespmem:$0x1FA60]  }
0x180: {  	[tilespmem:s15+$0x141F0] =	vst v30;
	v30 =	vmul.f32 v14, v44;
	v14 =	vld [tilespmem:s15+$0x14380]  }
0x181: {  	[tilespmem:s15+$0x141C0] =	vst v39;
	v39 =	vadd.f32 v6, v45;
	v6 =	vld [tilespmem:$0x1FB30];
	_ =	sdelay $0x1  }
0x182: {  	v33 =	vbroadcast v0, $0x4;
	v21 =	vmul.f32 v21, v44  }
0x183: {  	v20 =	vmul.f32 v20, v44;
	v19 =	vmul.f32 v19, v44;
	v23 =	vadd.f32 v23, v42  }
0x184: {  	v26 =	vmul.f32 v26, v44;
	v22 =	vmul.f32 v22, v44;
	v38 =	vld [tilespmem:s15+$0x143A0]  }
0x185: {  	v23 =	vmul.f32 v23, v44;
	v44 =	vmul.f32 v12, v33;
	v12 =	vadd.f32 v6, v14;
	v6 =	vld [tilespmem:$0x1FB50];
	_ =	sdelay $0x3  }
0x186: {  	v42 =	vld [tilespmem:s15+$0x143C0]  }
0x187: {  	v38 =	vadd.f32 v6, v38;
	v6 =	vld [tilespmem:$0x1FB70];
	_ =	sdelay $0x2  }
0x188: {  	v41 =	vbroadcast v0, $0x5  }
0x189: {  	[tilespmem:s15+$0x14220] =	vst v34;
	v34 =	vld [tilespmem:s15+$0x143E0]  }
0x18a: {  	[tilespmem:s15+$0x14260] =	vst v27;
	v27 =	vmul.f32 v12, v41;
	v12 =	vadd.f32 v6, v42;
	v6 =	vld [tilespmem:$0x1FB80];
	_ =	sdelay $0x4  }
0x18b: {  	[tilespmem:s15+$0x14210] =	vst v36;
	v36 =	vmul.f32 v47, v33;
	v47 =	vmul.f32 v13, v41;
	v13 =	vadd.f32 v6, v34;
	v6 =	vld [tilespmem:$0x1FBE0];
	_ =	sdelay $0x4  }
0x18c: {  	v4 =	vadd.f32 v6, v4;
	v6 =	vld [tilespmem:$0x1FBD0];
	_ =	sdelay $0x1  }
0x18d: {  	[tilespmem:s15+$0x14270] =	vst v16;
	v16 =	vld [tilespmem:s15+$0x14440]  }
0x18e: {  	v48 =	vld [tilespmem:s15+$0x14430]  }
0x18f: {  	[tilespmem:s15+$0x14250] =	vst v17;
	v17 =	vmul.f32 v39, v33;
	v39 =	vld [tilespmem:s15+$0x14400]  }
0x190: {  	[tilespmem:s15+$0x14290] =	vst v21;
	v6 =	vadd.f32 v6, v3;
	v3 =	vld [tilespmem:$0x1FB90]  }
0x191: {  	[tilespmem:s15+$0x14240] =	vst v37;
	v37 =	vmul.f32 v32, v33;
	v32 =	vld [tilespmem:s15+$0x14460]  }
0x192: {  	[tilespmem:s15+$0x14230] =	vst v35;
	v45 =	vmul.f32 v15, v41;
	v15 =	vld [tilespmem:s15+$0x14420]  }
0x193: {  	[tilespmem:s15+$0x14280] =	vst v22;
	v14 =	vld [tilespmem:s15+$0x14410]  }
0x194: {  	[tilespmem:s15+$0x142A0] =	vst v23;
	v42 =	vld [tilespmem:s15+$0x14480]  }
0x195: {  	v22 =	vmul.f32 v12, v41;
	v12 =	vadd.f32 v3, v39;
	v3 =	vld [tilespmem:$0x1FBA0];
	_ =	sdelay $0x4  }
0x196: {  	v21 =	vmul.f32 v13, v41;
	v13 =	vadd.f32 v3, v14;
	v3 =	vld [tilespmem:$0x1FBB0];
	_ =	sdelay $0x4  }
0x197: {  	v14 =	vadd.f32 v3, v15;
	v3 =	vld [tilespmem:$0x1FBC0]  }
0x198: {  	v11 =	vmul.f32 v11, v33;
	v10 =	vmul.f32 v10, v41  }
0x199: {  	v18 =	vmul.f32 v18, v33;
	v23 =	vbroadcast v0, $0x6;
	v43 =	vld [tilespmem:s15+$0x144A0]  }
0x19a: {  	v35 =	vmul.f32 v46, v33;
	v46 =	vmul.f32 v38, v41;
	[tilespmem:s15+$0x142B0] =	vst v20;
	v38 =	vld [tilespmem:s15+$0x144C0]  }
0x19b: {  	v20 =	vbroadcast v0, $0x7;
	[tilespmem:s15+$0x142C0] =	vst v24;
	v24 =	vmul.f32 v12, v23  }
0x19c: {  	v39 =	vld [tilespmem:s15+$0x144E0];
	v15 =	vadd.f32 v3, v48;
	v48 =	vmul.f32 v13, v23;
	v13 =	vadd.f32 v49, v16  }
0x19d: {  	v49 =	vmul.f32 v14, v23;
	v14 =	vmul.f32 v6, v23;
	v6 =	vadd.f32 v57, v42;
	v3 =	vld [tilespmem:$0x1FBF0]  }
0x19e: {  	v16 =	vmul.f32 v4, v23;
	v12 =	vmul.f32 v15, v23;
	v15 =	vadd.f32 v60, v32  }
0x19f: {  	[tilespmem:s15+$0x14300] =	vst v18;
	v18 =	vld [tilespmem:$0x1FC00];
	v4 =	vadd.f32 v56, v43;
	v43 =	vmul.f32 v6, v20;
	v6 =	vadd.f32 v54, v38  }
0x1a0: {  	v13 =	vmul.f32 v13, v23;
	v15 =	vmul.f32 v15, v23;
	v23 =	vld [tilespmem:s15+$0x14500]  }
0x1a1: {  	v25 =	vmul.f32 v25, v33;
	v33 =	vmul.f32 v6, v20;
	v6 =	vld [tilespmem:$0x1FF20]  }
0x1a2: {  	v9 =	vmul.f32 v9, v41;
	v41 =	vmul.f32 v4, v20;
	v4 =	vadd.f32 v3, v39;
	v3 =	vld [tilespmem:$0x1FC60];
	_ =	sdelay $0x1  }
0x1a3: {  	[tilespmem:s15+$0x142E0] =	vst v26;
	v26 =	vld [tilespmem:s15+$0x14510]  }
0x1a4: {  	v18 =	vadd.f32 v18, v23;
	v23 =	vld [tilespmem:$0x1FC10]  }
0x1a5: {  	[tilespmem:s15+$0x14320] =	vst v35;
	v35 =	vmul.f32 v4, v20;
	v4 =	vld [tilespmem:$0x1FF30]  }
0x1a6: {  	v6 =	vadd.f32 v3, v6;
	v3 =	vld [tilespmem:$0x1FC40]  }
0x1a7: {  	[tilespmem:s15+$0x14360] =	vst v17;
	v17 =	vld [tilespmem:$0x1FC30]  }
0x1a8: {  	v42 =	vmul.f32 v8, v20;
	v8 =	vld [tilespmem:s15+$0x14520]  }
0x1a9: {  	v23 =	vadd.f32 v23, v26;
	v26 =	vld [tilespmem:$0x1FC20]  }
0x1aa: {  	[tilespmem:s15+$0x14310] =	vst v25;
	v34 =	vmul.f32 v5, v20;
	v32 =	vmul.f32 v7, v20;
	v7 =	vld [tilespmem:s15+$0x14540]  }
0x1ab: {  	[tilespmem:s15+$0x14330] =	vst v36;
	v25 =	vld [tilespmem:s15+$0x145A0];
	v36 =	vmul.f32 v29, v20;
	v20 =	vbroadcast v0, $0x8;
	v3 =	vadd.f32 v3, v4  }
0x1ac: {  	v4 =	vld [tilespmem:s15+$0x14580]  }
0x1ad: {  	[tilespmem:s15+$0x14380] =	vst v27;
	v27 =	vmul.f32 v3, v20;
	v3 =	vld [tilespmem:$0x1FC70]  }
0x1ae: {  	v5 =	vld [tilespmem:s15+$0x14560];
	v8 =	vadd.f32 v26, v8  }
0x1af: {  	v57 =	vbroadcast v0, $0x9;
	v60 =	vld [tilespmem:s15+$0x145C0];
	v7 =	vadd.f32 v17, v7  }
0x1b0: {  	v40 =	vmul.f32 v8, v20;
	v8 =	vld [tilespmem:$0x1FC50]  }
0x1b1: {  	[tilespmem:s15+$0x142F0] =	vst v30;
	v30 =	vmul.f32 v7, v20;
	v7 =	vmul.f32 v2, v57;
	v2 =	vld [tilespmem:$0x1FC90]  }
0x1b2: {  	v3 =	vadd.f32 v3, v4;
	v4 =	vld [tilespmem:$0x1FC80];
	_ =	sdelay $0x1  }
0x1b3: {  	[tilespmem:s15+$0x14340] =	vst v37;
	v37 =	vmul.f32 v18, v20;
	v18 =	vld [tilespmem:s15+$0x145E0]  }
0x1b4: {  	v5 =	vadd.f32 v8, v5;
	v8 =	vmul.f32 v3, v57;
	v3 =	vmul.f32 v1, v57;
	v1 =	vld [tilespmem:$0x1FCA0];
	_ =	sdelay $0x1  }
0x1b5: {  	v2 =	vadd.f32 v2, v60;
	v4 =	vadd.f32 v4, v25  }
0x1b6: {  	v17 =	vmul.f32 v6, v20  }
0x1b7: {  	v6 =	vmul.f32 v4, v57;
	v4 =	vmul.f32 v2, v57;
	v2 =	vld [tilespmem:$0x1FD00]  }
0x1b8: {  	v26 =	vmul.f32 v5, v20;
	v5 =	vadd.f32 v1, v18;
	v18 =	vld [tilespmem:$0x1FF00];
	_ =	sdelay $0x1  }
0x1b9: {  	[tilespmem:s15+$0x142D0] =	vst v19;
	v19 =	vld [tilespmem:s15+$0x14530];
	_ =	sdelay $0x1  }
0x1ba: {  	[tilespmem:s15+$0x143D0] =	vst v10;
	v10 =	vld [tilespmem:$0x1FCE0]  }
0x1bb: {  	[tilespmem:s15+$0x14390] =	vst v45;
	v45 =	vadd.f32 v2, v18;
	v18 =	vld [tilespmem:$0x1FF10];
	_ =	sdelay $0x1  }
0x1bc: {  	v19 =	vadd.f32 v50, v19;
	_ =	sdelay $0x1  }
0x1bd: {  	v39 =	vmul.f32 v19, v20;
	v38 =	vmul.f32 v23, v20;
	v20 =	vld [tilespmem:s15+$0x14600]  }
0x1be: {  	v54 =	vadd.f32 v10, v18;
	v10 =	vld [tilespmem:$0x1FCB0]  }
0x1bf: {  	v19 =	vld [tilespmem:s15+$0x14610]  }
0x1c0: {  	v18 =	vld [tilespmem:$0x1FCC0];
	_ =	sdelay $0x1  }
0x1c1: {  	[tilespmem:s15+$0x14370] =	vst v11;
	v11 =	vld [tilespmem:s15+$0x14630];
	v1 =	vmul.f32 v62, v57;
	v5 =	vmul.f32 v5, v57  }
0x1c2: {  	v23 =	vld [tilespmem:s15+$0x14620];
	v2 =	vmul.f32 v55, v57;
	v57 =	vbroadcast v0, $0xA;
	v10 =	vadd.f32 v10, v20  }
0x1c3: {  	v25 =	vld [tilespmem:s15+$0x14640]  }
0x1c4: {  	v19 =	vadd.f32 v18, v19;
	v18 =	vmul.f32 v10, v57;
	v10 =	vld [tilespmem:$0x1FCD0];
	_ =	sdelay $0x2  }
0x1c5: {  	v11 =	vadd.f32 v51, v11  }
0x1c6: {  	[tilespmem:s15+$0x143C0] =	vst v22;
	v22 =	vld [tilespmem:s15+$0x14660]  }
0x1c7: {  	[tilespmem:s15+$0x143E0] =	vst v21;
	v20 =	vadd.f32 v63, v23;
	v21 =	vadd.f32 v10, v25;
	v10 =	vmul.f32 v11, v57;
	v11 =	vld [tilespmem:$0x1FCF0]  }
0x1c8: {  	[tilespmem:s15+$0x143F0] =	vst v9;
	v55 =	vld [tilespmem:s15+$0x14680];
	v9 =	vmul.f32 v19, v57  }
0x1c9: {  	v19 =	vmul.f32 v20, v57;
	v20 =	vmul.f32 v21, v57;
	v21 =	vld [tilespmem:$0x1FD10];
	_ =	sdelay $0x2  }
0x1ca: {  	v22 =	vadd.f32 v11, v22  }
0x1cb: {  	v60 =	vld [tilespmem:s15+$0x146A0]  }
0x1cc: {  	[tilespmem:s15+$0x14400] =	vst v24;
	v24 =	vadd.f32 v21, v55;
	v21 =	vmul.f32 v22, v57;
	v22 =	vld [tilespmem:$0x1FD20]  }
0x1cd: {  	[tilespmem:s15+$0x143A0] =	vst v46;
	v46 =	vld [tilespmem:s15+$0x14820]  }
0x1ce: {  	v29 =	vld [tilespmem:s15+$0x14760]  }
0x1cf: {  	v51 =	vld [tilespmem:s15+$0x147C0];
	v62 =	vbroadcast v0, $0xB  }
0x1d0: {  	v23 =	vld [tilespmem:s15+$0x146C0]  }
0x1d1: {  	v50 =	vadd.f32 v22, v60;
	v22 =	vmul.f32 v24, v62;
	v24 =	vld [tilespmem:$0x1FD30]  }
0x1d2: {  	[tilespmem:s15+$0x14450] =	vst v14;
	v14 =	vmul.f32 v28, v62;
	v28 =	vld [tilespmem:$0x1FD40]  }
0x1d3: {  	v25 =	vld [tilespmem:s15+$0x146E0]  }
0x1d4: {  	v56 =	vld [tilespmem:s15+$0x14730]  }
0x1d5: {  	[tilespmem:s15+$0x14440] =	vst v13;
	v13 =	vmul.f32 v31, v62;
	v31 =	vld [tilespmem:s15+$0x14720]  }
0x1d6: {  	[tilespmem:s15+$0x14430] =	vst v12;
	v12 =	vmul.f32 v45, v57;
	v45 =	vld [tilespmem:$0x1FDA0];
	v23 =	vadd.f32 v24, v23  }
0x1d7: {  	v11 =	vmul.f32 v54, v57;
	v57 =	vld [tilespmem:$0x1FEE0]  }
0x1d8: {  	[tilespmem:s15+$0x14410] =	vst v48;
	v48 =	vbroadcast v0, $0xD;
	v28 =	vadd.f32 v28, v25;
	v25 =	vmul.f32 v23, v62;
	v23 =	vld [tilespmem:$0x1FDB0]  }
0x1d9: {  	[tilespmem:s15+$0x14460] =	vst v15;
	v15 =	vmul.f32 v59, v62;
	v59 =	vld [tilespmem:$0x1FEF0]  }
0x1da: {  	v31 =	vadd.f32 v61, v31;
	v61 =	vmul.f32 v52, v48;
	v52 =	vld [tilespmem:$0x1FE50]  }
0x1db: {  	v63 =	vld [tilespmem:s15+$0x14710]  }
0x1dc: {  	[tilespmem:s15+$0x14480] =	vst v43;
	v43 =	vbroadcast v0, $0xC;
	v60 =	vld [tilespmem:$0x1FD60]  }
0x1dd: {  	[tilespmem:s15+$0x143B0] =	vst v47;
	v29 =	vadd.f32 v45, v29;
	v47 =	vadd.f32 v23, v57;
	v23 =	vmul.f32 v28, v62;
	v28 =	vld [tilespmem:$0x1FD90]  }
0x1de: {  	v45 =	vld [tilespmem:s15+$0x14810]  }
0x1df: {  	[tilespmem:s15+$0x144D0] =	vst v34;
	v34 =	vmul.f32 v29, v43;
	v29 =	vld [tilespmem:$0x1FDD0]  }
0x1e0: {  	v54 =	vld [tilespmem:s15+$0x14700]  }
0x1e1: {  	[tilespmem:s15+$0x14350] =	vst v44;
	v44 =	vadd.f32 v60, v63;
	v63 =	vld [tilespmem:$0x1FD70]  }
0x1e2: {  	[tilespmem:s15+$0x14420] =	vst v49;
	v49 =	vadd.f32 v28, v59;
	v28 =	vld [tilespmem:$0x1FD50]  }
0x1e3: {  	v55 =	vld [tilespmem:s15+$0x14740]  }
0x1e4: {  	v24 =	vmul.f32 v50, v62;
	v50 =	vld [tilespmem:s15+$0x14780]  }
0x1e5: {  	[tilespmem:s15+$0x14470] =	vst v16;
	v60 =	vld [tilespmem:$0x1FEC0]  }
0x1e6: {  	[tilespmem:s15+$0x14490] =	vst v42;
	v16 =	vmul.f32 v58, v62;
	v42 =	vadd.f32 v63, v56;
	v62 =	vld [tilespmem:s15+$0x147A0]  }
0x1e7: {  	v56 =	vld [tilespmem:$0x1FF70];
	v28 =	vadd.f32 v28, v54  }
0x1e8: {  	[tilespmem:s15+$0x144B0] =	vst v32;
	v32 =	vmul.f32 v31, v43;
	v31 =	vmul.f32 v42, v43;
	v42 =	vld [tilespmem:s15+$0x14830]  }
0x1e9: {  	v59 =	vmul.f32 v28, v43;
	v28 =	vmul.f32 v44, v43;
	v44 =	vld [tilespmem:$0x1FD80]  }
0x1ea: {  	v57 =	vld [tilespmem:$0x1FE70]  }
0x1eb: {  	v58 =	vmul.f32 v47, v43;
	v47 =	vld [tilespmem:s15+$0x14860];
	v29 =	vadd.f32 v29, v62  }
0x1ec: {  	v63 =	vmul.f32 v56, v48;
	v56 =	vld [tilespmem:$0x1FE10]  }
0x1ed: {  	[tilespmem:s15+$0x144F0] =	vst v36;
	v36 =	vmul.f32 v29, v48;
	v29 =	vld [tilespmem:$0x1FDF0]  }
0x1ee: {  	[tilespmem:s15+$0x144A0] =	vst v41;
	v41 =	vadd.f32 v44, v55;
	v55 =	vmul.f32 v49, v43;
	v49 =	vld [tilespmem:$0x1FDC0]  }
0x1ef: {  	v44 =	vld [tilespmem:s15+$0x147E0]  }
0x1f0: {  	v62 =	vmul.f32 v53, v48;
	v53 =	vld [tilespmem:$0x1FED0]  }
0x1f1: {  	v54 =	vld [tilespmem:$0x1FDE0]  }
0x1f2: {  	[tilespmem:s15+$0x144C0] =	vst v33;
	v33 =	vmul.f32 v41, v43;
	v43 =	vld [tilespmem:s15+$0x14800]  }
0x1f3: {  	v41 =	vadd.f32 v49, v50;
	v49 =	vadd.f32 v57, v60;
	v57 =	vld [tilespmem:$0x1FE20]  }
0x1f4: {  	[tilespmem:s15+$0x144E0] =	vst v35;
	v29 =	vadd.f32 v29, v44;
	v44 =	vld [tilespmem:s15+$0x14840]  }
0x1f5: {  	[tilespmem:s15+$0x14530] =	vst v39;
	v50 =	vld [tilespmem:s15+$0x14880]  }
0x1f6: {  	[tilespmem:s15+$0x14510] =	vst v38;
	v38 =	vmul.f32 v29, v48;
	v29 =	vld [tilespmem:$0x1F8A0]  }
0x1f7: {  	[tilespmem:s15+$0x14540] =	vst v30;
	v35 =	vmul.f32 v41, v48;
	v41 =	vadd.f32 v54, v51;
	v54 =	vld [tilespmem:$0x1FE00]  }
0x1f8: {  	[tilespmem:s15+$0x14500] =	vst v37;
	v60 =	vadd.f32 v57, v46;
	v57 =	vld [tilespmem:$0x1FE60]  }
0x1f9: {  	s17 =	sshll.u32 s16, $0xB;
	[tilespmem:s15+$0x14520] =	vst v40;
	v37 =	vmul.f32 v41, v48;
	v41 =	vadd.f32 v56, v45;
	v45 =	vld [tilespmem:s15+$0x148A0]  }
0x1fa: {  	v56 =	vld [tilespmem:s17+$0x18100]  }
0x1fb: {  	v51 =	vbroadcast v0, $0xE;
	v29 =	vmul.f32 v29, v48;
	v48 =	vadd.f32 v52, v53;
	v53 =	vld [tilespmem:$0x1FE30]  }
0x1fc: {  	[tilespmem:s15+$0x14550] =	vst v27;
	v40 =	vadd.f32 v54, v43;
	v54 =	vld [tilespmem:$0x1FE40]  }
0x1fd: {  	v30 =	vmul.f32 v41, v51;
	v41 =	vmul.f32 v60, v51;
	v60 =	vadd.f32 v57, v47;
	v47 =	vld [tilespmem:s17+$0x18110]  }
0x1fe: {  	[tilespmem:s15+$0x14560] =	vst v26;
	v26 =	vmul.f32 v48, v51;
	v48 =	vld [tilespmem:$0x1FE80]  }
0x1ff: {  	v46 =	vld [tilespmem:s15+$0x148C0]  }
0x200: {  	v52 =	vld [tilespmem:s15+$0x148E0]  }
0x201: {  	v39 =	vmul.f32 v40, v51;
	v57 =	vld [tilespmem:$0x1FEB0];
	v42 =	vadd.f32 v53, v42;
	v40 =	vadd.f32 v54, v44  }
0x202: {  	v54 =	vld [tilespmem:$0x1FEA0]  }
0x203: {  	v27 =	vmul.f32 v42, v51;
	v42 =	vmul.f32 v40, v51;
	v40 =	vadd.f32 v48, v50;
	v50 =	vld [tilespmem:s17+$0x18120]  }
0x204: {  	v43 =	vmul.f32 v60, v51;
	[tilespmem:s15+$0x14570] =	vst v17;
	v17 =	vmul.f32 v49, v51;
	v51 =	vld [tilespmem:$0x1FE90]  }
0x205: {  	v53 =	vld [tilespmem:s17+$0x18130]  }
0x206: {  	[tilespmem:s15+$0x14580] =	vst v8;
	v8 =	vld [tilespmem:$0x1FF60]  }
0x207: {  	[tilespmem:$0x1F8E0] =	vst v56;
	v56 =	vld [tilespmem:s17+$0x18140]  }
0x208: {  	[tilespmem:s15+$0x14590] =	vst v7;
	v7 =	vld [tilespmem:$0x1F8B0]  }
0x209: {  	v45 =	vadd.f32 v51, v45;
	v51 =	vld [tilespmem:s17+$0x18150]  }
0x20a: {  	[tilespmem:s15+$0x145A0] =	vst v6;
	v6 =	vld [tilespmem:$0x1FF40]  }
0x20b: {  	v0 =	vbroadcast v0, $0xF;
	[tilespmem:$0x1F8F0] =	vst v53;
	v53 =	vld [tilespmem:s17+$0x18160]  }
0x20c: {  	v60 =	vadd.f32 v57, v52;
	[tilespmem:s15+$0x145B0] =	vst v3;
	v3 =	vld [tilespmem:$0x1FF50]  }
0x20d: {  	v44 =	vmul.f32 v40, v0;
	v40 =	vadd.f32 v54, v46  }
0x20e: {  	v54 =	vmul.f32 v60, v0  }
0x20f: {  	v52 =	vmul.f32 v40, v0;
	v8 =	vmul.f32 v8, v0  }
0x210: {  	v45 =	vmul.f32 v45, v0;
	v7 =	vmul.f32 v7, v0  }
0x211: {  	v6 =	vmul.f32 v6, v0;
	v3 =	vmul.f32 v3, v0;
	v0 =	vld [tilespmem:s17+$0x18170];
	_ =	sdelay $0x3  }
0x212: {  	[tilespmem:s15+$0x145C0] =	vst v4  }
0x213: {  	[tilespmem:$0x1F920] =	vst v0;
	v0 =	vld [tilespmem:s17+$0x18180];
	_ =	sdelay $0x3  }
0x214: {  	[tilespmem:s15+$0x145D0] =	vst v1  }
0x215: {  	[tilespmem:$0x1F950] =	vst v0;
	v0 =	vld [tilespmem:s17+$0x18190];
	_ =	sdelay $0x3  }
0x216: {  	[tilespmem:s15+$0x145E0] =	vst v5  }
0x217: {  	[tilespmem:$0x1F960] =	vst v0;
	v0 =	vld [tilespmem:s17+$0x181A0];
	_ =	sdelay $0x3  }
0x218: {  	[tilespmem:s15+$0x145F0] =	vst v2  }
0x219: {  	[tilespmem:$0x1F970] =	vst v0;
	v0 =	vld [tilespmem:s17+$0x181B0];
	_ =	sdelay $0x3  }
0x21a: {  	[tilespmem:s15+$0x14600] =	vst v18  }
0x21b: {  	[tilespmem:$0x1F980] =	vst v0;
	v0 =	vld [tilespmem:s17+$0x181C0];
	_ =	sdelay $0x3  }
0x21c: {  	[tilespmem:s15+$0x14610] =	vst v9  }
0x21d: {  	[tilespmem:$0x1F990] =	vst v0;
	v0 =	vld [tilespmem:s17+$0x181D0];
	_ =	sdelay $0x3  }
0x21e: {  	[tilespmem:s15+$0x14620] =	vst v19  }
0x21f: {  	[tilespmem:$0x1F9A0] =	vst v0;
	v0 =	vld [tilespmem:s17+$0x181E0];
	_ =	sdelay $0x3  }
0x220: {  	[tilespmem:s15+$0x14630] =	vst v10  }
0x221: {  	[tilespmem:$0x1F9B0] =	vst v0;
	v0 =	vld [tilespmem:s17+$0x181F0];
	_ =	sdelay $0x3  }
0x222: {  	[tilespmem:s15+$0x14640] =	vst v20  }
0x223: {  	[tilespmem:$0x1F910] =	vst v0;
	v0 =	vld [tilespmem:s17+$0x18200];
	_ =	sdelay $0x3  }
0x224: {  	[tilespmem:s15+$0x14650] =	vst v11  }
0x225: {  	[tilespmem:$0x1F9C0] =	vst v0;
	v0 =	vld [tilespmem:s17+$0x18210];
	_ =	sdelay $0x3  }
0x226: {  	[tilespmem:s15+$0x14660] =	vst v21  }
0x227: {  	[tilespmem:$0x1F9D0] =	vst v0;
	v0 =	vld [tilespmem:s17+$0x18220];
	_ =	sdelay $0x3  }
0x228: {  	[tilespmem:s15+$0x14670] =	vst v12  }
0x229: {  	[tilespmem:$0x1F9E0] =	vst v0;
	v0 =	vld [tilespmem:s17+$0x18230];
	_ =	sdelay $0x3  }
0x22a: {  	[tilespmem:s15+$0x14680] =	vst v22  }
0x22b: {  	[tilespmem:$0x1F9F0] =	vst v0;
	v0 =	vld [tilespmem:s17+$0x18240];
	_ =	sdelay $0x3  }
0x22c: {  	[tilespmem:s15+$0x14690] =	vst v13  }
0x22d: {  	[tilespmem:$0x1FA00] =	vst v0;
	v0 =	vld [tilespmem:s17+$0x18250];
	_ =	sdelay $0x3  }
0x22e: {  	[tilespmem:s15+$0x146A0] =	vst v24  }
0x22f: {  	[tilespmem:$0x1FA10] =	vst v0;
	v0 =	vld [tilespmem:s17+$0x18260];
	_ =	sdelay $0x3  }
0x230: {  	[tilespmem:s15+$0x146B0] =	vst v14  }
0x231: {  	[tilespmem:$0x1FA20] =	vst v0;
	v0 =	vld [tilespmem:s17+$0x18270];
	_ =	sdelay $0x3  }
0x232: {  	[tilespmem:s15+$0x146C0] =	vst v25  }
0x233: {  	[tilespmem:$0x1FA30] =	vst v0;
	v0 =	vld [tilespmem:s17+$0x18280];
	_ =	sdelay $0x3  }
0x234: {  	[tilespmem:s15+$0x146D0] =	vst v15  }
0x235: {  	[tilespmem:$0x1FA40] =	vst v0;
	v0 =	vld [tilespmem:s17+$0x18290];
	_ =	sdelay $0x3  }
0x236: {  	[tilespmem:s15+$0x146E0] =	vst v23  }
0x237: {  	[tilespmem:$0x1FA50] =	vst v0;
	v0 =	vld [tilespmem:s17+$0x182A0];
	_ =	sdelay $0x3  }
0x238: {  	[tilespmem:s15+$0x146F0] =	vst v16  }
0x239: {  	[tilespmem:$0x1FA60] =	vst v0;
	v0 =	vld [tilespmem:s17+$0x182B0];
	_ =	sdelay $0x3  }
0x23a: {  	[tilespmem:s15+$0x14700] =	vst v59  }
0x23b: {  	[tilespmem:$0x1FA70] =	vst v0;
	v0 =	vld [tilespmem:s17+$0x182C0];
	_ =	sdelay $0x3  }
0x23c: {  	[tilespmem:s15+$0x14710] =	vst v28  }
0x23d: {  	[tilespmem:$0x1FA80] =	vst v0;
	v0 =	vld [tilespmem:s17+$0x182D0];
	_ =	sdelay $0x3  }
0x23e: {  	[tilespmem:s15+$0x14720] =	vst v32  }
0x23f: {  	[tilespmem:$0x1FA90] =	vst v0;
	v0 =	vld [tilespmem:s17+$0x182E0];
	_ =	sdelay $0x3  }
0x240: {  	[tilespmem:s15+$0x14730] =	vst v31  }
0x241: {  	[tilespmem:$0x1FAA0] =	vst v0;
	v0 =	vld [tilespmem:s17+$0x182F0];
	_ =	sdelay $0x3  }
0x242: {  	[tilespmem:s15+$0x14740] =	vst v33  }
0x243: {  	[tilespmem:$0x1FAB0] =	vst v0;
	v0 =	vld [tilespmem:s17+$0x18300];
	_ =	sdelay $0x3  }
0x244: {  	[tilespmem:s15+$0x14750] =	vst v55  }
0x245: {  	[tilespmem:$0x1FAC0] =	vst v0;
	v0 =	vld [tilespmem:s17+$0x18310];
	_ =	sdelay $0x3  }
0x246: {  	[tilespmem:s15+$0x14760] =	vst v34  }
0x247: {  	[tilespmem:$0x1FAD0] =	vst v0;
	v0 =	vld [tilespmem:s17+$0x18320];
	_ =	sdelay $0x3  }
0x248: {  	[tilespmem:s15+$0x14770] =	vst v58  }
0x249: {  	[tilespmem:$0x1FAE0] =	vst v0;
	v0 =	vld [tilespmem:s17+$0x18330];
	_ =	sdelay $0x3  }
0x24a: {  	[tilespmem:s15+$0x14780] =	vst v35  }
0x24b: {  	[tilespmem:$0x1FAF0] =	vst v0;
	v0 =	vld [tilespmem:s17+$0x18340];
	_ =	sdelay $0x3  }
0x24c: {  	[tilespmem:s15+$0x14790] =	vst v61  }
0x24d: {  	[tilespmem:$0x1FB00] =	vst v0;
	v0 =	vld [tilespmem:s17+$0x18350];
	_ =	sdelay $0x3  }
0x24e: {  	[tilespmem:s15+$0x147A0] =	vst v36  }
0x24f: {  	[tilespmem:$0x1FB10] =	vst v0;
	v0 =	vld [tilespmem:s17+$0x18360];
	_ =	sdelay $0x2  }
0x250: {  	[tilespmem:s15+$0x147B0] =	vst v62  }
0x251: {  	v59 =	vld [tilespmem:s17+$0x18370];
	[tilespmem:s15+$0x147C0] =	vst v37  }
0x252: {  	[tilespmem:$0x1FB20] =	vst v0;
	v0 =	vld [tilespmem:s17+$0x18380];
	_ =	sdelay $0x3  }
0x253: {  	[tilespmem:s15+$0x147D0] =	vst v63  }
0x254: {  	[tilespmem:$0x1FB30] =	vst v0;
	v0 =	vld [tilespmem:s17+$0x18390];
	_ =	sdelay $0x3  }
0x255: {  	[tilespmem:s15+$0x147E0] =	vst v38  }
0x256: {  	[tilespmem:$0x1FB40] =	vst v0;
	v0 =	vld [tilespmem:s17+$0x183A0];
	_ =	sdelay $0x3  }
0x257: {  	[tilespmem:s15+$0x147F0] =	vst v29  }
0x258: {  	[tilespmem:$0x1FB50] =	vst v0;
	v0 =	vld [tilespmem:s17+$0x183B0];
	_ =	sdelay $0x3  }
0x259: {  	[tilespmem:s15+$0x14800] =	vst v39  }
0x25a: {  	[tilespmem:$0x1FB60] =	vst v0;
	v0 =	vld [tilespmem:s17+$0x183C0];
	_ =	sdelay $0x2  }
0x25b: {  	[tilespmem:s15+$0x14810] =	vst v30  }
0x25c: {  	v61 =	vld [tilespmem:s17+$0x183D0];
	[tilespmem:s15+$0x14820] =	vst v41  }
0x25d: {  	[tilespmem:$0x1FB70] =	vst v0;
	v0 =	vld [tilespmem:s17+$0x183E0];
	_ =	sdelay $0x2  }
0x25e: {  	[tilespmem:s15+$0x14830] =	vst v27  }
0x25f: {  	v13 =	vld [tilespmem:s17+$0x183F0];
	[tilespmem:s15+$0x14840] =	vst v42  }
0x260: {  	[tilespmem:$0x1FB80] =	vst v0;
	v0 =	vld [tilespmem:s17+$0x18400];
	_ =	sdelay $0x3  }
0x261: {  	[tilespmem:s15+$0x14850] =	vst v26  }
0x262: {  	[tilespmem:$0x1FB90] =	vst v0;
	v0 =	vld [tilespmem:s17+$0x18410];
	_ =	sdelay $0x3  }
0x263: {  	[tilespmem:s15+$0x14860] =	vst v43  }
0x264: {  	[tilespmem:$0x1FBA0] =	vst v0;
	v0 =	vld [tilespmem:s17+$0x18420];
	_ =	sdelay $0x3  }
0x265: {  	[tilespmem:s15+$0x14870] =	vst v17  }
0x266: {  	[tilespmem:$0x1FBB0] =	vst v0;
	v0 =	vld [tilespmem:s17+$0x18430];
	_ =	sdelay $0x2  }
0x267: {  	[tilespmem:s15+$0x14880] =	vst v44  }
0x268: {  	v58 =	vld [tilespmem:s17+$0x18440];
	[tilespmem:s15+$0x14890] =	vst v8  }
0x269: {  	[tilespmem:$0x1FBC0] =	vst v0;
	v0 =	vld [tilespmem:s17+$0x18450];
	_ =	sdelay $0x1  }
0x26a: {  	[tilespmem:$0x1F900] =	vst v56  }
0x26b: {  	[tilespmem:s15+$0x148A0] =	vst v45  }
0x26c: {  	v60 =	vld [tilespmem:s17+$0x18460];
	[tilespmem:s15+$0x148B0] =	vst v7  }
0x26d: {  	[tilespmem:$0x1FBD0] =	vst v0  }
0x26e: {  	v0 =	vld [tilespmem:s17+$0x18470];
	[tilespmem:s15+$0x148C0] =	vst v52  }
0x26f: {  	v57 =	vld [tilespmem:s17+$0x18480];
	[tilespmem:s15+$0x148D0] =	vst v6  }
0x270: {  	v9 =	vld [tilespmem:s17+$0x18490];
	[tilespmem:s15+$0x148E0] =	vst v54  }
0x271: {  	v56 =	vld [tilespmem:s17+$0x184A0];
	[tilespmem:s15+$0x148F0] =	vst v3;
	s15 =	smov.u32 s17  }
0x272: {  	v10 =	vld [tilespmem:s15+$0x184B0]  }
0x273: {  	[tilespmem:$0x1FBE0] =	vst v0;
	v0 =	vld [tilespmem:s15+$0x184E0]  }
0x274: {  	v54 =	vld [tilespmem:s15+$0x184C0]  }
0x275: {  	v7 =	vld [tilespmem:s15+$0x184D0]  }
0x276: {  	v8 =	vld [tilespmem:s15+$0x184F0]  }
0x277: {  	[tilespmem:$0x1F940] =	vst v53;
	v53 =	vld [tilespmem:s15+$0x18530]  }
0x278: {  	[tilespmem:$0x1FBF0] =	vst v0;
	v0 =	vld [tilespmem:s15+$0x18500]  }
0x279: {  	v1 =	vld [tilespmem:s15+$0x18590]  }
0x27a: {  	v5 =	vld [tilespmem:s15+$0x185B0]  }
0x27b: {  	v2 =	vld [tilespmem:s15+$0x185D0]  }
0x27c: {  	v55 =	vld [tilespmem:s15+$0x185F0]  }
0x27d: {  	[tilespmem:$0x1FC00] =	vst v0;
	v0 =	vld [tilespmem:s15+$0x18510]  }
0x27e: {  	v6 =	vld [tilespmem:s15+$0x18620]  }
0x27f: {  	v63 =	vld [tilespmem:s15+$0x18630]  }
0x280: {  	v28 =	vld [tilespmem:s15+$0x18690]  }
0x281: {  	v62 =	vld [tilespmem:s15+$0x186B0]  }
0x282: {  	[tilespmem:$0x1FC10] =	vst v0;
	v0 =	vld [tilespmem:s15+$0x18520]  }
0x283: {  	v29 =	vld [tilespmem:s15+$0x186D0]  }
0x284: {  	v31 =	vld [tilespmem:s15+$0x186F0]  }
0x285: {  	v3 =	vld [tilespmem:s15+$0x18730]  }
0x286: {  	v4 =	vld [tilespmem:s15+$0x18740]  }
0x287: {  	[tilespmem:$0x1FC20] =	vst v0;
	v0 =	vld [tilespmem:s15+$0x18540]  }
0x288: {  	v26 =	vld [tilespmem:s15+$0x18790]  }
0x289: {  	v27 =	vld [tilespmem:s15+$0x187B0]  }
0x28a: {  	v30 =	vld [tilespmem:s15+$0x187D0]  }
0x28b: {  	v34 =	vld [tilespmem:s15+$0x187F0]  }
0x28c: {  	[tilespmem:$0x1FC30] =	vst v0;
	v0 =	vld [tilespmem:s15+$0x18550]  }
0x28d: {  	v17 =	vld [tilespmem:s15+$0x18890]  }
0x28e: {  	v35 =	vld [tilespmem:s15+$0x188B0]  }
0x28f: {  	v16 =	vld [tilespmem:s15+$0x188D0]  }
0x290: {  	v36 =	vld [tilespmem:s15+$0x188F0]  }
0x291: {  	[tilespmem:$0x1FC40] =	vst v0;
	v0 =	vld [tilespmem:s15+$0x18560]  }
0x292: {  	v37 =	vld [tilespmem:s15+$0x148F0]  }
0x293: {  	v38 =	vld [tilespmem:s15+$0x148D0]  }
0x294: {  	v39 =	vld [tilespmem:s15+$0x148B0]  }
0x295: {  	v40 =	vld [tilespmem:s15+$0x14890]  }
0x296: {  	[tilespmem:$0x1FC50] =	vst v0;
	v0 =	vld [tilespmem:s15+$0x18570]  }
0x297: {  	v41 =	vld [tilespmem:s15+$0x147F0]  }
0x298: {  	v42 =	vld [tilespmem:s15+$0x147D0]  }
0x299: {  	v43 =	vld [tilespmem:s15+$0x147B0]  }
0x29a: {  	v44 =	vld [tilespmem:s15+$0x14790]  }
0x29b: {  	[tilespmem:$0x1FC60] =	vst v0;
	v0 =	vld [tilespmem:s15+$0x18580]  }
0x29c: {  	v45 =	vld [tilespmem:s15+$0x146F0]  }
0x29d: {  	v46 =	vld [tilespmem:s15+$0x146D0]  }
0x29e: {  	v33 =	vld [tilespmem:s15+$0x146B0]  }
0x29f: {  	v32 =	vld [tilespmem:s15+$0x14690]  }
0x2a0: {  	[tilespmem:$0x1FC70] =	vst v0;
	v0 =	vld [tilespmem:s15+$0x185A0]  }
0x2a1: {  	v23 =	vld [tilespmem:s15+$0x145F0]  }
0x2a2: {  	v25 =	vld [tilespmem:s15+$0x145D0]  }
0x2a3: {  	v22 =	vld [tilespmem:s15+$0x145B0]  }
0x2a4: {  	[tilespmem:$0x1FD80] =	vst v4;
	v4 =	vld [tilespmem:s15+$0x18750]  }
0x2a5: {  	[tilespmem:$0x1FC80] =	vst v0;
	v0 =	vld [tilespmem:s15+$0x185C0]  }
0x2a6: {  	v24 =	vld [tilespmem:s15+$0x14590]  }
0x2a7: {  	[tilespmem:$0x1F8D0] =	vst v47;
	v47 =	vld [tilespmem:s15+$0x144F0]  }
0x2a8: {  	v48 =	vld [tilespmem:s15+$0x144D0]  }
0x2a9: {  	[tilespmem:$0x1FD90] =	vst v4;
	v4 =	vld [tilespmem:s15+$0x18760]  }
0x2aa: {  	[tilespmem:$0x1FC90] =	vst v0;
	v0 =	vld [tilespmem:s15+$0x185E0]  }
0x2ab: {  	v49 =	vld [tilespmem:s15+$0x144B0]  }
0x2ac: {  	[tilespmem:$0x1F8C0] =	vst v50;
	v50 =	vld [tilespmem:s15+$0x14490]  }
0x2ad: {  	[tilespmem:$0x1F930] =	vst v51;
	v51 =	vld [tilespmem:s15+$0x143F0]  }
0x2ae: {  	[tilespmem:$0x1FDA0] =	vst v4;
	v4 =	vld [tilespmem:s15+$0x18770]  }
0x2af: {  	[tilespmem:$0x1FCA0] =	vst v0;
	v0 =	vld [tilespmem:s15+$0x18600]  }
0x2b0: {  	v52 =	vld [tilespmem:s15+$0x143D0]  }
0x2b1: {  	v14 =	vld [tilespmem:s15+$0x143B0]  }
0x2b2: {  	[tilespmem:$0x1FD70] =	vst v3;
	v3 =	vld [tilespmem:s15+$0x18780]  }
0x2b3: {  	[tilespmem:$0x1FDB0] =	vst v4;
	v4 =	vld [tilespmem:s15+$0x187A0]  }
0x2b4: {  	[tilespmem:$0x1FCB0] =	vst v0;
	v0 =	vld [tilespmem:s15+$0x18610]  }
0x2b5: {  	v15 =	vld [tilespmem:s15+$0x14390]  }
0x2b6: {  	v11 =	vld [tilespmem:s15+$0x14370]  }
0x2b7: {  	[tilespmem:$0x1FDC0] =	vst v3;
	v3 =	vld [tilespmem:s15+$0x18800]  }
0x2b8: {  	[tilespmem:$0x1FDD0] =	vst v4;
	v4 =	vld [tilespmem:s15+$0x187C0]  }
0x2b9: {  	[tilespmem:$0x1FCC0] =	vst v0;
	v0 =	vld [tilespmem:s15+$0x18640]  }
0x2ba: {  	v12 =	vld [tilespmem:s15+$0x14350]  }
0x2bb: {  	v18 =	vld [tilespmem:s15+$0x142F0]  }
0x2bc: {  	[tilespmem:$0x1FE00] =	vst v3;
	v3 =	vld [tilespmem:s15+$0x18810]  }
0x2bd: {  	[tilespmem:$0x1FDE0] =	vst v4;
	v4 =	vld [tilespmem:s15+$0x187E0]  }
0x2be: {  	[tilespmem:$0x1FCD0] =	vst v0;
	v0 =	vld [tilespmem:s15+$0x18650]  }
0x2bf: {  	v19 =	vld [tilespmem:s15+$0x142D0]  }
0x2c0: {  	v20 =	vld [tilespmem:s15+$0x142B0]  }
0x2c1: {  	[tilespmem:$0x1FE10] =	vst v3;
	v3 =	vld [tilespmem:s15+$0x18820]  }
0x2c2: {  	[tilespmem:$0x1FDF0] =	vst v4;
	v4 =	vld [tilespmem:s15+$0x18850]  }
0x2c3: {  	[tilespmem:$0x1FCE0] =	vst v0;
	v0 =	vld [tilespmem:s15+$0x18660]  }
0x2c4: {  	v21 =	vld [tilespmem:s15+$0x14290]  }
0x2c5: {  	v30 =	vadd.f32 v30, v42;
	v42 =	vadd.f32 v26, v44;
	v26 =	vld [tilespmem:s15+$0x141D0]  }
0x2c6: {  	[tilespmem:$0x1FE20] =	vst v3;
	v3 =	vld [tilespmem:s15+$0x18830]  }
0x2c7: {  	[tilespmem:$0x1FE50] =	vst v4;
	v4 =	vld [tilespmem:s15+$0x18860]  }
0x2c8: {  	v17 =	vadd.f32 v17, v40;
	v40 =	vadd.f32 v34, v41;
	[tilespmem:$0x1FCF0] =	vst v0;
	v0 =	vld [tilespmem:s15+$0x18670]  }
0x2c9: {  	v41 =	vadd.f32 v27, v43;
	v43 =	vadd.f32 v31, v45;
	v27 =	vld [tilespmem:s15+$0x141B0]  }
0x2ca: {  	v31 =	vadd.f32 v28, v32;
	v28 =	vadd.f32 v62, v33;
	v33 =	vld [tilespmem:$0x1F8C0]  }
0x2cb: {  	[tilespmem:$0x1FE30] =	vst v3;
	v3 =	vld [tilespmem:s15+$0x18840]  }
0x2cc: {  	[tilespmem:$0x1FE60] =	vst v4;
	v4 =	vld [tilespmem:s15+$0x18870]  }
0x2cd: {  	[tilespmem:$0x1FD00] =	vst v0;
	v0 =	vld [tilespmem:s15+$0x18680]  }
0x2ce: {  	v34 =	vld [tilespmem:s15+$0x14190]  }
0x2cf: {  	v62 =	vadd.f32 v2, v25;
	v25 =	vld [tilespmem:$0x1F8D0]  }
0x2d0: {  	[tilespmem:$0x1FE40] =	vst v3;
	v3 =	vld [tilespmem:s15+$0x14770]  }
0x2d1: {  	[tilespmem:$0x1FE70] =	vst v4;
	v4 =	vld [tilespmem:s15+$0x18880]  }
0x2d2: {  	[tilespmem:$0x1FD10] =	vst v0;
	v0 =	vld [tilespmem:s15+$0x186A0]  }
0x2d3: {  	v39 =	vadd.f32 v35, v39;
	v35 =	vld [tilespmem:s15+$0x14170]  }
0x2d4: {  	v2 =	vadd.f32 v1, v24;
	v24 =	vld [tilespmem:$0x1F8E0]  }
0x2d5: {  	[tilespmem:$0x1FEE0] =	vst v3;
	v3 =	vld [tilespmem:s15+$0x14750]  }
0x2d6: {  	[tilespmem:$0x1FE80] =	vst v4;
	v4 =	vld [tilespmem:s15+$0x188A0]  }
0x2d7: {  	[tilespmem:$0x1FD20] =	vst v0;
	v0 =	vld [tilespmem:s15+$0x186C0]  }
0x2d8: {  	v1 =	vadd.f32 v5, v22;
	v5 =	vadd.f32 v7, v48;
	v48 =	vld [tilespmem:$0x1F8F0]  }
0x2d9: {  	v44 =	vadd.f32 v29, v46;
	v29 =	vadd.f32 v8, v47;
	v47 =	vld [tilespmem:$0x1F900]  }
0x2da: {  	[tilespmem:$0x1FEF0] =	vst v3;
	v3 =	vld [tilespmem:s15+$0x14670]  }
0x2db: {  	[tilespmem:$0x1FE90] =	vst v4;
	v4 =	vld [tilespmem:s15+$0x188C0]  }
0x2dc: {  	[tilespmem:$0x1FD30] =	vst v0;
	v0 =	vld [tilespmem:s15+$0x186E0]  }
0x2dd: {  	v8 =	vadd.f32 v9, v50;
	v50 =	vmov v53;
	v53 =	vld [tilespmem:$0x1F910]  }
0x2de: {  	v7 =	vadd.f32 v10, v49;
	v49 =	vmov v58;
	v58 =	vld [tilespmem:$0x1F920]  }
0x2df: {  	[tilespmem:$0x1FF00] =	vst v3;
	v3 =	vld [tilespmem:s15+$0x14650]  }
0x2e0: {  	[tilespmem:$0x1FEA0] =	vst v4;
	v4 =	vld [tilespmem:s15+$0x188E0]  }
0x2e1: {  	[tilespmem:$0x1FD40] =	vst v0;
	v0 =	vld [tilespmem:s15+$0x18700]  }
0x2e2: {  	v16 =	vadd.f32 v16, v38;
	v38 =	vld [tilespmem:s15+$0x14110]  }
0x2e3: {  	v10 =	vadd.f32 v61, v52;
	v52 =	vld [tilespmem:$0x1F930]  }
0x2e4: {  	[tilespmem:$0x1FF10] =	vst v3;
	v3 =	vld [tilespmem:s15+$0x14570]  }
0x2e5: {  	[tilespmem:$0x1FEB0] =	vst v4;
	v4 =	vld [tilespmem:s15+$0x14870]  }
0x2e6: {  	[tilespmem:$0x1FD50] =	vst v0;
	v0 =	vld [tilespmem:s15+$0x18710]  }
0x2e7: {  	[tilespmem:$0x1FF60] =	vst v17;
	v17 =	vld [tilespmem:s15+$0x14250]  }
0x2e8: {  	[tilespmem:$0x1FF70] =	vst v30;
	v30 =	vld [tilespmem:s15+$0x141F0]  }
0x2e9: {  	[tilespmem:$0x1FF20] =	vst v3;
	v3 =	vld [tilespmem:s15+$0x14550]  }
0x2ea: {  	[tilespmem:$0x1FEC0] =	vst v4;
	v4 =	vld [tilespmem:s15+$0x14850]  }
0x2eb: {  	p0 =	sne.s32 s16, $0x7;
	[tilespmem:$0x1FD60] =	vst v0;
	v0 =	vld [tilespmem:s15+$0x18720]  }
.Ltmp6:
0x2ec: {  	[tilespmem:$0x1FF40] =	vst v16;
	v16 =	vadd.f32 v36, v37;
	v36 =	vld [tilespmem:s15+$0x14150];
	(pc) =	sbr.rel @p0 .LBB2_6-.Ltmp6, $4  }
0x2ed: {  	v37 =	vld [tilespmem:s15+$0x14130]  }
0x2ee: {  	[tilespmem:$0x1FF50] =	vst v16;
	v16 =	vld [tilespmem:s15+$0x14270]  }
0x2ef: {  	v55 =	vadd.f32 v55, v23;
	[tilespmem:$0x1FF30] =	vst v3;
	v3 =	vld [tilespmem:s15+$0x14450]  }
0x2f0: {  	s17 =	sshll.u32 s16, $0x4;
	s16 =	sadd.s32 $0x1, s16;
	v9 =	vadd.f32 v13, v51;
	v51 =	vmovc v63;
	v63 =	vmov v6;
	[tilespmem:$0x1FED0] =	vst v4;
	v4 =	vld [tilespmem:s15+$0x14470];
	v61 =	vmov v0  }
0x2f1: {  	v13 =	vld [tilespmem:s15+$0x14100]  }
0x2f2: {  	v22 =	vld [tilespmem:s15+$0x14120]  }
0x2f3: {  	v32 =	vld [tilespmem:s15+$0x14160]  }
0x2f4: {  	s16 =	sand.u32 $0x3FFFFFF0, s17;
	v0 =	vld [tilespmem:$0x1F940]  }
0x2f5: {  	v45 =	vld [tilespmem:s16+$0x1C100];
	_ =	sdelay $0x2  }
0x2f6: {  	v6 =	vadd.f32 v48, v37;
	v37 =	vld [tilespmem:s15+$0x14180]  }
0x2f7: {  	v32 =	vadd.f32 v0, v32;
	v0 =	vld [tilespmem:$0x1F950]  }
0x2f8: {  	v13 =	vadd.f32 v24, v13;
	v22 =	vadd.f32 v33, v22;
	v24 =	vbroadcast v45, $0x0;
	_ =	sdelay $0x1  }
0x2f9: {  	v46 =	vmul.f32 v22, v24  }
0x2fa: {  	v23 =	vld [tilespmem:s15+$0x14140]  }
0x2fb: {  	[tilespmem:s15+$0x14120] =	vst v46;
	v46 =	vadd.f32 v0, v37;
	v0 =	vld [tilespmem:$0x1F960];
	_ =	sdelay $0x3  }
0x2fc: {  	v23 =	vadd.f32 v47, v23;
	v47 =	vadd.f32 v52, v36;
	v52 =	vld [tilespmem:s15+$0x141A0]  }
0x2fd: {  	v34 =	vadd.f32 v0, v34;
	v0 =	vld [tilespmem:$0x1F970];
	_ =	sdelay $0x4  }
0x2fe: {  	v52 =	vadd.f32 v0, v52;
	v0 =	vld [tilespmem:$0x1F980];
	_ =	sdelay $0x3  }
0x2ff: {  	v25 =	vadd.f32 v25, v38;
	v38 =	vld [tilespmem:s15+$0x141C0]  }
0x300: {  	v27 =	vadd.f32 v0, v27;
	v0 =	vld [tilespmem:$0x1F990];
	_ =	sdelay $0x2  }
0x301: {  	v25 =	vmul.f32 v25, v24;
	_ =	sdelay $0x1  }
0x302: {  	[tilespmem:s15+$0x14110] =	vst v25;
	v25 =	vadd.f32 v0, v38;
	v0 =	vld [tilespmem:$0x1F9A0];
	_ =	sdelay $0x1  }
0x303: {  	v48 =	vmul.f32 v6, v24;
	_ =	sdelay $0x1  }
0x304: {  	[tilespmem:s15+$0x14130] =	vst v48;
	v48 =	vld [tilespmem:s15+$0x141E0]  }
0x305: {  	v26 =	vadd.f32 v0, v26;
	v0 =	vld [tilespmem:$0x1F9B0];
	_ =	sdelay $0x1  }
0x306: {  	v36 =	vadd.f32 v58, v35  }
0x307: {  	v22 =	vmul.f32 v47, v24  }
0x308: {  	v6 =	vmul.f32 v23, v24;
	v23 =	vmul.f32 v36, v24;
	v36 =	vld [tilespmem:s15+$0x14200]  }
0x309: {  	[tilespmem:s15+$0x14150] =	vst v22;
	v22 =	vadd.f32 v0, v48;
	v0 =	vld [tilespmem:$0x1F9C0];
	_ =	sdelay $0x3  }
0x30a: {  	v38 =	vld [tilespmem:s15+$0x14210]  }
0x30b: {  	v33 =	vadd.f32 v0, v36;
	v0 =	vld [tilespmem:$0x1F9D0];
	_ =	sdelay $0x1  }
0x30c: {  	v47 =	vmul.f32 v32, v24;
	_ =	sdelay $0x1  }
0x30d: {  	[tilespmem:s15+$0x14160] =	vst v47;
	v47 =	vld [tilespmem:s15+$0x14220]  }
0x30e: {  	v13 =	vmul.f32 v13, v24;
	v24 =	vadd.f32 v0, v38;
	v0 =	vld [tilespmem:$0x1F9E0];
	_ =	sdelay $0x1  }
0x30f: {  	v32 =	vbroadcast v45, $0x1;
	_ =	sdelay $0x1  }
0x310: {  	v37 =	vmul.f32 v52, v32;
	v52 =	vld [tilespmem:s15+$0x14230]  }
0x311: {  	v58 =	vmul.f32 v46, v32;
	v46 =	vmul.f32 v27, v32;
	v27 =	vadd.f32 v0, v47;
	v0 =	vld [tilespmem:$0x1F9F0];
	_ =	sdelay $0x3  }
0x312: {  	[tilespmem:s15+$0x14180] =	vst v58;
	v58 =	vld [tilespmem:s15+$0x14240]  }
0x313: {  	v48 =	vmul.f32 v25, v32;
	v25 =	vadd.f32 v0, v52;
	v0 =	vld [tilespmem:$0x1FA00];
	_ =	sdelay $0x4  }
0x314: {  	v30 =	vadd.f32 v53, v30;
	v53 =	vmul.f32 v26, v32;
	v26 =	vadd.f32 v0, v58;
	v0 =	vld [tilespmem:$0x1FA10];
	_ =	sdelay $0x3  }
0x315: {  	v35 =	vld [tilespmem:s15+$0x14260]  }
0x316: {  	v17 =	vadd.f32 v0, v17;
	v0 =	vld [tilespmem:$0x1FA20];
	_ =	sdelay $0x4  }
0x317: {  	[tilespmem:s15+$0x14170] =	vst v23;
	v23 =	vadd.f32 v0, v35;
	v0 =	vld [tilespmem:$0x1FA30];
	_ =	sdelay $0x3  }
0x318: {  	[tilespmem:s15+$0x141A0] =	vst v37;
	v37 =	vld [tilespmem:s15+$0x14280]  }
0x319: {  	v16 =	vadd.f32 v0, v16;
	v0 =	vld [tilespmem:$0x1FA40];
	_ =	sdelay $0x4  }
0x31a: {  	[tilespmem:s15+$0x141D0] =	vst v53;
	v53 =	vadd.f32 v0, v37;
	v0 =	vld [tilespmem:$0x1FA50];
	_ =	sdelay $0x3  }
0x31b: {  	v47 =	vld [tilespmem:s15+$0x142A0]  }
0x31c: {  	v21 =	vadd.f32 v0, v21;
	v0 =	vld [tilespmem:$0x1FA60];
	_ =	sdelay $0x2  }
0x31d: {  	v30 =	vmul.f32 v30, v32;
	_ =	sdelay $0x1  }
0x31e: {  	[tilespmem:s15+$0x141F0] =	vst v30;
	v30 =	vadd.f32 v0, v47;
	v0 =	vld [tilespmem:$0x1FA70];
	_ =	sdelay $0x3  }
0x31f: {  	v52 =	vld [tilespmem:s15+$0x142C0]  }
0x320: {  	v20 =	vadd.f32 v0, v20;
	v0 =	vld [tilespmem:$0x1FA80]  }
0x321: {  	[tilespmem:s15+$0x14140] =	vst v6;
	v6 =	vmul.f32 v34, v32;
	v34 =	vbroadcast v45, $0x2;
	_ =	sdelay $0x1  }
0x322: {  	v24 =	vmul.f32 v24, v34;
	_ =	sdelay $0x1  }
0x323: {  	[tilespmem:s15+$0x14210] =	vst v24;
	v24 =	vadd.f32 v0, v52;
	v0 =	vld [tilespmem:$0x1FA90];
	_ =	sdelay $0x1  }
0x324: {  	[tilespmem:s15+$0x14190] =	vst v6;
	v6 =	vmul.f32 v22, v32;
	_ =	sdelay $0x1  }
0x325: {  	[tilespmem:s15+$0x141E0] =	vst v6;
	v6 =	vld [tilespmem:s15+$0x142E0]  }
0x326: {  	v19 =	vadd.f32 v0, v19;
	v0 =	vld [tilespmem:$0x1FAA0];
	_ =	sdelay $0x2  }
0x327: {  	v17 =	vmul.f32 v17, v34;
	_ =	sdelay $0x1  }
0x328: {  	[tilespmem:s15+$0x14250] =	vst v17;
	v17 =	vadd.f32 v0, v6;
	v0 =	vld [tilespmem:$0x1FAB0];
	_ =	sdelay $0x1  }
0x329: {  	[tilespmem:s15+$0x141B0] =	vst v46;
	v36 =	vmul.f32 v33, v34;
	v38 =	vmul.f32 v27, v34  }
0x32a: {  	[tilespmem:s15+$0x141C0] =	vst v48;
	v46 =	vmul.f32 v25, v34;
	v48 =	vmul.f32 v26, v34  }
0x32b: {  	v58 =	vmul.f32 v23, v34;
	v16 =	vmul.f32 v16, v34;
	v34 =	vld [tilespmem:s15+$0x14300]  }
0x32c: {  	v18 =	vadd.f32 v0, v18;
	v0 =	vld [tilespmem:$0x1FAC0];
	_ =	sdelay $0x2  }
0x32d: {  	v23 =	vbroadcast v45, $0x3  }
0x32e: {  	[tilespmem:s15+$0x14200] =	vst v36;
	v36 =	vld [tilespmem:s15+$0x14310]  }
0x32f: {  	v33 =	vmul.f32 v21, v23;
	v21 =	vadd.f32 v0, v34;
	v0 =	vld [tilespmem:$0x1FAD0];
	_ =	sdelay $0x3  }
0x330: {  	[tilespmem:s15+$0x14220] =	vst v38;
	v38 =	vld [tilespmem:s15+$0x14320]  }
0x331: {  	v22 =	vadd.f32 v0, v36;
	v0 =	vld [tilespmem:$0x1FAE0];
	_ =	sdelay $0x2  }
0x332: {  	v47 =	vld [tilespmem:s15+$0x14330]  }
0x333: {  	v35 =	vmul.f32 v30, v23;
	v30 =	vld [tilespmem:s15+$0x14380]  }
0x334: {  	v37 =	vmul.f32 v20, v23;
	v20 =	vadd.f32 v0, v38;
	v0 =	vld [tilespmem:$0x1FAF0]  }
0x335: {  	v52 =	vld [tilespmem:s15+$0x14340]  }
0x336: {  	[tilespmem:s15+$0x14260] =	vst v58;
	v58 =	vbroadcast v45, $0x4;
	v32 =	vmul.f32 v53, v23;
	v6 =	vld [tilespmem:s15+$0x14360]  }
0x337: {  	[tilespmem:s15+$0x14230] =	vst v46;
	v46 =	vmul.f32 v24, v23;
	v53 =	vmul.f32 v17, v23;
	v17 =	vld [tilespmem:s15+$0x14540]  }
0x338: {  	[tilespmem:s15+$0x14240] =	vst v48;
	v48 =	vmul.f32 v19, v23;
	v18 =	vmul.f32 v18, v23;
	v23 =	vld [tilespmem:$0x1FB80]  }
0x339: {  	v26 =	vadd.f32 v0, v47;
	v0 =	vld [tilespmem:$0x1FB00]  }
0x33a: {  	v34 =	vld [tilespmem:s15+$0x143A0];
	v25 =	vmul.f32 v21, v58  }
0x33b: {  	v21 =	vld [tilespmem:s15+$0x14410]  }
0x33c: {  	[tilespmem:s15+$0x14300] =	vst v25;
	v25 =	vld [tilespmem:s15+$0x14430]  }
0x33d: {  	v36 =	vld [tilespmem:s15+$0x143C0]  }
0x33e: {  	[tilespmem:s15+$0x14280] =	vst v32;
	v32 =	vmul.f32 v20, v58;
	v19 =	vadd.f32 v0, v52;
	v0 =	vld [tilespmem:$0x1FB10]  }
0x33f: {  	v27 =	vmul.f32 v22, v58;
	v22 =	vld [tilespmem:s15+$0x14420]  }
0x340: {  	[tilespmem:s15+$0x14320] =	vst v32;
	v32 =	vld [tilespmem:$0x1FBA0]  }
0x341: {  	[tilespmem:s15+$0x14310] =	vst v27;
	v27 =	vld [tilespmem:$0x1FB90]  }
0x342: {  	v47 =	vld [tilespmem:s15+$0x143E0]  }
0x343: {  	[tilespmem:s15+$0x14290] =	vst v33;
	v33 =	vmul.f32 v26, v58;
	v12 =	vadd.f32 v0, v12;
	v0 =	vld [tilespmem:$0x1FB20]  }
0x344: {  	v26 =	vld [tilespmem:s15+$0x14440]  }
0x345: {  	[tilespmem:s15+$0x14330] =	vst v33;
	v33 =	vadd.f32 v32, v21;
	v21 =	vld [tilespmem:$0x1FC20]  }
0x346: {  	v32 =	vld [tilespmem:$0x1FF20]  }
0x347: {  	[tilespmem:s15+$0x142A0] =	vst v35;
	v35 =	vmul.f32 v19, v58;
	v19 =	vld [tilespmem:$0x1FC10]  }
0x348: {  	[tilespmem:s15+$0x14270] =	vst v16;
	v12 =	vmul.f32 v12, v58;
	v16 =	vadd.f32 v0, v6;
	v0 =	vld [tilespmem:$0x1FB30]  }
0x349: {  	v6 =	vld [tilespmem:$0x1FB70]  }
0x34a: {  	v11 =	vadd.f32 v59, v11;
	[tilespmem:s15+$0x14350] =	vst v12;
	v12 =	vadd.f32 v23, v47;
	v47 =	vld [tilespmem:$0x1FBD0]  }
0x34b: {  	v23 =	vld [tilespmem:s15+$0x14580]  }
0x34c: {  	v11 =	vmul.f32 v11, v58;
	v38 =	vmul.f32 v16, v58;
	v58 =	vld [tilespmem:s15+$0x14400]  }
0x34d: {  	[tilespmem:s15+$0x142B0] =	vst v37;
	v37 =	vadd.f32 v0, v30;
	v0 =	vld [tilespmem:$0x1FB40]  }
0x34e: {  	v59 =	vadd.f32 v6, v36;
	v36 =	vld [tilespmem:$0x1FBC0]  }
0x34f: {  	[tilespmem:s15+$0x142C0] =	vst v46;
	v46 =	vbroadcast v45, $0x5;
	v30 =	vbroadcast v45, $0x6;
	v6 =	vadd.f32 v47, v3;
	v3 =	vld [tilespmem:$0x1FBE0]  }
0x350: {  	v47 =	vld [tilespmem:$0x1FCA0]  }
0x351: {  	[tilespmem:s15+$0x14360] =	vst v38;
	v52 =	vmul.f32 v37, v46;
	v38 =	vmul.f32 v33, v30;
	v33 =	vld [tilespmem:s15+$0x145C0]  }
0x352: {  	v24 =	vmul.f32 v59, v46;
	v15 =	vadd.f32 v0, v15;
	v0 =	vld [tilespmem:$0x1FB50]  }
0x353: {  	[tilespmem:s15+$0x14380] =	vst v52;
	v52 =	vld [tilespmem:s15+$0x144C0]  }
0x354: {  	[tilespmem:s15+$0x143C0] =	vst v24;
	v24 =	vld [tilespmem:$0x1FC30]  }
0x355: {  	[tilespmem:s15+$0x14410] =	vst v38;
	v38 =	vld [tilespmem:$0x1FC90]  }
0x356: {  	v4 =	vadd.f32 v3, v4;
	v3 =	vld [tilespmem:$0x1FBF0]  }
0x357: {  	[tilespmem:s15+$0x142D0] =	vst v48;
	v48 =	vadd.f32 v0, v34;
	v0 =	vld [tilespmem:$0x1FB60]  }
0x358: {  	v37 =	vadd.f32 v36, v25;
	v25 =	vld [tilespmem:$0x1FC40]  }
0x359: {  	v9 =	vmul.f32 v9, v46;
	v36 =	vld [tilespmem:$0x1FC80]  }
0x35a: {  	[tilespmem:s15+$0x142E0] =	vst v53;
	v53 =	vmul.f32 v15, v46;
	v15 =	vld [tilespmem:s15+$0x14530]  }
0x35b: {  	[tilespmem:s15+$0x143F0] =	vst v9;
	v9 =	vadd.f32 v54, v52;
	v52 =	vld [tilespmem:$0x1FCC0]  }
0x35c: {  	v54 =	vld [tilespmem:s15+$0x14680];
	v20 =	vmul.f32 v48, v46;
	v0 =	vadd.f32 v0, v14  }
0x35d: {  	v34 =	vld [tilespmem:$0x1FBB0];
	v48 =	vmul.f32 v37, v30  }
0x35e: {  	v37 =	vld [tilespmem:s15+$0x14600];
	[tilespmem:s15+$0x143A0] =	vst v20;
	v0 =	vmul.f32 v0, v46  }
0x35f: {  	[tilespmem:s15+$0x14430] =	vst v48;
	v20 =	vld [tilespmem:s15+$0x14560]  }
0x360: {  	v48 =	vld [tilespmem:s15+$0x14630];
	[tilespmem:s15+$0x143B0] =	vst v0;
	v0 =	vmul.f32 v10, v46  }
0x361: {  	[tilespmem:s15+$0x14100] =	vst v13;
	v14 =	vadd.f32 v27, v58;
	v58 =	vld [tilespmem:s15+$0x144E0]  }
0x362: {  	[tilespmem:s15+$0x143D0] =	vst v0;
	v0 =	vld [tilespmem:s15+$0x14460]  }
0x363: {  	[tilespmem:s15+$0x14370] =	vst v11;
	v27 =	vld [tilespmem:s15+$0x145A0]  }
0x364: {  	[tilespmem:s15+$0x142F0] =	vst v18;
	v12 =	vmul.f32 v12, v46;
	v46 =	vld [tilespmem:s15+$0x14480]  }
0x365: {  	[tilespmem:s15+$0x14340] =	vst v35;
	v6 =	vmul.f32 v6, v30;
	v11 =	vadd.f32 v34, v22;
	v34 =	vld [tilespmem:$0x1FC70]  }
0x366: {  	[tilespmem:s15+$0x143E0] =	vst v12;
	v10 =	vadd.f32 v49, v26;
	v49 =	vld [tilespmem:s15+$0x144A0]  }
0x367: {  	[tilespmem:s15+$0x14450] =	vst v6;
	v4 =	vmul.f32 v4, v30;
	v22 =	vadd.f32 v50, v15;
	v50 =	vld [tilespmem:$0x1FCB0];
	v0 =	vadd.f32 v60, v0  }
0x368: {  	[tilespmem:s15+$0x14390] =	vst v53;
	v15 =	vld [tilespmem:s15+$0x14720];
	v35 =	vmul.f32 v14, v30  }
0x369: {  	[tilespmem:s15+$0x14470] =	vst v4;
	v14 =	vld [tilespmem:s15+$0x14520];
	v53 =	vadd.f32 v57, v46;
	v57 =	vbroadcast v45, $0x7;
	v0 =	vmul.f32 v0, v30  }
0x36a: {  	[tilespmem:s15+$0x14400] =	vst v35;
	v26 =	vld [tilespmem:$0x1FF30];
	v35 =	vbroadcast v45, $0x9;
	v10 =	vmul.f32 v10, v30  }
0x36b: {  	v6 =	vadd.f32 v3, v58;
	v3 =	vld [tilespmem:$0x1FC00];
	v12 =	vadd.f32 v56, v49;
	[tilespmem:s15+$0x14460] =	vst v0;
	v0 =	vmul.f32 v53, v57  }
0x36c: {  	v2 =	vmul.f32 v2, v35;
	[tilespmem:s15+$0x14440] =	vst v10;
	v60 =	vld [tilespmem:s15+$0x14500]  }
0x36d: {  	[tilespmem:s15+$0x14480] =	vst v0;
	v0 =	vmul.f32 v12, v57;
	v12 =	vld [tilespmem:s15+$0x14510]  }
0x36e: {  	v58 =	vld [tilespmem:$0x1FCF0];
	v1 =	vmul.f32 v1, v35;
	[tilespmem:s15+$0x14590] =	vst v2  }
0x36f: {  	v2 =	vld [tilespmem:s15+$0x14620];
	[tilespmem:s15+$0x144A0] =	vst v0;
	v0 =	vmul.f32 v9, v57  }
0x370: {  	v18 =	vbroadcast v45, $0x8;
	[tilespmem:s15+$0x145B0] =	vst v1;
	v1 =	vmul.f32 v62, v35;
	v62 =	vld [tilespmem:s15+$0x146C0]  }
0x371: {  	v46 =	vld [tilespmem:s15+$0x14610];
	v59 =	vmul.f32 v8, v57;
	v8 =	vadd.f32 v3, v60;
	[tilespmem:s15+$0x144C0] =	vst v0;
	v0 =	vmul.f32 v6, v57  }
0x372: {  	[tilespmem:s15+$0x145D0] =	vst v1;
	v3 =	vmul.f32 v29, v57;
	v29 =	vld [tilespmem:$0x1FC50];
	v10 =	vadd.f32 v19, v12  }
0x373: {  	v49 =	vld [tilespmem:s15+$0x14640];
	v13 =	vmul.f32 v7, v57;
	v7 =	vadd.f32 v21, v14;
	[tilespmem:s15+$0x144E0] =	vst v0;
	v0 =	vmul.f32 v8, v18  }
0x374: {  	v56 =	vld [tilespmem:$0x1FF10];
	[tilespmem:s15+$0x144F0] =	vst v3;
	v3 =	vmul.f32 v10, v18  }
0x375: {  	v1 =	vld [tilespmem:s15+$0x14660];
	v16 =	vmul.f32 v5, v57;
	v5 =	vadd.f32 v24, v17;
	[tilespmem:s15+$0x14500] =	vst v0;
	v0 =	vmul.f32 v7, v18  }
0x376: {  	v14 =	vld [tilespmem:$0x1FD30];
	v7 =	vadd.f32 v25, v26;
	[tilespmem:s15+$0x14510] =	vst v3;
	v3 =	vmul.f32 v22, v18  }
0x377: {  	v11 =	vmul.f32 v11, v30;
	v30 =	vld [tilespmem:$0x1FC60];
	v4 =	vadd.f32 v29, v20;
	[tilespmem:s15+$0x14520] =	vst v0;
	v0 =	vmul.f32 v5, v18  }
0x378: {  	v17 =	vld [tilespmem:$0x1FD40];
	[tilespmem:s15+$0x14530] =	vst v3;
	v3 =	vmul.f32 v7, v18  }
0x379: {  	v21 =	vld [tilespmem:$0x1FD50];
	v9 =	vadd.f32 v34, v23;
	[tilespmem:s15+$0x14540] =	vst v0;
	v0 =	vmul.f32 v4, v18  }
0x37a: {  	[tilespmem:s15+$0x14550] =	vst v3;
	v3 =	vld [tilespmem:s15+$0x145E0]  }
0x37b: {  	v24 =	vld [tilespmem:s15+$0x14760];
	v6 =	vadd.f32 v36, v27;
	[tilespmem:s15+$0x14560] =	vst v0;
	v0 =	vmul.f32 v9, v35  }
0x37c: {  	[tilespmem:s15+$0x14490] =	vst v59;
	v59 =	vld [tilespmem:$0x1FD00];
	v5 =	vadd.f32 v30, v32  }
0x37d: {  	v2 =	vadd.f32 v63, v2;
	v63 =	vld [tilespmem:$0x1FD10];
	v7 =	vadd.f32 v38, v33;
	[tilespmem:s15+$0x14580] =	vst v0;
	v0 =	vmul.f32 v6, v35  }
0x37e: {  	v53 =	vadd.f32 v51, v48;
	v48 =	vld [tilespmem:$0x1FE20];
	v5 =	vmul.f32 v5, v18  }
0x37f: {  	v51 =	vld [tilespmem:$0x1FE40];
	v3 =	vadd.f32 v47, v3;
	[tilespmem:s15+$0x145A0] =	vst v0;
	v0 =	vmul.f32 v7, v35  }
0x380: {  	v1 =	vadd.f32 v58, v1;
	v58 =	vld [tilespmem:$0x1FEC0];
	[tilespmem:s15+$0x14570] =	vst v5  }
0x381: {  	v60 =	vld [tilespmem:$0x1FF00];
	v5 =	vadd.f32 v50, v37;
	v3 =	vmul.f32 v3, v35;
	[tilespmem:s15+$0x145C0] =	vst v0;
	v0 =	vbroadcast v45, $0xA  }
0x382: {  	v23 =	vld [tilespmem:$0x1FD60]  }
0x383: {  	v34 =	vld [tilespmem:s15+$0x14800];
	[tilespmem:s15+$0x145E0] =	vst v3;
	v3 =	vmul.f32 v5, v0  }
0x384: {  	v57 =	vld [tilespmem:s15+$0x146A0]  }
0x385: {  	[tilespmem:s15+$0x14600] =	vst v3;
	v3 =	vld [tilespmem:$0x1FCE0]  }
0x386: {  	v27 =	vld [tilespmem:$0x1FEF0]  }
0x387: {  	v29 =	vld [tilespmem:$0x1FDB0]  }
0x388: {  	v4 =	vmul.f32 v55, v35;
	v55 =	vld [tilespmem:$0x1FCD0]  }
0x389: {  	v36 =	vld [tilespmem:$0x1FDE0]  }
0x38a: {  	v12 =	vld [tilespmem:$0x1FD20];
	v3 =	vadd.f32 v3, v56  }
0x38b: {  	v19 =	vld [tilespmem:s15+$0x14740]  }
0x38c: {  	v25 =	vld [tilespmem:$0x1FD80];
	v3 =	vmul.f32 v3, v0  }
0x38d: {  	v26 =	vld [tilespmem:$0x1FD90];
	v7 =	vadd.f32 v55, v49;
	v2 =	vmul.f32 v2, v0  }
0x38e: {  	v6 =	vadd.f32 v52, v46;
	[tilespmem:s15+$0x14650] =	vst v3;
	v3 =	vld [tilespmem:s15+$0x146E0]  }
0x38f: {  	v30 =	vld [tilespmem:$0x1FEE0];
	[tilespmem:s15+$0x14620] =	vst v2;
	v2 =	vmul.f32 v7, v0  }
0x390: {  	v32 =	vld [tilespmem:s15+$0x147E0];
	[tilespmem:s15+$0x145F0] =	vst v4;
	v6 =	vmul.f32 v6, v0;
	v7 =	vadd.f32 v59, v60  }
0x391: {  	v33 =	vld [tilespmem:$0x1FDD0];
	v4 =	vadd.f32 v63, v54;
	v1 =	vmul.f32 v1, v0;
	[tilespmem:s15+$0x14640] =	vst v2;
	v2 =	vbroadcast v45, $0xB  }
0x392: {  	v18 =	vld [tilespmem:s15+$0x14730];
	v5 =	vmul.f32 v53, v0;
	[tilespmem:s15+$0x14610] =	vst v6;
	v0 =	vmul.f32 v7, v0  }
0x393: {  	v37 =	vld [tilespmem:s15+$0x14820];
	[tilespmem:s15+$0x14660] =	vst v1;
	v1 =	vmul.f32 v4, v2;
	v3 =	vadd.f32 v17, v3  }
0x394: {  	[tilespmem:s15+$0x14670] =	vst v0;
	v0 =	vld [tilespmem:s15+$0x14700]  }
0x395: {  	[tilespmem:s15+$0x14680] =	vst v1;
	v1 =	vld [tilespmem:s15+$0x14710];
	v3 =	vmul.f32 v3, v2  }
0x396: {  	v50 =	vld [tilespmem:$0x1FE30];
	[tilespmem:s15+$0x14630] =	vst v5;
	v6 =	vadd.f32 v12, v57  }
0x397: {  	v22 =	vbroadcast v45, $0xC;
	v5 =	vadd.f32 v14, v62;
	[tilespmem:s15+$0x146E0] =	vst v3;
	v3 =	vld [tilespmem:$0x1FD70]  }
0x398: {  	[tilespmem:s15+$0x144B0] =	vst v13;
	v54 =	vld [tilespmem:$0x1FED0];
	v13 =	vmul.f32 v31, v2;
	v6 =	vmul.f32 v6, v2  }
0x399: {  	[tilespmem:s15+$0x144D0] =	vst v16;
	v46 =	vld [tilespmem:$0x1FE10];
	v16 =	vmul.f32 v28, v2;
	v5 =	vmul.f32 v5, v2;
	v0 =	vadd.f32 v21, v0  }
0x39a: {  	v47 =	vld [tilespmem:s15+$0x14860];
	v20 =	vmul.f32 v44, v2;
	v1 =	vadd.f32 v23, v1;
	v2 =	vmul.f32 v43, v2  }
0x39b: {  	v4 =	vadd.f32 v61, v15;
	v31 =	vld [tilespmem:$0x1FDC0];
	[tilespmem:s15+$0x146A0] =	vst v6;
	v0 =	vmul.f32 v0, v22  }
0x39c: {  	v1 =	vmul.f32 v1, v22;
	[tilespmem:s15+$0x146F0] =	vst v2;
	v2 =	vld [tilespmem:s15+$0x14780];
	v3 =	vadd.f32 v3, v18  }
0x39d: {  	v55 =	vld [tilespmem:$0x1FE60];
	v6 =	vadd.f32 v25, v19;
	[tilespmem:s15+$0x14700] =	vst v0;
	v0 =	vmul.f32 v4, v22  }
0x39e: {  	[tilespmem:s15+$0x14710] =	vst v1;
	v1 =	vld [tilespmem:s15+$0x147A0];
	v3 =	vmul.f32 v3, v22  }
0x39f: {  	v53 =	vld [tilespmem:$0x1FE50];
	[tilespmem:s15+$0x14720] =	vst v0;
	v0 =	vmul.f32 v6, v22  }
0x3a0: {  	[tilespmem:s15+$0x14730] =	vst v3;
	v3 =	vld [tilespmem:s15+$0x147C0]  }
0x3a1: {  	v28 =	vld [tilespmem:$0x1FDA0];
	[tilespmem:s15+$0x14740] =	vst v0;
	v0 =	vbroadcast v45, $0xD;
	v2 =	vadd.f32 v31, v2  }
0x3a2: {  	[tilespmem:s15+$0x14420] =	vst v11;
	v44 =	vld [tilespmem:$0x1FE00];
	v4 =	vadd.f32 v26, v27  }
0x3a3: {  	[tilespmem:s15+$0x14690] =	vst v13;
	v1 =	vadd.f32 v33, v1;
	v38 =	vmul.f32 v41, v0;
	v41 =	vld [tilespmem:$0x1FDF0];
	v2 =	vmul.f32 v2, v0  }
0x3a4: {  	[tilespmem:s15+$0x146C0] =	vst v5;
	v43 =	vld [tilespmem:$0x1FF70];
	v6 =	vadd.f32 v29, v30;
	v4 =	vmul.f32 v4, v22  }
0x3a5: {  	v1 =	vmul.f32 v1, v0;
	[tilespmem:s15+$0x14780] =	vst v2;
	v2 =	vld [tilespmem:s15+$0x14810];
	v3 =	vadd.f32 v36, v3  }
0x3a6: {  	v7 =	vadd.f32 v28, v24;
	v5 =	vmul.f32 v6, v22;
	[tilespmem:s15+$0x14750] =	vst v4;
	v35 =	vmul.f32 v42, v0;
	v42 =	vld [tilespmem:s15+$0x14840]  }
0x3a7: {  	[tilespmem:s15+$0x147A0] =	vst v1;
	v1 =	vld [tilespmem:s15+$0x14830];
	v3 =	vmul.f32 v3, v0  }
0x3a8: {  	v57 =	vld [tilespmem:$0x1FE70];
	v7 =	vmul.f32 v7, v22;
	v6 =	vadd.f32 v48, v37;
	[tilespmem:s15+$0x14770] =	vst v5;
	v4 =	vadd.f32 v41, v32  }
0x3a9: {  	v8 =	vmul.f32 v43, v0;
	v5 =	vadd.f32 v44, v34;
	[tilespmem:s15+$0x147C0] =	vst v3;
	v3 =	vbroadcast v45, $0xE  }
0x3aa: {  	[tilespmem:s15+$0x146B0] =	vst v16;
	v4 =	vmul.f32 v4, v0;
	v2 =	vadd.f32 v46, v2;
	v0 =	vmul.f32 v40, v0  }
0x3ab: {  	v59 =	vld [tilespmem:$0x1FE80];
	[tilespmem:s15+$0x14760] =	vst v7;
	v7 =	vadd.f32 v55, v47;
	v49 =	vmul.f32 v5, v3;
	v5 =	vadd.f32 v51, v42  }
0x3ac: {  	v1 =	vadd.f32 v50, v1;
	[tilespmem:s15+$0x147F0] =	vst v0;
	v0 =	vld [tilespmem:s15+$0x14880];
	v2 =	vmul.f32 v2, v3;
	v52 =	vmul.f32 v6, v3  }
0x3ad: {  	v62 =	vld [tilespmem:$0x1FE90];
	[tilespmem:s15+$0x146D0] =	vst v20;
	v6 =	vadd.f32 v53, v54;
	v56 =	vmul.f32 v5, v3;
	v5 =	vadd.f32 v57, v58  }
0x3ae: {  	v1 =	vmul.f32 v1, v3;
	v7 =	vmul.f32 v7, v3;
	[tilespmem:s15+$0x14810] =	vst v2;
	v2 =	vld [tilespmem:s15+$0x148A0]  }
0x3af: {  	v63 =	vld [tilespmem:$0x1FEA0];
	[tilespmem:s15+$0x14790] =	vst v35;
	v6 =	vmul.f32 v6, v3;
	v3 =	vmul.f32 v5, v3  }
0x3b0: {  	[tilespmem:s15+$0x14830] =	vst v1;
	v1 =	vld [tilespmem:s15+$0x148C0]  }
0x3b1: {  	v60 =	vbroadcast v45, $0xF;
	v0 =	vadd.f32 v59, v0;
	[tilespmem:s15+$0x14870] =	vst v3;
	v3 =	vld [tilespmem:$0x1FF60]  }
0x3b2: {  	[tilespmem:s15+$0x147B0] =	vst v38  }
0x3b3: {  	[tilespmem:s15+$0x147D0] =	vst v8;
	v0 =	vmul.f32 v0, v60;
	v2 =	vadd.f32 v62, v2  }
0x3b4: {  	[tilespmem:s15+$0x147E0] =	vst v4  }
0x3b5: {  	v1 =	vadd.f32 v63, v1;
	[tilespmem:s15+$0x14880] =	vst v0;
	v0 =	vmul.f32 v2, v60  }
0x3b6: {  	v61 =	vld [tilespmem:s15+$0x148E0];
	[tilespmem:s15+$0x14800] =	vst v49;
	v3 =	vmul.f32 v3, v60  }
0x3b7: {  	v2 =	vmul.f32 v39, v60;
	[tilespmem:s15+$0x148A0] =	vst v0;
	v0 =	vmul.f32 v1, v60;
	v1 =	vld [tilespmem:$0x1FF40]  }
0x3b8: {  	[tilespmem:s15+$0x14890] =	vst v3;
	v3 =	vld [tilespmem:$0x1FEB0]  }
0x3b9: {  	[tilespmem:s15+$0x148B0] =	vst v2;
	v2 =	vld [tilespmem:$0x1FF50]  }
0x3ba: {  	[tilespmem:s15+$0x14820] =	vst v52  }
0x3bb: {  	[tilespmem:s15+$0x14860] =	vst v7  }
0x3bc: {  	[tilespmem:s15+$0x14840] =	vst v56  }
0x3bd: {  	[tilespmem:s15+$0x14850] =	vst v6;
	v1 =	vmul.f32 v1, v60;
	v3 =	vadd.f32 v3, v61  }
0x3be: {  	[tilespmem:s15+$0x148C0] =	vst v0;
	v2 =	vmul.f32 v2, v60  }
0x3bf: {  	[tilespmem:s15+$0x148D0] =	vst v1;
	v0 =	vmul.f32 v3, v60  }
0x3c0: {  	[tilespmem:s15+$0x148F0] =	vst v2  }
0x3c1: {  	[tilespmem:s15+$0x148E0] =	vst v0  }
0x3c2: {  	_ =	swait.ge [sflag:s31], $0x80  }
0x3c3: {  	[sflag:s31] =	ssyncset.done $0x0  }
.Ltmp7:
0x3c4: {  	[sflag:s31] =	ssyncadd.s32 $0xFFFFFF80;
	(pc) =	sbr.rel .LBB2_8-.Ltmp7, $4  }
0x3c5: {  	[spmem:s1] =	stream.indirect.scatter.add.f32 [tilespmem:s20], [sflag:$0x5], $0x80, s23, s26, $0xb8;
	[tilespmem:$0x1C180] =	vst v63  }
0x3c6: {  	_ =	swait.ge [sflag:s21], $0x4000  }
0x3c7: {  	[sflag:s21] =	ssyncset.done $0x0  }
0x3c8: {  	v0 =	vimm.f32 $0.0e+00;
	[sflag:s21] =	ssyncadd.s32 $0xFFFFC000  }
.LBB2_10:
0x3c9: {  	_ =	sfence.sel $0x180000  }
0x3ca: {  	[bflag:$0x0] =	sbarrier.arrive $0xFFFF  }
0x3cb: {  	_ =	strace $0x9000004D  }
0x3cc: {  	[bflag:$0x2] =	sbarrier.arrive $0xFFFF  }
0x3cd: {  	p0 =	sne.s32 s5, $0x0;
	s0 =	rddreg [dreg:$0x3]  }
0x3ce: {  	s0 =	sadd.s32 @!p0 $0x100000, s0  }
0x3cf: {  	[sflag:s0] =	ssyncadd.tile.s32 @!p0 $0x1;
	_ =	shalt  }
.Lfunc_end2:
_tile_overlayer_lowered:
.L_overlay_start_2:
0x3d0: {  	(tag) =	ssettag $0x2  }
0x3d1: {  	s0 =	rddreg [dreg:$0x0];
	s2 =	stileid.u32  }
0x3d2: {  	s1 =	rddreg [dreg:$0x1];
	p0 =	sne.s32 s2, $0x0  }
0x3d3: {  	s3 =	rddreg [dreg:$0x2];
	[bflag:$0x3] =	sbarrier.arrive $0xFFFF;
	s2 =	simm.s32 @!p0 $0x1C05  }
0x3d4: {  	[timem:s3], [sflag:s2] =	dma.local @!p0 [hbm:s0], s1  }
0x3d5: {  	s0 =	simm.s32 @!p0 $0x5  }
0x3d6: {  	_ =	swait.ge @!p0 [sflag:s0], s1  }
0x3d7: {  	s1 =	ssub.s32 @!p0 $0x0, s1;
	[sflag:s0] =	ssyncset.done @!p0 $0x0  }
0x3d8: {  	[sflag:s0] =	ssyncadd.s32 @!p0 s1  }
0x3d9: {  	[bflag:$0x3] =	sbarrier.arrive $0xFFFF  }
0x3da: {  	_ =	shalt  }

</sc_bundles>
